<compile_context>
chip_gen: v7x
topology: tpu7x:2x2x1
jax: 0.10.2.dev20260603
libtpu: 0.0.44.dev20260713+nightly
codegen_flags: <defaults>
</compile_context>

<pallas_src>
import functools

import jax
import jax.numpy as jnp
from jax import lax
from jax.experimental import pallas as pl
from jax.experimental.pallas import tpu as pltpu
from jax.experimental.pallas import tpu_sc as plsc

Q = 1024
D = 128
N = 100000
W = 32
NCHUNK = N // W
KB = 512
NKB = 196
NPAD = NKB * KB
CPB = KB // W
NCHUNK_PAD = NKB * CPB
C = 128
CAND = C * W
K_STATIC = 100
RB = 32
RBM = 32
I32_MIN = -(2**31)


def _bitonic_desc(v, idx, n):
    io = lax.broadcasted_iota(jnp.int32, v.shape, 1)
    k_ = 2
    while k_ <= n:
        j = k_ // 2
        while j >= 1:
            m_lower = (io & j) == 0
            pv = jnp.where(m_lower, jnp.roll(v, -j, axis=1), jnp.roll(v, j, axis=1))
            pi = jnp.where(m_lower, jnp.roll(idx, -j, axis=1), jnp.roll(idx, j, axis=1))
            m_dir = (io & k_) == 0
            want_max = m_lower == m_dir
            gt = (v > pv) | ((v == pv) & (idx < pi))
            take = want_max ^ gt
            v = jnp.where(take, pv, v)
            idx = jnp.where(take, pi, idx)
            j //= 2
        k_ *= 2
    return v, idx


def _mm_chunkmax_kernel(q_ref, k_ref, s_ref, cm_ref):
    i = pl.program_id(0)
    s = lax.dot_general(q_ref[...], k_ref[...], (((1,), (1,)), ((), ())),
                        preferred_element_type=jnp.float32)
    s_ref[...] = s
    st = lax.dot_general(k_ref[...], q_ref[...], (((1,), (1,)), ((), ())),
                         preferred_element_type=jnp.float32)
    cm = jnp.max(st.reshape(CPB, W, Q), axis=1)
    chunk_id = i * CPB + lax.broadcasted_iota(jnp.int32, (CPB, Q), 0)
    cm = jnp.where(chunk_id < NCHUNK, cm, -jnp.inf)
    cm_ref[0] = cm


def _to_su(v):
    b = lax.bitcast_convert_type(v, jnp.int32)
    return jnp.where(b >= 0, b, b ^ jnp.int32(0x7FFFFFFF))


def _radix_thresholds(su, ids, count, id_bits):
    r = su.shape[0]
    p = jnp.full((r, 1), I32_MIN, jnp.int32)
    for b in range(31, -1, -1):
        inc = jnp.int32(I32_MIN if b == 31 else 1 << b)
        cand = p + inc
        cnt = jnp.sum((su >= cand).astype(jnp.int32), axis=1, keepdims=True)
        p = jnp.where(cnt >= count, cand, p)
    tv = p
    c_gt = jnp.sum((su > tv).astype(jnp.int32), axis=1, keepdims=True)
    tie = su == tv
    n_tie = jnp.sum(tie.astype(jnp.int32), axis=1, keepdims=True)
    t_sel = n_tie - (count - c_gt) + 1
    q = jnp.zeros((r, 1), jnp.int32)
    for b in range(id_bits - 1, -1, -1):
        cand = q + jnp.int32(1 << b)
        cnt = jnp.sum((tie & (ids >= cand)).astype(jnp.int32), axis=1,
                      keepdims=True)
        q = jnp.where(cnt >= t_sel, cand, q)
    return tv, q


def _pack_thr(tv, tid, shape):
    lane = lax.broadcasted_iota(jnp.int32, shape, 1)
    return jnp.where(lane == 0, tv, jnp.where(lane == 1, tid, 0))


def _chunk_thr_kernel(cm_ref, thr_ref):
    su = _to_su(cm_ref[...])
    ids = lax.broadcasted_iota(jnp.int32, (RB, NCHUNK_PAD), 1)
    tv, tid = _radix_thresholds(su, ids, C, 12)
    thr_ref[...] = _pack_thr(tv, tid, (RB, C))


def _cand_thr_kernel(cand_ref, cid_ref, thr_ref, gid_ref):
    b = pl.program_id(0)
    v = cand_ref[...]
    cflat = cid_ref[...]
    rows = b * RB + lax.broadcasted_iota(jnp.int32, (RB, C), 0)
    c = cflat - rows * NCHUNK_PAD
    rep = jnp.repeat(c, W, axis=1)
    off = lax.broadcasted_iota(jnp.int32, (RB, CAND), 1) % W
    gid = rep * W + off
    su = _to_su(v)
    tv, tid = _radix_thresholds(su, gid, K_STATIC, 17)
    thr_ref[...] = _pack_thr(tv, tid, (RB, C))
    gid_ref[...] = gid


def _mini_sort_kernel(v_ref, i_ref, vo_ref, io_ref):
    v = v_ref[...]
    idx = i_ref[...]
    lane = lax.broadcasted_iota(jnp.int32, (RBM, C), 1)
    live = lane < K_STATIC
    v = jnp.where(live, v, -jnp.inf)
    idx = jnp.where(live, idx, jnp.int32(2**30) + lane)
    v, idx = _bitonic_desc(v, idx, C)
    vo_ref[...] = v
    io_ref[...] = idx


def _bcast16(vec16, lane):
    idx = jnp.full((16, 1), lane, jnp.int32)
    return lax.gather(
        vec16, idx,
        dimension_numbers=lax.GatherDimensionNumbers(
            offset_dims=(), collapsed_slice_dims=(0,), start_index_map=(0,)),
        slice_sizes=(1,), mode=lax.GatherScatterMode.PROMISE_IN_BOUNDS)


_MESH = None


def _sc_mesh():
    global _MESH
    if _MESH is None:
        _MESH = plsc.VectorSubcoreMesh(core_axis_name="c", subcore_axis_name="s")
    return _MESH


def _sc_info():
    info = plsc.get_sparse_core_info()
    return info.num_cores, info.num_subcores


def _make_sc_gather(d, B, chunk, sc_tiling):
    nc, ns = _sc_info()
    nw = nc * ns
    b_per_w = B // nw
    n_iter = b_per_w // chunk

    @functools.partial(
        pl.kernel, mesh=_sc_mesh(),
        out_type=jax.ShapeDtypeStruct((B, d), jnp.float32),
        scratch_types=[
            pltpu.VMEM((chunk,), jnp.int32),
            pltpu.VMEM((chunk, d), jnp.float32),
            pltpu.SemaphoreType.DMA,
        ],
        compiler_params=pltpu.CompilerParams(use_tc_tiling_on_sc=not sc_tiling),
    )
    def k(table_hbm, idx_hbm, out_hbm, idx_v, rows_v, sem):
        wid = lax.axis_index("s") * nc + lax.axis_index("c")
        base = wid * b_per_w
        for h in range(n_iter):
            pltpu.sync_copy(idx_hbm.at[pl.ds(base + h * chunk, chunk)], idx_v)
            pltpu.async_copy(table_hbm.at[idx_v], rows_v, sem).wait()
            pltpu.sync_copy(rows_v, out_hbm.at[pl.ds(base + h * chunk, chunk)])

    return k


def _make_sc_compact_chunks():
    nc, ns = _sc_info()
    rows_per_w = Q // (nc * ns)

    @functools.partial(
        pl.kernel, mesh=_sc_mesh(),
        out_type=jax.ShapeDtypeStruct((Q * C,), jnp.int32),
        scratch_types=[
            pltpu.VMEM((NCHUNK_PAD,), jnp.float32),
            pltpu.VMEM((16,), jnp.int32),
            pltpu.VMEM((C + 16,), jnp.int32),
        ],
        compiler_params=pltpu.CompilerParams(needs_layout_passes=False),
    )
    def k(cm_hbm, thr_hbm, out_hbm, cmv, thrv, outv):
        wid = lax.axis_index("s") * nc + lax.axis_index("c")

        @pl.loop(0, rows_per_w)
        def row_body(i):
            r = wid * rows_per_w + i
            pltpu.sync_copy(cm_hbm.at[pl.ds(r * NCHUNK_PAD, NCHUNK_PAD)], cmv)
            pltpu.sync_copy(thr_hbm.at[pl.ds(r * C, 16)], thrv)
            thrvec = thrv[...]
            tv = _bcast16(thrvec, 0)
            tid = _bcast16(thrvec, 1)
            fb = r * NCHUNK_PAD

            @pl.loop(0, NCHUNK_PAD // 16,
                     init_carry=jnp.zeros((16,), jnp.int32), unroll=8)
            def vreg_body(t, off):
                x = cmv[pl.ds(t * 16, 16)]
                bb = lax.bitcast_convert_type(x, jnp.int32)
                su = jnp.where(bb >= 0, bb, bb ^ jnp.int32(0x7FFFFFFF))
                ids = t * 16 + lax.iota(jnp.int32, 16)
                msk = (su > tv) | ((su == tv) & (ids <= tid))
                cs = plsc.cumsum(msk.astype(jnp.int32))
                pos = jnp.where(msk, off + cs - 1, C + 8)
                plsc.store_scatter(outv, [pos], fb + ids)
                return off + _bcast16(cs, 15)

            pltpu.sync_copy(outv.at[pl.ds(0, C)], out_hbm.at[pl.ds(r * C, C)])

    return k


def _make_sc_compact_cands():
    nc, ns = _sc_info()
    rows_per_w = Q // (nc * ns)

    @functools.partial(
        pl.kernel, mesh=_sc_mesh(),
        out_type=(jax.ShapeDtypeStruct((Q * C,), jnp.float32),
                  jax.ShapeDtypeStruct((Q * C,), jnp.int32)),
        scratch_types=[
            pltpu.VMEM((CAND,), jnp.float32),
            pltpu.VMEM((CAND,), jnp.int32),
            pltpu.VMEM((16,), jnp.int32),
            pltpu.VMEM((C + 16,), jnp.float32),
            pltpu.VMEM((C + 16,), jnp.int32),
        ],
        compiler_params=pltpu.CompilerParams(needs_layout_passes=False),
    )
    def k(vals_hbm, gid_hbm, thr_hbm, outv_hbm, outi_hbm, vv, gv, thrv,
          outv, outi):
        wid = lax.axis_index("s") * nc + lax.axis_index("c")
        neginf = jnp.full((16,), -jnp.inf, jnp.float32)
        bigid = jnp.full((16,), 2**30, jnp.int32)

        @pl.loop(0, rows_per_w)
        def row_body(i):
            r = wid * rows_per_w + i
            pltpu.sync_copy(vals_hbm.at[pl.ds(r * CAND, CAND)], vv)
            pltpu.sync_copy(gid_hbm.at[pl.ds(r * CAND, CAND)], gv)
            pltpu.sync_copy(thr_hbm.at[pl.ds(r * C, 16)], thrv)
            thrvec = thrv[...]
            tv = _bcast16(thrvec, 0)
            tid = _bcast16(thrvec, 1)
            for base in (96, 112, 128):
                outv[pl.ds(base, 16)] = neginf
                outi[pl.ds(base, 16)] = bigid

            @pl.loop(0, CAND // 16, init_carry=jnp.zeros((16,), jnp.int32),
                     unroll=8)
            def vreg_body(t, off):
                x = vv[pl.ds(t * 16, 16)]
                g = gv[pl.ds(t * 16, 16)]
                bb = lax.bitcast_convert_type(x, jnp.int32)
                su = jnp.where(bb >= 0, bb, bb ^ jnp.int32(0x7FFFFFFF))
                msk = (su > tv) | ((su == tv) & (g <= tid))
                cs = plsc.cumsum(msk.astype(jnp.int32))
                pos = jnp.where(msk, off + cs - 1, C + 8)
                plsc.store_scatter(outv, [pos], x)
                plsc.store_scatter(outi, [pos], g)
                return off + _bcast16(cs, 15)

            pltpu.sync_copy(outv.at[pl.ds(0, C)],
                            outv_hbm.at[pl.ds(r * C, C)])
            pltpu.sync_copy(outi.at[pl.ds(0, C)],
                            outi_hbm.at[pl.ds(r * C, C)])

    return k


def kernel(queries, index, k):
    index_p = jnp.pad(index, ((0, NPAD - N), (0, 0)))
    s, cm3 = pl.pallas_call(
        _mm_chunkmax_kernel,
        grid=(NKB,),
        in_specs=[pl.BlockSpec((Q, D), lambda i: (0, 0)),
                  pl.BlockSpec((KB, D), lambda i: (i, 0))],
        out_specs=[pl.BlockSpec((Q, KB), lambda i: (0, i)),
                   pl.BlockSpec((1, CPB, Q), lambda i: (i, 0, 0))],
        out_shape=[jax.ShapeDtypeStruct((Q, NPAD), jnp.float32),
                   jax.ShapeDtypeStruct((NKB, CPB, Q), jnp.float32)],
    )(queries, index_p)
    cm = cm3.reshape(NCHUNK_PAD, Q).T
    thr = pl.pallas_call(
        _chunk_thr_kernel,
        grid=(Q // RB,),
        in_specs=[pl.BlockSpec((RB, NCHUNK_PAD), lambda b: (b, 0))],
        out_specs=pl.BlockSpec((RB, C), lambda b: (b, 0)),
        out_shape=jax.ShapeDtypeStruct((Q, C), jnp.int32),
    )(cm)
    chunk_flat = _make_sc_compact_chunks()(cm.reshape(-1), thr.reshape(-1))
    table = s.reshape(Q * NCHUNK_PAD, W)
    cand = _make_sc_gather(W, Q * C, 2048, True)(table, chunk_flat)
    cand = cand.reshape(Q, CAND)
    chunk_flat = chunk_flat.reshape(Q, C)
    thr2, gids = pl.pallas_call(
        _cand_thr_kernel,
        grid=(Q // RB,),
        in_specs=[pl.BlockSpec((RB, CAND), lambda b: (b, 0)),
                  pl.BlockSpec((RB, C), lambda b: (b, 0))],
        out_specs=[pl.BlockSpec((RB, C), lambda b: (b, 0)),
                   pl.BlockSpec((RB, CAND), lambda b: (b, 0))],
        out_shape=[jax.ShapeDtypeStruct((Q, C), jnp.int32),
                   jax.ShapeDtypeStruct((Q, CAND), jnp.int32)],
    )(cand, chunk_flat)
    topv, topi = _make_sc_compact_cands()(
        cand.reshape(-1), gids.reshape(-1), thr2.reshape(-1))
    topv = topv.reshape(Q, C)
    topi = topi.reshape(Q, C)
    vals, ids = pl.pallas_call(
        _mini_sort_kernel,
        grid=(Q // RBM,),
        in_specs=[pl.BlockSpec((RBM, C), lambda b: (b, 0)),
                  pl.BlockSpec((RBM, C), lambda b: (b, 0))],
        out_specs=[pl.BlockSpec((RBM, C), lambda b: (b, 0)),
                   pl.BlockSpec((RBM, C), lambda b: (b, 0))],
        out_shape=[jax.ShapeDtypeStruct((Q, C), jnp.float32),
                   jax.ShapeDtypeStruct((Q, C), jnp.int32)],
    )(topv, topi)
    cols = jnp.minimum(jnp.arange(K_STATIC), k - 1)
    top_sim = jnp.take(vals[:, :K_STATIC], cols, axis=1)
    retrieved_ids = jnp.take(ids[:, :K_STATIC], cols, axis=1)
    embeds = _make_sc_gather(D, Q * K_STATIC, 640, False)(
        index, retrieved_ids.reshape(-1))
    retrieved_embeds = embeds.reshape(Q, K_STATIC, D)
    return top_sim, retrieved_ids, retrieved_embeds

# --- scband reference (transcript-rebuilt; emitter-appended) ---
"""Pipeline reference for scband-explainable-auto-model-for-retrieval-22711787061741 (READ-ONLY COPY).

The authoritative reference and input builder live on the scoring server;
editing this copy changes nothing except your own understanding.
"""

import jax, jax.numpy as jnp
import numpy as np


def setup_inputs(seed: int = 0) -> dict:
    key = jax.random.key(seed)
    k1, k2 = jax.random.split(key)
    queries = jax.random.normal(k1, (1024, 128), dtype=jnp.float32)
    index = jax.random.normal(k2, (100000, 128), dtype=jnp.float32)
    return {"queries": queries, "index": index, "k": 100}


def reference(queries, index, k):
    # similarity = CLS embedding @ index^T  (core of the retriever forward)
    similarity = queries @ index.T  # [Q, K]
    # torch.sort(similarity, dim=1, descending=True) -> sorted values + ids
    order = jnp.argsort(-similarity, axis=1)  # descending order indices [Q, K]
    sorted_sim = jnp.take_along_axis(similarity, order, axis=1)
    # keep top-k
    K_STATIC = 100
    cols = jnp.minimum(jnp.arange(K_STATIC), k - 1)
    top_sim = sorted_sim[:, cols]
    retrieved_ids = order[:, cols]
    # gather retrieved embeddings (self._y['context'] = index[retrieved_ids])
    retrieved_embeds = jnp.take(index, retrieved_ids, axis=0)  # [Q, k, d]
    return top_sim, retrieved_ids, retrieved_embeds

if __name__ == "__main__":
    import jax
    _d = setup_inputs()
    print(jax.jit(kernel)(*tuple(_d.values())))

</pallas_src>

<mosaic_0001>
#map = affine_map<(d0, d1) -> (0, 0)>
#map1 = affine_map<(d0, d1) -> (0)>
module attributes {stable_mosaic.version = 14 : i64} {
  func.func @k(%arg0: i32, %arg1: i32, %arg2: memref<3211264x32xf32, #tpu.memory_space<hbm>>, %arg3: memref<131072xi32, #tpu.memory_space<hbm>>, %arg4: memref<131072x32xf32, #tpu.memory_space<hbm>>, %arg5: memref<2048xi32, #tpu.memory_space<vmem>>, %arg6: memref<2048x32xf32, #tpu.memory_space<vmem>>, %arg7: memref<!tpu.dma_semaphore, #tpu.memory_space<semaphore_mem>>) attributes {dimension_semantics = [#tpu.dimension_semantics<core_parallel>, #tpu.dimension_semantics<subcore_parallel>], iteration_bounds = array<i64: 2, 16>, scalar_prefetch = 0 : i64, scratch_operands = 3 : i64, tpu.core_type = #tpu.core_type<sc_vector_subcore>, window_params = [{transform_indices = #map}, {transform_indices = #map1}, {transform_indices = #map}]} {
    %mul3A = arith.constant 2 : i32
    %mul3A_0 = arith.muli %arg1, %mul3A : i32
    %add3A = arith.addi %mul3A_0, %arg0 : i32
    %mul3A_1 = arith.constant 4096 : i32
    %mul3A_2 = arith.muli %add3A, %mul3A_1 : i32
    %add3A_3 = arith.constant 0 : i32
    %add3A_4 = arith.addi %mul3A_2, %add3A_3 : i32
    "tpu.region"() ({
      %run_scoped3A = tpu.sem_alloc : memref<!tpu.dma_semaphore, #tpu.memory_space<semaphore_mem>>
      %dma_start3A_21 = tpu.memref_slice %arg3[%add3A_4] : memref<131072xi32, #tpu.memory_space<hbm>> -> memref<2048xi32, #tpu.memory_space<hbm>>
      %dma_start3A_22 = tpu.memref_slice %arg3[%add3A_4] : memref<131072xi32, #tpu.memory_space<hbm>> -> memref<2048xi32, #tpu.memory_space<hbm>>
      tpu.enqueue_dma source(%dma_start3A_22 : memref<2048xi32, #tpu.memory_space<hbm>>) target(%arg5 : memref<2048xi32, #tpu.memory_space<vmem>>) target_semaphore(%run_scoped3A : memref<!tpu.dma_semaphore, #tpu.memory_space<semaphore_mem>>)
      %dma_wait3A_23 = tpu.memref_slice %arg3[%add3A_4] : memref<131072xi32, #tpu.memory_space<hbm>> -> memref<2048xi32, #tpu.memory_space<hbm>>
      %dma_wait3A_24 = tpu.memref_slice %arg3[%add3A_4] : memref<131072xi32, #tpu.memory_space<hbm>> -> memref<2048xi32, #tpu.memory_space<hbm>>
      tpu.wait_dma2 semaphore(%run_scoped3A : memref<!tpu.dma_semaphore, #tpu.memory_space<semaphore_mem>>) src(%dma_wait3A_24 : memref<2048xi32, #tpu.memory_space<hbm>>) dst(%arg5 : memref<2048xi32, #tpu.memory_space<vmem>>)
      tpu.yield
    }) : () -> ()
    %dma_start3A = arith.constant 0 : i32
    %dma_start3A_5 = arith.constant 0 : i32
    %dma_start3A_6 = tpu.memref_slice %arg2[%dma_start3A, %dma_start3A_5] : memref<3211264x32xf32, #tpu.memory_space<hbm>> -> memref<3211264x32xf32, #tpu.memory_space<hbm>>
    tpu.enqueue_indirect_dma source(%dma_start3A_6 : memref<3211264x32xf32, #tpu.memory_space<hbm>>) target(%arg6 : memref<2048x32xf32, #tpu.memory_space<vmem>>) offsets(%arg5 : memref<2048xi32, #tpu.memory_space<vmem>>) semaphore(%arg7 : memref<!tpu.dma_semaphore, #tpu.memory_space<semaphore_mem>>)
    %dma_wait3A = arith.constant 0 : i32
    %dma_wait3A_7 = arith.constant 0 : i32
    %dma_wait3A_8 = tpu.memref_slice %arg2[%dma_wait3A, %dma_wait3A_7] : memref<3211264x32xf32, #tpu.memory_space<hbm>> -> memref<3211264x32xf32, #tpu.memory_space<hbm>>
    tpu.wait_indirect_dma semaphore(%arg7 : memref<!tpu.dma_semaphore, #tpu.memory_space<semaphore_mem>>) src(%dma_wait3A_8 : memref<3211264x32xf32, #tpu.memory_space<hbm>>) dst(%arg6 : memref<2048x32xf32, #tpu.memory_space<vmem>>)
    %add3A_9 = arith.constant 0 : i32
    %add3A_10 = arith.addi %mul3A_2, %add3A_9 : i32
    "tpu.region"() ({
      %run_scoped3A = tpu.sem_alloc : memref<!tpu.dma_semaphore, #tpu.memory_space<semaphore_mem>>
      %dma_start3A_21 = arith.constant 0 : i32
      %dma_start3A_22 = tpu.memref_slice %arg4[%add3A_10, %dma_start3A_21] : memref<131072x32xf32, #tpu.memory_space<hbm>> -> memref<2048x32xf32, #tpu.memory_space<hbm>>
      %dma_start3A_23 = arith.constant 0 : i32
      %dma_start3A_24 = tpu.memref_slice %arg4[%add3A_10, %dma_start3A_23] : memref<131072x32xf32, #tpu.memory_space<hbm>> -> memref<2048x32xf32, #tpu.memory_space<hbm>>
      tpu.enqueue_dma source(%arg6 : memref<2048x32xf32, #tpu.memory_space<vmem>>) target(%dma_start3A_24 : memref<2048x32xf32, #tpu.memory_space<hbm>>) target_semaphore(%run_scoped3A : memref<!tpu.dma_semaphore, #tpu.memory_space<semaphore_mem>>)
      %dma_wait3A_25 = arith.constant 0 : i32
      %dma_wait3A_26 = tpu.memref_slice %arg4[%add3A_10, %dma_wait3A_25] : memref<131072x32xf32, #tpu.memory_space<hbm>> -> memref<2048x32xf32, #tpu.memory_space<hbm>>
      %dma_wait3A_27 = arith.constant 0 : i32
      %dma_wait3A_28 = tpu.memref_slice %arg4[%add3A_10, %dma_wait3A_27] : memref<131072x32xf32, #tpu.memory_space<hbm>> -> memref<2048x32xf32, #tpu.memory_space<hbm>>
      tpu.wait_dma2 semaphore(%run_scoped3A : memref<!tpu.dma_semaphore, #tpu.memory_space<semaphore_mem>>) src(%arg6 : memref<2048x32xf32, #tpu.memory_space<vmem>>) dst(%dma_wait3A_28 : memref<2048x32xf32, #tpu.memory_space<hbm>>)
      tpu.yield
    }) : () -> ()
    %add3A_11 = arith.constant 2048 : i32
    %add3A_12 = arith.addi %mul3A_2, %add3A_11 : i32
    "tpu.region"() ({
      %run_scoped3A = tpu.sem_alloc : memref<!tpu.dma_semaphore, #tpu.memory_space<semaphore_mem>>
      %dma_start3A_21 = tpu.memref_slice %arg3[%add3A_12] : memref<131072xi32, #tpu.memory_space<hbm>> -> memref<2048xi32, #tpu.memory_space<hbm>>
      %dma_start3A_22 = tpu.memref_slice %arg3[%add3A_12] : memref<131072xi32, #tpu.memory_space<hbm>> -> memref<2048xi32, #tpu.memory_space<hbm>>
      tpu.enqueue_dma source(%dma_start3A_22 : memref<2048xi32, #tpu.memory_space<hbm>>) target(%arg5 : memref<2048xi32, #tpu.memory_space<vmem>>) target_semaphore(%run_scoped3A : memref<!tpu.dma_semaphore, #tpu.memory_space<semaphore_mem>>)
      %dma_wait3A_23 = tpu.memref_slice %arg3[%add3A_12] : memref<131072xi32, #tpu.memory_space<hbm>> -> memref<2048xi32, #tpu.memory_space<hbm>>
      %dma_wait3A_24 = tpu.memref_slice %arg3[%add3A_12] : memref<131072xi32, #tpu.memory_space<hbm>> -> memref<2048xi32, #tpu.memory_space<hbm>>
      tpu.wait_dma2 semaphore(%run_scoped3A : memref<!tpu.dma_semaphore, #tpu.memory_space<semaphore_mem>>) src(%dma_wait3A_24 : memref<2048xi32, #tpu.memory_space<hbm>>) dst(%arg5 : memref<2048xi32, #tpu.memory_space<vmem>>)
      tpu.yield
    }) : () -> ()
    %dma_start3A_13 = arith.constant 0 : i32
    %dma_start3A_14 = arith.constant 0 : i32
    %dma_start3A_15 = tpu.memref_slice %arg2[%dma_start3A_13, %dma_start3A_14] : memref<3211264x32xf32, #tpu.memory_space<hbm>> -> memref<3211264x32xf32, #tpu.memory_space<hbm>>
    tpu.enqueue_indirect_dma source(%dma_start3A_15 : memref<3211264x32xf32, #tpu.memory_space<hbm>>) target(%arg6 : memref<2048x32xf32, #tpu.memory_space<vmem>>) offsets(%arg5 : memref<2048xi32, #tpu.memory_space<vmem>>) semaphore(%arg7 : memref<!tpu.dma_semaphore, #tpu.memory_space<semaphore_mem>>)
    %dma_wait3A_16 = arith.constant 0 : i32
    %dma_wait3A_17 = arith.constant 0 : i32
    %dma_wait3A_18 = tpu.memref_slice %arg2[%dma_wait3A_16, %dma_wait3A_17] : memref<3211264x32xf32, #tpu.memory_space<hbm>> -> memref<3211264x32xf32, #tpu.memory_space<hbm>>
    tpu.wait_indirect_dma semaphore(%arg7 : memref<!tpu.dma_semaphore, #tpu.memory_space<semaphore_mem>>) src(%dma_wait3A_18 : memref<3211264x32xf32, #tpu.memory_space<hbm>>) dst(%arg6 : memref<2048x32xf32, #tpu.memory_space<vmem>>)
    %add3A_19 = arith.constant 2048 : i32
    %add3A_20 = arith.addi %mul3A_2, %add3A_19 : i32
    "tpu.region"() ({
      %run_scoped3A = tpu.sem_alloc : memref<!tpu.dma_semaphore, #tpu.memory_space<semaphore_mem>>
      %dma_start3A_21 = arith.constant 0 : i32
      %dma_start3A_22 = tpu.memref_slice %arg4[%add3A_20, %dma_start3A_21] : memref<131072x32xf32, #tpu.memory_space<hbm>> -> memref<2048x32xf32, #tpu.memory_space<hbm>>
      %dma_start3A_23 = arith.constant 0 : i32
      %dma_start3A_24 = tpu.memref_slice %arg4[%add3A_20, %dma_start3A_23] : memref<131072x32xf32, #tpu.memory_space<hbm>> -> memref<2048x32xf32, #tpu.memory_space<hbm>>
      tpu.enqueue_dma source(%arg6 : memref<2048x32xf32, #tpu.memory_space<vmem>>) target(%dma_start3A_24 : memref<2048x32xf32, #tpu.memory_space<hbm>>) target_semaphore(%run_scoped3A : memref<!tpu.dma_semaphore, #tpu.memory_space<semaphore_mem>>)
      %dma_wait3A_25 = arith.constant 0 : i32
      %dma_wait3A_26 = tpu.memref_slice %arg4[%add3A_20, %dma_wait3A_25] : memref<131072x32xf32, #tpu.memory_space<hbm>> -> memref<2048x32xf32, #tpu.memory_space<hbm>>
      %dma_wait3A_27 = arith.constant 0 : i32
      %dma_wait3A_28 = tpu.memref_slice %arg4[%add3A_20, %dma_wait3A_27] : memref<131072x32xf32, #tpu.memory_space<hbm>> -> memref<2048x32xf32, #tpu.memory_space<hbm>>
      tpu.wait_dma2 semaphore(%run_scoped3A : memref<!tpu.dma_semaphore, #tpu.memory_space<semaphore_mem>>) src(%arg6 : memref<2048x32xf32, #tpu.memory_space<vmem>>) dst(%dma_wait3A_28 : memref<2048x32xf32, #tpu.memory_space<hbm>>)
      tpu.yield
    }) : () -> ()
    return
  }
}

#map = affine_map<(d0, d1) -> (0)>
module attributes {stable_mosaic.version = 14 : i64} {
  func.func @k(%arg0: i32, %arg1: i32, %arg2: memref<3211264xf32, #tpu.memory_space<hbm>>, %arg3: memref<131072xi32, #tpu.memory_space<hbm>>, %arg4: memref<131072xi32, #tpu.memory_space<hbm>>, %arg5: memref<3136xf32, #tpu.memory_space<vmem>>, %arg6: memref<16xi32, #tpu.memory_space<vmem>>, %arg7: memref<144xi32, #tpu.memory_space<vmem>>) attributes {dimension_semantics = [#tpu.dimension_semantics<core_parallel>, #tpu.dimension_semantics<subcore_parallel>], iteration_bounds = array<i64: 2, 16>, scalar_prefetch = 0 : i64, scratch_operands = 3 : i64, tpu.core_type = #tpu.core_type<sc_vector_subcore>, window_params = [{transform_indices = #map}, {transform_indices = #map}, {transform_indices = #map}]} {
    %mul3A = arith.constant 2 : i32
    %mul3A_0 = arith.muli %arg1, %mul3A : i32
    %add3A = arith.addi %mul3A_0, %arg0 : i32
    %scan3A = arith.constant 0 : i32
    %scan3A_1 = arith.constant 32 : i32
    %scan3A_2 = arith.addi %scan3A, %scan3A_1 : i32
    %scan3A_3 = arith.constant 1 : i32
    scf.for %scan3A_5 = %scan3A to %scan3A_2 step %scan3A_3  : i32 {
      %mul3A_6 = arith.constant 1 : i32
      %mul3A_7 = arith.muli %scan3A_5, %mul3A_6 : i32
      %add3A_8 = arith.constant 0 : i32
      %add3A_9 = arith.addi %add3A_8, %mul3A_7 : i32
      %mul3A_10 = arith.constant 32 : i32
      %mul3A_11 = arith.muli %add3A, %mul3A_10 : i32
      %add3A_12 = arith.addi %mul3A_11, %add3A_9 : i32
      %mul3A_13 = arith.constant 3136 : i32
      %mul3A_14 = arith.muli %add3A_12, %mul3A_13 : i32
      "tpu.region"() ({
        %run_scoped3A = tpu.sem_alloc : memref<!tpu.dma_semaphore, #tpu.memory_space<semaphore_mem>>
        %dma_start3A = tpu.memref_slice %arg2[%mul3A_14] : memref<3211264xf32, #tpu.memory_space<hbm>> -> memref<3136xf32, #tpu.memory_space<hbm>>
        %dma_start3A_206 = tpu.memref_slice %arg2[%mul3A_14] : memref<3211264xf32, #tpu.memory_space<hbm>> -> memref<3136xf32, #tpu.memory_space<hbm>>
        tpu.enqueue_dma source(%dma_start3A_206 : memref<3136xf32, #tpu.memory_space<hbm>>) target(%arg5 : memref<3136xf32, #tpu.memory_space<vmem>>) target_semaphore(%run_scoped3A : memref<!tpu.dma_semaphore, #tpu.memory_space<semaphore_mem>>)
        %dma_wait3A = tpu.memref_slice %arg2[%mul3A_14] : memref<3211264xf32, #tpu.memory_space<hbm>> -> memref<3136xf32, #tpu.memory_space<hbm>>
        %dma_wait3A_207 = tpu.memref_slice %arg2[%mul3A_14] : memref<3211264xf32, #tpu.memory_space<hbm>> -> memref<3136xf32, #tpu.memory_space<hbm>>
        tpu.wait_dma2 semaphore(%run_scoped3A : memref<!tpu.dma_semaphore, #tpu.memory_space<semaphore_mem>>) src(%dma_wait3A_207 : memref<3136xf32, #tpu.memory_space<hbm>>) dst(%arg5 : memref<3136xf32, #tpu.memory_space<vmem>>)
        tpu.yield
      }) : () -> ()
      %mul3A_15 = arith.constant 128 : i32
      %mul3A_16 = arith.muli %add3A_12, %mul3A_15 : i32
      "tpu.region"() ({
        %run_scoped3A = tpu.sem_alloc : memref<!tpu.dma_semaphore, #tpu.memory_space<semaphore_mem>>
        %dma_start3A = tpu.memref_slice %arg3[%mul3A_16] : memref<131072xi32, #tpu.memory_space<hbm>> -> memref<16xi32, #tpu.memory_space<hbm>>
        %dma_start3A_206 = tpu.memref_slice %arg3[%mul3A_16] : memref<131072xi32, #tpu.memory_space<hbm>> -> memref<16xi32, #tpu.memory_space<hbm>>
        tpu.enqueue_dma source(%dma_start3A_206 : memref<16xi32, #tpu.memory_space<hbm>>) target(%arg6 : memref<16xi32, #tpu.memory_space<vmem>>) target_semaphore(%run_scoped3A : memref<!tpu.dma_semaphore, #tpu.memory_space<semaphore_mem>>)
        %dma_wait3A = tpu.memref_slice %arg3[%mul3A_16] : memref<131072xi32, #tpu.memory_space<hbm>> -> memref<16xi32, #tpu.memory_space<hbm>>
        %dma_wait3A_207 = tpu.memref_slice %arg3[%mul3A_16] : memref<131072xi32, #tpu.memory_space<hbm>> -> memref<16xi32, #tpu.memory_space<hbm>>
        tpu.wait_dma2 semaphore(%run_scoped3A : memref<!tpu.dma_semaphore, #tpu.memory_space<semaphore_mem>>) src(%dma_wait3A_207 : memref<16xi32, #tpu.memory_space<hbm>>) dst(%arg6 : memref<16xi32, #tpu.memory_space<vmem>>)
        tpu.yield
      }) : () -> ()
      %get3A = arith.constant 0 : index
      %get3A_17 = tpu.vector_load %arg6[%get3A] {strides = array<i32>} : memref<16xi32, #tpu.memory_space<vmem>>, vector<16xi32>,
      %broadcast_in_dim3A = arith.constant 0 : i32
      %broadcast_in_dim3A_18 = vector.broadcast %broadcast_in_dim3A : i32 to vector<16x1xi32>
      %gather3A = vector.shape_cast %broadcast_in_dim3A_18 : vector<16x1xi32> to vector<16xi32>
      %gather3A_19 = tpu.dynamic_gather %get3A_17[%gather3A] in [0] : vector<16xi32>, vector<16xi32> -> vector<16xi32>
      %broadcast_in_dim3A_20 = arith.constant 1 : i32
      %broadcast_in_dim3A_21 = vector.broadcast %broadcast_in_dim3A_20 : i32 to vector<16x1xi32>
      %gather3A_22 = vector.shape_cast %broadcast_in_dim3A_21 : vector<16x1xi32> to vector<16xi32>
      %gather3A_23 = tpu.dynamic_gather %get3A_17[%gather3A_22] in [0] : vector<16xi32>, vector<16xi32> -> vector<16xi32>
      %mul3A_24 = arith.constant 3136 : i32
      %mul3A_25 = arith.muli %add3A_12, %mul3A_24 : i32
      %broadcast_in_dim3A_26 = arith.constant 0 : i32
      %broadcast_in_dim3A_27 = vector.broadcast %broadcast_in_dim3A_26 : i32 to vector<16xi32>
      %scan3A_28 = arith.constant 0 : i32
      %scan3A_29 = arith.constant 192 : i32
      %scan3A_30 = arith.addi %scan3A_28, %scan3A_29 : i32
      %scan3A_31 = arith.constant 8 : i32
      %scan3A_32 = scf.for %scan3A_206 = %scan3A_28 to %scan3A_30 step %scan3A_31 iter_args(%scan3A_207 = %broadcast_in_dim3A_27) -> (vector<16xi32>)  : i32 {
        %mul3A_208 = arith.constant 1 : i32
        %mul3A_209 = arith.muli %scan3A_206, %mul3A_208 : i32
        %add3A_210 = arith.constant 0 : i32
        %add3A_211 = arith.addi %add3A_210, %mul3A_209 : i32
        %mul3A_212 = arith.constant 16 : i32
        %mul3A_213 = arith.muli %add3A_211, %mul3A_212 : i32
        %get3A_214 = arith.index_cast %mul3A_213 : i32 to index
        %get3A_215 = tpu.vector_load %arg5[%get3A_214] {strides = array<i32>} : memref<3136xf32, #tpu.memory_space<vmem>>, vector<16xf32>,
        %bitcast_convert_type3A_216 = tpu.bitcast %get3A_215 : vector<16xf32> -> vector<16xi32>
        %ge3A_217 = arith.constant 0 : i32
        %ge3A_218 = vector.broadcast %ge3A_217 : i32 to vector<16xi32>
        %ge3A_219 = arith.cmpi sge, %bitcast_convert_type3A_216, %ge3A_218 : vector<16xi32>
        %xor3A_220 = arith.constant 2147483647 : i32
        %xor3A_221 = vector.broadcast %xor3A_220 : i32 to vector<16xi32>
        %xor3A_222 = arith.xori %bitcast_convert_type3A_216, %xor3A_221 : vector<16xi32>
        %select_n3A_223 = arith.select %ge3A_219, %bitcast_convert_type3A_216, %xor3A_222 : vector<16xi1>, vector<16xi32>
        %mul3A_224 = arith.constant 16 : i32
        %mul3A_225 = arith.muli %add3A_211, %mul3A_224 : i32
        %iota3A_226 = tpu.iota {dimensions = array<i32: 0>} : vector<16xi32>
        %add3A_227 = vector.broadcast %mul3A_225 : i32 to vector<16xi32>
        %add3A_228 = arith.addi %add3A_227, %iota3A_226 : vector<16xi32>
        %gt3A_229 = arith.cmpi sgt, %select_n3A_223, %gather3A_19 : vector<16xi32>
        %eq3A_230 = arith.cmpi eq, %select_n3A_223, %gather3A_19 : vector<16xi32>
        %le3A_231 = arith.cmpi sle, %add3A_228, %gather3A_23 : vector<16xi32>
        %and3A_232 = arith.andi %eq3A_230, %le3A_231 : vector<16xi1>
        %or3A_233 = arith.ori %gt3A_229, %and3A_232 : vector<16xi1>
        %convert_element_type3A_234 = arith.extui %or3A_233 : vector<16xi1> to vector<16xi32>
        %broadcast_in_dim3A_235 = arith.constant true
        %broadcast_in_dim3A_236 = vector.broadcast %broadcast_in_dim3A_235 : i1 to vector<16xi1>
        %masked_cumsum3A_237 = tpu.scan <sum>, %convert_element_type3A_234 masked %broadcast_in_dim3A_236 : vector<16xi32>, vector<16xi1> -> vector<16xi32>
        %add3A_238 = arith.addi %scan3A_207, %masked_cumsum3A_237 : vector<16xi32>
        %sub3A_239 = arith.constant 1 : i32
        %sub3A_240 = vector.broadcast %sub3A_239 : i32 to vector<16xi32>
        %sub3A_241 = arith.subi %add3A_238, %sub3A_240 : vector<16xi32>
        %jit3A_242 = arith.constant 136 : i32
        %broadcast_in_dim3A_243 = vector.broadcast %jit3A_242 : i32 to vector<16xi32>
        %select_n3A_244 = arith.select %or3A_233, %sub3A_241, %broadcast_in_dim3A_243 : vector<16xi1>, vector<16xi32>
        %add3A_245 = vector.broadcast %mul3A_25 : i32 to vector<16xi32>
        %add3A_246 = arith.addi %add3A_245, %add3A_228 : vector<16xi32>
        tpu.vector_store_idx %arg7[%select_n3A_244], %add3A_246 : memref<144xi32, #tpu.memory_space<vmem>>[vector<16xi32>], vector<16xi32>,
        %broadcast_in_dim3A_247 = arith.constant 15 : i32
        %broadcast_in_dim3A_248 = vector.broadcast %broadcast_in_dim3A_247 : i32 to vector<16x1xi32>
        %gather3A_249 = vector.shape_cast %broadcast_in_dim3A_248 : vector<16x1xi32> to vector<16xi32>
        %gather3A_250 = tpu.dynamic_gather %masked_cumsum3A_237[%gather3A_249] in [0] : vector<16xi32>, vector<16xi32> -> vector<16xi32>
        %add3A_251 = arith.addi %scan3A_207, %gather3A_250 : vector<16xi32>
        %scan3A_252 = arith.constant 1 : i32
        %scan3A_253 = arith.addi %scan3A_206, %scan3A_252 : i32
        %mul3A_254 = arith.constant 1 : i32
        %mul3A_255 = arith.muli %scan3A_253, %mul3A_254 : i32
        %add3A_256 = arith.constant 0 : i32
        %add3A_257 = arith.addi %add3A_256, %mul3A_255 : i32
        %mul3A_258 = arith.constant 16 : i32
        %mul3A_259 = arith.muli %add3A_257, %mul3A_258 : i32
        %get3A_260 = arith.index_cast %mul3A_259 : i32 to index
        %get3A_261 = tpu.vector_load %arg5[%get3A_260] {strides = array<i32>} : memref<3136xf32, #tpu.memory_space<vmem>>, vector<16xf32>,
        %bitcast_convert_type3A_262 = tpu.bitcast %get3A_261 : vector<16xf32> -> vector<16xi32>
        %ge3A_263 = arith.constant 0 : i32
        %ge3A_264 = vector.broadcast %ge3A_263 : i32 to vector<16xi32>
        %ge3A_265 = arith.cmpi sge, %bitcast_convert_type3A_262, %ge3A_264 : vector<16xi32>
        %xor3A_266 = arith.constant 2147483647 : i32
        %xor3A_267 = vector.broadcast %xor3A_266 : i32 to vector<16xi32>
        %xor3A_268 = arith.xori %bitcast_convert_type3A_262, %xor3A_267 : vector<16xi32>
        %select_n3A_269 = arith.select %ge3A_265, %bitcast_convert_type3A_262, %xor3A_268 : vector<16xi1>, vector<16xi32>
        %mul3A_270 = arith.constant 16 : i32
        %mul3A_271 = arith.muli %add3A_257, %mul3A_270 : i32
        %iota3A_272 = tpu.iota {dimensions = array<i32: 0>} : vector<16xi32>
        %add3A_273 = vector.broadcast %mul3A_271 : i32 to vector<16xi32>
        %add3A_274 = arith.addi %add3A_273, %iota3A_272 : vector<16xi32>
        %gt3A_275 = arith.cmpi sgt, %select_n3A_269, %gather3A_19 : vector<16xi32>
        %eq3A_276 = arith.cmpi eq, %select_n3A_269, %gather3A_19 : vector<16xi32>
        %le3A_277 = arith.cmpi sle, %add3A_274, %gather3A_23 : vector<16xi32>
        %and3A_278 = arith.andi %eq3A_276, %le3A_277 : vector<16xi1>
        %or3A_279 = arith.ori %gt3A_275, %and3A_278 : vector<16xi1>
        %convert_element_type3A_280 = arith.extui %or3A_279 : vector<16xi1> to vector<16xi32>
        %broadcast_in_dim3A_281 = arith.constant true
        %broadcast_in_dim3A_282 = vector.broadcast %broadcast_in_dim3A_281 : i1 to vector<16xi1>
        %masked_cumsum3A_283 = tpu.scan <sum>, %convert_element_type3A_280 masked %broadcast_in_dim3A_282 : vector<16xi32>, vector<16xi1> -> vector<16xi32>
        %add3A_284 = arith.addi %add3A_251, %masked_cumsum3A_283 : vector<16xi32>
        %sub3A_285 = arith.constant 1 : i32
        %sub3A_286 = vector.broadcast %sub3A_285 : i32 to vector<16xi32>
        %sub3A_287 = arith.subi %add3A_284, %sub3A_286 : vector<16xi32>
        %jit3A_288 = arith.constant 136 : i32
        %broadcast_in_dim3A_289 = vector.broadcast %jit3A_288 : i32 to vector<16xi32>
        %select_n3A_290 = arith.select %or3A_279, %sub3A_287, %broadcast_in_dim3A_289 : vector<16xi1>, vector<16xi32>
        %add3A_291 = vector.broadcast %mul3A_25 : i32 to vector<16xi32>
        %add3A_292 = arith.addi %add3A_291, %add3A_274 : vector<16xi32>
        tpu.vector_store_idx %arg7[%select_n3A_290], %add3A_292 : memref<144xi32, #tpu.memory_space<vmem>>[vector<16xi32>], vector<16xi32>,
        %broadcast_in_dim3A_293 = arith.constant 15 : i32
        %broadcast_in_dim3A_294 = vector.broadcast %broadcast_in_dim3A_293 : i32 to vector<16x1xi32>
        %gather3A_295 = vector.shape_cast %broadcast_in_dim3A_294 : vector<16x1xi32> to vector<16xi32>
        %gather3A_296 = tpu.dynamic_gather %masked_cumsum3A_283[%gather3A_295] in [0] : vector<16xi32>, vector<16xi32> -> vector<16xi32>
        %add3A_297 = arith.addi %add3A_251, %gather3A_296 : vector<16xi32>
        %scan3A_298 = arith.constant 2 : i32
        %scan3A_299 = arith.addi %scan3A_206, %scan3A_298 : i32
        %mul3A_300 = arith.constant 1 : i32
        %mul3A_301 = arith.muli %scan3A_299, %mul3A_300 : i32
        %add3A_302 = arith.constant 0 : i32
        %add3A_303 = arith.addi %add3A_302, %mul3A_301 : i32
        %mul3A_304 = arith.constant 16 : i32
        %mul3A_305 = arith.muli %add3A_303, %mul3A_304 : i32
        %get3A_306 = arith.index_cast %mul3A_305 : i32 to index
        %get3A_307 = tpu.vector_load %arg5[%get3A_306] {strides = array<i32>} : memref<3136xf32, #tpu.memory_space<vmem>>, vector<16xf32>,
        %bitcast_convert_type3A_308 = tpu.bitcast %get3A_307 : vector<16xf32> -> vector<16xi32>
        %ge3A_309 = arith.constant 0 : i32
        %ge3A_310 = vector.broadcast %ge3A_309 : i32 to vector<16xi32>
        %ge3A_311 = arith.cmpi sge, %bitcast_convert_type3A_308, %ge3A_310 : vector<16xi32>
        %xor3A_312 = arith.constant 2147483647 : i32
        %xor3A_313 = vector.broadcast %xor3A_312 : i32 to vector<16xi32>
        %xor3A_314 = arith.xori %bitcast_convert_type3A_308, %xor3A_313 : vector<16xi32>
        %select_n3A_315 = arith.select %ge3A_311, %bitcast_convert_type3A_308, %xor3A_314 : vector<16xi1>, vector<16xi32>
        %mul3A_316 = arith.constant 16 : i32
        %mul3A_317 = arith.muli %add3A_303, %mul3A_316 : i32
        %iota3A_318 = tpu.iota {dimensions = array<i32: 0>} : vector<16xi32>
        %add3A_319 = vector.broadcast %mul3A_317 : i32 to vector<16xi32>
        %add3A_320 = arith.addi %add3A_319, %iota3A_318 : vector<16xi32>
        %gt3A_321 = arith.cmpi sgt, %select_n3A_315, %gather3A_19 : vector<16xi32>
        %eq3A_322 = arith.cmpi eq, %select_n3A_315, %gather3A_19 : vector<16xi32>
        %le3A_323 = arith.cmpi sle, %add3A_320, %gather3A_23 : vector<16xi32>
        %and3A_324 = arith.andi %eq3A_322, %le3A_323 : vector<16xi1>
        %or3A_325 = arith.ori %gt3A_321, %and3A_324 : vector<16xi1>
        %convert_element_type3A_326 = arith.extui %or3A_325 : vector<16xi1> to vector<16xi32>
        %broadcast_in_dim3A_327 = arith.constant true
        %broadcast_in_dim3A_328 = vector.broadcast %broadcast_in_dim3A_327 : i1 to vector<16xi1>
        %masked_cumsum3A_329 = tpu.scan <sum>, %convert_element_type3A_326 masked %broadcast_in_dim3A_328 : vector<16xi32>, vector<16xi1> -> vector<16xi32>
        %add3A_330 = arith.addi %add3A_297, %masked_cumsum3A_329 : vector<16xi32>
        %sub3A_331 = arith.constant 1 : i32
        %sub3A_332 = vector.broadcast %sub3A_331 : i32 to vector<16xi32>
        %sub3A_333 = arith.subi %add3A_330, %sub3A_332 : vector<16xi32>
        %jit3A_334 = arith.constant 136 : i32
        %broadcast_in_dim3A_335 = vector.broadcast %jit3A_334 : i32 to vector<16xi32>
        %select_n3A_336 = arith.select %or3A_325, %sub3A_333, %broadcast_in_dim3A_335 : vector<16xi1>, vector<16xi32>
        %add3A_337 = vector.broadcast %mul3A_25 : i32 to vector<16xi32>
        %add3A_338 = arith.addi %add3A_337, %add3A_320 : vector<16xi32>
        tpu.vector_store_idx %arg7[%select_n3A_336], %add3A_338 : memref<144xi32, #tpu.memory_space<vmem>>[vector<16xi32>], vector<16xi32>,
        %broadcast_in_dim3A_339 = arith.constant 15 : i32
        %broadcast_in_dim3A_340 = vector.broadcast %broadcast_in_dim3A_339 : i32 to vector<16x1xi32>
        %gather3A_341 = vector.shape_cast %broadcast_in_dim3A_340 : vector<16x1xi32> to vector<16xi32>
        %gather3A_342 = tpu.dynamic_gather %masked_cumsum3A_329[%gather3A_341] in [0] : vector<16xi32>, vector<16xi32> -> vector<16xi32>
        %add3A_343 = arith.addi %add3A_297, %gather3A_342 : vector<16xi32>
        %scan3A_344 = arith.constant 3 : i32
        %scan3A_345 = arith.addi %scan3A_206, %scan3A_344 : i32
        %mul3A_346 = arith.constant 1 : i32
        %mul3A_347 = arith.muli %scan3A_345, %mul3A_346 : i32
        %add3A_348 = arith.constant 0 : i32
        %add3A_349 = arith.addi %add3A_348, %mul3A_347 : i32
        %mul3A_350 = arith.constant 16 : i32
        %mul3A_351 = arith.muli %add3A_349, %mul3A_350 : i32
        %get3A_352 = arith.index_cast %mul3A_351 : i32 to index
        %get3A_353 = tpu.vector_load %arg5[%get3A_352] {strides = array<i32>} : memref<3136xf32, #tpu.memory_space<vmem>>, vector<16xf32>,
        %bitcast_convert_type3A_354 = tpu.bitcast %get3A_353 : vector<16xf32> -> vector<16xi32>
        %ge3A_355 = arith.constant 0 : i32
        %ge3A_356 = vector.broadcast %ge3A_355 : i32 to vector<16xi32>
        %ge3A_357 = arith.cmpi sge, %bitcast_convert_type3A_354, %ge3A_356 : vector<16xi32>
        %xor3A_358 = arith.constant 2147483647 : i32
        %xor3A_359 = vector.broadcast %xor3A_358 : i32 to vector<16xi32>
        %xor3A_360 = arith.xori %bitcast_convert_type3A_354, %xor3A_359 : vector<16xi32>
        %select_n3A_361 = arith.select %ge3A_357, %bitcast_convert_type3A_354, %xor3A_360 : vector<16xi1>, vector<16xi32>
        %mul3A_362 = arith.constant 16 : i32
        %mul3A_363 = arith.muli %add3A_349, %mul3A_362 : i32
        %iota3A_364 = tpu.iota {dimensions = array<i32: 0>} : vector<16xi32>
        %add3A_365 = vector.broadcast %mul3A_363 : i32 to vector<16xi32>
        %add3A_366 = arith.addi %add3A_365, %iota3A_364 : vector<16xi32>
        %gt3A_367 = arith.cmpi sgt, %select_n3A_361, %gather3A_19 : vector<16xi32>
        %eq3A_368 = arith.cmpi eq, %select_n3A_361, %gather3A_19 : vector<16xi32>
        %le3A_369 = arith.cmpi sle, %add3A_366, %gather3A_23 : vector<16xi32>
        %and3A_370 = arith.andi %eq3A_368, %le3A_369 : vector<16xi1>
        %or3A_371 = arith.ori %gt3A_367, %and3A_370 : vector<16xi1>
        %convert_element_type3A_372 = arith.extui %or3A_371 : vector<16xi1> to vector<16xi32>
        %broadcast_in_dim3A_373 = arith.constant true
        %broadcast_in_dim3A_374 = vector.broadcast %broadcast_in_dim3A_373 : i1 to vector<16xi1>
        %masked_cumsum3A_375 = tpu.scan <sum>, %convert_element_type3A_372 masked %broadcast_in_dim3A_374 : vector<16xi32>, vector<16xi1> -> vector<16xi32>
        %add3A_376 = arith.addi %add3A_343, %masked_cumsum3A_375 : vector<16xi32>
        %sub3A_377 = arith.constant 1 : i32
        %sub3A_378 = vector.broadcast %sub3A_377 : i32 to vector<16xi32>
        %sub3A_379 = arith.subi %add3A_376, %sub3A_378 : vector<16xi32>
        %jit3A_380 = arith.constant 136 : i32
        %broadcast_in_dim3A_381 = vector.broadcast %jit3A_380 : i32 to vector<16xi32>
        %select_n3A_382 = arith.select %or3A_371, %sub3A_379, %broadcast_in_dim3A_381 : vector<16xi1>, vector<16xi32>
        %add3A_383 = vector.broadcast %mul3A_25 : i32 to vector<16xi32>
        %add3A_384 = arith.addi %add3A_383, %add3A_366 : vector<16xi32>
        tpu.vector_store_idx %arg7[%select_n3A_382], %add3A_384 : memref<144xi32, #tpu.memory_space<vmem>>[vector<16xi32>], vector<16xi32>,
        %broadcast_in_dim3A_385 = arith.constant 15 : i32
        %broadcast_in_dim3A_386 = vector.broadcast %broadcast_in_dim3A_385 : i32 to vector<16x1xi32>
        %gather3A_387 = vector.shape_cast %broadcast_in_dim3A_386 : vector<16x1xi32> to vector<16xi32>
        %gather3A_388 = tpu.dynamic_gather %masked_cumsum3A_375[%gather3A_387] in [0] : vector<16xi32>, vector<16xi32> -> vector<16xi32>
        %add3A_389 = arith.addi %add3A_343, %gather3A_388 : vector<16xi32>
        %scan3A_390 = arith.constant 4 : i32
        %scan3A_391 = arith.addi %scan3A_206, %scan3A_390 : i32
        %mul3A_392 = arith.constant 1 : i32
        %mul3A_393 = arith.muli %scan3A_391, %mul3A_392 : i32
        %add3A_394 = arith.constant 0 : i32
        %add3A_395 = arith.addi %add3A_394, %mul3A_393 : i32
        %mul3A_396 = arith.constant 16 : i32
        %mul3A_397 = arith.muli %add3A_395, %mul3A_396 : i32
        %get3A_398 = arith.index_cast %mul3A_397 : i32 to index
        %get3A_399 = tpu.vector_load %arg5[%get3A_398] {strides = array<i32>} : memref<3136xf32, #tpu.memory_space<vmem>>, vector<16xf32>,
        %bitcast_convert_type3A_400 = tpu.bitcast %get3A_399 : vector<16xf32> -> vector<16xi32>
        %ge3A_401 = arith.constant 0 : i32
        %ge3A_402 = vector.broadcast %ge3A_401 : i32 to vector<16xi32>
        %ge3A_403 = arith.cmpi sge, %bitcast_convert_type3A_400, %ge3A_402 : vector<16xi32>
        %xor3A_404 = arith.constant 2147483647 : i32
        %xor3A_405 = vector.broadcast %xor3A_404 : i32 to vector<16xi32>
        %xor3A_406 = arith.xori %bitcast_convert_type3A_400, %xor3A_405 : vector<16xi32>
        %select_n3A_407 = arith.select %ge3A_403, %bitcast_convert_type3A_400, %xor3A_406 : vector<16xi1>, vector<16xi32>
        %mul3A_408 = arith.constant 16 : i32
        %mul3A_409 = arith.muli %add3A_395, %mul3A_408 : i32
        %iota3A_410 = tpu.iota {dimensions = array<i32: 0>} : vector<16xi32>
        %add3A_411 = vector.broadcast %mul3A_409 : i32 to vector<16xi32>
        %add3A_412 = arith.addi %add3A_411, %iota3A_410 : vector<16xi32>
        %gt3A_413 = arith.cmpi sgt, %select_n3A_407, %gather3A_19 : vector<16xi32>
        %eq3A_414 = arith.cmpi eq, %select_n3A_407, %gather3A_19 : vector<16xi32>
        %le3A_415 = arith.cmpi sle, %add3A_412, %gather3A_23 : vector<16xi32>
        %and3A_416 = arith.andi %eq3A_414, %le3A_415 : vector<16xi1>
        %or3A_417 = arith.ori %gt3A_413, %and3A_416 : vector<16xi1>
        %convert_element_type3A_418 = arith.extui %or3A_417 : vector<16xi1> to vector<16xi32>
        %broadcast_in_dim3A_419 = arith.constant true
        %broadcast_in_dim3A_420 = vector.broadcast %broadcast_in_dim3A_419 : i1 to vector<16xi1>
        %masked_cumsum3A_421 = tpu.scan <sum>, %convert_element_type3A_418 masked %broadcast_in_dim3A_420 : vector<16xi32>, vector<16xi1> -> vector<16xi32>
        %add3A_422 = arith.addi %add3A_389, %masked_cumsum3A_421 : vector<16xi32>
        %sub3A_423 = arith.constant 1 : i32
        %sub3A_424 = vector.broadcast %sub3A_423 : i32 to vector<16xi32>
        %sub3A_425 = arith.subi %add3A_422, %sub3A_424 : vector<16xi32>
        %jit3A_426 = arith.constant 136 : i32
        %broadcast_in_dim3A_427 = vector.broadcast %jit3A_426 : i32 to vector<16xi32>
        %select_n3A_428 = arith.select %or3A_417, %sub3A_425, %broadcast_in_dim3A_427 : vector<16xi1>, vector<16xi32>
        %add3A_429 = vector.broadcast %mul3A_25 : i32 to vector<16xi32>
        %add3A_430 = arith.addi %add3A_429, %add3A_412 : vector<16xi32>
        tpu.vector_store_idx %arg7[%select_n3A_428], %add3A_430 : memref<144xi32, #tpu.memory_space<vmem>>[vector<16xi32>], vector<16xi32>,
        %broadcast_in_dim3A_431 = arith.constant 15 : i32
        %broadcast_in_dim3A_432 = vector.broadcast %broadcast_in_dim3A_431 : i32 to vector<16x1xi32>
        %gather3A_433 = vector.shape_cast %broadcast_in_dim3A_432 : vector<16x1xi32> to vector<16xi32>
        %gather3A_434 = tpu.dynamic_gather %masked_cumsum3A_421[%gather3A_433] in [0] : vector<16xi32>, vector<16xi32> -> vector<16xi32>
        %add3A_435 = arith.addi %add3A_389, %gather3A_434 : vector<16xi32>
        %scan3A_436 = arith.constant 5 : i32
        %scan3A_437 = arith.addi %scan3A_206, %scan3A_436 : i32
        %mul3A_438 = arith.constant 1 : i32
        %mul3A_439 = arith.muli %scan3A_437, %mul3A_438 : i32
        %add3A_440 = arith.constant 0 : i32
        %add3A_441 = arith.addi %add3A_440, %mul3A_439 : i32
        %mul3A_442 = arith.constant 16 : i32
        %mul3A_443 = arith.muli %add3A_441, %mul3A_442 : i32
        %get3A_444 = arith.index_cast %mul3A_443 : i32 to index
        %get3A_445 = tpu.vector_load %arg5[%get3A_444] {strides = array<i32>} : memref<3136xf32, #tpu.memory_space<vmem>>, vector<16xf32>,
        %bitcast_convert_type3A_446 = tpu.bitcast %get3A_445 : vector<16xf32> -> vector<16xi32>
        %ge3A_447 = arith.constant 0 : i32
        %ge3A_448 = vector.broadcast %ge3A_447 : i32 to vector<16xi32>
        %ge3A_449 = arith.cmpi sge, %bitcast_convert_type3A_446, %ge3A_448 : vector<16xi32>
        %xor3A_450 = arith.constant 2147483647 : i32
        %xor3A_451 = vector.broadcast %xor3A_450 : i32 to vector<16xi32>
        %xor3A_452 = arith.xori %bitcast_convert_type3A_446, %xor3A_451 : vector<16xi32>
        %select_n3A_453 = arith.select %ge3A_449, %bitcast_convert_type3A_446, %xor3A_452 : vector<16xi1>, vector<16xi32>
        %mul3A_454 = arith.constant 16 : i32
        %mul3A_455 = arith.muli %add3A_441, %mul3A_454 : i32
        %iota3A_456 = tpu.iota {dimensions = array<i32: 0>} : vector<16xi32>
        %add3A_457 = vector.broadcast %mul3A_455 : i32 to vector<16xi32>
        %add3A_458 = arith.addi %add3A_457, %iota3A_456 : vector<16xi32>
        %gt3A_459 = arith.cmpi sgt, %select_n3A_453, %gather3A_19 : vector<16xi32>
        %eq3A_460 = arith.cmpi eq, %select_n3A_453, %gather3A_19 : vector<16xi32>
        %le3A_461 = arith.cmpi sle, %add3A_458, %gather3A_23 : vector<16xi32>
        %and3A_462 = arith.andi %eq3A_460, %le3A_461 : vector<16xi1>
        %or3A_463 = arith.ori %gt3A_459, %and3A_462 : vector<16xi1>
        %convert_element_type3A_464 = arith.extui %or3A_463 : vector<16xi1> to vector<16xi32>
        %broadcast_in_dim3A_465 = arith.constant true
        %broadcast_in_dim3A_466 = vector.broadcast %broadcast_in_dim3A_465 : i1 to vector<16xi1>
        %masked_cumsum3A_467 = tpu.scan <sum>, %convert_element_type3A_464 masked %broadcast_in_dim3A_466 : vector<16xi32>, vector<16xi1> -> vector<16xi32>
        %add3A_468 = arith.addi %add3A_435, %masked_cumsum3A_467 : vector<16xi32>
        %sub3A_469 = arith.constant 1 : i32
        %sub3A_470 = vector.broadcast %sub3A_469 : i32 to vector<16xi32>
        %sub3A_471 = arith.subi %add3A_468, %sub3A_470 : vector<16xi32>
        %jit3A_472 = arith.constant 136 : i32
        %broadcast_in_dim3A_473 = vector.broadcast %jit3A_472 : i32 to vector<16xi32>
        %select_n3A_474 = arith.select %or3A_463, %sub3A_471, %broadcast_in_dim3A_473 : vector<16xi1>, vector<16xi32>
        %add3A_475 = vector.broadcast %mul3A_25 : i32 to vector<16xi32>
        %add3A_476 = arith.addi %add3A_475, %add3A_458 : vector<16xi32>
        tpu.vector_store_idx %arg7[%select_n3A_474], %add3A_476 : memref<144xi32, #tpu.memory_space<vmem>>[vector<16xi32>], vector<16xi32>,
        %broadcast_in_dim3A_477 = arith.constant 15 : i32
        %broadcast_in_dim3A_478 = vector.broadcast %broadcast_in_dim3A_477 : i32 to vector<16x1xi32>
        %gather3A_479 = vector.shape_cast %broadcast_in_dim3A_478 : vector<16x1xi32> to vector<16xi32>
        %gather3A_480 = tpu.dynamic_gather %masked_cumsum3A_467[%gather3A_479] in [0] : vector<16xi32>, vector<16xi32> -> vector<16xi32>
        %add3A_481 = arith.addi %add3A_435, %gather3A_480 : vector<16xi32>
        %scan3A_482 = arith.constant 6 : i32
        %scan3A_483 = arith.addi %scan3A_206, %scan3A_482 : i32
        %mul3A_484 = arith.constant 1 : i32
        %mul3A_485 = arith.muli %scan3A_483, %mul3A_484 : i32
        %add3A_486 = arith.constant 0 : i32
        %add3A_487 = arith.addi %add3A_486, %mul3A_485 : i32
        %mul3A_488 = arith.constant 16 : i32
        %mul3A_489 = arith.muli %add3A_487, %mul3A_488 : i32
        %get3A_490 = arith.index_cast %mul3A_489 : i32 to index
        %get3A_491 = tpu.vector_load %arg5[%get3A_490] {strides = array<i32>} : memref<3136xf32, #tpu.memory_space<vmem>>, vector<16xf32>,
        %bitcast_convert_type3A_492 = tpu.bitcast %get3A_491 : vector<16xf32> -> vector<16xi32>
        %ge3A_493 = arith.constant 0 : i32
        %ge3A_494 = vector.broadcast %ge3A_493 : i32 to vector<16xi32>
        %ge3A_495 = arith.cmpi sge, %bitcast_convert_type3A_492, %ge3A_494 : vector<16xi32>
        %xor3A_496 = arith.constant 2147483647 : i32
        %xor3A_497 = vector.broadcast %xor3A_496 : i32 to vector<16xi32>
        %xor3A_498 = arith.xori %bitcast_convert_type3A_492, %xor3A_497 : vector<16xi32>
        %select_n3A_499 = arith.select %ge3A_495, %bitcast_convert_type3A_492, %xor3A_498 : vector<16xi1>, vector<16xi32>
        %mul3A_500 = arith.constant 16 : i32
        %mul3A_501 = arith.muli %add3A_487, %mul3A_500 : i32
        %iota3A_502 = tpu.iota {dimensions = array<i32: 0>} : vector<16xi32>
        %add3A_503 = vector.broadcast %mul3A_501 : i32 to vector<16xi32>
        %add3A_504 = arith.addi %add3A_503, %iota3A_502 : vector<16xi32>
        %gt3A_505 = arith.cmpi sgt, %select_n3A_499, %gather3A_19 : vector<16xi32>
        %eq3A_506 = arith.cmpi eq, %select_n3A_499, %gather3A_19 : vector<16xi32>
        %le3A_507 = arith.cmpi sle, %add3A_504, %gather3A_23 : vector<16xi32>
        %and3A_508 = arith.andi %eq3A_506, %le3A_507 : vector<16xi1>
        %or3A_509 = arith.ori %gt3A_505, %and3A_508 : vector<16xi1>
        %convert_element_type3A_510 = arith.extui %or3A_509 : vector<16xi1> to vector<16xi32>
        %broadcast_in_dim3A_511 = arith.constant true
        %broadcast_in_dim3A_512 = vector.broadcast %broadcast_in_dim3A_511 : i1 to vector<16xi1>
        %masked_cumsum3A_513 = tpu.scan <sum>, %convert_element_type3A_510 masked %broadcast_in_dim3A_512 : vector<16xi32>, vector<16xi1> -> vector<16xi32>
        %add3A_514 = arith.addi %add3A_481, %masked_cumsum3A_513 : vector<16xi32>
        %sub3A_515 = arith.constant 1 : i32
        %sub3A_516 = vector.broadcast %sub3A_515 : i32 to vector<16xi32>
        %sub3A_517 = arith.subi %add3A_514, %sub3A_516 : vector<16xi32>
        %jit3A_518 = arith.constant 136 : i32
        %broadcast_in_dim3A_519 = vector.broadcast %jit3A_518 : i32 to vector<16xi32>
        %select_n3A_520 = arith.select %or3A_509, %sub3A_517, %broadcast_in_dim3A_519 : vector<16xi1>, vector<16xi32>
        %add3A_521 = vector.broadcast %mul3A_25 : i32 to vector<16xi32>
        %add3A_522 = arith.addi %add3A_521, %add3A_504 : vector<16xi32>
        tpu.vector_store_idx %arg7[%select_n3A_520], %add3A_522 : memref<144xi32, #tpu.memory_space<vmem>>[vector<16xi32>], vector<16xi32>,
        %broadcast_in_dim3A_523 = arith.constant 15 : i32
        %broadcast_in_dim3A_524 = vector.broadcast %broadcast_in_dim3A_523 : i32 to vector<16x1xi32>
        %gather3A_525 = vector.shape_cast %broadcast_in_dim3A_524 : vector<16x1xi32> to vector<16xi32>
        %gather3A_526 = tpu.dynamic_gather %masked_cumsum3A_513[%gather3A_525] in [0] : vector<16xi32>, vector<16xi32> -> vector<16xi32>
        %add3A_527 = arith.addi %add3A_481, %gather3A_526 : vector<16xi32>
        %scan3A_528 = arith.constant 7 : i32
        %scan3A_529 = arith.addi %scan3A_206, %scan3A_528 : i32
        %mul3A_530 = arith.constant 1 : i32
        %mul3A_531 = arith.muli %scan3A_529, %mul3A_530 : i32
        %add3A_532 = arith.constant 0 : i32
        %add3A_533 = arith.addi %add3A_532, %mul3A_531 : i32
        %mul3A_534 = arith.constant 16 : i32
        %mul3A_535 = arith.muli %add3A_533, %mul3A_534 : i32
        %get3A_536 = arith.index_cast %mul3A_535 : i32 to index
        %get3A_537 = tpu.vector_load %arg5[%get3A_536] {strides = array<i32>} : memref<3136xf32, #tpu.memory_space<vmem>>, vector<16xf32>,
        %bitcast_convert_type3A_538 = tpu.bitcast %get3A_537 : vector<16xf32> -> vector<16xi32>
        %ge3A_539 = arith.constant 0 : i32
        %ge3A_540 = vector.broadcast %ge3A_539 : i32 to vector<16xi32>
        %ge3A_541 = arith.cmpi sge, %bitcast_convert_type3A_538, %ge3A_540 : vector<16xi32>
        %xor3A_542 = arith.constant 2147483647 : i32
        %xor3A_543 = vector.broadcast %xor3A_542 : i32 to vector<16xi32>
        %xor3A_544 = arith.xori %bitcast_convert_type3A_538, %xor3A_543 : vector<16xi32>
        %select_n3A_545 = arith.select %ge3A_541, %bitcast_convert_type3A_538, %xor3A_544 : vector<16xi1>, vector<16xi32>
        %mul3A_546 = arith.constant 16 : i32
        %mul3A_547 = arith.muli %add3A_533, %mul3A_546 : i32
        %iota3A_548 = tpu.iota {dimensions = array<i32: 0>} : vector<16xi32>
        %add3A_549 = vector.broadcast %mul3A_547 : i32 to vector<16xi32>
        %add3A_550 = arith.addi %add3A_549, %iota3A_548 : vector<16xi32>
        %gt3A_551 = arith.cmpi sgt, %select_n3A_545, %gather3A_19 : vector<16xi32>
        %eq3A_552 = arith.cmpi eq, %select_n3A_545, %gather3A_19 : vector<16xi32>
        %le3A_553 = arith.cmpi sle, %add3A_550, %gather3A_23 : vector<16xi32>
        %and3A_554 = arith.andi %eq3A_552, %le3A_553 : vector<16xi1>
        %or3A_555 = arith.ori %gt3A_551, %and3A_554 : vector<16xi1>
        %convert_element_type3A_556 = arith.extui %or3A_555 : vector<16xi1> to vector<16xi32>
        %broadcast_in_dim3A_557 = arith.constant true
        %broadcast_in_dim3A_558 = vector.broadcast %broadcast_in_dim3A_557 : i1 to vector<16xi1>
        %masked_cumsum3A_559 = tpu.scan <sum>, %convert_element_type3A_556 masked %broadcast_in_dim3A_558 : vector<16xi32>, vector<16xi1> -> vector<16xi32>
        %add3A_560 = arith.addi %add3A_527, %masked_cumsum3A_559 : vector<16xi32>
        %sub3A_561 = arith.constant 1 : i32
        %sub3A_562 = vector.broadcast %sub3A_561 : i32 to vector<16xi32>
        %sub3A_563 = arith.subi %add3A_560, %sub3A_562 : vector<16xi32>
        %jit3A_564 = arith.constant 136 : i32
        %broadcast_in_dim3A_565 = vector.broadcast %jit3A_564 : i32 to vector<16xi32>
        %select_n3A_566 = arith.select %or3A_555, %sub3A_563, %broadcast_in_dim3A_565 : vector<16xi1>, vector<16xi32>
        %add3A_567 = vector.broadcast %mul3A_25 : i32 to vector<16xi32>
        %add3A_568 = arith.addi %add3A_567, %add3A_550 : vector<16xi32>
        tpu.vector_store_idx %arg7[%select_n3A_566], %add3A_568 : memref<144xi32, #tpu.memory_space<vmem>>[vector<16xi32>], vector<16xi32>,
        %broadcast_in_dim3A_569 = arith.constant 15 : i32
        %broadcast_in_dim3A_570 = vector.broadcast %broadcast_in_dim3A_569 : i32 to vector<16x1xi32>
        %gather3A_571 = vector.shape_cast %broadcast_in_dim3A_570 : vector<16x1xi32> to vector<16xi32>
        %gather3A_572 = tpu.dynamic_gather %masked_cumsum3A_559[%gather3A_571] in [0] : vector<16xi32>, vector<16xi32> -> vector<16xi32>
        %add3A_573 = arith.addi %add3A_527, %gather3A_572 : vector<16xi32>
        scf.yield %add3A_573 : vector<16xi32>
      }
      %scan3A_33 = arith.constant 192 : i32
      %scan3A_34 = arith.addi %scan3A_28, %scan3A_33 : i32
      %mul3A_35 = arith.constant 1 : i32
      %mul3A_36 = arith.muli %scan3A_34, %mul3A_35 : i32
      %add3A_37 = arith.constant 0 : i32
      %add3A_38 = arith.addi %add3A_37, %mul3A_36 : i32
      %mul3A_39 = arith.constant 16 : i32
      %mul3A_40 = arith.muli %add3A_38, %mul3A_39 : i32
      %get3A_41 = arith.index_cast %mul3A_40 : i32 to index
      %get3A_42 = tpu.vector_load %arg5[%get3A_41] {strides = array<i32>} : memref<3136xf32, #tpu.memory_space<vmem>>, vector<16xf32>,
      %bitcast_convert_type3A = tpu.bitcast %get3A_42 : vector<16xf32> -> vector<16xi32>
      %ge3A = arith.constant 0 : i32
      %ge3A_43 = vector.broadcast %ge3A : i32 to vector<16xi32>
      %ge3A_44 = arith.cmpi sge, %bitcast_convert_type3A, %ge3A_43 : vector<16xi32>
      %xor3A = arith.constant 2147483647 : i32
      %xor3A_45 = vector.broadcast %xor3A : i32 to vector<16xi32>
      %xor3A_46 = arith.xori %bitcast_convert_type3A, %xor3A_45 : vector<16xi32>
      %select_n3A = arith.select %ge3A_44, %bitcast_convert_type3A, %xor3A_46 : vector<16xi1>, vector<16xi32>
      %mul3A_47 = arith.constant 16 : i32
      %mul3A_48 = arith.muli %add3A_38, %mul3A_47 : i32
      %iota3A = tpu.iota {dimensions = array<i32: 0>} : vector<16xi32>
      %add3A_49 = vector.broadcast %mul3A_48 : i32 to vector<16xi32>
      %add3A_50 = arith.addi %add3A_49, %iota3A : vector<16xi32>
      %gt3A = arith.cmpi sgt, %select_n3A, %gather3A_19 : vector<16xi32>
      %eq3A = arith.cmpi eq, %select_n3A, %gather3A_19 : vector<16xi32>
      %le3A = arith.cmpi sle, %add3A_50, %gather3A_23 : vector<16xi32>
      %and3A = arith.andi %eq3A, %le3A : vector<16xi1>
      %or3A = arith.ori %gt3A, %and3A : vector<16xi1>
      %convert_element_type3A = arith.extui %or3A : vector<16xi1> to vector<16xi32>
      %broadcast_in_dim3A_51 = arith.constant true
      %broadcast_in_dim3A_52 = vector.broadcast %broadcast_in_dim3A_51 : i1 to vector<16xi1>
      %masked_cumsum3A = tpu.scan <sum>, %convert_element_type3A masked %broadcast_in_dim3A_52 : vector<16xi32>, vector<16xi1> -> vector<16xi32>
      %add3A_53 = arith.addi %scan3A_32, %masked_cumsum3A : vector<16xi32>
      %sub3A = arith.constant 1 : i32
      %sub3A_54 = vector.broadcast %sub3A : i32 to vector<16xi32>
      %sub3A_55 = arith.subi %add3A_53, %sub3A_54 : vector<16xi32>
      %jit3A = arith.constant 136 : i32
      %broadcast_in_dim3A_56 = vector.broadcast %jit3A : i32 to vector<16xi32>
      %select_n3A_57 = arith.select %or3A, %sub3A_55, %broadcast_in_dim3A_56 : vector<16xi1>, vector<16xi32>
      %add3A_58 = vector.broadcast %mul3A_25 : i32 to vector<16xi32>
      %add3A_59 = arith.addi %add3A_58, %add3A_50 : vector<16xi32>
      tpu.vector_store_idx %arg7[%select_n3A_57], %add3A_59 : memref<144xi32, #tpu.memory_space<vmem>>[vector<16xi32>], vector<16xi32>,
      %broadcast_in_dim3A_60 = arith.constant 15 : i32
      %broadcast_in_dim3A_61 = vector.broadcast %broadcast_in_dim3A_60 : i32 to vector<16x1xi32>
      %gather3A_62 = vector.shape_cast %broadcast_in_dim3A_61 : vector<16x1xi32> to vector<16xi32>
      %gather3A_63 = tpu.dynamic_gather %masked_cumsum3A[%gather3A_62] in [0] : vector<16xi32>, vector<16xi32> -> vector<16xi32>
      %add3A_64 = arith.addi %scan3A_32, %gather3A_63 : vector<16xi32>
      %scan3A_65 = arith.constant 193 : i32
      %scan3A_66 = arith.addi %scan3A_28, %scan3A_65 : i32
      %mul3A_67 = arith.constant 1 : i32
      %mul3A_68 = arith.muli %scan3A_66, %mul3A_67 : i32
      %add3A_69 = arith.constant 0 : i32
      %add3A_70 = arith.addi %add3A_69, %mul3A_68 : i32
      %mul3A_71 = arith.constant 16 : i32
      %mul3A_72 = arith.muli %add3A_70, %mul3A_71 : i32
      %get3A_73 = arith.index_cast %mul3A_72 : i32 to index
      %get3A_74 = tpu.vector_load %arg5[%get3A_73] {strides = array<i32>} : memref<3136xf32, #tpu.memory_space<vmem>>, vector<16xf32>,
      %bitcast_convert_type3A_75 = tpu.bitcast %get3A_74 : vector<16xf32> -> vector<16xi32>
      %ge3A_76 = arith.constant 0 : i32
      %ge3A_77 = vector.broadcast %ge3A_76 : i32 to vector<16xi32>
      %ge3A_78 = arith.cmpi sge, %bitcast_convert_type3A_75, %ge3A_77 : vector<16xi32>
      %xor3A_79 = arith.constant 2147483647 : i32
      %xor3A_80 = vector.broadcast %xor3A_79 : i32 to vector<16xi32>
      %xor3A_81 = arith.xori %bitcast_convert_type3A_75, %xor3A_80 : vector<16xi32>
      %select_n3A_82 = arith.select %ge3A_78, %bitcast_convert_type3A_75, %xor3A_81 : vector<16xi1>, vector<16xi32>
      %mul3A_83 = arith.constant 16 : i32
      %mul3A_84 = arith.muli %add3A_70, %mul3A_83 : i32
      %iota3A_85 = tpu.iota {dimensions = array<i32: 0>} : vector<16xi32>
      %add3A_86 = vector.broadcast %mul3A_84 : i32 to vector<16xi32>
      %add3A_87 = arith.addi %add3A_86, %iota3A_85 : vector<16xi32>
      %gt3A_88 = arith.cmpi sgt, %select_n3A_82, %gather3A_19 : vector<16xi32>
      %eq3A_89 = arith.cmpi eq, %select_n3A_82, %gather3A_19 : vector<16xi32>
      %le3A_90 = arith.cmpi sle, %add3A_87, %gather3A_23 : vector<16xi32>
      %and3A_91 = arith.andi %eq3A_89, %le3A_90 : vector<16xi1>
      %or3A_92 = arith.ori %gt3A_88, %and3A_91 : vector<16xi1>
      %convert_element_type3A_93 = arith.extui %or3A_92 : vector<16xi1> to vector<16xi32>
      %broadcast_in_dim3A_94 = arith.constant true
      %broadcast_in_dim3A_95 = vector.broadcast %broadcast_in_dim3A_94 : i1 to vector<16xi1>
      %masked_cumsum3A_96 = tpu.scan <sum>, %convert_element_type3A_93 masked %broadcast_in_dim3A_95 : vector<16xi32>, vector<16xi1> -> vector<16xi32>
      %add3A_97 = arith.addi %add3A_64, %masked_cumsum3A_96 : vector<16xi32>
      %sub3A_98 = arith.constant 1 : i32
      %sub3A_99 = vector.broadcast %sub3A_98 : i32 to vector<16xi32>
      %sub3A_100 = arith.subi %add3A_97, %sub3A_99 : vector<16xi32>
      %jit3A_101 = arith.constant 136 : i32
      %broadcast_in_dim3A_102 = vector.broadcast %jit3A_101 : i32 to vector<16xi32>
      %select_n3A_103 = arith.select %or3A_92, %sub3A_100, %broadcast_in_dim3A_102 : vector<16xi1>, vector<16xi32>
      %add3A_104 = vector.broadcast %mul3A_25 : i32 to vector<16xi32>
      %add3A_105 = arith.addi %add3A_104, %add3A_87 : vector<16xi32>
      tpu.vector_store_idx %arg7[%select_n3A_103], %add3A_105 : memref<144xi32, #tpu.memory_space<vmem>>[vector<16xi32>], vector<16xi32>,
      %broadcast_in_dim3A_106 = arith.constant 15 : i32
      %broadcast_in_dim3A_107 = vector.broadcast %broadcast_in_dim3A_106 : i32 to vector<16x1xi32>
      %gather3A_108 = vector.shape_cast %broadcast_in_dim3A_107 : vector<16x1xi32> to vector<16xi32>
      %gather3A_109 = tpu.dynamic_gather %masked_cumsum3A_96[%gather3A_108] in [0] : vector<16xi32>, vector<16xi32> -> vector<16xi32>
      %add3A_110 = arith.addi %add3A_64, %gather3A_109 : vector<16xi32>
      %scan3A_111 = arith.constant 194 : i32
      %scan3A_112 = arith.addi %scan3A_28, %scan3A_111 : i32
      %mul3A_113 = arith.constant 1 : i32
      %mul3A_114 = arith.muli %scan3A_112, %mul3A_113 : i32
      %add3A_115 = arith.constant 0 : i32
      %add3A_116 = arith.addi %add3A_115, %mul3A_114 : i32
      %mul3A_117 = arith.constant 16 : i32
      %mul3A_118 = arith.muli %add3A_116, %mul3A_117 : i32
      %get3A_119 = arith.index_cast %mul3A_118 : i32 to index
      %get3A_120 = tpu.vector_load %arg5[%get3A_119] {strides = array<i32>} : memref<3136xf32, #tpu.memory_space<vmem>>, vector<16xf32>,
      %bitcast_convert_type3A_121 = tpu.bitcast %get3A_120 : vector<16xf32> -> vector<16xi32>
      %ge3A_122 = arith.constant 0 : i32
      %ge3A_123 = vector.broadcast %ge3A_122 : i32 to vector<16xi32>
      %ge3A_124 = arith.cmpi sge, %bitcast_convert_type3A_121, %ge3A_123 : vector<16xi32>
      %xor3A_125 = arith.constant 2147483647 : i32
      %xor3A_126 = vector.broadcast %xor3A_125 : i32 to vector<16xi32>
      %xor3A_127 = arith.xori %bitcast_convert_type3A_121, %xor3A_126 : vector<16xi32>
      %select_n3A_128 = arith.select %ge3A_124, %bitcast_convert_type3A_121, %xor3A_127 : vector<16xi1>, vector<16xi32>
      %mul3A_129 = arith.constant 16 : i32
      %mul3A_130 = arith.muli %add3A_116, %mul3A_129 : i32
      %iota3A_131 = tpu.iota {dimensions = array<i32: 0>} : vector<16xi32>
      %add3A_132 = vector.broadcast %mul3A_130 : i32 to vector<16xi32>
      %add3A_133 = arith.addi %add3A_132, %iota3A_131 : vector<16xi32>
      %gt3A_134 = arith.cmpi sgt, %select_n3A_128, %gather3A_19 : vector<16xi32>
      %eq3A_135 = arith.cmpi eq, %select_n3A_128, %gather3A_19 : vector<16xi32>
      %le3A_136 = arith.cmpi sle, %add3A_133, %gather3A_23 : vector<16xi32>
      %and3A_137 = arith.andi %eq3A_135, %le3A_136 : vector<16xi1>
      %or3A_138 = arith.ori %gt3A_134, %and3A_137 : vector<16xi1>
      %convert_element_type3A_139 = arith.extui %or3A_138 : vector<16xi1> to vector<16xi32>
      %broadcast_in_dim3A_140 = arith.constant true
      %broadcast_in_dim3A_141 = vector.broadcast %broadcast_in_dim3A_140 : i1 to vector<16xi1>
      %masked_cumsum3A_142 = tpu.scan <sum>, %convert_element_type3A_139 masked %broadcast_in_dim3A_141 : vector<16xi32>, vector<16xi1> -> vector<16xi32>
      %add3A_143 = arith.addi %add3A_110, %masked_cumsum3A_142 : vector<16xi32>
      %sub3A_144 = arith.constant 1 : i32
      %sub3A_145 = vector.broadcast %sub3A_144 : i32 to vector<16xi32>
      %sub3A_146 = arith.subi %add3A_143, %sub3A_145 : vector<16xi32>
      %jit3A_147 = arith.constant 136 : i32
      %broadcast_in_dim3A_148 = vector.broadcast %jit3A_147 : i32 to vector<16xi32>
      %select_n3A_149 = arith.select %or3A_138, %sub3A_146, %broadcast_in_dim3A_148 : vector<16xi1>, vector<16xi32>
      %add3A_150 = vector.broadcast %mul3A_25 : i32 to vector<16xi32>
      %add3A_151 = arith.addi %add3A_150, %add3A_133 : vector<16xi32>
      tpu.vector_store_idx %arg7[%select_n3A_149], %add3A_151 : memref<144xi32, #tpu.memory_space<vmem>>[vector<16xi32>], vector<16xi32>,
      %broadcast_in_dim3A_152 = arith.constant 15 : i32
      %broadcast_in_dim3A_153 = vector.broadcast %broadcast_in_dim3A_152 : i32 to vector<16x1xi32>
      %gather3A_154 = vector.shape_cast %broadcast_in_dim3A_153 : vector<16x1xi32> to vector<16xi32>
      %gather3A_155 = tpu.dynamic_gather %masked_cumsum3A_142[%gather3A_154] in [0] : vector<16xi32>, vector<16xi32> -> vector<16xi32>
      %add3A_156 = arith.addi %add3A_110, %gather3A_155 : vector<16xi32>
      %scan3A_157 = arith.constant 195 : i32
      %scan3A_158 = arith.addi %scan3A_28, %scan3A_157 : i32
      %mul3A_159 = arith.constant 1 : i32
      %mul3A_160 = arith.muli %scan3A_158, %mul3A_159 : i32
      %add3A_161 = arith.constant 0 : i32
      %add3A_162 = arith.addi %add3A_161, %mul3A_160 : i32
      %mul3A_163 = arith.constant 16 : i32
      %mul3A_164 = arith.muli %add3A_162, %mul3A_163 : i32
      %get3A_165 = arith.index_cast %mul3A_164 : i32 to index
      %get3A_166 = tpu.vector_load %arg5[%get3A_165] {strides = array<i32>} : memref<3136xf32, #tpu.memory_space<vmem>>, vector<16xf32>,
      %bitcast_convert_type3A_167 = tpu.bitcast %get3A_166 : vector<16xf32> -> vector<16xi32>
      %ge3A_168 = arith.constant 0 : i32
      %ge3A_169 = vector.broadcast %ge3A_168 : i32 to vector<16xi32>
      %ge3A_170 = arith.cmpi sge, %bitcast_convert_type3A_167, %ge3A_169 : vector<16xi32>
      %xor3A_171 = arith.constant 2147483647 : i32
      %xor3A_172 = vector.broadcast %xor3A_171 : i32 to vector<16xi32>
      %xor3A_173 = arith.xori %bitcast_convert_type3A_167, %xor3A_172 : vector<16xi32>
      %select_n3A_174 = arith.select %ge3A_170, %bitcast_convert_type3A_167, %xor3A_173 : vector<16xi1>, vector<16xi32>
      %mul3A_175 = arith.constant 16 : i32
      %mul3A_176 = arith.muli %add3A_162, %mul3A_175 : i32
      %iota3A_177 = tpu.iota {dimensions = array<i32: 0>} : vector<16xi32>
      %add3A_178 = vector.broadcast %mul3A_176 : i32 to vector<16xi32>
      %add3A_179 = arith.addi %add3A_178, %iota3A_177 : vector<16xi32>
      %gt3A_180 = arith.cmpi sgt, %select_n3A_174, %gather3A_19 : vector<16xi32>
      %eq3A_181 = arith.cmpi eq, %select_n3A_174, %gather3A_19 : vector<16xi32>
      %le3A_182 = arith.cmpi sle, %add3A_179, %gather3A_23 : vector<16xi32>
      %and3A_183 = arith.andi %eq3A_181, %le3A_182 : vector<16xi1>
      %or3A_184 = arith.ori %gt3A_180, %and3A_183 : vector<16xi1>
      %convert_element_type3A_185 = arith.extui %or3A_184 : vector<16xi1> to vector<16xi32>
      %broadcast_in_dim3A_186 = arith.constant true
      %broadcast_in_dim3A_187 = vector.broadcast %broadcast_in_dim3A_186 : i1 to vector<16xi1>
      %masked_cumsum3A_188 = tpu.scan <sum>, %convert_element_type3A_185 masked %broadcast_in_dim3A_187 : vector<16xi32>, vector<16xi1> -> vector<16xi32>
      %add3A_189 = arith.addi %add3A_156, %masked_cumsum3A_188 : vector<16xi32>
      %sub3A_190 = arith.constant 1 : i32
      %sub3A_191 = vector.broadcast %sub3A_190 : i32 to vector<16xi32>
      %sub3A_192 = arith.subi %add3A_189, %sub3A_191 : vector<16xi32>
      %jit3A_193 = arith.constant 136 : i32
      %broadcast_in_dim3A_194 = vector.broadcast %jit3A_193 : i32 to vector<16xi32>
      %select_n3A_195 = arith.select %or3A_184, %sub3A_192, %broadcast_in_dim3A_194 : vector<16xi1>, vector<16xi32>
      %add3A_196 = vector.broadcast %mul3A_25 : i32 to vector<16xi32>
      %add3A_197 = arith.addi %add3A_196, %add3A_179 : vector<16xi32>
      tpu.vector_store_idx %arg7[%select_n3A_195], %add3A_197 : memref<144xi32, #tpu.memory_space<vmem>>[vector<16xi32>], vector<16xi32>,
      %broadcast_in_dim3A_198 = arith.constant 15 : i32
      %broadcast_in_dim3A_199 = vector.broadcast %broadcast_in_dim3A_198 : i32 to vector<16x1xi32>
      %gather3A_200 = vector.shape_cast %broadcast_in_dim3A_199 : vector<16x1xi32> to vector<16xi32>
      %gather3A_201 = tpu.dynamic_gather %masked_cumsum3A_188[%gather3A_200] in [0] : vector<16xi32>, vector<16xi32> -> vector<16xi32>
      %add3A_202 = arith.addi %add3A_156, %gather3A_201 : vector<16xi32>
      %scan3A_203 = arith.constant 196 : i32
      %mul3A_204 = arith.constant 128 : i32
      %mul3A_205 = arith.muli %add3A_12, %mul3A_204 : i32
      "tpu.region"() ({
        %run_scoped3A = tpu.sem_alloc : memref<!tpu.dma_semaphore, #tpu.memory_space<semaphore_mem>>
        %dma_start3A = arith.constant 0 : i32
        %dma_start3A_206 = tpu.memref_slice %arg7[%dma_start3A] : memref<144xi32, #tpu.memory_space<vmem>> -> memref<128xi32, #tpu.memory_space<vmem>>
        %dma_start3A_207 = tpu.memref_slice %arg4[%mul3A_205] : memref<131072xi32, #tpu.memory_space<hbm>> -> memref<128xi32, #tpu.memory_space<hbm>>
        %dma_start3A_208 = tpu.memref_slice %arg4[%mul3A_205] : memref<131072xi32, #tpu.memory_space<hbm>> -> memref<128xi32, #tpu.memory_space<hbm>>
        %dma_start3A_209 = arith.constant 0 : i32
        %dma_start3A_210 = tpu.memref_slice %arg7[%dma_start3A_209] : memref<144xi32, #tpu.memory_space<vmem>> -> memref<128xi32, #tpu.memory_space<vmem>>
        tpu.enqueue_dma source(%dma_start3A_210 : memref<128xi32, #tpu.memory_space<vmem>>) target(%dma_start3A_208 : memref<128xi32, #tpu.memory_space<hbm>>) target_semaphore(%run_scoped3A : memref<!tpu.dma_semaphore, #tpu.memory_space<semaphore_mem>>)
        %dma_wait3A = arith.constant 0 : i32
        %dma_wait3A_211 = tpu.memref_slice %arg7[%dma_wait3A] : memref<144xi32, #tpu.memory_space<vmem>> -> memref<128xi32, #tpu.memory_space<vmem>>
        %dma_wait3A_212 = tpu.memref_slice %arg4[%mul3A_205] : memref<131072xi32, #tpu.memory_space<hbm>> -> memref<128xi32, #tpu.memory_space<hbm>>
        %dma_wait3A_213 = tpu.memref_slice %arg4[%mul3A_205] : memref<131072xi32, #tpu.memory_space<hbm>> -> memref<128xi32, #tpu.memory_space<hbm>>
        %dma_wait3A_214 = arith.constant 0 : i32
        %dma_wait3A_215 = tpu.memref_slice %arg7[%dma_wait3A_214] : memref<144xi32, #tpu.memory_space<vmem>> -> memref<128xi32, #tpu.memory_space<vmem>>
        tpu.wait_dma2 semaphore(%run_scoped3A : memref<!tpu.dma_semaphore, #tpu.memory_space<semaphore_mem>>) src(%dma_wait3A_215 : memref<128xi32, #tpu.memory_space<vmem>>) dst(%dma_wait3A_213 : memref<128xi32, #tpu.memory_space<hbm>>)
        tpu.yield
      }) : () -> ()
    }
    %scan3A_4 = arith.constant 32 : i32
    return
  }
}

#map = affine_map<(d0, d1) -> (0)>
module attributes {stable_mosaic.version = 14 : i64} {
  func.func @k(%arg0: i32, %arg1: i32, %arg2: memref<4194304xf32, #tpu.memory_space<hbm>>, %arg3: memref<4194304xi32, #tpu.memory_space<hbm>>, %arg4: memref<131072xi32, #tpu.memory_space<hbm>>, %arg5: memref<131072xf32, #tpu.memory_space<hbm>>, %arg6: memref<131072xi32, #tpu.memory_space<hbm>>, %arg7: memref<4096xf32, #tpu.memory_space<vmem>>, %arg8: memref<4096xi32, #tpu.memory_space<vmem>>, %arg9: memref<16xi32, #tpu.memory_space<vmem>>, %arg10: memref<144xf32, #tpu.memory_space<vmem>>, %arg11: memref<144xi32, #tpu.memory_space<vmem>>) attributes {dimension_semantics = [#tpu.dimension_semantics<core_parallel>, #tpu.dimension_semantics<subcore_parallel>], iteration_bounds = array<i64: 2, 16>, scalar_prefetch = 0 : i64, scratch_operands = 5 : i64, tpu.core_type = #tpu.core_type<sc_vector_subcore>, window_params = [{transform_indices = #map}, {transform_indices = #map}, {transform_indices = #map}, {transform_indices = #map}, {transform_indices = #map}]} {
    %mul3A = arith.constant 2 : i32
    %mul3A_0 = arith.muli %arg1, %mul3A : i32
    %add3A = arith.addi %mul3A_0, %arg0 : i32
    %broadcast_in_dim3A = arith.constant 0xFF800000 : f32
    %broadcast_in_dim3A_1 = vector.broadcast %broadcast_in_dim3A : f32 to vector<16xf32>
    %broadcast_in_dim3A_2 = arith.constant 1073741824 : i32
    %broadcast_in_dim3A_3 = vector.broadcast %broadcast_in_dim3A_2 : i32 to vector<16xi32>
    %scan3A = arith.constant 0 : i32
    %scan3A_4 = arith.constant 32 : i32
    %scan3A_5 = arith.addi %scan3A, %scan3A_4 : i32
    %scan3A_6 = arith.constant 1 : i32
    scf.for %scan3A_8 = %scan3A to %scan3A_5 step %scan3A_6  : i32 {
      %mul3A_9 = arith.constant 1 : i32
      %mul3A_10 = arith.muli %scan3A_8, %mul3A_9 : i32
      %add3A_11 = arith.constant 0 : i32
      %add3A_12 = arith.addi %add3A_11, %mul3A_10 : i32
      %mul3A_13 = arith.constant 32 : i32
      %mul3A_14 = arith.muli %add3A, %mul3A_13 : i32
      %add3A_15 = arith.addi %mul3A_14, %add3A_12 : i32
      %mul3A_16 = arith.constant 4096 : i32
      %mul3A_17 = arith.muli %add3A_15, %mul3A_16 : i32
      "tpu.region"() ({
        %run_scoped3A = tpu.sem_alloc : memref<!tpu.dma_semaphore, #tpu.memory_space<semaphore_mem>>
        %dma_start3A = tpu.memref_slice %arg2[%mul3A_17] : memref<4194304xf32, #tpu.memory_space<hbm>> -> memref<4096xf32, #tpu.memory_space<hbm>>
        %dma_start3A_53 = tpu.memref_slice %arg2[%mul3A_17] : memref<4194304xf32, #tpu.memory_space<hbm>> -> memref<4096xf32, #tpu.memory_space<hbm>>
        tpu.enqueue_dma source(%dma_start3A_53 : memref<4096xf32, #tpu.memory_space<hbm>>) target(%arg7 : memref<4096xf32, #tpu.memory_space<vmem>>) target_semaphore(%run_scoped3A : memref<!tpu.dma_semaphore, #tpu.memory_space<semaphore_mem>>)
        %dma_wait3A = tpu.memref_slice %arg2[%mul3A_17] : memref<4194304xf32, #tpu.memory_space<hbm>> -> memref<4096xf32, #tpu.memory_space<hbm>>
        %dma_wait3A_54 = tpu.memref_slice %arg2[%mul3A_17] : memref<4194304xf32, #tpu.memory_space<hbm>> -> memref<4096xf32, #tpu.memory_space<hbm>>
        tpu.wait_dma2 semaphore(%run_scoped3A : memref<!tpu.dma_semaphore, #tpu.memory_space<semaphore_mem>>) src(%dma_wait3A_54 : memref<4096xf32, #tpu.memory_space<hbm>>) dst(%arg7 : memref<4096xf32, #tpu.memory_space<vmem>>)
        tpu.yield
      }) : () -> ()
      %mul3A_18 = arith.constant 4096 : i32
      %mul3A_19 = arith.muli %add3A_15, %mul3A_18 : i32
      "tpu.region"() ({
        %run_scoped3A = tpu.sem_alloc : memref<!tpu.dma_semaphore, #tpu.memory_space<semaphore_mem>>
        %dma_start3A = tpu.memref_slice %arg3[%mul3A_19] : memref<4194304xi32, #tpu.memory_space<hbm>> -> memref<4096xi32, #tpu.memory_space<hbm>>
        %dma_start3A_53 = tpu.memref_slice %arg3[%mul3A_19] : memref<4194304xi32, #tpu.memory_space<hbm>> -> memref<4096xi32, #tpu.memory_space<hbm>>
        tpu.enqueue_dma source(%dma_start3A_53 : memref<4096xi32, #tpu.memory_space<hbm>>) target(%arg8 : memref<4096xi32, #tpu.memory_space<vmem>>) target_semaphore(%run_scoped3A : memref<!tpu.dma_semaphore, #tpu.memory_space<semaphore_mem>>)
        %dma_wait3A = tpu.memref_slice %arg3[%mul3A_19] : memref<4194304xi32, #tpu.memory_space<hbm>> -> memref<4096xi32, #tpu.memory_space<hbm>>
        %dma_wait3A_54 = tpu.memref_slice %arg3[%mul3A_19] : memref<4194304xi32, #tpu.memory_space<hbm>> -> memref<4096xi32, #tpu.memory_space<hbm>>
        tpu.wait_dma2 semaphore(%run_scoped3A : memref<!tpu.dma_semaphore, #tpu.memory_space<semaphore_mem>>) src(%dma_wait3A_54 : memref<4096xi32, #tpu.memory_space<hbm>>) dst(%arg8 : memref<4096xi32, #tpu.memory_space<vmem>>)
        tpu.yield
      }) : () -> ()
      %mul3A_20 = arith.constant 128 : i32
      %mul3A_21 = arith.muli %add3A_15, %mul3A_20 : i32
      "tpu.region"() ({
        %run_scoped3A = tpu.sem_alloc : memref<!tpu.dma_semaphore, #tpu.memory_space<semaphore_mem>>
        %dma_start3A = tpu.memref_slice %arg4[%mul3A_21] : memref<131072xi32, #tpu.memory_space<hbm>> -> memref<16xi32, #tpu.memory_space<hbm>>
        %dma_start3A_53 = tpu.memref_slice %arg4[%mul3A_21] : memref<131072xi32, #tpu.memory_space<hbm>> -> memref<16xi32, #tpu.memory_space<hbm>>
        tpu.enqueue_dma source(%dma_start3A_53 : memref<16xi32, #tpu.memory_space<hbm>>) target(%arg9 : memref<16xi32, #tpu.memory_space<vmem>>) target_semaphore(%run_scoped3A : memref<!tpu.dma_semaphore, #tpu.memory_space<semaphore_mem>>)
        %dma_wait3A = tpu.memref_slice %arg4[%mul3A_21] : memref<131072xi32, #tpu.memory_space<hbm>> -> memref<16xi32, #tpu.memory_space<hbm>>
        %dma_wait3A_54 = tpu.memref_slice %arg4[%mul3A_21] : memref<131072xi32, #tpu.memory_space<hbm>> -> memref<16xi32, #tpu.memory_space<hbm>>
        tpu.wait_dma2 semaphore(%run_scoped3A : memref<!tpu.dma_semaphore, #tpu.memory_space<semaphore_mem>>) src(%dma_wait3A_54 : memref<16xi32, #tpu.memory_space<hbm>>) dst(%arg9 : memref<16xi32, #tpu.memory_space<vmem>>)
        tpu.yield
      }) : () -> ()
      %get3A = arith.constant 0 : index
      %get3A_22 = tpu.vector_load %arg9[%get3A] {strides = array<i32>} : memref<16xi32, #tpu.memory_space<vmem>>, vector<16xi32>,
      %broadcast_in_dim3A_23 = arith.constant 0 : i32
      %broadcast_in_dim3A_24 = vector.broadcast %broadcast_in_dim3A_23 : i32 to vector<16x1xi32>
      %gather3A = vector.shape_cast %broadcast_in_dim3A_24 : vector<16x1xi32> to vector<16xi32>
      %gather3A_25 = tpu.dynamic_gather %get3A_22[%gather3A] in [0] : vector<16xi32>, vector<16xi32> -> vector<16xi32>
      %broadcast_in_dim3A_26 = arith.constant 1 : i32
      %broadcast_in_dim3A_27 = vector.broadcast %broadcast_in_dim3A_26 : i32 to vector<16x1xi32>
      %gather3A_28 = vector.shape_cast %broadcast_in_dim3A_27 : vector<16x1xi32> to vector<16xi32>
      %gather3A_29 = tpu.dynamic_gather %get3A_22[%gather3A_28] in [0] : vector<16xi32>, vector<16xi32> -> vector<16xi32>
      %swap3A = arith.constant 96 : index
      %swap3A_30 = tpu.vector_load %arg10[%swap3A] {strides = array<i32>} : memref<144xf32, #tpu.memory_space<vmem>>, vector<16xf32>,
      tpu.vector_store %arg10[%swap3A], %broadcast_in_dim3A_1 {strides = array<i32>} : memref<144xf32, #tpu.memory_space<vmem>>, vector<16xf32>,
      %swap3A_31 = arith.constant 96 : index
      %swap3A_32 = tpu.vector_load %arg11[%swap3A_31] {strides = array<i32>} : memref<144xi32, #tpu.memory_space<vmem>>, vector<16xi32>,
      tpu.vector_store %arg11[%swap3A_31], %broadcast_in_dim3A_3 {strides = array<i32>} : memref<144xi32, #tpu.memory_space<vmem>>, vector<16xi32>,
      %swap3A_33 = arith.constant 112 : index
      %swap3A_34 = tpu.vector_load %arg10[%swap3A_33] {strides = array<i32>} : memref<144xf32, #tpu.memory_space<vmem>>, vector<16xf32>,
      tpu.vector_store %arg10[%swap3A_33], %broadcast_in_dim3A_1 {strides = array<i32>} : memref<144xf32, #tpu.memory_space<vmem>>, vector<16xf32>,
      %swap3A_35 = arith.constant 112 : index
      %swap3A_36 = tpu.vector_load %arg11[%swap3A_35] {strides = array<i32>} : memref<144xi32, #tpu.memory_space<vmem>>, vector<16xi32>,
      tpu.vector_store %arg11[%swap3A_35], %broadcast_in_dim3A_3 {strides = array<i32>} : memref<144xi32, #tpu.memory_space<vmem>>, vector<16xi32>,
      %swap3A_37 = arith.constant 128 : index
      %swap3A_38 = tpu.vector_load %arg10[%swap3A_37] {strides = array<i32>} : memref<144xf32, #tpu.memory_space<vmem>>, vector<16xf32>,
      tpu.vector_store %arg10[%swap3A_37], %broadcast_in_dim3A_1 {strides = array<i32>} : memref<144xf32, #tpu.memory_space<vmem>>, vector<16xf32>,
      %swap3A_39 = arith.constant 128 : index
      %swap3A_40 = tpu.vector_load %arg11[%swap3A_39] {strides = array<i32>} : memref<144xi32, #tpu.memory_space<vmem>>, vector<16xi32>,
      tpu.vector_store %arg11[%swap3A_39], %broadcast_in_dim3A_3 {strides = array<i32>} : memref<144xi32, #tpu.memory_space<vmem>>, vector<16xi32>,
      %broadcast_in_dim3A_41 = arith.constant 0 : i32
      %broadcast_in_dim3A_42 = vector.broadcast %broadcast_in_dim3A_41 : i32 to vector<16xi32>
      %scan3A_43 = arith.constant 0 : i32
      %scan3A_44 = arith.constant 256 : i32
      %scan3A_45 = arith.addi %scan3A_43, %scan3A_44 : i32
      %scan3A_46 = arith.constant 8 : i32
      %scan3A_47 = scf.for %scan3A_53 = %scan3A_43 to %scan3A_45 step %scan3A_46 iter_args(%scan3A_54 = %broadcast_in_dim3A_42) -> (vector<16xi32>)  : i32 {
        %mul3A_55 = arith.constant 1 : i32
        %mul3A_56 = arith.muli %scan3A_53, %mul3A_55 : i32
        %add3A_57 = arith.constant 0 : i32
        %add3A_58 = arith.addi %add3A_57, %mul3A_56 : i32
        %mul3A_59 = arith.constant 16 : i32
        %mul3A_60 = arith.muli %add3A_58, %mul3A_59 : i32
        %get3A_61 = arith.index_cast %mul3A_60 : i32 to index
        %get3A_62 = tpu.vector_load %arg7[%get3A_61] {strides = array<i32>} : memref<4096xf32, #tpu.memory_space<vmem>>, vector<16xf32>,
        %mul3A_63 = arith.constant 16 : i32
        %mul3A_64 = arith.muli %add3A_58, %mul3A_63 : i32
        %get3A_65 = arith.index_cast %mul3A_64 : i32 to index
        %get3A_66 = tpu.vector_load %arg8[%get3A_65] {strides = array<i32>} : memref<4096xi32, #tpu.memory_space<vmem>>, vector<16xi32>,
        %bitcast_convert_type3A = tpu.bitcast %get3A_62 : vector<16xf32> -> vector<16xi32>
        %ge3A = arith.constant 0 : i32
        %ge3A_67 = vector.broadcast %ge3A : i32 to vector<16xi32>
        %ge3A_68 = arith.cmpi sge, %bitcast_convert_type3A, %ge3A_67 : vector<16xi32>
        %xor3A = arith.constant 2147483647 : i32
        %xor3A_69 = vector.broadcast %xor3A : i32 to vector<16xi32>
        %xor3A_70 = arith.xori %bitcast_convert_type3A, %xor3A_69 : vector<16xi32>
        %select_n3A = arith.select %ge3A_68, %bitcast_convert_type3A, %xor3A_70 : vector<16xi1>, vector<16xi32>
        %gt3A = arith.cmpi sgt, %select_n3A, %gather3A_25 : vector<16xi32>
        %eq3A = arith.cmpi eq, %select_n3A, %gather3A_25 : vector<16xi32>
        %le3A = arith.cmpi sle, %get3A_66, %gather3A_29 : vector<16xi32>
        %and3A = arith.andi %eq3A, %le3A : vector<16xi1>
        %or3A = arith.ori %gt3A, %and3A : vector<16xi1>
        %convert_element_type3A = arith.extui %or3A : vector<16xi1> to vector<16xi32>
        %broadcast_in_dim3A_71 = arith.constant true
        %broadcast_in_dim3A_72 = vector.broadcast %broadcast_in_dim3A_71 : i1 to vector<16xi1>
        %masked_cumsum3A = tpu.scan <sum>, %convert_element_type3A masked %broadcast_in_dim3A_72 : vector<16xi32>, vector<16xi1> -> vector<16xi32>
        %add3A_73 = arith.addi %scan3A_54, %masked_cumsum3A : vector<16xi32>
        %sub3A = arith.constant 1 : i32
        %sub3A_74 = vector.broadcast %sub3A : i32 to vector<16xi32>
        %sub3A_75 = arith.subi %add3A_73, %sub3A_74 : vector<16xi32>
        %jit3A = arith.constant 136 : i32
        %broadcast_in_dim3A_76 = vector.broadcast %jit3A : i32 to vector<16xi32>
        %select_n3A_77 = arith.select %or3A, %sub3A_75, %broadcast_in_dim3A_76 : vector<16xi1>, vector<16xi32>
        tpu.vector_store_idx %arg10[%select_n3A_77], %get3A_62 : memref<144xf32, #tpu.memory_space<vmem>>[vector<16xi32>], vector<16xf32>,
        tpu.vector_store_idx %arg11[%select_n3A_77], %get3A_66 : memref<144xi32, #tpu.memory_space<vmem>>[vector<16xi32>], vector<16xi32>,
        %broadcast_in_dim3A_78 = arith.constant 15 : i32
        %broadcast_in_dim3A_79 = vector.broadcast %broadcast_in_dim3A_78 : i32 to vector<16x1xi32>
        %gather3A_80 = vector.shape_cast %broadcast_in_dim3A_79 : vector<16x1xi32> to vector<16xi32>
        %gather3A_81 = tpu.dynamic_gather %masked_cumsum3A[%gather3A_80] in [0] : vector<16xi32>, vector<16xi32> -> vector<16xi32>
        %add3A_82 = arith.addi %scan3A_54, %gather3A_81 : vector<16xi32>
        %scan3A_83 = arith.constant 1 : i32
        %scan3A_84 = arith.addi %scan3A_53, %scan3A_83 : i32
        %mul3A_85 = arith.constant 1 : i32
        %mul3A_86 = arith.muli %scan3A_84, %mul3A_85 : i32
        %add3A_87 = arith.constant 0 : i32
        %add3A_88 = arith.addi %add3A_87, %mul3A_86 : i32
        %mul3A_89 = arith.constant 16 : i32
        %mul3A_90 = arith.muli %add3A_88, %mul3A_89 : i32
        %get3A_91 = arith.index_cast %mul3A_90 : i32 to index
        %get3A_92 = tpu.vector_load %arg7[%get3A_91] {strides = array<i32>} : memref<4096xf32, #tpu.memory_space<vmem>>, vector<16xf32>,
        %mul3A_93 = arith.constant 16 : i32
        %mul3A_94 = arith.muli %add3A_88, %mul3A_93 : i32
        %get3A_95 = arith.index_cast %mul3A_94 : i32 to index
        %get3A_96 = tpu.vector_load %arg8[%get3A_95] {strides = array<i32>} : memref<4096xi32, #tpu.memory_space<vmem>>, vector<16xi32>,
        %bitcast_convert_type3A_97 = tpu.bitcast %get3A_92 : vector<16xf32> -> vector<16xi32>
        %ge3A_98 = arith.constant 0 : i32
        %ge3A_99 = vector.broadcast %ge3A_98 : i32 to vector<16xi32>
        %ge3A_100 = arith.cmpi sge, %bitcast_convert_type3A_97, %ge3A_99 : vector<16xi32>
        %xor3A_101 = arith.constant 2147483647 : i32
        %xor3A_102 = vector.broadcast %xor3A_101 : i32 to vector<16xi32>
        %xor3A_103 = arith.xori %bitcast_convert_type3A_97, %xor3A_102 : vector<16xi32>
        %select_n3A_104 = arith.select %ge3A_100, %bitcast_convert_type3A_97, %xor3A_103 : vector<16xi1>, vector<16xi32>
        %gt3A_105 = arith.cmpi sgt, %select_n3A_104, %gather3A_25 : vector<16xi32>
        %eq3A_106 = arith.cmpi eq, %select_n3A_104, %gather3A_25 : vector<16xi32>
        %le3A_107 = arith.cmpi sle, %get3A_96, %gather3A_29 : vector<16xi32>
        %and3A_108 = arith.andi %eq3A_106, %le3A_107 : vector<16xi1>
        %or3A_109 = arith.ori %gt3A_105, %and3A_108 : vector<16xi1>
        %convert_element_type3A_110 = arith.extui %or3A_109 : vector<16xi1> to vector<16xi32>
        %broadcast_in_dim3A_111 = arith.constant true
        %broadcast_in_dim3A_112 = vector.broadcast %broadcast_in_dim3A_111 : i1 to vector<16xi1>
        %masked_cumsum3A_113 = tpu.scan <sum>, %convert_element_type3A_110 masked %broadcast_in_dim3A_112 : vector<16xi32>, vector<16xi1> -> vector<16xi32>
        %add3A_114 = arith.addi %add3A_82, %masked_cumsum3A_113 : vector<16xi32>
        %sub3A_115 = arith.constant 1 : i32
        %sub3A_116 = vector.broadcast %sub3A_115 : i32 to vector<16xi32>
        %sub3A_117 = arith.subi %add3A_114, %sub3A_116 : vector<16xi32>
        %jit3A_118 = arith.constant 136 : i32
        %broadcast_in_dim3A_119 = vector.broadcast %jit3A_118 : i32 to vector<16xi32>
        %select_n3A_120 = arith.select %or3A_109, %sub3A_117, %broadcast_in_dim3A_119 : vector<16xi1>, vector<16xi32>
        tpu.vector_store_idx %arg10[%select_n3A_120], %get3A_92 : memref<144xf32, #tpu.memory_space<vmem>>[vector<16xi32>], vector<16xf32>,
        tpu.vector_store_idx %arg11[%select_n3A_120], %get3A_96 : memref<144xi32, #tpu.memory_space<vmem>>[vector<16xi32>], vector<16xi32>,
        %broadcast_in_dim3A_121 = arith.constant 15 : i32
        %broadcast_in_dim3A_122 = vector.broadcast %broadcast_in_dim3A_121 : i32 to vector<16x1xi32>
        %gather3A_123 = vector.shape_cast %broadcast_in_dim3A_122 : vector<16x1xi32> to vector<16xi32>
        %gather3A_124 = tpu.dynamic_gather %masked_cumsum3A_113[%gather3A_123] in [0] : vector<16xi32>, vector<16xi32> -> vector<16xi32>
        %add3A_125 = arith.addi %add3A_82, %gather3A_124 : vector<16xi32>
        %scan3A_126 = arith.constant 2 : i32
        %scan3A_127 = arith.addi %scan3A_53, %scan3A_126 : i32
        %mul3A_128 = arith.constant 1 : i32
        %mul3A_129 = arith.muli %scan3A_127, %mul3A_128 : i32
        %add3A_130 = arith.constant 0 : i32
        %add3A_131 = arith.addi %add3A_130, %mul3A_129 : i32
        %mul3A_132 = arith.constant 16 : i32
        %mul3A_133 = arith.muli %add3A_131, %mul3A_132 : i32
        %get3A_134 = arith.index_cast %mul3A_133 : i32 to index
        %get3A_135 = tpu.vector_load %arg7[%get3A_134] {strides = array<i32>} : memref<4096xf32, #tpu.memory_space<vmem>>, vector<16xf32>,
        %mul3A_136 = arith.constant 16 : i32
        %mul3A_137 = arith.muli %add3A_131, %mul3A_136 : i32
        %get3A_138 = arith.index_cast %mul3A_137 : i32 to index
        %get3A_139 = tpu.vector_load %arg8[%get3A_138] {strides = array<i32>} : memref<4096xi32, #tpu.memory_space<vmem>>, vector<16xi32>,
        %bitcast_convert_type3A_140 = tpu.bitcast %get3A_135 : vector<16xf32> -> vector<16xi32>
        %ge3A_141 = arith.constant 0 : i32
        %ge3A_142 = vector.broadcast %ge3A_141 : i32 to vector<16xi32>
        %ge3A_143 = arith.cmpi sge, %bitcast_convert_type3A_140, %ge3A_142 : vector<16xi32>
        %xor3A_144 = arith.constant 2147483647 : i32
        %xor3A_145 = vector.broadcast %xor3A_144 : i32 to vector<16xi32>
        %xor3A_146 = arith.xori %bitcast_convert_type3A_140, %xor3A_145 : vector<16xi32>
        %select_n3A_147 = arith.select %ge3A_143, %bitcast_convert_type3A_140, %xor3A_146 : vector<16xi1>, vector<16xi32>
        %gt3A_148 = arith.cmpi sgt, %select_n3A_147, %gather3A_25 : vector<16xi32>
        %eq3A_149 = arith.cmpi eq, %select_n3A_147, %gather3A_25 : vector<16xi32>
        %le3A_150 = arith.cmpi sle, %get3A_139, %gather3A_29 : vector<16xi32>
        %and3A_151 = arith.andi %eq3A_149, %le3A_150 : vector<16xi1>
        %or3A_152 = arith.ori %gt3A_148, %and3A_151 : vector<16xi1>
        %convert_element_type3A_153 = arith.extui %or3A_152 : vector<16xi1> to vector<16xi32>
        %broadcast_in_dim3A_154 = arith.constant true
        %broadcast_in_dim3A_155 = vector.broadcast %broadcast_in_dim3A_154 : i1 to vector<16xi1>
        %masked_cumsum3A_156 = tpu.scan <sum>, %convert_element_type3A_153 masked %broadcast_in_dim3A_155 : vector<16xi32>, vector<16xi1> -> vector<16xi32>
        %add3A_157 = arith.addi %add3A_125, %masked_cumsum3A_156 : vector<16xi32>
        %sub3A_158 = arith.constant 1 : i32
        %sub3A_159 = vector.broadcast %sub3A_158 : i32 to vector<16xi32>
        %sub3A_160 = arith.subi %add3A_157, %sub3A_159 : vector<16xi32>
        %jit3A_161 = arith.constant 136 : i32
        %broadcast_in_dim3A_162 = vector.broadcast %jit3A_161 : i32 to vector<16xi32>
        %select_n3A_163 = arith.select %or3A_152, %sub3A_160, %broadcast_in_dim3A_162 : vector<16xi1>, vector<16xi32>
        tpu.vector_store_idx %arg10[%select_n3A_163], %get3A_135 : memref<144xf32, #tpu.memory_space<vmem>>[vector<16xi32>], vector<16xf32>,
        tpu.vector_store_idx %arg11[%select_n3A_163], %get3A_139 : memref<144xi32, #tpu.memory_space<vmem>>[vector<16xi32>], vector<16xi32>,
        %broadcast_in_dim3A_164 = arith.constant 15 : i32
        %broadcast_in_dim3A_165 = vector.broadcast %broadcast_in_dim3A_164 : i32 to vector<16x1xi32>
        %gather3A_166 = vector.shape_cast %broadcast_in_dim3A_165 : vector<16x1xi32> to vector<16xi32>
        %gather3A_167 = tpu.dynamic_gather %masked_cumsum3A_156[%gather3A_166] in [0] : vector<16xi32>, vector<16xi32> -> vector<16xi32>
        %add3A_168 = arith.addi %add3A_125, %gather3A_167 : vector<16xi32>
        %scan3A_169 = arith.constant 3 : i32
        %scan3A_170 = arith.addi %scan3A_53, %scan3A_169 : i32
        %mul3A_171 = arith.constant 1 : i32
        %mul3A_172 = arith.muli %scan3A_170, %mul3A_171 : i32
        %add3A_173 = arith.constant 0 : i32
        %add3A_174 = arith.addi %add3A_173, %mul3A_172 : i32
        %mul3A_175 = arith.constant 16 : i32
        %mul3A_176 = arith.muli %add3A_174, %mul3A_175 : i32
        %get3A_177 = arith.index_cast %mul3A_176 : i32 to index
        %get3A_178 = tpu.vector_load %arg7[%get3A_177] {strides = array<i32>} : memref<4096xf32, #tpu.memory_space<vmem>>, vector<16xf32>,
        %mul3A_179 = arith.constant 16 : i32
        %mul3A_180 = arith.muli %add3A_174, %mul3A_179 : i32
        %get3A_181 = arith.index_cast %mul3A_180 : i32 to index
        %get3A_182 = tpu.vector_load %arg8[%get3A_181] {strides = array<i32>} : memref<4096xi32, #tpu.memory_space<vmem>>, vector<16xi32>,
        %bitcast_convert_type3A_183 = tpu.bitcast %get3A_178 : vector<16xf32> -> vector<16xi32>
        %ge3A_184 = arith.constant 0 : i32
        %ge3A_185 = vector.broadcast %ge3A_184 : i32 to vector<16xi32>
        %ge3A_186 = arith.cmpi sge, %bitcast_convert_type3A_183, %ge3A_185 : vector<16xi32>
        %xor3A_187 = arith.constant 2147483647 : i32
        %xor3A_188 = vector.broadcast %xor3A_187 : i32 to vector<16xi32>
        %xor3A_189 = arith.xori %bitcast_convert_type3A_183, %xor3A_188 : vector<16xi32>
        %select_n3A_190 = arith.select %ge3A_186, %bitcast_convert_type3A_183, %xor3A_189 : vector<16xi1>, vector<16xi32>
        %gt3A_191 = arith.cmpi sgt, %select_n3A_190, %gather3A_25 : vector<16xi32>
        %eq3A_192 = arith.cmpi eq, %select_n3A_190, %gather3A_25 : vector<16xi32>
        %le3A_193 = arith.cmpi sle, %get3A_182, %gather3A_29 : vector<16xi32>
        %and3A_194 = arith.andi %eq3A_192, %le3A_193 : vector<16xi1>
        %or3A_195 = arith.ori %gt3A_191, %and3A_194 : vector<16xi1>
        %convert_element_type3A_196 = arith.extui %or3A_195 : vector<16xi1> to vector<16xi32>
        %broadcast_in_dim3A_197 = arith.constant true
        %broadcast_in_dim3A_198 = vector.broadcast %broadcast_in_dim3A_197 : i1 to vector<16xi1>
        %masked_cumsum3A_199 = tpu.scan <sum>, %convert_element_type3A_196 masked %broadcast_in_dim3A_198 : vector<16xi32>, vector<16xi1> -> vector<16xi32>
        %add3A_200 = arith.addi %add3A_168, %masked_cumsum3A_199 : vector<16xi32>
        %sub3A_201 = arith.constant 1 : i32
        %sub3A_202 = vector.broadcast %sub3A_201 : i32 to vector<16xi32>
        %sub3A_203 = arith.subi %add3A_200, %sub3A_202 : vector<16xi32>
        %jit3A_204 = arith.constant 136 : i32
        %broadcast_in_dim3A_205 = vector.broadcast %jit3A_204 : i32 to vector<16xi32>
        %select_n3A_206 = arith.select %or3A_195, %sub3A_203, %broadcast_in_dim3A_205 : vector<16xi1>, vector<16xi32>
        tpu.vector_store_idx %arg10[%select_n3A_206], %get3A_178 : memref<144xf32, #tpu.memory_space<vmem>>[vector<16xi32>], vector<16xf32>,
        tpu.vector_store_idx %arg11[%select_n3A_206], %get3A_182 : memref<144xi32, #tpu.memory_space<vmem>>[vector<16xi32>], vector<16xi32>,
        %broadcast_in_dim3A_207 = arith.constant 15 : i32
        %broadcast_in_dim3A_208 = vector.broadcast %broadcast_in_dim3A_207 : i32 to vector<16x1xi32>
        %gather3A_209 = vector.shape_cast %broadcast_in_dim3A_208 : vector<16x1xi32> to vector<16xi32>
        %gather3A_210 = tpu.dynamic_gather %masked_cumsum3A_199[%gather3A_209] in [0] : vector<16xi32>, vector<16xi32> -> vector<16xi32>
        %add3A_211 = arith.addi %add3A_168, %gather3A_210 : vector<16xi32>
        %scan3A_212 = arith.constant 4 : i32
        %scan3A_213 = arith.addi %scan3A_53, %scan3A_212 : i32
        %mul3A_214 = arith.constant 1 : i32
        %mul3A_215 = arith.muli %scan3A_213, %mul3A_214 : i32
        %add3A_216 = arith.constant 0 : i32
        %add3A_217 = arith.addi %add3A_216, %mul3A_215 : i32
        %mul3A_218 = arith.constant 16 : i32
        %mul3A_219 = arith.muli %add3A_217, %mul3A_218 : i32
        %get3A_220 = arith.index_cast %mul3A_219 : i32 to index
        %get3A_221 = tpu.vector_load %arg7[%get3A_220] {strides = array<i32>} : memref<4096xf32, #tpu.memory_space<vmem>>, vector<16xf32>,
        %mul3A_222 = arith.constant 16 : i32
        %mul3A_223 = arith.muli %add3A_217, %mul3A_222 : i32
        %get3A_224 = arith.index_cast %mul3A_223 : i32 to index
        %get3A_225 = tpu.vector_load %arg8[%get3A_224] {strides = array<i32>} : memref<4096xi32, #tpu.memory_space<vmem>>, vector<16xi32>,
        %bitcast_convert_type3A_226 = tpu.bitcast %get3A_221 : vector<16xf32> -> vector<16xi32>
        %ge3A_227 = arith.constant 0 : i32
        %ge3A_228 = vector.broadcast %ge3A_227 : i32 to vector<16xi32>
        %ge3A_229 = arith.cmpi sge, %bitcast_convert_type3A_226, %ge3A_228 : vector<16xi32>
        %xor3A_230 = arith.constant 2147483647 : i32
        %xor3A_231 = vector.broadcast %xor3A_230 : i32 to vector<16xi32>
        %xor3A_232 = arith.xori %bitcast_convert_type3A_226, %xor3A_231 : vector<16xi32>
        %select_n3A_233 = arith.select %ge3A_229, %bitcast_convert_type3A_226, %xor3A_232 : vector<16xi1>, vector<16xi32>
        %gt3A_234 = arith.cmpi sgt, %select_n3A_233, %gather3A_25 : vector<16xi32>
        %eq3A_235 = arith.cmpi eq, %select_n3A_233, %gather3A_25 : vector<16xi32>
        %le3A_236 = arith.cmpi sle, %get3A_225, %gather3A_29 : vector<16xi32>
        %and3A_237 = arith.andi %eq3A_235, %le3A_236 : vector<16xi1>
        %or3A_238 = arith.ori %gt3A_234, %and3A_237 : vector<16xi1>
        %convert_element_type3A_239 = arith.extui %or3A_238 : vector<16xi1> to vector<16xi32>
        %broadcast_in_dim3A_240 = arith.constant true
        %broadcast_in_dim3A_241 = vector.broadcast %broadcast_in_dim3A_240 : i1 to vector<16xi1>
        %masked_cumsum3A_242 = tpu.scan <sum>, %convert_element_type3A_239 masked %broadcast_in_dim3A_241 : vector<16xi32>, vector<16xi1> -> vector<16xi32>
        %add3A_243 = arith.addi %add3A_211, %masked_cumsum3A_242 : vector<16xi32>
        %sub3A_244 = arith.constant 1 : i32
        %sub3A_245 = vector.broadcast %sub3A_244 : i32 to vector<16xi32>
        %sub3A_246 = arith.subi %add3A_243, %sub3A_245 : vector<16xi32>
        %jit3A_247 = arith.constant 136 : i32
        %broadcast_in_dim3A_248 = vector.broadcast %jit3A_247 : i32 to vector<16xi32>
        %select_n3A_249 = arith.select %or3A_238, %sub3A_246, %broadcast_in_dim3A_248 : vector<16xi1>, vector<16xi32>
        tpu.vector_store_idx %arg10[%select_n3A_249], %get3A_221 : memref<144xf32, #tpu.memory_space<vmem>>[vector<16xi32>], vector<16xf32>,
        tpu.vector_store_idx %arg11[%select_n3A_249], %get3A_225 : memref<144xi32, #tpu.memory_space<vmem>>[vector<16xi32>], vector<16xi32>,
        %broadcast_in_dim3A_250 = arith.constant 15 : i32
        %broadcast_in_dim3A_251 = vector.broadcast %broadcast_in_dim3A_250 : i32 to vector<16x1xi32>
        %gather3A_252 = vector.shape_cast %broadcast_in_dim3A_251 : vector<16x1xi32> to vector<16xi32>
        %gather3A_253 = tpu.dynamic_gather %masked_cumsum3A_242[%gather3A_252] in [0] : vector<16xi32>, vector<16xi32> -> vector<16xi32>
        %add3A_254 = arith.addi %add3A_211, %gather3A_253 : vector<16xi32>
        %scan3A_255 = arith.constant 5 : i32
        %scan3A_256 = arith.addi %scan3A_53, %scan3A_255 : i32
        %mul3A_257 = arith.constant 1 : i32
        %mul3A_258 = arith.muli %scan3A_256, %mul3A_257 : i32
        %add3A_259 = arith.constant 0 : i32
        %add3A_260 = arith.addi %add3A_259, %mul3A_258 : i32
        %mul3A_261 = arith.constant 16 : i32
        %mul3A_262 = arith.muli %add3A_260, %mul3A_261 : i32
        %get3A_263 = arith.index_cast %mul3A_262 : i32 to index
        %get3A_264 = tpu.vector_load %arg7[%get3A_263] {strides = array<i32>} : memref<4096xf32, #tpu.memory_space<vmem>>, vector<16xf32>,
        %mul3A_265 = arith.constant 16 : i32
        %mul3A_266 = arith.muli %add3A_260, %mul3A_265 : i32
        %get3A_267 = arith.index_cast %mul3A_266 : i32 to index
        %get3A_268 = tpu.vector_load %arg8[%get3A_267] {strides = array<i32>} : memref<4096xi32, #tpu.memory_space<vmem>>, vector<16xi32>,
        %bitcast_convert_type3A_269 = tpu.bitcast %get3A_264 : vector<16xf32> -> vector<16xi32>
        %ge3A_270 = arith.constant 0 : i32
        %ge3A_271 = vector.broadcast %ge3A_270 : i32 to vector<16xi32>
        %ge3A_272 = arith.cmpi sge, %bitcast_convert_type3A_269, %ge3A_271 : vector<16xi32>
        %xor3A_273 = arith.constant 2147483647 : i32
        %xor3A_274 = vector.broadcast %xor3A_273 : i32 to vector<16xi32>
        %xor3A_275 = arith.xori %bitcast_convert_type3A_269, %xor3A_274 : vector<16xi32>
        %select_n3A_276 = arith.select %ge3A_272, %bitcast_convert_type3A_269, %xor3A_275 : vector<16xi1>, vector<16xi32>
        %gt3A_277 = arith.cmpi sgt, %select_n3A_276, %gather3A_25 : vector<16xi32>
        %eq3A_278 = arith.cmpi eq, %select_n3A_276, %gather3A_25 : vector<16xi32>
        %le3A_279 = arith.cmpi sle, %get3A_268, %gather3A_29 : vector<16xi32>
        %and3A_280 = arith.andi %eq3A_278, %le3A_279 : vector<16xi1>
        %or3A_281 = arith.ori %gt3A_277, %and3A_280 : vector<16xi1>
        %convert_element_type3A_282 = arith.extui %or3A_281 : vector<16xi1> to vector<16xi32>
        %broadcast_in_dim3A_283 = arith.constant true
        %broadcast_in_dim3A_284 = vector.broadcast %broadcast_in_dim3A_283 : i1 to vector<16xi1>
        %masked_cumsum3A_285 = tpu.scan <sum>, %convert_element_type3A_282 masked %broadcast_in_dim3A_284 : vector<16xi32>, vector<16xi1> -> vector<16xi32>
        %add3A_286 = arith.addi %add3A_254, %masked_cumsum3A_285 : vector<16xi32>
        %sub3A_287 = arith.constant 1 : i32
        %sub3A_288 = vector.broadcast %sub3A_287 : i32 to vector<16xi32>
        %sub3A_289 = arith.subi %add3A_286, %sub3A_288 : vector<16xi32>
        %jit3A_290 = arith.constant 136 : i32
        %broadcast_in_dim3A_291 = vector.broadcast %jit3A_290 : i32 to vector<16xi32>
        %select_n3A_292 = arith.select %or3A_281, %sub3A_289, %broadcast_in_dim3A_291 : vector<16xi1>, vector<16xi32>
        tpu.vector_store_idx %arg10[%select_n3A_292], %get3A_264 : memref<144xf32, #tpu.memory_space<vmem>>[vector<16xi32>], vector<16xf32>,
        tpu.vector_store_idx %arg11[%select_n3A_292], %get3A_268 : memref<144xi32, #tpu.memory_space<vmem>>[vector<16xi32>], vector<16xi32>,
        %broadcast_in_dim3A_293 = arith.constant 15 : i32
        %broadcast_in_dim3A_294 = vector.broadcast %broadcast_in_dim3A_293 : i32 to vector<16x1xi32>
        %gather3A_295 = vector.shape_cast %broadcast_in_dim3A_294 : vector<16x1xi32> to vector<16xi32>
        %gather3A_296 = tpu.dynamic_gather %masked_cumsum3A_285[%gather3A_295] in [0] : vector<16xi32>, vector<16xi32> -> vector<16xi32>
        %add3A_297 = arith.addi %add3A_254, %gather3A_296 : vector<16xi32>
        %scan3A_298 = arith.constant 6 : i32
        %scan3A_299 = arith.addi %scan3A_53, %scan3A_298 : i32
        %mul3A_300 = arith.constant 1 : i32
        %mul3A_301 = arith.muli %scan3A_299, %mul3A_300 : i32
        %add3A_302 = arith.constant 0 : i32
        %add3A_303 = arith.addi %add3A_302, %mul3A_301 : i32
        %mul3A_304 = arith.constant 16 : i32
        %mul3A_305 = arith.muli %add3A_303, %mul3A_304 : i32
        %get3A_306 = arith.index_cast %mul3A_305 : i32 to index
        %get3A_307 = tpu.vector_load %arg7[%get3A_306] {strides = array<i32>} : memref<4096xf32, #tpu.memory_space<vmem>>, vector<16xf32>,
        %mul3A_308 = arith.constant 16 : i32
        %mul3A_309 = arith.muli %add3A_303, %mul3A_308 : i32
        %get3A_310 = arith.index_cast %mul3A_309 : i32 to index
        %get3A_311 = tpu.vector_load %arg8[%get3A_310] {strides = array<i32>} : memref<4096xi32, #tpu.memory_space<vmem>>, vector<16xi32>,
        %bitcast_convert_type3A_312 = tpu.bitcast %get3A_307 : vector<16xf32> -> vector<16xi32>
        %ge3A_313 = arith.constant 0 : i32
        %ge3A_314 = vector.broadcast %ge3A_313 : i32 to vector<16xi32>
        %ge3A_315 = arith.cmpi sge, %bitcast_convert_type3A_312, %ge3A_314 : vector<16xi32>
        %xor3A_316 = arith.constant 2147483647 : i32
        %xor3A_317 = vector.broadcast %xor3A_316 : i32 to vector<16xi32>
        %xor3A_318 = arith.xori %bitcast_convert_type3A_312, %xor3A_317 : vector<16xi32>
        %select_n3A_319 = arith.select %ge3A_315, %bitcast_convert_type3A_312, %xor3A_318 : vector<16xi1>, vector<16xi32>
        %gt3A_320 = arith.cmpi sgt, %select_n3A_319, %gather3A_25 : vector<16xi32>
        %eq3A_321 = arith.cmpi eq, %select_n3A_319, %gather3A_25 : vector<16xi32>
        %le3A_322 = arith.cmpi sle, %get3A_311, %gather3A_29 : vector<16xi32>
        %and3A_323 = arith.andi %eq3A_321, %le3A_322 : vector<16xi1>
        %or3A_324 = arith.ori %gt3A_320, %and3A_323 : vector<16xi1>
        %convert_element_type3A_325 = arith.extui %or3A_324 : vector<16xi1> to vector<16xi32>
        %broadcast_in_dim3A_326 = arith.constant true
        %broadcast_in_dim3A_327 = vector.broadcast %broadcast_in_dim3A_326 : i1 to vector<16xi1>
        %masked_cumsum3A_328 = tpu.scan <sum>, %convert_element_type3A_325 masked %broadcast_in_dim3A_327 : vector<16xi32>, vector<16xi1> -> vector<16xi32>
        %add3A_329 = arith.addi %add3A_297, %masked_cumsum3A_328 : vector<16xi32>
        %sub3A_330 = arith.constant 1 : i32
        %sub3A_331 = vector.broadcast %sub3A_330 : i32 to vector<16xi32>
        %sub3A_332 = arith.subi %add3A_329, %sub3A_331 : vector<16xi32>
        %jit3A_333 = arith.constant 136 : i32
        %broadcast_in_dim3A_334 = vector.broadcast %jit3A_333 : i32 to vector<16xi32>
        %select_n3A_335 = arith.select %or3A_324, %sub3A_332, %broadcast_in_dim3A_334 : vector<16xi1>, vector<16xi32>
        tpu.vector_store_idx %arg10[%select_n3A_335], %get3A_307 : memref<144xf32, #tpu.memory_space<vmem>>[vector<16xi32>], vector<16xf32>,
        tpu.vector_store_idx %arg11[%select_n3A_335], %get3A_311 : memref<144xi32, #tpu.memory_space<vmem>>[vector<16xi32>], vector<16xi32>,
        %broadcast_in_dim3A_336 = arith.constant 15 : i32
        %broadcast_in_dim3A_337 = vector.broadcast %broadcast_in_dim3A_336 : i32 to vector<16x1xi32>
        %gather3A_338 = vector.shape_cast %broadcast_in_dim3A_337 : vector<16x1xi32> to vector<16xi32>
        %gather3A_339 = tpu.dynamic_gather %masked_cumsum3A_328[%gather3A_338] in [0] : vector<16xi32>, vector<16xi32> -> vector<16xi32>
        %add3A_340 = arith.addi %add3A_297, %gather3A_339 : vector<16xi32>
        %scan3A_341 = arith.constant 7 : i32
        %scan3A_342 = arith.addi %scan3A_53, %scan3A_341 : i32
        %mul3A_343 = arith.constant 1 : i32
        %mul3A_344 = arith.muli %scan3A_342, %mul3A_343 : i32
        %add3A_345 = arith.constant 0 : i32
        %add3A_346 = arith.addi %add3A_345, %mul3A_344 : i32
        %mul3A_347 = arith.constant 16 : i32
        %mul3A_348 = arith.muli %add3A_346, %mul3A_347 : i32
        %get3A_349 = arith.index_cast %mul3A_348 : i32 to index
        %get3A_350 = tpu.vector_load %arg7[%get3A_349] {strides = array<i32>} : memref<4096xf32, #tpu.memory_space<vmem>>, vector<16xf32>,
        %mul3A_351 = arith.constant 16 : i32
        %mul3A_352 = arith.muli %add3A_346, %mul3A_351 : i32
        %get3A_353 = arith.index_cast %mul3A_352 : i32 to index
        %get3A_354 = tpu.vector_load %arg8[%get3A_353] {strides = array<i32>} : memref<4096xi32, #tpu.memory_space<vmem>>, vector<16xi32>,
        %bitcast_convert_type3A_355 = tpu.bitcast %get3A_350 : vector<16xf32> -> vector<16xi32>
        %ge3A_356 = arith.constant 0 : i32
        %ge3A_357 = vector.broadcast %ge3A_356 : i32 to vector<16xi32>
        %ge3A_358 = arith.cmpi sge, %bitcast_convert_type3A_355, %ge3A_357 : vector<16xi32>
        %xor3A_359 = arith.constant 2147483647 : i32
        %xor3A_360 = vector.broadcast %xor3A_359 : i32 to vector<16xi32>
        %xor3A_361 = arith.xori %bitcast_convert_type3A_355, %xor3A_360 : vector<16xi32>
        %select_n3A_362 = arith.select %ge3A_358, %bitcast_convert_type3A_355, %xor3A_361 : vector<16xi1>, vector<16xi32>
        %gt3A_363 = arith.cmpi sgt, %select_n3A_362, %gather3A_25 : vector<16xi32>
        %eq3A_364 = arith.cmpi eq, %select_n3A_362, %gather3A_25 : vector<16xi32>
        %le3A_365 = arith.cmpi sle, %get3A_354, %gather3A_29 : vector<16xi32>
        %and3A_366 = arith.andi %eq3A_364, %le3A_365 : vector<16xi1>
        %or3A_367 = arith.ori %gt3A_363, %and3A_366 : vector<16xi1>
        %convert_element_type3A_368 = arith.extui %or3A_367 : vector<16xi1> to vector<16xi32>
        %broadcast_in_dim3A_369 = arith.constant true
        %broadcast_in_dim3A_370 = vector.broadcast %broadcast_in_dim3A_369 : i1 to vector<16xi1>
        %masked_cumsum3A_371 = tpu.scan <sum>, %convert_element_type3A_368 masked %broadcast_in_dim3A_370 : vector<16xi32>, vector<16xi1> -> vector<16xi32>
        %add3A_372 = arith.addi %add3A_340, %masked_cumsum3A_371 : vector<16xi32>
        %sub3A_373 = arith.constant 1 : i32
        %sub3A_374 = vector.broadcast %sub3A_373 : i32 to vector<16xi32>
        %sub3A_375 = arith.subi %add3A_372, %sub3A_374 : vector<16xi32>
        %jit3A_376 = arith.constant 136 : i32
        %broadcast_in_dim3A_377 = vector.broadcast %jit3A_376 : i32 to vector<16xi32>
        %select_n3A_378 = arith.select %or3A_367, %sub3A_375, %broadcast_in_dim3A_377 : vector<16xi1>, vector<16xi32>
        tpu.vector_store_idx %arg10[%select_n3A_378], %get3A_350 : memref<144xf32, #tpu.memory_space<vmem>>[vector<16xi32>], vector<16xf32>,
        tpu.vector_store_idx %arg11[%select_n3A_378], %get3A_354 : memref<144xi32, #tpu.memory_space<vmem>>[vector<16xi32>], vector<16xi32>,
        %broadcast_in_dim3A_379 = arith.constant 15 : i32
        %broadcast_in_dim3A_380 = vector.broadcast %broadcast_in_dim3A_379 : i32 to vector<16x1xi32>
        %gather3A_381 = vector.shape_cast %broadcast_in_dim3A_380 : vector<16x1xi32> to vector<16xi32>
        %gather3A_382 = tpu.dynamic_gather %masked_cumsum3A_371[%gather3A_381] in [0] : vector<16xi32>, vector<16xi32> -> vector<16xi32>
        %add3A_383 = arith.addi %add3A_340, %gather3A_382 : vector<16xi32>
        scf.yield %add3A_383 : vector<16xi32>
      }
      %scan3A_48 = arith.constant 256 : i32
      %mul3A_49 = arith.constant 128 : i32
      %mul3A_50 = arith.muli %add3A_15, %mul3A_49 : i32
      "tpu.region"() ({
        %run_scoped3A = tpu.sem_alloc : memref<!tpu.dma_semaphore, #tpu.memory_space<semaphore_mem>>
        %dma_start3A = arith.constant 0 : i32
        %dma_start3A_53 = tpu.memref_slice %arg10[%dma_start3A] : memref<144xf32, #tpu.memory_space<vmem>> -> memref<128xf32, #tpu.memory_space<vmem>>
        %dma_start3A_54 = tpu.memref_slice %arg5[%mul3A_50] : memref<131072xf32, #tpu.memory_space<hbm>> -> memref<128xf32, #tpu.memory_space<hbm>>
        %dma_start3A_55 = tpu.memref_slice %arg5[%mul3A_50] : memref<131072xf32, #tpu.memory_space<hbm>> -> memref<128xf32, #tpu.memory_space<hbm>>
        %dma_start3A_56 = arith.constant 0 : i32
        %dma_start3A_57 = tpu.memref_slice %arg10[%dma_start3A_56] : memref<144xf32, #tpu.memory_space<vmem>> -> memref<128xf32, #tpu.memory_space<vmem>>
        tpu.enqueue_dma source(%dma_start3A_57 : memref<128xf32, #tpu.memory_space<vmem>>) target(%dma_start3A_55 : memref<128xf32, #tpu.memory_space<hbm>>) target_semaphore(%run_scoped3A : memref<!tpu.dma_semaphore, #tpu.memory_space<semaphore_mem>>)
        %dma_wait3A = arith.constant 0 : i32
        %dma_wait3A_58 = tpu.memref_slice %arg10[%dma_wait3A] : memref<144xf32, #tpu.memory_space<vmem>> -> memref<128xf32, #tpu.memory_space<vmem>>
        %dma_wait3A_59 = tpu.memref_slice %arg5[%mul3A_50] : memref<131072xf32, #tpu.memory_space<hbm>> -> memref<128xf32, #tpu.memory_space<hbm>>
        %dma_wait3A_60 = tpu.memref_slice %arg5[%mul3A_50] : memref<131072xf32, #tpu.memory_space<hbm>> -> memref<128xf32, #tpu.memory_space<hbm>>
        %dma_wait3A_61 = arith.constant 0 : i32
        %dma_wait3A_62 = tpu.memref_slice %arg10[%dma_wait3A_61] : memref<144xf32, #tpu.memory_space<vmem>> -> memref<128xf32, #tpu.memory_space<vmem>>
        tpu.wait_dma2 semaphore(%run_scoped3A : memref<!tpu.dma_semaphore, #tpu.memory_space<semaphore_mem>>) src(%dma_wait3A_62 : memref<128xf32, #tpu.memory_space<vmem>>) dst(%dma_wait3A_60 : memref<128xf32, #tpu.memory_space<hbm>>)
        tpu.yield
      }) : () -> ()
      %mul3A_51 = arith.constant 128 : i32
      %mul3A_52 = arith.muli %add3A_15, %mul3A_51 : i32
      "tpu.region"() ({
        %run_scoped3A = tpu.sem_alloc : memref<!tpu.dma_semaphore, #tpu.memory_space<semaphore_mem>>
        %dma_start3A = arith.constant 0 : i32
        %dma_start3A_53 = tpu.memref_slice %arg11[%dma_start3A] : memref<144xi32, #tpu.memory_space<vmem>> -> memref<128xi32, #tpu.memory_space<vmem>>
        %dma_start3A_54 = tpu.memref_slice %arg6[%mul3A_52] : memref<131072xi32, #tpu.memory_space<hbm>> -> memref<128xi32, #tpu.memory_space<hbm>>
        %dma_start3A_55 = tpu.memref_slice %arg6[%mul3A_52] : memref<131072xi32, #tpu.memory_space<hbm>> -> memref<128xi32, #tpu.memory_space<hbm>>
        %dma_start3A_56 = arith.constant 0 : i32
        %dma_start3A_57 = tpu.memref_slice %arg11[%dma_start3A_56] : memref<144xi32, #tpu.memory_space<vmem>> -> memref<128xi32, #tpu.memory_space<vmem>>
        tpu.enqueue_dma source(%dma_start3A_57 : memref<128xi32, #tpu.memory_space<vmem>>) target(%dma_start3A_55 : memref<128xi32, #tpu.memory_space<hbm>>) target_semaphore(%run_scoped3A : memref<!tpu.dma_semaphore, #tpu.memory_space<semaphore_mem>>)
        %dma_wait3A = arith.constant 0 : i32
        %dma_wait3A_58 = tpu.memref_slice %arg11[%dma_wait3A] : memref<144xi32, #tpu.memory_space<vmem>> -> memref<128xi32, #tpu.memory_space<vmem>>
        %dma_wait3A_59 = tpu.memref_slice %arg6[%mul3A_52] : memref<131072xi32, #tpu.memory_space<hbm>> -> memref<128xi32, #tpu.memory_space<hbm>>
        %dma_wait3A_60 = tpu.memref_slice %arg6[%mul3A_52] : memref<131072xi32, #tpu.memory_space<hbm>> -> memref<128xi32, #tpu.memory_space<hbm>>
        %dma_wait3A_61 = arith.constant 0 : i32
        %dma_wait3A_62 = tpu.memref_slice %arg11[%dma_wait3A_61] : memref<144xi32, #tpu.memory_space<vmem>> -> memref<128xi32, #tpu.memory_space<vmem>>
        tpu.wait_dma2 semaphore(%run_scoped3A : memref<!tpu.dma_semaphore, #tpu.memory_space<semaphore_mem>>) src(%dma_wait3A_62 : memref<128xi32, #tpu.memory_space<vmem>>) dst(%dma_wait3A_60 : memref<128xi32, #tpu.memory_space<hbm>>)
        tpu.yield
      }) : () -> ()
    }
    %scan3A_7 = arith.constant 32 : i32
    return
  }
}

#map = affine_map<(d0, d1) -> (0, 0)>
#map1 = affine_map<(d0, d1) -> (0)>
module attributes {stable_mosaic.version = 14 : i64} {
  func.func @k(%arg0: i32, %arg1: i32, %arg2: memref<100000x128xf32, #tpu.memory_space<hbm>>, %arg3: memref<102400xi32, #tpu.memory_space<hbm>>, %arg4: memref<102400x128xf32, #tpu.memory_space<hbm>>, %arg5: memref<640xi32, #tpu.memory_space<vmem>>, %arg6: memref<640x128xf32, #tpu.memory_space<vmem>>, %arg7: memref<!tpu.dma_semaphore, #tpu.memory_space<semaphore_mem>>) attributes {dimension_semantics = [#tpu.dimension_semantics<core_parallel>, #tpu.dimension_semantics<subcore_parallel>], iteration_bounds = array<i64: 2, 16>, scalar_prefetch = 0 : i64, scratch_operands = 3 : i64, tpu.core_type = #tpu.core_type<sc_vector_subcore>, window_params = [{transform_indices = #map}, {transform_indices = #map1}, {transform_indices = #map}]} {
    %mul3A = arith.constant 2 : i32
    %mul3A_0 = arith.muli %arg1, %mul3A : i32
    %add3A = arith.addi %mul3A_0, %arg0 : i32
    %mul3A_1 = arith.constant 3200 : i32
    %mul3A_2 = arith.muli %add3A, %mul3A_1 : i32
    %add3A_3 = arith.constant 0 : i32
    %add3A_4 = arith.addi %mul3A_2, %add3A_3 : i32
    "tpu.region"() ({
      %run_scoped3A = tpu.sem_alloc : memref<!tpu.dma_semaphore, #tpu.memory_space<semaphore_mem>>
      %dma_start3A_51 = tpu.memref_slice %arg3[%add3A_4] : memref<102400xi32, #tpu.memory_space<hbm>> -> memref<640xi32, #tpu.memory_space<hbm>>
      %dma_start3A_52 = tpu.memref_slice %arg3[%add3A_4] : memref<102400xi32, #tpu.memory_space<hbm>> -> memref<640xi32, #tpu.memory_space<hbm>>
      tpu.enqueue_dma source(%dma_start3A_52 : memref<640xi32, #tpu.memory_space<hbm>>) target(%arg5 : memref<640xi32, #tpu.memory_space<vmem>>) target_semaphore(%run_scoped3A : memref<!tpu.dma_semaphore, #tpu.memory_space<semaphore_mem>>)
      %dma_wait3A_53 = tpu.memref_slice %arg3[%add3A_4] : memref<102400xi32, #tpu.memory_space<hbm>> -> memref<640xi32, #tpu.memory_space<hbm>>
      %dma_wait3A_54 = tpu.memref_slice %arg3[%add3A_4] : memref<102400xi32, #tpu.memory_space<hbm>> -> memref<640xi32, #tpu.memory_space<hbm>>
      tpu.wait_dma2 semaphore(%run_scoped3A : memref<!tpu.dma_semaphore, #tpu.memory_space<semaphore_mem>>) src(%dma_wait3A_54 : memref<640xi32, #tpu.memory_space<hbm>>) dst(%arg5 : memref<640xi32, #tpu.memory_space<vmem>>)
      tpu.yield
    }) : () -> ()
    %dma_start3A = arith.constant 0 : i32
    %dma_start3A_5 = arith.constant 0 : i32
    %dma_start3A_6 = tpu.memref_slice %arg2[%dma_start3A, %dma_start3A_5] : memref<100000x128xf32, #tpu.memory_space<hbm>> -> memref<100000x128xf32, #tpu.memory_space<hbm>>
    tpu.enqueue_indirect_dma source(%dma_start3A_6 : memref<100000x128xf32, #tpu.memory_space<hbm>>) target(%arg6 : memref<640x128xf32, #tpu.memory_space<vmem>>) offsets(%arg5 : memref<640xi32, #tpu.memory_space<vmem>>) semaphore(%arg7 : memref<!tpu.dma_semaphore, #tpu.memory_space<semaphore_mem>>)
    %dma_wait3A = arith.constant 0 : i32
    %dma_wait3A_7 = arith.constant 0 : i32
    %dma_wait3A_8 = tpu.memref_slice %arg2[%dma_wait3A, %dma_wait3A_7] : memref<100000x128xf32, #tpu.memory_space<hbm>> -> memref<100000x128xf32, #tpu.memory_space<hbm>>
    tpu.wait_indirect_dma semaphore(%arg7 : memref<!tpu.dma_semaphore, #tpu.memory_space<semaphore_mem>>) src(%dma_wait3A_8 : memref<100000x128xf32, #tpu.memory_space<hbm>>) dst(%arg6 : memref<640x128xf32, #tpu.memory_space<vmem>>)
    %add3A_9 = arith.constant 0 : i32
    %add3A_10 = arith.addi %mul3A_2, %add3A_9 : i32
    "tpu.region"() ({
      %run_scoped3A = tpu.sem_alloc : memref<!tpu.dma_semaphore, #tpu.memory_space<semaphore_mem>>
      %dma_start3A_51 = arith.constant 0 : i32
      %dma_start3A_52 = tpu.memref_slice %arg4[%add3A_10, %dma_start3A_51] : memref<102400x128xf32, #tpu.memory_space<hbm>> -> memref<640x128xf32, #tpu.memory_space<hbm>>
      %dma_start3A_53 = arith.constant 0 : i32
      %dma_start3A_54 = tpu.memref_slice %arg4[%add3A_10, %dma_start3A_53] : memref<102400x128xf32, #tpu.memory_space<hbm>> -> memref<640x128xf32, #tpu.memory_space<hbm>>
      tpu.enqueue_dma source(%arg6 : memref<640x128xf32, #tpu.memory_space<vmem>>) target(%dma_start3A_54 : memref<640x128xf32, #tpu.memory_space<hbm>>) target_semaphore(%run_scoped3A : memref<!tpu.dma_semaphore, #tpu.memory_space<semaphore_mem>>)
      %dma_wait3A_55 = arith.constant 0 : i32
      %dma_wait3A_56 = tpu.memref_slice %arg4[%add3A_10, %dma_wait3A_55] : memref<102400x128xf32, #tpu.memory_space<hbm>> -> memref<640x128xf32, #tpu.memory_space<hbm>>
      %dma_wait3A_57 = arith.constant 0 : i32
      %dma_wait3A_58 = tpu.memref_slice %arg4[%add3A_10, %dma_wait3A_57] : memref<102400x128xf32, #tpu.memory_space<hbm>> -> memref<640x128xf32, #tpu.memory_space<hbm>>
      tpu.wait_dma2 semaphore(%run_scoped3A : memref<!tpu.dma_semaphore, #tpu.memory_space<semaphore_mem>>) src(%arg6 : memref<640x128xf32, #tpu.memory_space<vmem>>) dst(%dma_wait3A_58 : memref<640x128xf32, #tpu.memory_space<hbm>>)
      tpu.yield
    }) : () -> ()
    %add3A_11 = arith.constant 640 : i32
    %add3A_12 = arith.addi %mul3A_2, %add3A_11 : i32
    "tpu.region"() ({
      %run_scoped3A = tpu.sem_alloc : memref<!tpu.dma_semaphore, #tpu.memory_space<semaphore_mem>>
      %dma_start3A_51 = tpu.memref_slice %arg3[%add3A_12] : memref<102400xi32, #tpu.memory_space<hbm>> -> memref<640xi32, #tpu.memory_space<hbm>>
      %dma_start3A_52 = tpu.memref_slice %arg3[%add3A_12] : memref<102400xi32, #tpu.memory_space<hbm>> -> memref<640xi32, #tpu.memory_space<hbm>>
      tpu.enqueue_dma source(%dma_start3A_52 : memref<640xi32, #tpu.memory_space<hbm>>) target(%arg5 : memref<640xi32, #tpu.memory_space<vmem>>) target_semaphore(%run_scoped3A : memref<!tpu.dma_semaphore, #tpu.memory_space<semaphore_mem>>)
      %dma_wait3A_53 = tpu.memref_slice %arg3[%add3A_12] : memref<102400xi32, #tpu.memory_space<hbm>> -> memref<640xi32, #tpu.memory_space<hbm>>
      %dma_wait3A_54 = tpu.memref_slice %arg3[%add3A_12] : memref<102400xi32, #tpu.memory_space<hbm>> -> memref<640xi32, #tpu.memory_space<hbm>>
      tpu.wait_dma2 semaphore(%run_scoped3A : memref<!tpu.dma_semaphore, #tpu.memory_space<semaphore_mem>>) src(%dma_wait3A_54 : memref<640xi32, #tpu.memory_space<hbm>>) dst(%arg5 : memref<640xi32, #tpu.memory_space<vmem>>)
      tpu.yield
    }) : () -> ()
    %dma_start3A_13 = arith.constant 0 : i32
    %dma_start3A_14 = arith.constant 0 : i32
    %dma_start3A_15 = tpu.memref_slice %arg2[%dma_start3A_13, %dma_start3A_14] : memref<100000x128xf32, #tpu.memory_space<hbm>> -> memref<100000x128xf32, #tpu.memory_space<hbm>>
    tpu.enqueue_indirect_dma source(%dma_start3A_15 : memref<100000x128xf32, #tpu.memory_space<hbm>>) target(%arg6 : memref<640x128xf32, #tpu.memory_space<vmem>>) offsets(%arg5 : memref<640xi32, #tpu.memory_space<vmem>>) semaphore(%arg7 : memref<!tpu.dma_semaphore, #tpu.memory_space<semaphore_mem>>)
    %dma_wait3A_16 = arith.constant 0 : i32
    %dma_wait3A_17 = arith.constant 0 : i32
    %dma_wait3A_18 = tpu.memref_slice %arg2[%dma_wait3A_16, %dma_wait3A_17] : memref<100000x128xf32, #tpu.memory_space<hbm>> -> memref<100000x128xf32, #tpu.memory_space<hbm>>
    tpu.wait_indirect_dma semaphore(%arg7 : memref<!tpu.dma_semaphore, #tpu.memory_space<semaphore_mem>>) src(%dma_wait3A_18 : memref<100000x128xf32, #tpu.memory_space<hbm>>) dst(%arg6 : memref<640x128xf32, #tpu.memory_space<vmem>>)
    %add3A_19 = arith.constant 640 : i32
    %add3A_20 = arith.addi %mul3A_2, %add3A_19 : i32
    "tpu.region"() ({
      %run_scoped3A = tpu.sem_alloc : memref<!tpu.dma_semaphore, #tpu.memory_space<semaphore_mem>>
      %dma_start3A_51 = arith.constant 0 : i32
      %dma_start3A_52 = tpu.memref_slice %arg4[%add3A_20, %dma_start3A_51] : memref<102400x128xf32, #tpu.memory_space<hbm>> -> memref<640x128xf32, #tpu.memory_space<hbm>>
      %dma_start3A_53 = arith.constant 0 : i32
      %dma_start3A_54 = tpu.memref_slice %arg4[%add3A_20, %dma_start3A_53] : memref<102400x128xf32, #tpu.memory_space<hbm>> -> memref<640x128xf32, #tpu.memory_space<hbm>>
      tpu.enqueue_dma source(%arg6 : memref<640x128xf32, #tpu.memory_space<vmem>>) target(%dma_start3A_54 : memref<640x128xf32, #tpu.memory_space<hbm>>) target_semaphore(%run_scoped3A : memref<!tpu.dma_semaphore, #tpu.memory_space<semaphore_mem>>)
      %dma_wait3A_55 = arith.constant 0 : i32
      %dma_wait3A_56 = tpu.memref_slice %arg4[%add3A_20, %dma_wait3A_55] : memref<102400x128xf32, #tpu.memory_space<hbm>> -> memref<640x128xf32, #tpu.memory_space<hbm>>
      %dma_wait3A_57 = arith.constant 0 : i32
      %dma_wait3A_58 = tpu.memref_slice %arg4[%add3A_20, %dma_wait3A_57] : memref<102400x128xf32, #tpu.memory_space<hbm>> -> memref<640x128xf32, #tpu.memory_space<hbm>>
      tpu.wait_dma2 semaphore(%run_scoped3A : memref<!tpu.dma_semaphore, #tpu.memory_space<semaphore_mem>>) src(%arg6 : memref<640x128xf32, #tpu.memory_space<vmem>>) dst(%dma_wait3A_58 : memref<640x128xf32, #tpu.memory_space<hbm>>)
      tpu.yield
    }) : () -> ()
    %add3A_21 = arith.constant 1280 : i32
    %add3A_22 = arith.addi %mul3A_2, %add3A_21 : i32
    "tpu.region"() ({
      %run_scoped3A = tpu.sem_alloc : memref<!tpu.dma_semaphore, #tpu.memory_space<semaphore_mem>>
      %dma_start3A_51 = tpu.memref_slice %arg3[%add3A_22] : memref<102400xi32, #tpu.memory_space<hbm>> -> memref<640xi32, #tpu.memory_space<hbm>>
      %dma_start3A_52 = tpu.memref_slice %arg3[%add3A_22] : memref<102400xi32, #tpu.memory_space<hbm>> -> memref<640xi32, #tpu.memory_space<hbm>>
      tpu.enqueue_dma source(%dma_start3A_52 : memref<640xi32, #tpu.memory_space<hbm>>) target(%arg5 : memref<640xi32, #tpu.memory_space<vmem>>) target_semaphore(%run_scoped3A : memref<!tpu.dma_semaphore, #tpu.memory_space<semaphore_mem>>)
      %dma_wait3A_53 = tpu.memref_slice %arg3[%add3A_22] : memref<102400xi32, #tpu.memory_space<hbm>> -> memref<640xi32, #tpu.memory_space<hbm>>
      %dma_wait3A_54 = tpu.memref_slice %arg3[%add3A_22] : memref<102400xi32, #tpu.memory_space<hbm>> -> memref<640xi32, #tpu.memory_space<hbm>>
      tpu.wait_dma2 semaphore(%run_scoped3A : memref<!tpu.dma_semaphore, #tpu.memory_space<semaphore_mem>>) src(%dma_wait3A_54 : memref<640xi32, #tpu.memory_space<hbm>>) dst(%arg5 : memref<640xi32, #tpu.memory_space<vmem>>)
      tpu.yield
    }) : () -> ()
    %dma_start3A_23 = arith.constant 0 : i32
    %dma_start3A_24 = arith.constant 0 : i32
    %dma_start3A_25 = tpu.memref_slice %arg2[%dma_start3A_23, %dma_start3A_24] : memref<100000x128xf32, #tpu.memory_space<hbm>> -> memref<100000x128xf32, #tpu.memory_space<hbm>>
    tpu.enqueue_indirect_dma source(%dma_start3A_25 : memref<100000x128xf32, #tpu.memory_space<hbm>>) target(%arg6 : memref<640x128xf32, #tpu.memory_space<vmem>>) offsets(%arg5 : memref<640xi32, #tpu.memory_space<vmem>>) semaphore(%arg7 : memref<!tpu.dma_semaphore, #tpu.memory_space<semaphore_mem>>)
    %dma_wait3A_26 = arith.constant 0 : i32
    %dma_wait3A_27 = arith.constant 0 : i32
    %dma_wait3A_28 = tpu.memref_slice %arg2[%dma_wait3A_26, %dma_wait3A_27] : memref<100000x128xf32, #tpu.memory_space<hbm>> -> memref<100000x128xf32, #tpu.memory_space<hbm>>
    tpu.wait_indirect_dma semaphore(%arg7 : memref<!tpu.dma_semaphore, #tpu.memory_space<semaphore_mem>>) src(%dma_wait3A_28 : memref<100000x128xf32, #tpu.memory_space<hbm>>) dst(%arg6 : memref<640x128xf32, #tpu.memory_space<vmem>>)
    %add3A_29 = arith.constant 1280 : i32
    %add3A_30 = arith.addi %mul3A_2, %add3A_29 : i32
    "tpu.region"() ({
      %run_scoped3A = tpu.sem_alloc : memref<!tpu.dma_semaphore, #tpu.memory_space<semaphore_mem>>
      %dma_start3A_51 = arith.constant 0 : i32
      %dma_start3A_52 = tpu.memref_slice %arg4[%add3A_30, %dma_start3A_51] : memref<102400x128xf32, #tpu.memory_space<hbm>> -> memref<640x128xf32, #tpu.memory_space<hbm>>
      %dma_start3A_53 = arith.constant 0 : i32
      %dma_start3A_54 = tpu.memref_slice %arg4[%add3A_30, %dma_start3A_53] : memref<102400x128xf32, #tpu.memory_space<hbm>> -> memref<640x128xf32, #tpu.memory_space<hbm>>
      tpu.enqueue_dma source(%arg6 : memref<640x128xf32, #tpu.memory_space<vmem>>) target(%dma_start3A_54 : memref<640x128xf32, #tpu.memory_space<hbm>>) target_semaphore(%run_scoped3A : memref<!tpu.dma_semaphore, #tpu.memory_space<semaphore_mem>>)
      %dma_wait3A_55 = arith.constant 0 : i32
      %dma_wait3A_56 = tpu.memref_slice %arg4[%add3A_30, %dma_wait3A_55] : memref<102400x128xf32, #tpu.memory_space<hbm>> -> memref<640x128xf32, #tpu.memory_space<hbm>>
      %dma_wait3A_57 = arith.constant 0 : i32
      %dma_wait3A_58 = tpu.memref_slice %arg4[%add3A_30, %dma_wait3A_57] : memref<102400x128xf32, #tpu.memory_space<hbm>> -> memref<640x128xf32, #tpu.memory_space<hbm>>
      tpu.wait_dma2 semaphore(%run_scoped3A : memref<!tpu.dma_semaphore, #tpu.memory_space<semaphore_mem>>) src(%arg6 : memref<640x128xf32, #tpu.memory_space<vmem>>) dst(%dma_wait3A_58 : memref<640x128xf32, #tpu.memory_space<hbm>>)
      tpu.yield
    }) : () -> ()
    %add3A_31 = arith.constant 1920 : i32
    %add3A_32 = arith.addi %mul3A_2, %add3A_31 : i32
    "tpu.region"() ({
      %run_scoped3A = tpu.sem_alloc : memref<!tpu.dma_semaphore, #tpu.memory_space<semaphore_mem>>
      %dma_start3A_51 = tpu.memref_slice %arg3[%add3A_32] : memref<102400xi32, #tpu.memory_space<hbm>> -> memref<640xi32, #tpu.memory_space<hbm>>
      %dma_start3A_52 = tpu.memref_slice %arg3[%add3A_32] : memref<102400xi32, #tpu.memory_space<hbm>> -> memref<640xi32, #tpu.memory_space<hbm>>
      tpu.enqueue_dma source(%dma_start3A_52 : memref<640xi32, #tpu.memory_space<hbm>>) target(%arg5 : memref<640xi32, #tpu.memory_space<vmem>>) target_semaphore(%run_scoped3A : memref<!tpu.dma_semaphore, #tpu.memory_space<semaphore_mem>>)
      %dma_wait3A_53 = tpu.memref_slice %arg3[%add3A_32] : memref<102400xi32, #tpu.memory_space<hbm>> -> memref<640xi32, #tpu.memory_space<hbm>>
      %dma_wait3A_54 = tpu.memref_slice %arg3[%add3A_32] : memref<102400xi32, #tpu.memory_space<hbm>> -> memref<640xi32, #tpu.memory_space<hbm>>
      tpu.wait_dma2 semaphore(%run_scoped3A : memref<!tpu.dma_semaphore, #tpu.memory_space<semaphore_mem>>) src(%dma_wait3A_54 : memref<640xi32, #tpu.memory_space<hbm>>) dst(%arg5 : memref<640xi32, #tpu.memory_space<vmem>>)
      tpu.yield
    }) : () -> ()
    %dma_start3A_33 = arith.constant 0 : i32
    %dma_start3A_34 = arith.constant 0 : i32
    %dma_start3A_35 = tpu.memref_slice %arg2[%dma_start3A_33, %dma_start3A_34] : memref<100000x128xf32, #tpu.memory_space<hbm>> -> memref<100000x128xf32, #tpu.memory_space<hbm>>
    tpu.enqueue_indirect_dma source(%dma_start3A_35 : memref<100000x128xf32, #tpu.memory_space<hbm>>) target(%arg6 : memref<640x128xf32, #tpu.memory_space<vmem>>) offsets(%arg5 : memref<640xi32, #tpu.memory_space<vmem>>) semaphore(%arg7 : memref<!tpu.dma_semaphore, #tpu.memory_space<semaphore_mem>>)
    %dma_wait3A_36 = arith.constant 0 : i32
    %dma_wait3A_37 = arith.constant 0 : i32
    %dma_wait3A_38 = tpu.memref_slice %arg2[%dma_wait3A_36, %dma_wait3A_37] : memref<100000x128xf32, #tpu.memory_space<hbm>> -> memref<100000x128xf32, #tpu.memory_space<hbm>>
    tpu.wait_indirect_dma semaphore(%arg7 : memref<!tpu.dma_semaphore, #tpu.memory_space<semaphore_mem>>) src(%dma_wait3A_38 : memref<100000x128xf32, #tpu.memory_space<hbm>>) dst(%arg6 : memref<640x128xf32, #tpu.memory_space<vmem>>)
    %add3A_39 = arith.constant 1920 : i32
    %add3A_40 = arith.addi %mul3A_2, %add3A_39 : i32
    "tpu.region"() ({
      %run_scoped3A = tpu.sem_alloc : memref<!tpu.dma_semaphore, #tpu.memory_space<semaphore_mem>>
      %dma_start3A_51 = arith.constant 0 : i32
      %dma_start3A_52 = tpu.memref_slice %arg4[%add3A_40, %dma_start3A_51] : memref<102400x128xf32, #tpu.memory_space<hbm>> -> memref<640x128xf32, #tpu.memory_space<hbm>>
      %dma_start3A_53 = arith.constant 0 : i32
      %dma_start3A_54 = tpu.memref_slice %arg4[%add3A_40, %dma_start3A_53] : memref<102400x128xf32, #tpu.memory_space<hbm>> -> memref<640x128xf32, #tpu.memory_space<hbm>>
      tpu.enqueue_dma source(%arg6 : memref<640x128xf32, #tpu.memory_space<vmem>>) target(%dma_start3A_54 : memref<640x128xf32, #tpu.memory_space<hbm>>) target_semaphore(%run_scoped3A : memref<!tpu.dma_semaphore, #tpu.memory_space<semaphore_mem>>)
      %dma_wait3A_55 = arith.constant 0 : i32
      %dma_wait3A_56 = tpu.memref_slice %arg4[%add3A_40, %dma_wait3A_55] : memref<102400x128xf32, #tpu.memory_space<hbm>> -> memref<640x128xf32, #tpu.memory_space<hbm>>
      %dma_wait3A_57 = arith.constant 0 : i32
      %dma_wait3A_58 = tpu.memref_slice %arg4[%add3A_40, %dma_wait3A_57] : memref<102400x128xf32, #tpu.memory_space<hbm>> -> memref<640x128xf32, #tpu.memory_space<hbm>>
      tpu.wait_dma2 semaphore(%run_scoped3A : memref<!tpu.dma_semaphore, #tpu.memory_space<semaphore_mem>>) src(%arg6 : memref<640x128xf32, #tpu.memory_space<vmem>>) dst(%dma_wait3A_58 : memref<640x128xf32, #tpu.memory_space<hbm>>)
      tpu.yield
    }) : () -> ()
    %add3A_41 = arith.constant 2560 : i32
    %add3A_42 = arith.addi %mul3A_2, %add3A_41 : i32
    "tpu.region"() ({
      %run_scoped3A = tpu.sem_alloc : memref<!tpu.dma_semaphore, #tpu.memory_space<semaphore_mem>>
      %dma_start3A_51 = tpu.memref_slice %arg3[%add3A_42] : memref<102400xi32, #tpu.memory_space<hbm>> -> memref<640xi32, #tpu.memory_space<hbm>>
      %dma_start3A_52 = tpu.memref_slice %arg3[%add3A_42] : memref<102400xi32, #tpu.memory_space<hbm>> -> memref<640xi32, #tpu.memory_space<hbm>>
      tpu.enqueue_dma source(%dma_start3A_52 : memref<640xi32, #tpu.memory_space<hbm>>) target(%arg5 : memref<640xi32, #tpu.memory_space<vmem>>) target_semaphore(%run_scoped3A : memref<!tpu.dma_semaphore, #tpu.memory_space<semaphore_mem>>)
      %dma_wait3A_53 = tpu.memref_slice %arg3[%add3A_42] : memref<102400xi32, #tpu.memory_space<hbm>> -> memref<640xi32, #tpu.memory_space<hbm>>
      %dma_wait3A_54 = tpu.memref_slice %arg3[%add3A_42] : memref<102400xi32, #tpu.memory_space<hbm>> -> memref<640xi32, #tpu.memory_space<hbm>>
      tpu.wait_dma2 semaphore(%run_scoped3A : memref<!tpu.dma_semaphore, #tpu.memory_space<semaphore_mem>>) src(%dma_wait3A_54 : memref<640xi32, #tpu.memory_space<hbm>>) dst(%arg5 : memref<640xi32, #tpu.memory_space<vmem>>)
      tpu.yield
    }) : () -> ()
    %dma_start3A_43 = arith.constant 0 : i32
    %dma_start3A_44 = arith.constant 0 : i32
    %dma_start3A_45 = tpu.memref_slice %arg2[%dma_start3A_43, %dma_start3A_44] : memref<100000x128xf32, #tpu.memory_space<hbm>> -> memref<100000x128xf32, #tpu.memory_space<hbm>>
    tpu.enqueue_indirect_dma source(%dma_start3A_45 : memref<100000x128xf32, #tpu.memory_space<hbm>>) target(%arg6 : memref<640x128xf32, #tpu.memory_space<vmem>>) offsets(%arg5 : memref<640xi32, #tpu.memory_space<vmem>>) semaphore(%arg7 : memref<!tpu.dma_semaphore, #tpu.memory_space<semaphore_mem>>)
    %dma_wait3A_46 = arith.constant 0 : i32
    %dma_wait3A_47 = arith.constant 0 : i32
    %dma_wait3A_48 = tpu.memref_slice %arg2[%dma_wait3A_46, %dma_wait3A_47] : memref<100000x128xf32, #tpu.memory_space<hbm>> -> memref<100000x128xf32, #tpu.memory_space<hbm>>
    tpu.wait_indirect_dma semaphore(%arg7 : memref<!tpu.dma_semaphore, #tpu.memory_space<semaphore_mem>>) src(%dma_wait3A_48 : memref<100000x128xf32, #tpu.memory_space<hbm>>) dst(%arg6 : memref<640x128xf32, #tpu.memory_space<vmem>>)
    %add3A_49 = arith.constant 2560 : i32
    %add3A_50 = arith.addi %mul3A_2, %add3A_49 : i32
    "tpu.region"() ({
      %run_scoped3A = tpu.sem_alloc : memref<!tpu.dma_semaphore, #tpu.memory_space<semaphore_mem>>
      %dma_start3A_51 = arith.constant 0 : i32
      %dma_start3A_52 = tpu.memref_slice %arg4[%add3A_50, %dma_start3A_51] : memref<102400x128xf32, #tpu.memory_space<hbm>> -> memref<640x128xf32, #tpu.memory_space<hbm>>
      %dma_start3A_53 = arith.constant 0 : i32
      %dma_start3A_54 = tpu.memref_slice %arg4[%add3A_50, %dma_start3A_53] : memref<102400x128xf32, #tpu.memory_space<hbm>> -> memref<640x128xf32, #tpu.memory_space<hbm>>
      tpu.enqueue_dma source(%arg6 : memref<640x128xf32, #tpu.memory_space<vmem>>) target(%dma_start3A_54 : memref<640x128xf32, #tpu.memory_space<hbm>>) target_semaphore(%run_scoped3A : memref<!tpu.dma_semaphore, #tpu.memory_space<semaphore_mem>>)
      %dma_wait3A_55 = arith.constant 0 : i32
      %dma_wait3A_56 = tpu.memref_slice %arg4[%add3A_50, %dma_wait3A_55] : memref<102400x128xf32, #tpu.memory_space<hbm>> -> memref<640x128xf32, #tpu.memory_space<hbm>>
      %dma_wait3A_57 = arith.constant 0 : i32
      %dma_wait3A_58 = tpu.memref_slice %arg4[%add3A_50, %dma_wait3A_57] : memref<102400x128xf32, #tpu.memory_space<hbm>> -> memref<640x128xf32, #tpu.memory_space<hbm>>
      tpu.wait_dma2 semaphore(%run_scoped3A : memref<!tpu.dma_semaphore, #tpu.memory_space<semaphore_mem>>) src(%arg6 : memref<640x128xf32, #tpu.memory_space<vmem>>) dst(%dma_wait3A_58 : memref<640x128xf32, #tpu.memory_space<hbm>>)
      tpu.yield
    }) : () -> ()
    return
  }
}

module attributes {stable_mosaic.version = 14 : i64} {
  func.func @_mm_chunkmax_kernel(%arg0: i32, %arg1: memref<1024x128xf32, #tpu.memory_space<vmem>>, %arg2: memref<512x128xf32, #tpu.memory_space<vmem>>, %arg3: memref<1024x512xf32, #tpu.memory_space<vmem>>, %arg4: memref<1x16x1024xf32, #tpu.memory_space<vmem>>) attributes {dimension_semantics = [#tpu.dimension_semantics<arbitrary>], iteration_bounds = array<i64: 196>, scalar_prefetch = 0 : i64, scratch_operands = 0 : i64, tpu.core_type = #tpu.core_type<tc>, window_params = [{pipeline_mode = #tpu.pipeline_mode<synchronous>, transform_indices = @transform_0, window_bounds = array<i64: 1024, 128>}, {transform_indices = @transform_1, window_bounds = array<i64: 512, 128>}, {transform_indices = @transform_2, window_bounds = array<i64: 1024, 512>}, {transform_indices = @transform_3, window_bounds = array<i64: 1, 16, 1024>}]} {
    %get3A = arith.constant 0 : index
    %get3A_0 = arith.constant 0 : index
    %get3A_1 = vector.load %arg1[%get3A, %get3A_0] : memref<1024x128xf32, #tpu.memory_space<vmem>>, vector<1024x128xf32>
    %get3A_2 = arith.constant 0 : index
    %get3A_3 = arith.constant 0 : index
    %get3A_4 = vector.load %arg2[%get3A_2, %get3A_3] : memref<512x128xf32, #tpu.memory_space<vmem>>, vector<512x128xf32>
    %dot_general3A = arith.constant dense<0.000000e+00> : vector<1024x512xf32>
    %dot_general3A_5 = tpu.matmul %get3A_1, %get3A_4, %dot_general3A {dimension_numbers = #tpu.dot_dimension_numbers<[1], [1], [0], [0], [0, 0, 1, 0], [], []>, transpose_lhs_hint = false} : vector<1024x128xf32>, vector<512x128xf32>, vector<1024x512xf32> -> vector<1024x512xf32>
    %swap3A = arith.constant 0 : index
    %swap3A_6 = arith.constant 0 : index
    %swap3A_7 = vector.load %arg3[%swap3A, %swap3A_6] : memref<1024x512xf32, #tpu.memory_space<vmem>>, vector<1024x512xf32>
    tpu.vector_store %arg3[%swap3A, %swap3A_6], %dot_general3A_5 {strides = array<i32>} : memref<1024x512xf32, #tpu.memory_space<vmem>>, vector<1024x512xf32>,
    %get3A_8 = arith.constant 0 : index
    %get3A_9 = arith.constant 0 : index
    %get3A_10 = vector.load %arg2[%get3A_8, %get3A_9] : memref<512x128xf32, #tpu.memory_space<vmem>>, vector<512x128xf32>
    %get3A_11 = arith.constant 0 : index
    %get3A_12 = arith.constant 0 : index
    %get3A_13 = vector.load %arg1[%get3A_11, %get3A_12] : memref<1024x128xf32, #tpu.memory_space<vmem>>, vector<1024x128xf32>
    %dot_general3A_14 = arith.constant dense<0.000000e+00> : vector<512x1024xf32>
    %dot_general3A_15 = tpu.matmul %get3A_10, %get3A_13, %dot_general3A_14 {dimension_numbers = #tpu.dot_dimension_numbers<[1], [1], [0], [0], [0, 0, 1, 0], [], []>, transpose_lhs_hint = false} : vector<512x128xf32>, vector<1024x128xf32>, vector<512x1024xf32> -> vector<512x1024xf32>
    %reshape3A = vector.shape_cast %dot_general3A_15 : vector<512x1024xf32> to vector<16x32x1024xf32>
    %reduce_max3A = arith.constant dense<0xFF800000> : vector<16x1024xf32>
    %reduce_max3A_16 = vector.multi_reduction <maximumf>, %reshape3A, %reduce_max3A [1] : vector<16x32x1024xf32> to vector<16x1024xf32>
    %mul3A = arith.constant 16 : i32
    %mul3A_17 = arith.muli %arg0, %mul3A : i32
    %iota3A = tpu.iota {dimensions = array<i32: 0>} : vector<16x1024xi32>
    %add3A = vector.broadcast %mul3A_17 : i32 to vector<16x1024xi32>
    %add3A_18 = arith.addi %add3A, %iota3A : vector<16x1024xi32>
    %lt3A = arith.constant 3125 : i32
    %lt3A_19 = vector.broadcast %lt3A : i32 to vector<16x1024xi32>
    %lt3A_20 = arith.cmpi slt, %add3A_18, %lt3A_19 : vector<16x1024xi32>
    %jit3A = arith.constant 0xFF800000 : f32
    %broadcast_in_dim3A = vector.broadcast %jit3A : f32 to vector<16x1024xf32>
    %select_n3A = arith.select %lt3A_20, %reduce_max3A_16, %broadcast_in_dim3A : vector<16x1024xi1>, vector<16x1024xf32>
    %swap3A_21 = arith.constant 0 : index
    %swap3A_22 = arith.constant 0 : index
    %swap3A_23 = arith.constant 0 : index
    %swap3A_24 = vector.load %arg4[%swap3A_21, %swap3A_22, %swap3A_23] : memref<1x16x1024xf32, #tpu.memory_space<vmem>>, vector<1x16x1024xf32>
    %swap3A_25 = vector.shape_cast %swap3A_24 : vector<1x16x1024xf32> to vector<16x1024xf32>
    %swap3A_26 = vector.shape_cast %select_n3A : vector<16x1024xf32> to vector<1x16x1024xf32>
    tpu.vector_store %arg4[%swap3A_21, %swap3A_22, %swap3A_23], %swap3A_26 {strides = array<i32>} : memref<1x16x1024xf32, #tpu.memory_space<vmem>>, vector<1x16x1024xf32>,
    return
  }
  func.func @transform_0(%arg0: i32) -> (i32, i32) {
    %c0_i32 = arith.constant 0 : i32
    %c0_i32_0 = arith.constant 0 : i32
    %c0_i32_1 = arith.constant 0 : i32
    return %c0_i32, %c0_i32_0 : i32, i32
  }
  func.func @transform_1(%arg0: i32) -> (i32, i32) {
    %c0_i32 = arith.constant 0 : i32
    %c0_i32_0 = arith.constant 0 : i32
    return %arg0, %c0_i32 : i32, i32
  }
  func.func @transform_2(%arg0: i32) -> (i32, i32) {
    %c0_i32 = arith.constant 0 : i32
    %c0_i32_0 = arith.constant 0 : i32
    return %c0_i32, %arg0 : i32, i32
  }
  func.func @transform_3(%arg0: i32) -> (i32, i32, i32) {
    %c0_i32 = arith.constant 0 : i32
    %c0_i32_0 = arith.constant 0 : i32
    %c0_i32_1 = arith.constant 0 : i32
    return %arg0, %c0_i32, %c0_i32_0 : i32, i32, i32
  }
}

module attributes {stable_mosaic.version = 14 : i64} {
  func.func @_chunk_thr_kernel(%arg0: i32, %arg1: memref<32x3136xf32, #tpu.memory_space<vmem>>, %arg2: memref<32x128xi32, #tpu.memory_space<vmem>>) attributes {dimension_semantics = [#tpu.dimension_semantics<arbitrary>], iteration_bounds = array<i64: 32>, scalar_prefetch = 0 : i64, scratch_operands = 0 : i64, tpu.core_type = #tpu.core_type<tc>, window_params = [{transform_indices = @transform_0, window_bounds = array<i64: 32, 3136>}, {transform_indices = @transform_1, window_bounds = array<i64: 32, 128>}]} {
    %get3A = arith.constant 0 : index
    %get3A_0 = arith.constant 0 : index
    %get3A_1 = vector.load %arg1[%get3A, %get3A_0] : memref<32x3136xf32, #tpu.memory_space<vmem>>, vector<32x3136xf32>
    %bitcast_convert_type3A = tpu.bitcast %get3A_1 : vector<32x3136xf32> -> vector<32x3136xi32>
    %ge3A = arith.constant 0 : i32
    %ge3A_2 = vector.broadcast %ge3A : i32 to vector<32x3136xi32>
    %ge3A_3 = arith.cmpi sge, %bitcast_convert_type3A, %ge3A_2 : vector<32x3136xi32>
    %xor3A = arith.constant 2147483647 : i32
    %xor3A_4 = vector.broadcast %xor3A : i32 to vector<32x3136xi32>
    %xor3A_5 = arith.xori %bitcast_convert_type3A, %xor3A_4 : vector<32x3136xi32>
    %select_n3A = arith.select %ge3A_3, %bitcast_convert_type3A, %xor3A_5 : vector<32x3136xi1>, vector<32x3136xi32>
    %iota3A = tpu.iota {dimensions = array<i32: 1>} : vector<32x3136xi32>
    %broadcast_in_dim3A = arith.constant -2147483648 : i32
    %broadcast_in_dim3A_6 = vector.broadcast %broadcast_in_dim3A : i32 to vector<32x1xi32>
    %add3A = arith.constant -2147483648 : i32
    %add3A_7 = vector.broadcast %add3A : i32 to vector<32x1xi32>
    %add3A_8 = arith.addi %broadcast_in_dim3A_6, %add3A_7 : vector<32x1xi32>
    %ge3A_9 = vector.broadcast %add3A_8 : vector<32x1xi32> to vector<32x3136xi32>
    %ge3A_10 = arith.cmpi sge, %select_n3A, %ge3A_9 : vector<32x3136xi32>
    %convert_element_type3A = arith.extui %ge3A_10 : vector<32x3136xi1> to vector<32x3136xi32>
    %reduce_sum3A = arith.constant dense<0> : vector<32xi32>
    %reduce_sum3A_11 = vector.multi_reduction <add>, %convert_element_type3A, %reduce_sum3A [1] : vector<32x3136xi32> to vector<32xi32>
    %broadcast_in_dim3A_12 = vector.shape_cast %reduce_sum3A_11 : vector<32xi32> to vector<32x1xi32>
    %ge3A_13 = arith.constant 128 : i32
    %ge3A_14 = vector.broadcast %ge3A_13 : i32 to vector<32x1xi32>
    %ge3A_15 = arith.cmpi sge, %broadcast_in_dim3A_12, %ge3A_14 : vector<32x1xi32>
    %select_n3A_16 = arith.select %ge3A_15, %add3A_8, %broadcast_in_dim3A_6 : vector<32x1xi1>, vector<32x1xi32>
    %add3A_17 = arith.constant 1073741824 : i32
    %add3A_18 = vector.broadcast %add3A_17 : i32 to vector<32x1xi32>
    %add3A_19 = arith.addi %select_n3A_16, %add3A_18 : vector<32x1xi32>
    %ge3A_20 = vector.broadcast %add3A_19 : vector<32x1xi32> to vector<32x3136xi32>
    %ge3A_21 = arith.cmpi sge, %select_n3A, %ge3A_20 : vector<32x3136xi32>
    %convert_element_type3A_22 = arith.extui %ge3A_21 : vector<32x3136xi1> to vector<32x3136xi32>
    %reduce_sum3A_23 = arith.constant dense<0> : vector<32xi32>
    %reduce_sum3A_24 = vector.multi_reduction <add>, %convert_element_type3A_22, %reduce_sum3A_23 [1] : vector<32x3136xi32> to vector<32xi32>
    %broadcast_in_dim3A_25 = vector.shape_cast %reduce_sum3A_24 : vector<32xi32> to vector<32x1xi32>
    %ge3A_26 = arith.constant 128 : i32
    %ge3A_27 = vector.broadcast %ge3A_26 : i32 to vector<32x1xi32>
    %ge3A_28 = arith.cmpi sge, %broadcast_in_dim3A_25, %ge3A_27 : vector<32x1xi32>
    %select_n3A_29 = arith.select %ge3A_28, %add3A_19, %select_n3A_16 : vector<32x1xi1>, vector<32x1xi32>
    %add3A_30 = arith.constant 536870912 : i32
    %add3A_31 = vector.broadcast %add3A_30 : i32 to vector<32x1xi32>
    %add3A_32 = arith.addi %select_n3A_29, %add3A_31 : vector<32x1xi32>
    %ge3A_33 = vector.broadcast %add3A_32 : vector<32x1xi32> to vector<32x3136xi32>
    %ge3A_34 = arith.cmpi sge, %select_n3A, %ge3A_33 : vector<32x3136xi32>
    %convert_element_type3A_35 = arith.extui %ge3A_34 : vector<32x3136xi1> to vector<32x3136xi32>
    %reduce_sum3A_36 = arith.constant dense<0> : vector<32xi32>
    %reduce_sum3A_37 = vector.multi_reduction <add>, %convert_element_type3A_35, %reduce_sum3A_36 [1] : vector<32x3136xi32> to vector<32xi32>
    %broadcast_in_dim3A_38 = vector.shape_cast %reduce_sum3A_37 : vector<32xi32> to vector<32x1xi32>
    %ge3A_39 = arith.constant 128 : i32
    %ge3A_40 = vector.broadcast %ge3A_39 : i32 to vector<32x1xi32>
    %ge3A_41 = arith.cmpi sge, %broadcast_in_dim3A_38, %ge3A_40 : vector<32x1xi32>
    %select_n3A_42 = arith.select %ge3A_41, %add3A_32, %select_n3A_29 : vector<32x1xi1>, vector<32x1xi32>
    %add3A_43 = arith.constant 268435456 : i32
    %add3A_44 = vector.broadcast %add3A_43 : i32 to vector<32x1xi32>
    %add3A_45 = arith.addi %select_n3A_42, %add3A_44 : vector<32x1xi32>
    %ge3A_46 = vector.broadcast %add3A_45 : vector<32x1xi32> to vector<32x3136xi32>
    %ge3A_47 = arith.cmpi sge, %select_n3A, %ge3A_46 : vector<32x3136xi32>
    %convert_element_type3A_48 = arith.extui %ge3A_47 : vector<32x3136xi1> to vector<32x3136xi32>
    %reduce_sum3A_49 = arith.constant dense<0> : vector<32xi32>
    %reduce_sum3A_50 = vector.multi_reduction <add>, %convert_element_type3A_48, %reduce_sum3A_49 [1] : vector<32x3136xi32> to vector<32xi32>
    %broadcast_in_dim3A_51 = vector.shape_cast %reduce_sum3A_50 : vector<32xi32> to vector<32x1xi32>
    %ge3A_52 = arith.constant 128 : i32
    %ge3A_53 = vector.broadcast %ge3A_52 : i32 to vector<32x1xi32>
    %ge3A_54 = arith.cmpi sge, %broadcast_in_dim3A_51, %ge3A_53 : vector<32x1xi32>
    %select_n3A_55 = arith.select %ge3A_54, %add3A_45, %select_n3A_42 : vector<32x1xi1>, vector<32x1xi32>
    %add3A_56 = arith.constant 134217728 : i32
    %add3A_57 = vector.broadcast %add3A_56 : i32 to vector<32x1xi32>
    %add3A_58 = arith.addi %select_n3A_55, %add3A_57 : vector<32x1xi32>
    %ge3A_59 = vector.broadcast %add3A_58 : vector<32x1xi32> to vector<32x3136xi32>
    %ge3A_60 = arith.cmpi sge, %select_n3A, %ge3A_59 : vector<32x3136xi32>
    %convert_element_type3A_61 = arith.extui %ge3A_60 : vector<32x3136xi1> to vector<32x3136xi32>
    %reduce_sum3A_62 = arith.constant dense<0> : vector<32xi32>
    %reduce_sum3A_63 = vector.multi_reduction <add>, %convert_element_type3A_61, %reduce_sum3A_62 [1] : vector<32x3136xi32> to vector<32xi32>
    %broadcast_in_dim3A_64 = vector.shape_cast %reduce_sum3A_63 : vector<32xi32> to vector<32x1xi32>
    %ge3A_65 = arith.constant 128 : i32
    %ge3A_66 = vector.broadcast %ge3A_65 : i32 to vector<32x1xi32>
    %ge3A_67 = arith.cmpi sge, %broadcast_in_dim3A_64, %ge3A_66 : vector<32x1xi32>
    %select_n3A_68 = arith.select %ge3A_67, %add3A_58, %select_n3A_55 : vector<32x1xi1>, vector<32x1xi32>
    %add3A_69 = arith.constant 67108864 : i32
    %add3A_70 = vector.broadcast %add3A_69 : i32 to vector<32x1xi32>
    %add3A_71 = arith.addi %select_n3A_68, %add3A_70 : vector<32x1xi32>
    %ge3A_72 = vector.broadcast %add3A_71 : vector<32x1xi32> to vector<32x3136xi32>
    %ge3A_73 = arith.cmpi sge, %select_n3A, %ge3A_72 : vector<32x3136xi32>
    %convert_element_type3A_74 = arith.extui %ge3A_73 : vector<32x3136xi1> to vector<32x3136xi32>
    %reduce_sum3A_75 = arith.constant dense<0> : vector<32xi32>
    %reduce_sum3A_76 = vector.multi_reduction <add>, %convert_element_type3A_74, %reduce_sum3A_75 [1] : vector<32x3136xi32> to vector<32xi32>
    %broadcast_in_dim3A_77 = vector.shape_cast %reduce_sum3A_76 : vector<32xi32> to vector<32x1xi32>
    %ge3A_78 = arith.constant 128 : i32
    %ge3A_79 = vector.broadcast %ge3A_78 : i32 to vector<32x1xi32>
    %ge3A_80 = arith.cmpi sge, %broadcast_in_dim3A_77, %ge3A_79 : vector<32x1xi32>
    %select_n3A_81 = arith.select %ge3A_80, %add3A_71, %select_n3A_68 : vector<32x1xi1>, vector<32x1xi32>
    %add3A_82 = arith.constant 33554432 : i32
    %add3A_83 = vector.broadcast %add3A_82 : i32 to vector<32x1xi32>
    %add3A_84 = arith.addi %select_n3A_81, %add3A_83 : vector<32x1xi32>
    %ge3A_85 = vector.broadcast %add3A_84 : vector<32x1xi32> to vector<32x3136xi32>
    %ge3A_86 = arith.cmpi sge, %select_n3A, %ge3A_85 : vector<32x3136xi32>
    %convert_element_type3A_87 = arith.extui %ge3A_86 : vector<32x3136xi1> to vector<32x3136xi32>
    %reduce_sum3A_88 = arith.constant dense<0> : vector<32xi32>
    %reduce_sum3A_89 = vector.multi_reduction <add>, %convert_element_type3A_87, %reduce_sum3A_88 [1] : vector<32x3136xi32> to vector<32xi32>
    %broadcast_in_dim3A_90 = vector.shape_cast %reduce_sum3A_89 : vector<32xi32> to vector<32x1xi32>
    %ge3A_91 = arith.constant 128 : i32
    %ge3A_92 = vector.broadcast %ge3A_91 : i32 to vector<32x1xi32>
    %ge3A_93 = arith.cmpi sge, %broadcast_in_dim3A_90, %ge3A_92 : vector<32x1xi32>
    %select_n3A_94 = arith.select %ge3A_93, %add3A_84, %select_n3A_81 : vector<32x1xi1>, vector<32x1xi32>
    %add3A_95 = arith.constant 16777216 : i32
    %add3A_96 = vector.broadcast %add3A_95 : i32 to vector<32x1xi32>
    %add3A_97 = arith.addi %select_n3A_94, %add3A_96 : vector<32x1xi32>
    %ge3A_98 = vector.broadcast %add3A_97 : vector<32x1xi32> to vector<32x3136xi32>
    %ge3A_99 = arith.cmpi sge, %select_n3A, %ge3A_98 : vector<32x3136xi32>
    %convert_element_type3A_100 = arith.extui %ge3A_99 : vector<32x3136xi1> to vector<32x3136xi32>
    %reduce_sum3A_101 = arith.constant dense<0> : vector<32xi32>
    %reduce_sum3A_102 = vector.multi_reduction <add>, %convert_element_type3A_100, %reduce_sum3A_101 [1] : vector<32x3136xi32> to vector<32xi32>
    %broadcast_in_dim3A_103 = vector.shape_cast %reduce_sum3A_102 : vector<32xi32> to vector<32x1xi32>
    %ge3A_104 = arith.constant 128 : i32
    %ge3A_105 = vector.broadcast %ge3A_104 : i32 to vector<32x1xi32>
    %ge3A_106 = arith.cmpi sge, %broadcast_in_dim3A_103, %ge3A_105 : vector<32x1xi32>
    %select_n3A_107 = arith.select %ge3A_106, %add3A_97, %select_n3A_94 : vector<32x1xi1>, vector<32x1xi32>
    %add3A_108 = arith.constant 8388608 : i32
    %add3A_109 = vector.broadcast %add3A_108 : i32 to vector<32x1xi32>
    %add3A_110 = arith.addi %select_n3A_107, %add3A_109 : vector<32x1xi32>
    %ge3A_111 = vector.broadcast %add3A_110 : vector<32x1xi32> to vector<32x3136xi32>
    %ge3A_112 = arith.cmpi sge, %select_n3A, %ge3A_111 : vector<32x3136xi32>
    %convert_element_type3A_113 = arith.extui %ge3A_112 : vector<32x3136xi1> to vector<32x3136xi32>
    %reduce_sum3A_114 = arith.constant dense<0> : vector<32xi32>
    %reduce_sum3A_115 = vector.multi_reduction <add>, %convert_element_type3A_113, %reduce_sum3A_114 [1] : vector<32x3136xi32> to vector<32xi32>
    %broadcast_in_dim3A_116 = vector.shape_cast %reduce_sum3A_115 : vector<32xi32> to vector<32x1xi32>
    %ge3A_117 = arith.constant 128 : i32
    %ge3A_118 = vector.broadcast %ge3A_117 : i32 to vector<32x1xi32>
    %ge3A_119 = arith.cmpi sge, %broadcast_in_dim3A_116, %ge3A_118 : vector<32x1xi32>
    %select_n3A_120 = arith.select %ge3A_119, %add3A_110, %select_n3A_107 : vector<32x1xi1>, vector<32x1xi32>
    %add3A_121 = arith.constant 4194304 : i32
    %add3A_122 = vector.broadcast %add3A_121 : i32 to vector<32x1xi32>
    %add3A_123 = arith.addi %select_n3A_120, %add3A_122 : vector<32x1xi32>
    %ge3A_124 = vector.broadcast %add3A_123 : vector<32x1xi32> to vector<32x3136xi32>
    %ge3A_125 = arith.cmpi sge, %select_n3A, %ge3A_124 : vector<32x3136xi32>
    %convert_element_type3A_126 = arith.extui %ge3A_125 : vector<32x3136xi1> to vector<32x3136xi32>
    %reduce_sum3A_127 = arith.constant dense<0> : vector<32xi32>
    %reduce_sum3A_128 = vector.multi_reduction <add>, %convert_element_type3A_126, %reduce_sum3A_127 [1] : vector<32x3136xi32> to vector<32xi32>
    %broadcast_in_dim3A_129 = vector.shape_cast %reduce_sum3A_128 : vector<32xi32> to vector<32x1xi32>
    %ge3A_130 = arith.constant 128 : i32
    %ge3A_131 = vector.broadcast %ge3A_130 : i32 to vector<32x1xi32>
    %ge3A_132 = arith.cmpi sge, %broadcast_in_dim3A_129, %ge3A_131 : vector<32x1xi32>
    %select_n3A_133 = arith.select %ge3A_132, %add3A_123, %select_n3A_120 : vector<32x1xi1>, vector<32x1xi32>
    %add3A_134 = arith.constant 2097152 : i32
    %add3A_135 = vector.broadcast %add3A_134 : i32 to vector<32x1xi32>
    %add3A_136 = arith.addi %select_n3A_133, %add3A_135 : vector<32x1xi32>
    %ge3A_137 = vector.broadcast %add3A_136 : vector<32x1xi32> to vector<32x3136xi32>
    %ge3A_138 = arith.cmpi sge, %select_n3A, %ge3A_137 : vector<32x3136xi32>
    %convert_element_type3A_139 = arith.extui %ge3A_138 : vector<32x3136xi1> to vector<32x3136xi32>
    %reduce_sum3A_140 = arith.constant dense<0> : vector<32xi32>
    %reduce_sum3A_141 = vector.multi_reduction <add>, %convert_element_type3A_139, %reduce_sum3A_140 [1] : vector<32x3136xi32> to vector<32xi32>
    %broadcast_in_dim3A_142 = vector.shape_cast %reduce_sum3A_141 : vector<32xi32> to vector<32x1xi32>
    %ge3A_143 = arith.constant 128 : i32
    %ge3A_144 = vector.broadcast %ge3A_143 : i32 to vector<32x1xi32>
    %ge3A_145 = arith.cmpi sge, %broadcast_in_dim3A_142, %ge3A_144 : vector<32x1xi32>
    %select_n3A_146 = arith.select %ge3A_145, %add3A_136, %select_n3A_133 : vector<32x1xi1>, vector<32x1xi32>
    %add3A_147 = arith.constant 1048576 : i32
    %add3A_148 = vector.broadcast %add3A_147 : i32 to vector<32x1xi32>
    %add3A_149 = arith.addi %select_n3A_146, %add3A_148 : vector<32x1xi32>
    %ge3A_150 = vector.broadcast %add3A_149 : vector<32x1xi32> to vector<32x3136xi32>
    %ge3A_151 = arith.cmpi sge, %select_n3A, %ge3A_150 : vector<32x3136xi32>
    %convert_element_type3A_152 = arith.extui %ge3A_151 : vector<32x3136xi1> to vector<32x3136xi32>
    %reduce_sum3A_153 = arith.constant dense<0> : vector<32xi32>
    %reduce_sum3A_154 = vector.multi_reduction <add>, %convert_element_type3A_152, %reduce_sum3A_153 [1] : vector<32x3136xi32> to vector<32xi32>
    %broadcast_in_dim3A_155 = vector.shape_cast %reduce_sum3A_154 : vector<32xi32> to vector<32x1xi32>
    %ge3A_156 = arith.constant 128 : i32
    %ge3A_157 = vector.broadcast %ge3A_156 : i32 to vector<32x1xi32>
    %ge3A_158 = arith.cmpi sge, %broadcast_in_dim3A_155, %ge3A_157 : vector<32x1xi32>
    %select_n3A_159 = arith.select %ge3A_158, %add3A_149, %select_n3A_146 : vector<32x1xi1>, vector<32x1xi32>
    %add3A_160 = arith.constant 524288 : i32
    %add3A_161 = vector.broadcast %add3A_160 : i32 to vector<32x1xi32>
    %add3A_162 = arith.addi %select_n3A_159, %add3A_161 : vector<32x1xi32>
    %ge3A_163 = vector.broadcast %add3A_162 : vector<32x1xi32> to vector<32x3136xi32>
    %ge3A_164 = arith.cmpi sge, %select_n3A, %ge3A_163 : vector<32x3136xi32>
    %convert_element_type3A_165 = arith.extui %ge3A_164 : vector<32x3136xi1> to vector<32x3136xi32>
    %reduce_sum3A_166 = arith.constant dense<0> : vector<32xi32>
    %reduce_sum3A_167 = vector.multi_reduction <add>, %convert_element_type3A_165, %reduce_sum3A_166 [1] : vector<32x3136xi32> to vector<32xi32>
    %broadcast_in_dim3A_168 = vector.shape_cast %reduce_sum3A_167 : vector<32xi32> to vector<32x1xi32>
    %ge3A_169 = arith.constant 128 : i32
    %ge3A_170 = vector.broadcast %ge3A_169 : i32 to vector<32x1xi32>
    %ge3A_171 = arith.cmpi sge, %broadcast_in_dim3A_168, %ge3A_170 : vector<32x1xi32>
    %select_n3A_172 = arith.select %ge3A_171, %add3A_162, %select_n3A_159 : vector<32x1xi1>, vector<32x1xi32>
    %add3A_173 = arith.constant 262144 : i32
    %add3A_174 = vector.broadcast %add3A_173 : i32 to vector<32x1xi32>
    %add3A_175 = arith.addi %select_n3A_172, %add3A_174 : vector<32x1xi32>
    %ge3A_176 = vector.broadcast %add3A_175 : vector<32x1xi32> to vector<32x3136xi32>
    %ge3A_177 = arith.cmpi sge, %select_n3A, %ge3A_176 : vector<32x3136xi32>
    %convert_element_type3A_178 = arith.extui %ge3A_177 : vector<32x3136xi1> to vector<32x3136xi32>
    %reduce_sum3A_179 = arith.constant dense<0> : vector<32xi32>
    %reduce_sum3A_180 = vector.multi_reduction <add>, %convert_element_type3A_178, %reduce_sum3A_179 [1] : vector<32x3136xi32> to vector<32xi32>
    %broadcast_in_dim3A_181 = vector.shape_cast %reduce_sum3A_180 : vector<32xi32> to vector<32x1xi32>
    %ge3A_182 = arith.constant 128 : i32
    %ge3A_183 = vector.broadcast %ge3A_182 : i32 to vector<32x1xi32>
    %ge3A_184 = arith.cmpi sge, %broadcast_in_dim3A_181, %ge3A_183 : vector<32x1xi32>
    %select_n3A_185 = arith.select %ge3A_184, %add3A_175, %select_n3A_172 : vector<32x1xi1>, vector<32x1xi32>
    %add3A_186 = arith.constant 131072 : i32
    %add3A_187 = vector.broadcast %add3A_186 : i32 to vector<32x1xi32>
    %add3A_188 = arith.addi %select_n3A_185, %add3A_187 : vector<32x1xi32>
    %ge3A_189 = vector.broadcast %add3A_188 : vector<32x1xi32> to vector<32x3136xi32>
    %ge3A_190 = arith.cmpi sge, %select_n3A, %ge3A_189 : vector<32x3136xi32>
    %convert_element_type3A_191 = arith.extui %ge3A_190 : vector<32x3136xi1> to vector<32x3136xi32>
    %reduce_sum3A_192 = arith.constant dense<0> : vector<32xi32>
    %reduce_sum3A_193 = vector.multi_reduction <add>, %convert_element_type3A_191, %reduce_sum3A_192 [1] : vector<32x3136xi32> to vector<32xi32>
    %broadcast_in_dim3A_194 = vector.shape_cast %reduce_sum3A_193 : vector<32xi32> to vector<32x1xi32>
    %ge3A_195 = arith.constant 128 : i32
    %ge3A_196 = vector.broadcast %ge3A_195 : i32 to vector<32x1xi32>
    %ge3A_197 = arith.cmpi sge, %broadcast_in_dim3A_194, %ge3A_196 : vector<32x1xi32>
    %select_n3A_198 = arith.select %ge3A_197, %add3A_188, %select_n3A_185 : vector<32x1xi1>, vector<32x1xi32>
    %add3A_199 = arith.constant 65536 : i32
    %add3A_200 = vector.broadcast %add3A_199 : i32 to vector<32x1xi32>
    %add3A_201 = arith.addi %select_n3A_198, %add3A_200 : vector<32x1xi32>
    %ge3A_202 = vector.broadcast %add3A_201 : vector<32x1xi32> to vector<32x3136xi32>
    %ge3A_203 = arith.cmpi sge, %select_n3A, %ge3A_202 : vector<32x3136xi32>
    %convert_element_type3A_204 = arith.extui %ge3A_203 : vector<32x3136xi1> to vector<32x3136xi32>
    %reduce_sum3A_205 = arith.constant dense<0> : vector<32xi32>
    %reduce_sum3A_206 = vector.multi_reduction <add>, %convert_element_type3A_204, %reduce_sum3A_205 [1] : vector<32x3136xi32> to vector<32xi32>
    %broadcast_in_dim3A_207 = vector.shape_cast %reduce_sum3A_206 : vector<32xi32> to vector<32x1xi32>
    %ge3A_208 = arith.constant 128 : i32
    %ge3A_209 = vector.broadcast %ge3A_208 : i32 to vector<32x1xi32>
    %ge3A_210 = arith.cmpi sge, %broadcast_in_dim3A_207, %ge3A_209 : vector<32x1xi32>
    %select_n3A_211 = arith.select %ge3A_210, %add3A_201, %select_n3A_198 : vector<32x1xi1>, vector<32x1xi32>
    %add3A_212 = arith.constant 32768 : i32
    %add3A_213 = vector.broadcast %add3A_212 : i32 to vector<32x1xi32>
    %add3A_214 = arith.addi %select_n3A_211, %add3A_213 : vector<32x1xi32>
    %ge3A_215 = vector.broadcast %add3A_214 : vector<32x1xi32> to vector<32x3136xi32>
    %ge3A_216 = arith.cmpi sge, %select_n3A, %ge3A_215 : vector<32x3136xi32>
    %convert_element_type3A_217 = arith.extui %ge3A_216 : vector<32x3136xi1> to vector<32x3136xi32>
    %reduce_sum3A_218 = arith.constant dense<0> : vector<32xi32>
    %reduce_sum3A_219 = vector.multi_reduction <add>, %convert_element_type3A_217, %reduce_sum3A_218 [1] : vector<32x3136xi32> to vector<32xi32>
    %broadcast_in_dim3A_220 = vector.shape_cast %reduce_sum3A_219 : vector<32xi32> to vector<32x1xi32>
    %ge3A_221 = arith.constant 128 : i32
    %ge3A_222 = vector.broadcast %ge3A_221 : i32 to vector<32x1xi32>
    %ge3A_223 = arith.cmpi sge, %broadcast_in_dim3A_220, %ge3A_222 : vector<32x1xi32>
    %select_n3A_224 = arith.select %ge3A_223, %add3A_214, %select_n3A_211 : vector<32x1xi1>, vector<32x1xi32>
    %add3A_225 = arith.constant 16384 : i32
    %add3A_226 = vector.broadcast %add3A_225 : i32 to vector<32x1xi32>
    %add3A_227 = arith.addi %select_n3A_224, %add3A_226 : vector<32x1xi32>
    %ge3A_228 = vector.broadcast %add3A_227 : vector<32x1xi32> to vector<32x3136xi32>
    %ge3A_229 = arith.cmpi sge, %select_n3A, %ge3A_228 : vector<32x3136xi32>
    %convert_element_type3A_230 = arith.extui %ge3A_229 : vector<32x3136xi1> to vector<32x3136xi32>
    %reduce_sum3A_231 = arith.constant dense<0> : vector<32xi32>
    %reduce_sum3A_232 = vector.multi_reduction <add>, %convert_element_type3A_230, %reduce_sum3A_231 [1] : vector<32x3136xi32> to vector<32xi32>
    %broadcast_in_dim3A_233 = vector.shape_cast %reduce_sum3A_232 : vector<32xi32> to vector<32x1xi32>
    %ge3A_234 = arith.constant 128 : i32
    %ge3A_235 = vector.broadcast %ge3A_234 : i32 to vector<32x1xi32>
    %ge3A_236 = arith.cmpi sge, %broadcast_in_dim3A_233, %ge3A_235 : vector<32x1xi32>
    %select_n3A_237 = arith.select %ge3A_236, %add3A_227, %select_n3A_224 : vector<32x1xi1>, vector<32x1xi32>
    %add3A_238 = arith.constant 8192 : i32
    %add3A_239 = vector.broadcast %add3A_238 : i32 to vector<32x1xi32>
    %add3A_240 = arith.addi %select_n3A_237, %add3A_239 : vector<32x1xi32>
    %ge3A_241 = vector.broadcast %add3A_240 : vector<32x1xi32> to vector<32x3136xi32>
    %ge3A_242 = arith.cmpi sge, %select_n3A, %ge3A_241 : vector<32x3136xi32>
    %convert_element_type3A_243 = arith.extui %ge3A_242 : vector<32x3136xi1> to vector<32x3136xi32>
    %reduce_sum3A_244 = arith.constant dense<0> : vector<32xi32>
    %reduce_sum3A_245 = vector.multi_reduction <add>, %convert_element_type3A_243, %reduce_sum3A_244 [1] : vector<32x3136xi32> to vector<32xi32>
    %broadcast_in_dim3A_246 = vector.shape_cast %reduce_sum3A_245 : vector<32xi32> to vector<32x1xi32>
    %ge3A_247 = arith.constant 128 : i32
    %ge3A_248 = vector.broadcast %ge3A_247 : i32 to vector<32x1xi32>
    %ge3A_249 = arith.cmpi sge, %broadcast_in_dim3A_246, %ge3A_248 : vector<32x1xi32>
    %select_n3A_250 = arith.select %ge3A_249, %add3A_240, %select_n3A_237 : vector<32x1xi1>, vector<32x1xi32>
    %add3A_251 = arith.constant 4096 : i32
    %add3A_252 = vector.broadcast %add3A_251 : i32 to vector<32x1xi32>
    %add3A_253 = arith.addi %select_n3A_250, %add3A_252 : vector<32x1xi32>
    %ge3A_254 = vector.broadcast %add3A_253 : vector<32x1xi32> to vector<32x3136xi32>
    %ge3A_255 = arith.cmpi sge, %select_n3A, %ge3A_254 : vector<32x3136xi32>
    %convert_element_type3A_256 = arith.extui %ge3A_255 : vector<32x3136xi1> to vector<32x3136xi32>
    %reduce_sum3A_257 = arith.constant dense<0> : vector<32xi32>
    %reduce_sum3A_258 = vector.multi_reduction <add>, %convert_element_type3A_256, %reduce_sum3A_257 [1] : vector<32x3136xi32> to vector<32xi32>
    %broadcast_in_dim3A_259 = vector.shape_cast %reduce_sum3A_258 : vector<32xi32> to vector<32x1xi32>
    %ge3A_260 = arith.constant 128 : i32
    %ge3A_261 = vector.broadcast %ge3A_260 : i32 to vector<32x1xi32>
    %ge3A_262 = arith.cmpi sge, %broadcast_in_dim3A_259, %ge3A_261 : vector<32x1xi32>
    %select_n3A_263 = arith.select %ge3A_262, %add3A_253, %select_n3A_250 : vector<32x1xi1>, vector<32x1xi32>
    %add3A_264 = arith.constant 2048 : i32
    %add3A_265 = vector.broadcast %add3A_264 : i32 to vector<32x1xi32>
    %add3A_266 = arith.addi %select_n3A_263, %add3A_265 : vector<32x1xi32>
    %ge3A_267 = vector.broadcast %add3A_266 : vector<32x1xi32> to vector<32x3136xi32>
    %ge3A_268 = arith.cmpi sge, %select_n3A, %ge3A_267 : vector<32x3136xi32>
    %convert_element_type3A_269 = arith.extui %ge3A_268 : vector<32x3136xi1> to vector<32x3136xi32>
    %reduce_sum3A_270 = arith.constant dense<0> : vector<32xi32>
    %reduce_sum3A_271 = vector.multi_reduction <add>, %convert_element_type3A_269, %reduce_sum3A_270 [1] : vector<32x3136xi32> to vector<32xi32>
    %broadcast_in_dim3A_272 = vector.shape_cast %reduce_sum3A_271 : vector<32xi32> to vector<32x1xi32>
    %ge3A_273 = arith.constant 128 : i32
    %ge3A_274 = vector.broadcast %ge3A_273 : i32 to vector<32x1xi32>
    %ge3A_275 = arith.cmpi sge, %broadcast_in_dim3A_272, %ge3A_274 : vector<32x1xi32>
    %select_n3A_276 = arith.select %ge3A_275, %add3A_266, %select_n3A_263 : vector<32x1xi1>, vector<32x1xi32>
    %add3A_277 = arith.constant 1024 : i32
    %add3A_278 = vector.broadcast %add3A_277 : i32 to vector<32x1xi32>
    %add3A_279 = arith.addi %select_n3A_276, %add3A_278 : vector<32x1xi32>
    %ge3A_280 = vector.broadcast %add3A_279 : vector<32x1xi32> to vector<32x3136xi32>
    %ge3A_281 = arith.cmpi sge, %select_n3A, %ge3A_280 : vector<32x3136xi32>
    %convert_element_type3A_282 = arith.extui %ge3A_281 : vector<32x3136xi1> to vector<32x3136xi32>
    %reduce_sum3A_283 = arith.constant dense<0> : vector<32xi32>
    %reduce_sum3A_284 = vector.multi_reduction <add>, %convert_element_type3A_282, %reduce_sum3A_283 [1] : vector<32x3136xi32> to vector<32xi32>
    %broadcast_in_dim3A_285 = vector.shape_cast %reduce_sum3A_284 : vector<32xi32> to vector<32x1xi32>
    %ge3A_286 = arith.constant 128 : i32
    %ge3A_287 = vector.broadcast %ge3A_286 : i32 to vector<32x1xi32>
    %ge3A_288 = arith.cmpi sge, %broadcast_in_dim3A_285, %ge3A_287 : vector<32x1xi32>
    %select_n3A_289 = arith.select %ge3A_288, %add3A_279, %select_n3A_276 : vector<32x1xi1>, vector<32x1xi32>
    %add3A_290 = arith.constant 512 : i32
    %add3A_291 = vector.broadcast %add3A_290 : i32 to vector<32x1xi32>
    %add3A_292 = arith.addi %select_n3A_289, %add3A_291 : vector<32x1xi32>
    %ge3A_293 = vector.broadcast %add3A_292 : vector<32x1xi32> to vector<32x3136xi32>
    %ge3A_294 = arith.cmpi sge, %select_n3A, %ge3A_293 : vector<32x3136xi32>
    %convert_element_type3A_295 = arith.extui %ge3A_294 : vector<32x3136xi1> to vector<32x3136xi32>
    %reduce_sum3A_296 = arith.constant dense<0> : vector<32xi32>
    %reduce_sum3A_297 = vector.multi_reduction <add>, %convert_element_type3A_295, %reduce_sum3A_296 [1] : vector<32x3136xi32> to vector<32xi32>
    %broadcast_in_dim3A_298 = vector.shape_cast %reduce_sum3A_297 : vector<32xi32> to vector<32x1xi32>
    %ge3A_299 = arith.constant 128 : i32
    %ge3A_300 = vector.broadcast %ge3A_299 : i32 to vector<32x1xi32>
    %ge3A_301 = arith.cmpi sge, %broadcast_in_dim3A_298, %ge3A_300 : vector<32x1xi32>
    %select_n3A_302 = arith.select %ge3A_301, %add3A_292, %select_n3A_289 : vector<32x1xi1>, vector<32x1xi32>
    %add3A_303 = arith.constant 256 : i32
    %add3A_304 = vector.broadcast %add3A_303 : i32 to vector<32x1xi32>
    %add3A_305 = arith.addi %select_n3A_302, %add3A_304 : vector<32x1xi32>
    %ge3A_306 = vector.broadcast %add3A_305 : vector<32x1xi32> to vector<32x3136xi32>
    %ge3A_307 = arith.cmpi sge, %select_n3A, %ge3A_306 : vector<32x3136xi32>
    %convert_element_type3A_308 = arith.extui %ge3A_307 : vector<32x3136xi1> to vector<32x3136xi32>
    %reduce_sum3A_309 = arith.constant dense<0> : vector<32xi32>
    %reduce_sum3A_310 = vector.multi_reduction <add>, %convert_element_type3A_308, %reduce_sum3A_309 [1] : vector<32x3136xi32> to vector<32xi32>
    %broadcast_in_dim3A_311 = vector.shape_cast %reduce_sum3A_310 : vector<32xi32> to vector<32x1xi32>
    %ge3A_312 = arith.constant 128 : i32
    %ge3A_313 = vector.broadcast %ge3A_312 : i32 to vector<32x1xi32>
    %ge3A_314 = arith.cmpi sge, %broadcast_in_dim3A_311, %ge3A_313 : vector<32x1xi32>
    %select_n3A_315 = arith.select %ge3A_314, %add3A_305, %select_n3A_302 : vector<32x1xi1>, vector<32x1xi32>
    %add3A_316 = arith.constant 128 : i32
    %add3A_317 = vector.broadcast %add3A_316 : i32 to vector<32x1xi32>
    %add3A_318 = arith.addi %select_n3A_315, %add3A_317 : vector<32x1xi32>
    %ge3A_319 = vector.broadcast %add3A_318 : vector<32x1xi32> to vector<32x3136xi32>
    %ge3A_320 = arith.cmpi sge, %select_n3A, %ge3A_319 : vector<32x3136xi32>
    %convert_element_type3A_321 = arith.extui %ge3A_320 : vector<32x3136xi1> to vector<32x3136xi32>
    %reduce_sum3A_322 = arith.constant dense<0> : vector<32xi32>
    %reduce_sum3A_323 = vector.multi_reduction <add>, %convert_element_type3A_321, %reduce_sum3A_322 [1] : vector<32x3136xi32> to vector<32xi32>
    %broadcast_in_dim3A_324 = vector.shape_cast %reduce_sum3A_323 : vector<32xi32> to vector<32x1xi32>
    %ge3A_325 = arith.constant 128 : i32
    %ge3A_326 = vector.broadcast %ge3A_325 : i32 to vector<32x1xi32>
    %ge3A_327 = arith.cmpi sge, %broadcast_in_dim3A_324, %ge3A_326 : vector<32x1xi32>
    %select_n3A_328 = arith.select %ge3A_327, %add3A_318, %select_n3A_315 : vector<32x1xi1>, vector<32x1xi32>
    %add3A_329 = arith.constant 64 : i32
    %add3A_330 = vector.broadcast %add3A_329 : i32 to vector<32x1xi32>
    %add3A_331 = arith.addi %select_n3A_328, %add3A_330 : vector<32x1xi32>
    %ge3A_332 = vector.broadcast %add3A_331 : vector<32x1xi32> to vector<32x3136xi32>
    %ge3A_333 = arith.cmpi sge, %select_n3A, %ge3A_332 : vector<32x3136xi32>
    %convert_element_type3A_334 = arith.extui %ge3A_333 : vector<32x3136xi1> to vector<32x3136xi32>
    %reduce_sum3A_335 = arith.constant dense<0> : vector<32xi32>
    %reduce_sum3A_336 = vector.multi_reduction <add>, %convert_element_type3A_334, %reduce_sum3A_335 [1] : vector<32x3136xi32> to vector<32xi32>
    %broadcast_in_dim3A_337 = vector.shape_cast %reduce_sum3A_336 : vector<32xi32> to vector<32x1xi32>
    %ge3A_338 = arith.constant 128 : i32
    %ge3A_339 = vector.broadcast %ge3A_338 : i32 to vector<32x1xi32>
    %ge3A_340 = arith.cmpi sge, %broadcast_in_dim3A_337, %ge3A_339 : vector<32x1xi32>
    %select_n3A_341 = arith.select %ge3A_340, %add3A_331, %select_n3A_328 : vector<32x1xi1>, vector<32x1xi32>
    %add3A_342 = arith.constant 32 : i32
    %add3A_343 = vector.broadcast %add3A_342 : i32 to vector<32x1xi32>
    %add3A_344 = arith.addi %select_n3A_341, %add3A_343 : vector<32x1xi32>
    %ge3A_345 = vector.broadcast %add3A_344 : vector<32x1xi32> to vector<32x3136xi32>
    %ge3A_346 = arith.cmpi sge, %select_n3A, %ge3A_345 : vector<32x3136xi32>
    %convert_element_type3A_347 = arith.extui %ge3A_346 : vector<32x3136xi1> to vector<32x3136xi32>
    %reduce_sum3A_348 = arith.constant dense<0> : vector<32xi32>
    %reduce_sum3A_349 = vector.multi_reduction <add>, %convert_element_type3A_347, %reduce_sum3A_348 [1] : vector<32x3136xi32> to vector<32xi32>
    %broadcast_in_dim3A_350 = vector.shape_cast %reduce_sum3A_349 : vector<32xi32> to vector<32x1xi32>
    %ge3A_351 = arith.constant 128 : i32
    %ge3A_352 = vector.broadcast %ge3A_351 : i32 to vector<32x1xi32>
    %ge3A_353 = arith.cmpi sge, %broadcast_in_dim3A_350, %ge3A_352 : vector<32x1xi32>
    %select_n3A_354 = arith.select %ge3A_353, %add3A_344, %select_n3A_341 : vector<32x1xi1>, vector<32x1xi32>
    %add3A_355 = arith.constant 16 : i32
    %add3A_356 = vector.broadcast %add3A_355 : i32 to vector<32x1xi32>
    %add3A_357 = arith.addi %select_n3A_354, %add3A_356 : vector<32x1xi32>
    %ge3A_358 = vector.broadcast %add3A_357 : vector<32x1xi32> to vector<32x3136xi32>
    %ge3A_359 = arith.cmpi sge, %select_n3A, %ge3A_358 : vector<32x3136xi32>
    %convert_element_type3A_360 = arith.extui %ge3A_359 : vector<32x3136xi1> to vector<32x3136xi32>
    %reduce_sum3A_361 = arith.constant dense<0> : vector<32xi32>
    %reduce_sum3A_362 = vector.multi_reduction <add>, %convert_element_type3A_360, %reduce_sum3A_361 [1] : vector<32x3136xi32> to vector<32xi32>
    %broadcast_in_dim3A_363 = vector.shape_cast %reduce_sum3A_362 : vector<32xi32> to vector<32x1xi32>
    %ge3A_364 = arith.constant 128 : i32
    %ge3A_365 = vector.broadcast %ge3A_364 : i32 to vector<32x1xi32>
    %ge3A_366 = arith.cmpi sge, %broadcast_in_dim3A_363, %ge3A_365 : vector<32x1xi32>
    %select_n3A_367 = arith.select %ge3A_366, %add3A_357, %select_n3A_354 : vector<32x1xi1>, vector<32x1xi32>
    %add3A_368 = arith.constant 8 : i32
    %add3A_369 = vector.broadcast %add3A_368 : i32 to vector<32x1xi32>
    %add3A_370 = arith.addi %select_n3A_367, %add3A_369 : vector<32x1xi32>
    %ge3A_371 = vector.broadcast %add3A_370 : vector<32x1xi32> to vector<32x3136xi32>
    %ge3A_372 = arith.cmpi sge, %select_n3A, %ge3A_371 : vector<32x3136xi32>
    %convert_element_type3A_373 = arith.extui %ge3A_372 : vector<32x3136xi1> to vector<32x3136xi32>
    %reduce_sum3A_374 = arith.constant dense<0> : vector<32xi32>
    %reduce_sum3A_375 = vector.multi_reduction <add>, %convert_element_type3A_373, %reduce_sum3A_374 [1] : vector<32x3136xi32> to vector<32xi32>
    %broadcast_in_dim3A_376 = vector.shape_cast %reduce_sum3A_375 : vector<32xi32> to vector<32x1xi32>
    %ge3A_377 = arith.constant 128 : i32
    %ge3A_378 = vector.broadcast %ge3A_377 : i32 to vector<32x1xi32>
    %ge3A_379 = arith.cmpi sge, %broadcast_in_dim3A_376, %ge3A_378 : vector<32x1xi32>
    %select_n3A_380 = arith.select %ge3A_379, %add3A_370, %select_n3A_367 : vector<32x1xi1>, vector<32x1xi32>
    %add3A_381 = arith.constant 4 : i32
    %add3A_382 = vector.broadcast %add3A_381 : i32 to vector<32x1xi32>
    %add3A_383 = arith.addi %select_n3A_380, %add3A_382 : vector<32x1xi32>
    %ge3A_384 = vector.broadcast %add3A_383 : vector<32x1xi32> to vector<32x3136xi32>
    %ge3A_385 = arith.cmpi sge, %select_n3A, %ge3A_384 : vector<32x3136xi32>
    %convert_element_type3A_386 = arith.extui %ge3A_385 : vector<32x3136xi1> to vector<32x3136xi32>
    %reduce_sum3A_387 = arith.constant dense<0> : vector<32xi32>
    %reduce_sum3A_388 = vector.multi_reduction <add>, %convert_element_type3A_386, %reduce_sum3A_387 [1] : vector<32x3136xi32> to vector<32xi32>
    %broadcast_in_dim3A_389 = vector.shape_cast %reduce_sum3A_388 : vector<32xi32> to vector<32x1xi32>
    %ge3A_390 = arith.constant 128 : i32
    %ge3A_391 = vector.broadcast %ge3A_390 : i32 to vector<32x1xi32>
    %ge3A_392 = arith.cmpi sge, %broadcast_in_dim3A_389, %ge3A_391 : vector<32x1xi32>
    %select_n3A_393 = arith.select %ge3A_392, %add3A_383, %select_n3A_380 : vector<32x1xi1>, vector<32x1xi32>
    %add3A_394 = arith.constant 2 : i32
    %add3A_395 = vector.broadcast %add3A_394 : i32 to vector<32x1xi32>
    %add3A_396 = arith.addi %select_n3A_393, %add3A_395 : vector<32x1xi32>
    %ge3A_397 = vector.broadcast %add3A_396 : vector<32x1xi32> to vector<32x3136xi32>
    %ge3A_398 = arith.cmpi sge, %select_n3A, %ge3A_397 : vector<32x3136xi32>
    %convert_element_type3A_399 = arith.extui %ge3A_398 : vector<32x3136xi1> to vector<32x3136xi32>
    %reduce_sum3A_400 = arith.constant dense<0> : vector<32xi32>
    %reduce_sum3A_401 = vector.multi_reduction <add>, %convert_element_type3A_399, %reduce_sum3A_400 [1] : vector<32x3136xi32> to vector<32xi32>
    %broadcast_in_dim3A_402 = vector.shape_cast %reduce_sum3A_401 : vector<32xi32> to vector<32x1xi32>
    %ge3A_403 = arith.constant 128 : i32
    %ge3A_404 = vector.broadcast %ge3A_403 : i32 to vector<32x1xi32>
    %ge3A_405 = arith.cmpi sge, %broadcast_in_dim3A_402, %ge3A_404 : vector<32x1xi32>
    %select_n3A_406 = arith.select %ge3A_405, %add3A_396, %select_n3A_393 : vector<32x1xi1>, vector<32x1xi32>
    %add3A_407 = arith.constant 1 : i32
    %add3A_408 = vector.broadcast %add3A_407 : i32 to vector<32x1xi32>
    %add3A_409 = arith.addi %select_n3A_406, %add3A_408 : vector<32x1xi32>
    %ge3A_410 = vector.broadcast %add3A_409 : vector<32x1xi32> to vector<32x3136xi32>
    %ge3A_411 = arith.cmpi sge, %select_n3A, %ge3A_410 : vector<32x3136xi32>
    %convert_element_type3A_412 = arith.extui %ge3A_411 : vector<32x3136xi1> to vector<32x3136xi32>
    %reduce_sum3A_413 = arith.constant dense<0> : vector<32xi32>
    %reduce_sum3A_414 = vector.multi_reduction <add>, %convert_element_type3A_412, %reduce_sum3A_413 [1] : vector<32x3136xi32> to vector<32xi32>
    %broadcast_in_dim3A_415 = vector.shape_cast %reduce_sum3A_414 : vector<32xi32> to vector<32x1xi32>
    %ge3A_416 = arith.constant 128 : i32
    %ge3A_417 = vector.broadcast %ge3A_416 : i32 to vector<32x1xi32>
    %ge3A_418 = arith.cmpi sge, %broadcast_in_dim3A_415, %ge3A_417 : vector<32x1xi32>
    %select_n3A_419 = arith.select %ge3A_418, %add3A_409, %select_n3A_406 : vector<32x1xi1>, vector<32x1xi32>
    %gt3A = vector.broadcast %select_n3A_419 : vector<32x1xi32> to vector<32x3136xi32>
    %gt3A_420 = arith.cmpi sgt, %select_n3A, %gt3A : vector<32x3136xi32>
    %convert_element_type3A_421 = arith.extui %gt3A_420 : vector<32x3136xi1> to vector<32x3136xi32>
    %reduce_sum3A_422 = arith.constant dense<0> : vector<32xi32>
    %reduce_sum3A_423 = vector.multi_reduction <add>, %convert_element_type3A_421, %reduce_sum3A_422 [1] : vector<32x3136xi32> to vector<32xi32>
    %broadcast_in_dim3A_424 = vector.shape_cast %reduce_sum3A_423 : vector<32xi32> to vector<32x1xi32>
    %eq3A = vector.broadcast %select_n3A_419 : vector<32x1xi32> to vector<32x3136xi32>
    %eq3A_425 = arith.cmpi eq, %select_n3A, %eq3A : vector<32x3136xi32>
    %convert_element_type3A_426 = arith.extui %eq3A_425 : vector<32x3136xi1> to vector<32x3136xi32>
    %reduce_sum3A_427 = arith.constant dense<0> : vector<32xi32>
    %reduce_sum3A_428 = vector.multi_reduction <add>, %convert_element_type3A_426, %reduce_sum3A_427 [1] : vector<32x3136xi32> to vector<32xi32>
    %broadcast_in_dim3A_429 = vector.shape_cast %reduce_sum3A_428 : vector<32xi32> to vector<32x1xi32>
    %sub3A = arith.constant 128 : i32
    %sub3A_430 = vector.broadcast %sub3A : i32 to vector<32x1xi32>
    %sub3A_431 = arith.subi %sub3A_430, %broadcast_in_dim3A_424 : vector<32x1xi32>
    %sub3A_432 = arith.subi %broadcast_in_dim3A_429, %sub3A_431 : vector<32x1xi32>
    %add3A_433 = arith.constant 1 : i32
    %add3A_434 = vector.broadcast %add3A_433 : i32 to vector<32x1xi32>
    %add3A_435 = arith.addi %sub3A_432, %add3A_434 : vector<32x1xi32>
    %broadcast_in_dim3A_436 = arith.constant 0 : i32
    %broadcast_in_dim3A_437 = vector.broadcast %broadcast_in_dim3A_436 : i32 to vector<32x1xi32>
    %add3A_438 = arith.constant 2048 : i32
    %add3A_439 = vector.broadcast %add3A_438 : i32 to vector<32x1xi32>
    %add3A_440 = arith.addi %broadcast_in_dim3A_437, %add3A_439 : vector<32x1xi32>
    %ge3A_441 = vector.broadcast %add3A_440 : vector<32x1xi32> to vector<32x3136xi32>
    %ge3A_442 = arith.cmpi sge, %iota3A, %ge3A_441 : vector<32x3136xi32>
    %and3A = arith.andi %eq3A_425, %ge3A_442 : vector<32x3136xi1>
    %convert_element_type3A_443 = arith.extui %and3A : vector<32x3136xi1> to vector<32x3136xi32>
    %reduce_sum3A_444 = arith.constant dense<0> : vector<32xi32>
    %reduce_sum3A_445 = vector.multi_reduction <add>, %convert_element_type3A_443, %reduce_sum3A_444 [1] : vector<32x3136xi32> to vector<32xi32>
    %broadcast_in_dim3A_446 = vector.shape_cast %reduce_sum3A_445 : vector<32xi32> to vector<32x1xi32>
    %ge3A_447 = arith.cmpi sge, %broadcast_in_dim3A_446, %add3A_435 : vector<32x1xi32>
    %select_n3A_448 = arith.select %ge3A_447, %add3A_440, %broadcast_in_dim3A_437 : vector<32x1xi1>, vector<32x1xi32>
    %add3A_449 = arith.constant 1024 : i32
    %add3A_450 = vector.broadcast %add3A_449 : i32 to vector<32x1xi32>
    %add3A_451 = arith.addi %select_n3A_448, %add3A_450 : vector<32x1xi32>
    %ge3A_452 = vector.broadcast %add3A_451 : vector<32x1xi32> to vector<32x3136xi32>
    %ge3A_453 = arith.cmpi sge, %iota3A, %ge3A_452 : vector<32x3136xi32>
    %and3A_454 = arith.andi %eq3A_425, %ge3A_453 : vector<32x3136xi1>
    %convert_element_type3A_455 = arith.extui %and3A_454 : vector<32x3136xi1> to vector<32x3136xi32>
    %reduce_sum3A_456 = arith.constant dense<0> : vector<32xi32>
    %reduce_sum3A_457 = vector.multi_reduction <add>, %convert_element_type3A_455, %reduce_sum3A_456 [1] : vector<32x3136xi32> to vector<32xi32>
    %broadcast_in_dim3A_458 = vector.shape_cast %reduce_sum3A_457 : vector<32xi32> to vector<32x1xi32>
    %ge3A_459 = arith.cmpi sge, %broadcast_in_dim3A_458, %add3A_435 : vector<32x1xi32>
    %select_n3A_460 = arith.select %ge3A_459, %add3A_451, %select_n3A_448 : vector<32x1xi1>, vector<32x1xi32>
    %add3A_461 = arith.constant 512 : i32
    %add3A_462 = vector.broadcast %add3A_461 : i32 to vector<32x1xi32>
    %add3A_463 = arith.addi %select_n3A_460, %add3A_462 : vector<32x1xi32>
    %ge3A_464 = vector.broadcast %add3A_463 : vector<32x1xi32> to vector<32x3136xi32>
    %ge3A_465 = arith.cmpi sge, %iota3A, %ge3A_464 : vector<32x3136xi32>
    %and3A_466 = arith.andi %eq3A_425, %ge3A_465 : vector<32x3136xi1>
    %convert_element_type3A_467 = arith.extui %and3A_466 : vector<32x3136xi1> to vector<32x3136xi32>
    %reduce_sum3A_468 = arith.constant dense<0> : vector<32xi32>
    %reduce_sum3A_469 = vector.multi_reduction <add>, %convert_element_type3A_467, %reduce_sum3A_468 [1] : vector<32x3136xi32> to vector<32xi32>
    %broadcast_in_dim3A_470 = vector.shape_cast %reduce_sum3A_469 : vector<32xi32> to vector<32x1xi32>
    %ge3A_471 = arith.cmpi sge, %broadcast_in_dim3A_470, %add3A_435 : vector<32x1xi32>
    %select_n3A_472 = arith.select %ge3A_471, %add3A_463, %select_n3A_460 : vector<32x1xi1>, vector<32x1xi32>
    %add3A_473 = arith.constant 256 : i32
    %add3A_474 = vector.broadcast %add3A_473 : i32 to vector<32x1xi32>
    %add3A_475 = arith.addi %select_n3A_472, %add3A_474 : vector<32x1xi32>
    %ge3A_476 = vector.broadcast %add3A_475 : vector<32x1xi32> to vector<32x3136xi32>
    %ge3A_477 = arith.cmpi sge, %iota3A, %ge3A_476 : vector<32x3136xi32>
    %and3A_478 = arith.andi %eq3A_425, %ge3A_477 : vector<32x3136xi1>
    %convert_element_type3A_479 = arith.extui %and3A_478 : vector<32x3136xi1> to vector<32x3136xi32>
    %reduce_sum3A_480 = arith.constant dense<0> : vector<32xi32>
    %reduce_sum3A_481 = vector.multi_reduction <add>, %convert_element_type3A_479, %reduce_sum3A_480 [1] : vector<32x3136xi32> to vector<32xi32>
    %broadcast_in_dim3A_482 = vector.shape_cast %reduce_sum3A_481 : vector<32xi32> to vector<32x1xi32>
    %ge3A_483 = arith.cmpi sge, %broadcast_in_dim3A_482, %add3A_435 : vector<32x1xi32>
    %select_n3A_484 = arith.select %ge3A_483, %add3A_475, %select_n3A_472 : vector<32x1xi1>, vector<32x1xi32>
    %add3A_485 = arith.constant 128 : i32
    %add3A_486 = vector.broadcast %add3A_485 : i32 to vector<32x1xi32>
    %add3A_487 = arith.addi %select_n3A_484, %add3A_486 : vector<32x1xi32>
    %ge3A_488 = vector.broadcast %add3A_487 : vector<32x1xi32> to vector<32x3136xi32>
    %ge3A_489 = arith.cmpi sge, %iota3A, %ge3A_488 : vector<32x3136xi32>
    %and3A_490 = arith.andi %eq3A_425, %ge3A_489 : vector<32x3136xi1>
    %convert_element_type3A_491 = arith.extui %and3A_490 : vector<32x3136xi1> to vector<32x3136xi32>
    %reduce_sum3A_492 = arith.constant dense<0> : vector<32xi32>
    %reduce_sum3A_493 = vector.multi_reduction <add>, %convert_element_type3A_491, %reduce_sum3A_492 [1] : vector<32x3136xi32> to vector<32xi32>
    %broadcast_in_dim3A_494 = vector.shape_cast %reduce_sum3A_493 : vector<32xi32> to vector<32x1xi32>
    %ge3A_495 = arith.cmpi sge, %broadcast_in_dim3A_494, %add3A_435 : vector<32x1xi32>
    %select_n3A_496 = arith.select %ge3A_495, %add3A_487, %select_n3A_484 : vector<32x1xi1>, vector<32x1xi32>
    %add3A_497 = arith.constant 64 : i32
    %add3A_498 = vector.broadcast %add3A_497 : i32 to vector<32x1xi32>
    %add3A_499 = arith.addi %select_n3A_496, %add3A_498 : vector<32x1xi32>
    %ge3A_500 = vector.broadcast %add3A_499 : vector<32x1xi32> to vector<32x3136xi32>
    %ge3A_501 = arith.cmpi sge, %iota3A, %ge3A_500 : vector<32x3136xi32>
    %and3A_502 = arith.andi %eq3A_425, %ge3A_501 : vector<32x3136xi1>
    %convert_element_type3A_503 = arith.extui %and3A_502 : vector<32x3136xi1> to vector<32x3136xi32>
    %reduce_sum3A_504 = arith.constant dense<0> : vector<32xi32>
    %reduce_sum3A_505 = vector.multi_reduction <add>, %convert_element_type3A_503, %reduce_sum3A_504 [1] : vector<32x3136xi32> to vector<32xi32>
    %broadcast_in_dim3A_506 = vector.shape_cast %reduce_sum3A_505 : vector<32xi32> to vector<32x1xi32>
    %ge3A_507 = arith.cmpi sge, %broadcast_in_dim3A_506, %add3A_435 : vector<32x1xi32>
    %select_n3A_508 = arith.select %ge3A_507, %add3A_499, %select_n3A_496 : vector<32x1xi1>, vector<32x1xi32>
    %add3A_509 = arith.constant 32 : i32
    %add3A_510 = vector.broadcast %add3A_509 : i32 to vector<32x1xi32>
    %add3A_511 = arith.addi %select_n3A_508, %add3A_510 : vector<32x1xi32>
    %ge3A_512 = vector.broadcast %add3A_511 : vector<32x1xi32> to vector<32x3136xi32>
    %ge3A_513 = arith.cmpi sge, %iota3A, %ge3A_512 : vector<32x3136xi32>
    %and3A_514 = arith.andi %eq3A_425, %ge3A_513 : vector<32x3136xi1>
    %convert_element_type3A_515 = arith.extui %and3A_514 : vector<32x3136xi1> to vector<32x3136xi32>
    %reduce_sum3A_516 = arith.constant dense<0> : vector<32xi32>
    %reduce_sum3A_517 = vector.multi_reduction <add>, %convert_element_type3A_515, %reduce_sum3A_516 [1] : vector<32x3136xi32> to vector<32xi32>
    %broadcast_in_dim3A_518 = vector.shape_cast %reduce_sum3A_517 : vector<32xi32> to vector<32x1xi32>
    %ge3A_519 = arith.cmpi sge, %broadcast_in_dim3A_518, %add3A_435 : vector<32x1xi32>
    %select_n3A_520 = arith.select %ge3A_519, %add3A_511, %select_n3A_508 : vector<32x1xi1>, vector<32x1xi32>
    %add3A_521 = arith.constant 16 : i32
    %add3A_522 = vector.broadcast %add3A_521 : i32 to vector<32x1xi32>
    %add3A_523 = arith.addi %select_n3A_520, %add3A_522 : vector<32x1xi32>
    %ge3A_524 = vector.broadcast %add3A_523 : vector<32x1xi32> to vector<32x3136xi32>
    %ge3A_525 = arith.cmpi sge, %iota3A, %ge3A_524 : vector<32x3136xi32>
    %and3A_526 = arith.andi %eq3A_425, %ge3A_525 : vector<32x3136xi1>
    %convert_element_type3A_527 = arith.extui %and3A_526 : vector<32x3136xi1> to vector<32x3136xi32>
    %reduce_sum3A_528 = arith.constant dense<0> : vector<32xi32>
    %reduce_sum3A_529 = vector.multi_reduction <add>, %convert_element_type3A_527, %reduce_sum3A_528 [1] : vector<32x3136xi32> to vector<32xi32>
    %broadcast_in_dim3A_530 = vector.shape_cast %reduce_sum3A_529 : vector<32xi32> to vector<32x1xi32>
    %ge3A_531 = arith.cmpi sge, %broadcast_in_dim3A_530, %add3A_435 : vector<32x1xi32>
    %select_n3A_532 = arith.select %ge3A_531, %add3A_523, %select_n3A_520 : vector<32x1xi1>, vector<32x1xi32>
    %add3A_533 = arith.constant 8 : i32
    %add3A_534 = vector.broadcast %add3A_533 : i32 to vector<32x1xi32>
    %add3A_535 = arith.addi %select_n3A_532, %add3A_534 : vector<32x1xi32>
    %ge3A_536 = vector.broadcast %add3A_535 : vector<32x1xi32> to vector<32x3136xi32>
    %ge3A_537 = arith.cmpi sge, %iota3A, %ge3A_536 : vector<32x3136xi32>
    %and3A_538 = arith.andi %eq3A_425, %ge3A_537 : vector<32x3136xi1>
    %convert_element_type3A_539 = arith.extui %and3A_538 : vector<32x3136xi1> to vector<32x3136xi32>
    %reduce_sum3A_540 = arith.constant dense<0> : vector<32xi32>
    %reduce_sum3A_541 = vector.multi_reduction <add>, %convert_element_type3A_539, %reduce_sum3A_540 [1] : vector<32x3136xi32> to vector<32xi32>
    %broadcast_in_dim3A_542 = vector.shape_cast %reduce_sum3A_541 : vector<32xi32> to vector<32x1xi32>
    %ge3A_543 = arith.cmpi sge, %broadcast_in_dim3A_542, %add3A_435 : vector<32x1xi32>
    %select_n3A_544 = arith.select %ge3A_543, %add3A_535, %select_n3A_532 : vector<32x1xi1>, vector<32x1xi32>
    %add3A_545 = arith.constant 4 : i32
    %add3A_546 = vector.broadcast %add3A_545 : i32 to vector<32x1xi32>
    %add3A_547 = arith.addi %select_n3A_544, %add3A_546 : vector<32x1xi32>
    %ge3A_548 = vector.broadcast %add3A_547 : vector<32x1xi32> to vector<32x3136xi32>
    %ge3A_549 = arith.cmpi sge, %iota3A, %ge3A_548 : vector<32x3136xi32>
    %and3A_550 = arith.andi %eq3A_425, %ge3A_549 : vector<32x3136xi1>
    %convert_element_type3A_551 = arith.extui %and3A_550 : vector<32x3136xi1> to vector<32x3136xi32>
    %reduce_sum3A_552 = arith.constant dense<0> : vector<32xi32>
    %reduce_sum3A_553 = vector.multi_reduction <add>, %convert_element_type3A_551, %reduce_sum3A_552 [1] : vector<32x3136xi32> to vector<32xi32>
    %broadcast_in_dim3A_554 = vector.shape_cast %reduce_sum3A_553 : vector<32xi32> to vector<32x1xi32>
    %ge3A_555 = arith.cmpi sge, %broadcast_in_dim3A_554, %add3A_435 : vector<32x1xi32>
    %select_n3A_556 = arith.select %ge3A_555, %add3A_547, %select_n3A_544 : vector<32x1xi1>, vector<32x1xi32>
    %add3A_557 = arith.constant 2 : i32
    %add3A_558 = vector.broadcast %add3A_557 : i32 to vector<32x1xi32>
    %add3A_559 = arith.addi %select_n3A_556, %add3A_558 : vector<32x1xi32>
    %ge3A_560 = vector.broadcast %add3A_559 : vector<32x1xi32> to vector<32x3136xi32>
    %ge3A_561 = arith.cmpi sge, %iota3A, %ge3A_560 : vector<32x3136xi32>
    %and3A_562 = arith.andi %eq3A_425, %ge3A_561 : vector<32x3136xi1>
    %convert_element_type3A_563 = arith.extui %and3A_562 : vector<32x3136xi1> to vector<32x3136xi32>
    %reduce_sum3A_564 = arith.constant dense<0> : vector<32xi32>
    %reduce_sum3A_565 = vector.multi_reduction <add>, %convert_element_type3A_563, %reduce_sum3A_564 [1] : vector<32x3136xi32> to vector<32xi32>
    %broadcast_in_dim3A_566 = vector.shape_cast %reduce_sum3A_565 : vector<32xi32> to vector<32x1xi32>
    %ge3A_567 = arith.cmpi sge, %broadcast_in_dim3A_566, %add3A_435 : vector<32x1xi32>
    %select_n3A_568 = arith.select %ge3A_567, %add3A_559, %select_n3A_556 : vector<32x1xi1>, vector<32x1xi32>
    %add3A_569 = arith.constant 1 : i32
    %add3A_570 = vector.broadcast %add3A_569 : i32 to vector<32x1xi32>
    %add3A_571 = arith.addi %select_n3A_568, %add3A_570 : vector<32x1xi32>
    %ge3A_572 = vector.broadcast %add3A_571 : vector<32x1xi32> to vector<32x3136xi32>
    %ge3A_573 = arith.cmpi sge, %iota3A, %ge3A_572 : vector<32x3136xi32>
    %and3A_574 = arith.andi %eq3A_425, %ge3A_573 : vector<32x3136xi1>
    %convert_element_type3A_575 = arith.extui %and3A_574 : vector<32x3136xi1> to vector<32x3136xi32>
    %reduce_sum3A_576 = arith.constant dense<0> : vector<32xi32>
    %reduce_sum3A_577 = vector.multi_reduction <add>, %convert_element_type3A_575, %reduce_sum3A_576 [1] : vector<32x3136xi32> to vector<32xi32>
    %broadcast_in_dim3A_578 = vector.shape_cast %reduce_sum3A_577 : vector<32xi32> to vector<32x1xi32>
    %ge3A_579 = arith.cmpi sge, %broadcast_in_dim3A_578, %add3A_435 : vector<32x1xi32>
    %select_n3A_580 = arith.select %ge3A_579, %add3A_571, %select_n3A_568 : vector<32x1xi1>, vector<32x1xi32>
    %iota3A_581 = tpu.iota {dimensions = array<i32: 1>} : vector<32x128xi32>
    %eq3A_582 = arith.constant 0 : i32
    %eq3A_583 = vector.broadcast %eq3A_582 : i32 to vector<32x128xi32>
    %eq3A_584 = arith.cmpi eq, %iota3A_581, %eq3A_583 : vector<32x128xi32>
    %eq3A_585 = arith.constant 1 : i32
    %eq3A_586 = vector.broadcast %eq3A_585 : i32 to vector<32x128xi32>
    %eq3A_587 = arith.cmpi eq, %iota3A_581, %eq3A_586 : vector<32x128xi32>
    %jit3A = arith.constant 0 : i32
    %broadcast_in_dim3A_588 = vector.shape_cast %select_n3A_580 : vector<32x1xi32> to vector<32x1xi32>
    %broadcast_in_dim3A_589 = vector.broadcast %broadcast_in_dim3A_588 : vector<32x1xi32> to vector<32x128xi32>
    %broadcast_in_dim3A_590 = vector.broadcast %jit3A : i32 to vector<32x128xi32>
    %select_n3A_591 = arith.select %eq3A_587, %broadcast_in_dim3A_589, %broadcast_in_dim3A_590 : vector<32x128xi1>, vector<32x128xi32>
    %broadcast_in_dim3A_592 = vector.shape_cast %select_n3A_419 : vector<32x1xi32> to vector<32x1xi32>
    %broadcast_in_dim3A_593 = vector.broadcast %broadcast_in_dim3A_592 : vector<32x1xi32> to vector<32x128xi32>
    %select_n3A_594 = arith.select %eq3A_584, %broadcast_in_dim3A_593, %select_n3A_591 : vector<32x128xi1>, vector<32x128xi32>
    %swap3A = arith.constant 0 : index
    %swap3A_595 = arith.constant 0 : index
    %swap3A_596 = vector.load %arg2[%swap3A, %swap3A_595] : memref<32x128xi32, #tpu.memory_space<vmem>>, vector<32x128xi32>
    tpu.vector_store %arg2[%swap3A, %swap3A_595], %select_n3A_594 {strides = array<i32>} : memref<32x128xi32, #tpu.memory_space<vmem>>, vector<32x128xi32>,
    return
  }
  func.func @transform_0(%arg0: i32) -> (i32, i32) {
    %c0_i32 = arith.constant 0 : i32
    %c0_i32_0 = arith.constant 0 : i32
    return %arg0, %c0_i32 : i32, i32
  }
  func.func @transform_1(%arg0: i32) -> (i32, i32) {
    %c0_i32 = arith.constant 0 : i32
    %c0_i32_0 = arith.constant 0 : i32
    return %arg0, %c0_i32 : i32, i32
  }
}

module attributes {stable_mosaic.version = 14 : i64} {
  func.func @_cand_thr_kernel(%arg0: i32, %arg1: memref<32x4096xf32, #tpu.memory_space<vmem>>, %arg2: memref<32x128xi32, #tpu.memory_space<vmem>>, %arg3: memref<32x128xi32, #tpu.memory_space<vmem>>, %arg4: memref<32x4096xi32, #tpu.memory_space<vmem>>) attributes {dimension_semantics = [#tpu.dimension_semantics<arbitrary>], iteration_bounds = array<i64: 32>, scalar_prefetch = 0 : i64, scratch_operands = 0 : i64, tpu.core_type = #tpu.core_type<tc>, window_params = [{transform_indices = @transform_0, window_bounds = array<i64: 32, 4096>}, {transform_indices = @transform_1, window_bounds = array<i64: 32, 128>}, {transform_indices = @transform_2, window_bounds = array<i64: 32, 128>}, {transform_indices = @transform_3, window_bounds = array<i64: 32, 4096>}]} {
    %get3A = arith.constant 0 : index
    %get3A_0 = arith.constant 0 : index
    %get3A_1 = vector.load %arg1[%get3A, %get3A_0] : memref<32x4096xf32, #tpu.memory_space<vmem>>, vector<32x4096xf32>
    %get3A_2 = arith.constant 0 : index
    %get3A_3 = arith.constant 0 : index
    %get3A_4 = vector.load %arg2[%get3A_2, %get3A_3] : memref<32x128xi32, #tpu.memory_space<vmem>>, vector<32x128xi32>
    %mul3A = arith.constant 32 : i32
    %mul3A_5 = arith.muli %arg0, %mul3A : i32
    %iota3A = tpu.iota {dimensions = array<i32: 0>} : vector<32x128xi32>
    %add3A = vector.broadcast %mul3A_5 : i32 to vector<32x128xi32>
    %add3A_6 = arith.addi %add3A, %iota3A : vector<32x128xi32>
    %mul3A_7 = arith.constant 3136 : i32
    %mul3A_8 = vector.broadcast %mul3A_7 : i32 to vector<32x128xi32>
    %mul3A_9 = arith.muli %add3A_6, %mul3A_8 : vector<32x128xi32>
    %sub3A = arith.subi %get3A_4, %mul3A_9 : vector<32x128xi32>
    %broadcast_in_dim3A = vector.shape_cast %sub3A : vector<32x128xi32> to vector<32x128x1xi32>
    %broadcast_in_dim3A_10 = vector.broadcast %broadcast_in_dim3A : vector<32x128x1xi32> to vector<32x128x32xi32>
    %reshape3A = vector.shape_cast %broadcast_in_dim3A_10 : vector<32x128x32xi32> to vector<32x4096xi32>
    %iota3A_11 = tpu.iota {dimensions = array<i32: 1>} : vector<32x4096xi32>
    %jit3A = arith.constant 32 : i32
    %eq3A = arith.constant 0 : i32
    %eq3A_12 = arith.cmpi eq, %jit3A, %eq3A : i32
    %jit3A_13 = arith.constant 1 : i32
    %select_n3A = arith.select %eq3A_12, %jit3A_13, %jit3A : i32
    %rem3A = vector.broadcast %select_n3A : i32 to vector<32x4096xi32>
    %rem3A_14 = arith.remsi %iota3A_11, %rem3A : vector<32x4096xi32>
    %ne3A = arith.constant 0 : i32
    %ne3A_15 = vector.broadcast %ne3A : i32 to vector<32x4096xi32>
    %ne3A_16 = arith.cmpi ne, %rem3A_14, %ne3A_15 : vector<32x4096xi32>
    %lt3A = arith.constant 0 : i32
    %lt3A_17 = vector.broadcast %lt3A : i32 to vector<32x4096xi32>
    %lt3A_18 = arith.cmpi slt, %rem3A_14, %lt3A_17 : vector<32x4096xi32>
    %lt3A_19 = arith.constant 0 : i32
    %lt3A_20 = arith.cmpi slt, %select_n3A, %lt3A_19 : i32
    %ne3A_21 = vector.broadcast %lt3A_20 : i1 to vector<32x4096xi1>
    %ne3A_22 = vector.broadcast %ne3A_21 : vector<32x4096xi1> to vector<32x4096xi1>
    %ne3A_23 = arith.xori %lt3A_18, %ne3A_22 : vector<32x4096xi1>
    %and3A = arith.andi %ne3A_23, %ne3A_16 : vector<32x4096xi1>
    %add3A_24 = vector.broadcast %select_n3A : i32 to vector<32x4096xi32>
    %add3A_25 = arith.addi %rem3A_14, %add3A_24 : vector<32x4096xi32>
    %select_n3A_26 = arith.select %and3A, %add3A_25, %rem3A_14 : vector<32x4096xi1>, vector<32x4096xi32>
    %mul3A_27 = arith.constant 32 : i32
    %mul3A_28 = vector.broadcast %mul3A_27 : i32 to vector<32x4096xi32>
    %mul3A_29 = arith.muli %reshape3A, %mul3A_28 : vector<32x4096xi32>
    %add3A_30 = arith.addi %mul3A_29, %select_n3A_26 : vector<32x4096xi32>
    %bitcast_convert_type3A = tpu.bitcast %get3A_1 : vector<32x4096xf32> -> vector<32x4096xi32>
    %ge3A = arith.constant 0 : i32
    %ge3A_31 = vector.broadcast %ge3A : i32 to vector<32x4096xi32>
    %ge3A_32 = arith.cmpi sge, %bitcast_convert_type3A, %ge3A_31 : vector<32x4096xi32>
    %xor3A = arith.constant 2147483647 : i32
    %xor3A_33 = vector.broadcast %xor3A : i32 to vector<32x4096xi32>
    %xor3A_34 = arith.xori %bitcast_convert_type3A, %xor3A_33 : vector<32x4096xi32>
    %select_n3A_35 = arith.select %ge3A_32, %bitcast_convert_type3A, %xor3A_34 : vector<32x4096xi1>, vector<32x4096xi32>
    %broadcast_in_dim3A_36 = arith.constant -2147483648 : i32
    %broadcast_in_dim3A_37 = vector.broadcast %broadcast_in_dim3A_36 : i32 to vector<32x1xi32>
    %add3A_38 = arith.constant -2147483648 : i32
    %add3A_39 = vector.broadcast %add3A_38 : i32 to vector<32x1xi32>
    %add3A_40 = arith.addi %broadcast_in_dim3A_37, %add3A_39 : vector<32x1xi32>
    %ge3A_41 = vector.broadcast %add3A_40 : vector<32x1xi32> to vector<32x4096xi32>
    %ge3A_42 = arith.cmpi sge, %select_n3A_35, %ge3A_41 : vector<32x4096xi32>
    %convert_element_type3A = arith.extui %ge3A_42 : vector<32x4096xi1> to vector<32x4096xi32>
    %reduce_sum3A = arith.constant dense<0> : vector<32xi32>
    %reduce_sum3A_43 = vector.multi_reduction <add>, %convert_element_type3A, %reduce_sum3A [1] : vector<32x4096xi32> to vector<32xi32>
    %broadcast_in_dim3A_44 = vector.shape_cast %reduce_sum3A_43 : vector<32xi32> to vector<32x1xi32>
    %ge3A_45 = arith.constant 100 : i32
    %ge3A_46 = vector.broadcast %ge3A_45 : i32 to vector<32x1xi32>
    %ge3A_47 = arith.cmpi sge, %broadcast_in_dim3A_44, %ge3A_46 : vector<32x1xi32>
    %select_n3A_48 = arith.select %ge3A_47, %add3A_40, %broadcast_in_dim3A_37 : vector<32x1xi1>, vector<32x1xi32>
    %add3A_49 = arith.constant 1073741824 : i32
    %add3A_50 = vector.broadcast %add3A_49 : i32 to vector<32x1xi32>
    %add3A_51 = arith.addi %select_n3A_48, %add3A_50 : vector<32x1xi32>
    %ge3A_52 = vector.broadcast %add3A_51 : vector<32x1xi32> to vector<32x4096xi32>
    %ge3A_53 = arith.cmpi sge, %select_n3A_35, %ge3A_52 : vector<32x4096xi32>
    %convert_element_type3A_54 = arith.extui %ge3A_53 : vector<32x4096xi1> to vector<32x4096xi32>
    %reduce_sum3A_55 = arith.constant dense<0> : vector<32xi32>
    %reduce_sum3A_56 = vector.multi_reduction <add>, %convert_element_type3A_54, %reduce_sum3A_55 [1] : vector<32x4096xi32> to vector<32xi32>
    %broadcast_in_dim3A_57 = vector.shape_cast %reduce_sum3A_56 : vector<32xi32> to vector<32x1xi32>
    %ge3A_58 = arith.constant 100 : i32
    %ge3A_59 = vector.broadcast %ge3A_58 : i32 to vector<32x1xi32>
    %ge3A_60 = arith.cmpi sge, %broadcast_in_dim3A_57, %ge3A_59 : vector<32x1xi32>
    %select_n3A_61 = arith.select %ge3A_60, %add3A_51, %select_n3A_48 : vector<32x1xi1>, vector<32x1xi32>
    %add3A_62 = arith.constant 536870912 : i32
    %add3A_63 = vector.broadcast %add3A_62 : i32 to vector<32x1xi32>
    %add3A_64 = arith.addi %select_n3A_61, %add3A_63 : vector<32x1xi32>
    %ge3A_65 = vector.broadcast %add3A_64 : vector<32x1xi32> to vector<32x4096xi32>
    %ge3A_66 = arith.cmpi sge, %select_n3A_35, %ge3A_65 : vector<32x4096xi32>
    %convert_element_type3A_67 = arith.extui %ge3A_66 : vector<32x4096xi1> to vector<32x4096xi32>
    %reduce_sum3A_68 = arith.constant dense<0> : vector<32xi32>
    %reduce_sum3A_69 = vector.multi_reduction <add>, %convert_element_type3A_67, %reduce_sum3A_68 [1] : vector<32x4096xi32> to vector<32xi32>
    %broadcast_in_dim3A_70 = vector.shape_cast %reduce_sum3A_69 : vector<32xi32> to vector<32x1xi32>
    %ge3A_71 = arith.constant 100 : i32
    %ge3A_72 = vector.broadcast %ge3A_71 : i32 to vector<32x1xi32>
    %ge3A_73 = arith.cmpi sge, %broadcast_in_dim3A_70, %ge3A_72 : vector<32x1xi32>
    %select_n3A_74 = arith.select %ge3A_73, %add3A_64, %select_n3A_61 : vector<32x1xi1>, vector<32x1xi32>
    %add3A_75 = arith.constant 268435456 : i32
    %add3A_76 = vector.broadcast %add3A_75 : i32 to vector<32x1xi32>
    %add3A_77 = arith.addi %select_n3A_74, %add3A_76 : vector<32x1xi32>
    %ge3A_78 = vector.broadcast %add3A_77 : vector<32x1xi32> to vector<32x4096xi32>
    %ge3A_79 = arith.cmpi sge, %select_n3A_35, %ge3A_78 : vector<32x4096xi32>
    %convert_element_type3A_80 = arith.extui %ge3A_79 : vector<32x4096xi1> to vector<32x4096xi32>
    %reduce_sum3A_81 = arith.constant dense<0> : vector<32xi32>
    %reduce_sum3A_82 = vector.multi_reduction <add>, %convert_element_type3A_80, %reduce_sum3A_81 [1] : vector<32x4096xi32> to vector<32xi32>
    %broadcast_in_dim3A_83 = vector.shape_cast %reduce_sum3A_82 : vector<32xi32> to vector<32x1xi32>
    %ge3A_84 = arith.constant 100 : i32
    %ge3A_85 = vector.broadcast %ge3A_84 : i32 to vector<32x1xi32>
    %ge3A_86 = arith.cmpi sge, %broadcast_in_dim3A_83, %ge3A_85 : vector<32x1xi32>
    %select_n3A_87 = arith.select %ge3A_86, %add3A_77, %select_n3A_74 : vector<32x1xi1>, vector<32x1xi32>
    %add3A_88 = arith.constant 134217728 : i32
    %add3A_89 = vector.broadcast %add3A_88 : i32 to vector<32x1xi32>
    %add3A_90 = arith.addi %select_n3A_87, %add3A_89 : vector<32x1xi32>
    %ge3A_91 = vector.broadcast %add3A_90 : vector<32x1xi32> to vector<32x4096xi32>
    %ge3A_92 = arith.cmpi sge, %select_n3A_35, %ge3A_91 : vector<32x4096xi32>
    %convert_element_type3A_93 = arith.extui %ge3A_92 : vector<32x4096xi1> to vector<32x4096xi32>
    %reduce_sum3A_94 = arith.constant dense<0> : vector<32xi32>
    %reduce_sum3A_95 = vector.multi_reduction <add>, %convert_element_type3A_93, %reduce_sum3A_94 [1] : vector<32x4096xi32> to vector<32xi32>
    %broadcast_in_dim3A_96 = vector.shape_cast %reduce_sum3A_95 : vector<32xi32> to vector<32x1xi32>
    %ge3A_97 = arith.constant 100 : i32
    %ge3A_98 = vector.broadcast %ge3A_97 : i32 to vector<32x1xi32>
    %ge3A_99 = arith.cmpi sge, %broadcast_in_dim3A_96, %ge3A_98 : vector<32x1xi32>
    %select_n3A_100 = arith.select %ge3A_99, %add3A_90, %select_n3A_87 : vector<32x1xi1>, vector<32x1xi32>
    %add3A_101 = arith.constant 67108864 : i32
    %add3A_102 = vector.broadcast %add3A_101 : i32 to vector<32x1xi32>
    %add3A_103 = arith.addi %select_n3A_100, %add3A_102 : vector<32x1xi32>
    %ge3A_104 = vector.broadcast %add3A_103 : vector<32x1xi32> to vector<32x4096xi32>
    %ge3A_105 = arith.cmpi sge, %select_n3A_35, %ge3A_104 : vector<32x4096xi32>
    %convert_element_type3A_106 = arith.extui %ge3A_105 : vector<32x4096xi1> to vector<32x4096xi32>
    %reduce_sum3A_107 = arith.constant dense<0> : vector<32xi32>
    %reduce_sum3A_108 = vector.multi_reduction <add>, %convert_element_type3A_106, %reduce_sum3A_107 [1] : vector<32x4096xi32> to vector<32xi32>
    %broadcast_in_dim3A_109 = vector.shape_cast %reduce_sum3A_108 : vector<32xi32> to vector<32x1xi32>
    %ge3A_110 = arith.constant 100 : i32
    %ge3A_111 = vector.broadcast %ge3A_110 : i32 to vector<32x1xi32>
    %ge3A_112 = arith.cmpi sge, %broadcast_in_dim3A_109, %ge3A_111 : vector<32x1xi32>
    %select_n3A_113 = arith.select %ge3A_112, %add3A_103, %select_n3A_100 : vector<32x1xi1>, vector<32x1xi32>
    %add3A_114 = arith.constant 33554432 : i32
    %add3A_115 = vector.broadcast %add3A_114 : i32 to vector<32x1xi32>
    %add3A_116 = arith.addi %select_n3A_113, %add3A_115 : vector<32x1xi32>
    %ge3A_117 = vector.broadcast %add3A_116 : vector<32x1xi32> to vector<32x4096xi32>
    %ge3A_118 = arith.cmpi sge, %select_n3A_35, %ge3A_117 : vector<32x4096xi32>
    %convert_element_type3A_119 = arith.extui %ge3A_118 : vector<32x4096xi1> to vector<32x4096xi32>
    %reduce_sum3A_120 = arith.constant dense<0> : vector<32xi32>
    %reduce_sum3A_121 = vector.multi_reduction <add>, %convert_element_type3A_119, %reduce_sum3A_120 [1] : vector<32x4096xi32> to vector<32xi32>
    %broadcast_in_dim3A_122 = vector.shape_cast %reduce_sum3A_121 : vector<32xi32> to vector<32x1xi32>
    %ge3A_123 = arith.constant 100 : i32
    %ge3A_124 = vector.broadcast %ge3A_123 : i32 to vector<32x1xi32>
    %ge3A_125 = arith.cmpi sge, %broadcast_in_dim3A_122, %ge3A_124 : vector<32x1xi32>
    %select_n3A_126 = arith.select %ge3A_125, %add3A_116, %select_n3A_113 : vector<32x1xi1>, vector<32x1xi32>
    %add3A_127 = arith.constant 16777216 : i32
    %add3A_128 = vector.broadcast %add3A_127 : i32 to vector<32x1xi32>
    %add3A_129 = arith.addi %select_n3A_126, %add3A_128 : vector<32x1xi32>
    %ge3A_130 = vector.broadcast %add3A_129 : vector<32x1xi32> to vector<32x4096xi32>
    %ge3A_131 = arith.cmpi sge, %select_n3A_35, %ge3A_130 : vector<32x4096xi32>
    %convert_element_type3A_132 = arith.extui %ge3A_131 : vector<32x4096xi1> to vector<32x4096xi32>
    %reduce_sum3A_133 = arith.constant dense<0> : vector<32xi32>
    %reduce_sum3A_134 = vector.multi_reduction <add>, %convert_element_type3A_132, %reduce_sum3A_133 [1] : vector<32x4096xi32> to vector<32xi32>
    %broadcast_in_dim3A_135 = vector.shape_cast %reduce_sum3A_134 : vector<32xi32> to vector<32x1xi32>
    %ge3A_136 = arith.constant 100 : i32
    %ge3A_137 = vector.broadcast %ge3A_136 : i32 to vector<32x1xi32>
    %ge3A_138 = arith.cmpi sge, %broadcast_in_dim3A_135, %ge3A_137 : vector<32x1xi32>
    %select_n3A_139 = arith.select %ge3A_138, %add3A_129, %select_n3A_126 : vector<32x1xi1>, vector<32x1xi32>
    %add3A_140 = arith.constant 8388608 : i32
    %add3A_141 = vector.broadcast %add3A_140 : i32 to vector<32x1xi32>
    %add3A_142 = arith.addi %select_n3A_139, %add3A_141 : vector<32x1xi32>
    %ge3A_143 = vector.broadcast %add3A_142 : vector<32x1xi32> to vector<32x4096xi32>
    %ge3A_144 = arith.cmpi sge, %select_n3A_35, %ge3A_143 : vector<32x4096xi32>
    %convert_element_type3A_145 = arith.extui %ge3A_144 : vector<32x4096xi1> to vector<32x4096xi32>
    %reduce_sum3A_146 = arith.constant dense<0> : vector<32xi32>
    %reduce_sum3A_147 = vector.multi_reduction <add>, %convert_element_type3A_145, %reduce_sum3A_146 [1] : vector<32x4096xi32> to vector<32xi32>
    %broadcast_in_dim3A_148 = vector.shape_cast %reduce_sum3A_147 : vector<32xi32> to vector<32x1xi32>
    %ge3A_149 = arith.constant 100 : i32
    %ge3A_150 = vector.broadcast %ge3A_149 : i32 to vector<32x1xi32>
    %ge3A_151 = arith.cmpi sge, %broadcast_in_dim3A_148, %ge3A_150 : vector<32x1xi32>
    %select_n3A_152 = arith.select %ge3A_151, %add3A_142, %select_n3A_139 : vector<32x1xi1>, vector<32x1xi32>
    %add3A_153 = arith.constant 4194304 : i32
    %add3A_154 = vector.broadcast %add3A_153 : i32 to vector<32x1xi32>
    %add3A_155 = arith.addi %select_n3A_152, %add3A_154 : vector<32x1xi32>
    %ge3A_156 = vector.broadcast %add3A_155 : vector<32x1xi32> to vector<32x4096xi32>
    %ge3A_157 = arith.cmpi sge, %select_n3A_35, %ge3A_156 : vector<32x4096xi32>
    %convert_element_type3A_158 = arith.extui %ge3A_157 : vector<32x4096xi1> to vector<32x4096xi32>
    %reduce_sum3A_159 = arith.constant dense<0> : vector<32xi32>
    %reduce_sum3A_160 = vector.multi_reduction <add>, %convert_element_type3A_158, %reduce_sum3A_159 [1] : vector<32x4096xi32> to vector<32xi32>
    %broadcast_in_dim3A_161 = vector.shape_cast %reduce_sum3A_160 : vector<32xi32> to vector<32x1xi32>
    %ge3A_162 = arith.constant 100 : i32
    %ge3A_163 = vector.broadcast %ge3A_162 : i32 to vector<32x1xi32>
    %ge3A_164 = arith.cmpi sge, %broadcast_in_dim3A_161, %ge3A_163 : vector<32x1xi32>
    %select_n3A_165 = arith.select %ge3A_164, %add3A_155, %select_n3A_152 : vector<32x1xi1>, vector<32x1xi32>
    %add3A_166 = arith.constant 2097152 : i32
    %add3A_167 = vector.broadcast %add3A_166 : i32 to vector<32x1xi32>
    %add3A_168 = arith.addi %select_n3A_165, %add3A_167 : vector<32x1xi32>
    %ge3A_169 = vector.broadcast %add3A_168 : vector<32x1xi32> to vector<32x4096xi32>
    %ge3A_170 = arith.cmpi sge, %select_n3A_35, %ge3A_169 : vector<32x4096xi32>
    %convert_element_type3A_171 = arith.extui %ge3A_170 : vector<32x4096xi1> to vector<32x4096xi32>
    %reduce_sum3A_172 = arith.constant dense<0> : vector<32xi32>
    %reduce_sum3A_173 = vector.multi_reduction <add>, %convert_element_type3A_171, %reduce_sum3A_172 [1] : vector<32x4096xi32> to vector<32xi32>
    %broadcast_in_dim3A_174 = vector.shape_cast %reduce_sum3A_173 : vector<32xi32> to vector<32x1xi32>
    %ge3A_175 = arith.constant 100 : i32
    %ge3A_176 = vector.broadcast %ge3A_175 : i32 to vector<32x1xi32>
    %ge3A_177 = arith.cmpi sge, %broadcast_in_dim3A_174, %ge3A_176 : vector<32x1xi32>
    %select_n3A_178 = arith.select %ge3A_177, %add3A_168, %select_n3A_165 : vector<32x1xi1>, vector<32x1xi32>
    %add3A_179 = arith.constant 1048576 : i32
    %add3A_180 = vector.broadcast %add3A_179 : i32 to vector<32x1xi32>
    %add3A_181 = arith.addi %select_n3A_178, %add3A_180 : vector<32x1xi32>
    %ge3A_182 = vector.broadcast %add3A_181 : vector<32x1xi32> to vector<32x4096xi32>
    %ge3A_183 = arith.cmpi sge, %select_n3A_35, %ge3A_182 : vector<32x4096xi32>
    %convert_element_type3A_184 = arith.extui %ge3A_183 : vector<32x4096xi1> to vector<32x4096xi32>
    %reduce_sum3A_185 = arith.constant dense<0> : vector<32xi32>
    %reduce_sum3A_186 = vector.multi_reduction <add>, %convert_element_type3A_184, %reduce_sum3A_185 [1] : vector<32x4096xi32> to vector<32xi32>
    %broadcast_in_dim3A_187 = vector.shape_cast %reduce_sum3A_186 : vector<32xi32> to vector<32x1xi32>
    %ge3A_188 = arith.constant 100 : i32
    %ge3A_189 = vector.broadcast %ge3A_188 : i32 to vector<32x1xi32>
    %ge3A_190 = arith.cmpi sge, %broadcast_in_dim3A_187, %ge3A_189 : vector<32x1xi32>
    %select_n3A_191 = arith.select %ge3A_190, %add3A_181, %select_n3A_178 : vector<32x1xi1>, vector<32x1xi32>
    %add3A_192 = arith.constant 524288 : i32
    %add3A_193 = vector.broadcast %add3A_192 : i32 to vector<32x1xi32>
    %add3A_194 = arith.addi %select_n3A_191, %add3A_193 : vector<32x1xi32>
    %ge3A_195 = vector.broadcast %add3A_194 : vector<32x1xi32> to vector<32x4096xi32>
    %ge3A_196 = arith.cmpi sge, %select_n3A_35, %ge3A_195 : vector<32x4096xi32>
    %convert_element_type3A_197 = arith.extui %ge3A_196 : vector<32x4096xi1> to vector<32x4096xi32>
    %reduce_sum3A_198 = arith.constant dense<0> : vector<32xi32>
    %reduce_sum3A_199 = vector.multi_reduction <add>, %convert_element_type3A_197, %reduce_sum3A_198 [1] : vector<32x4096xi32> to vector<32xi32>
    %broadcast_in_dim3A_200 = vector.shape_cast %reduce_sum3A_199 : vector<32xi32> to vector<32x1xi32>
    %ge3A_201 = arith.constant 100 : i32
    %ge3A_202 = vector.broadcast %ge3A_201 : i32 to vector<32x1xi32>
    %ge3A_203 = arith.cmpi sge, %broadcast_in_dim3A_200, %ge3A_202 : vector<32x1xi32>
    %select_n3A_204 = arith.select %ge3A_203, %add3A_194, %select_n3A_191 : vector<32x1xi1>, vector<32x1xi32>
    %add3A_205 = arith.constant 262144 : i32
    %add3A_206 = vector.broadcast %add3A_205 : i32 to vector<32x1xi32>
    %add3A_207 = arith.addi %select_n3A_204, %add3A_206 : vector<32x1xi32>
    %ge3A_208 = vector.broadcast %add3A_207 : vector<32x1xi32> to vector<32x4096xi32>
    %ge3A_209 = arith.cmpi sge, %select_n3A_35, %ge3A_208 : vector<32x4096xi32>
    %convert_element_type3A_210 = arith.extui %ge3A_209 : vector<32x4096xi1> to vector<32x4096xi32>
    %reduce_sum3A_211 = arith.constant dense<0> : vector<32xi32>
    %reduce_sum3A_212 = vector.multi_reduction <add>, %convert_element_type3A_210, %reduce_sum3A_211 [1] : vector<32x4096xi32> to vector<32xi32>
    %broadcast_in_dim3A_213 = vector.shape_cast %reduce_sum3A_212 : vector<32xi32> to vector<32x1xi32>
    %ge3A_214 = arith.constant 100 : i32
    %ge3A_215 = vector.broadcast %ge3A_214 : i32 to vector<32x1xi32>
    %ge3A_216 = arith.cmpi sge, %broadcast_in_dim3A_213, %ge3A_215 : vector<32x1xi32>
    %select_n3A_217 = arith.select %ge3A_216, %add3A_207, %select_n3A_204 : vector<32x1xi1>, vector<32x1xi32>
    %add3A_218 = arith.constant 131072 : i32
    %add3A_219 = vector.broadcast %add3A_218 : i32 to vector<32x1xi32>
    %add3A_220 = arith.addi %select_n3A_217, %add3A_219 : vector<32x1xi32>
    %ge3A_221 = vector.broadcast %add3A_220 : vector<32x1xi32> to vector<32x4096xi32>
    %ge3A_222 = arith.cmpi sge, %select_n3A_35, %ge3A_221 : vector<32x4096xi32>
    %convert_element_type3A_223 = arith.extui %ge3A_222 : vector<32x4096xi1> to vector<32x4096xi32>
    %reduce_sum3A_224 = arith.constant dense<0> : vector<32xi32>
    %reduce_sum3A_225 = vector.multi_reduction <add>, %convert_element_type3A_223, %reduce_sum3A_224 [1] : vector<32x4096xi32> to vector<32xi32>
    %broadcast_in_dim3A_226 = vector.shape_cast %reduce_sum3A_225 : vector<32xi32> to vector<32x1xi32>
    %ge3A_227 = arith.constant 100 : i32
    %ge3A_228 = vector.broadcast %ge3A_227 : i32 to vector<32x1xi32>
    %ge3A_229 = arith.cmpi sge, %broadcast_in_dim3A_226, %ge3A_228 : vector<32x1xi32>
    %select_n3A_230 = arith.select %ge3A_229, %add3A_220, %select_n3A_217 : vector<32x1xi1>, vector<32x1xi32>
    %add3A_231 = arith.constant 65536 : i32
    %add3A_232 = vector.broadcast %add3A_231 : i32 to vector<32x1xi32>
    %add3A_233 = arith.addi %select_n3A_230, %add3A_232 : vector<32x1xi32>
    %ge3A_234 = vector.broadcast %add3A_233 : vector<32x1xi32> to vector<32x4096xi32>
    %ge3A_235 = arith.cmpi sge, %select_n3A_35, %ge3A_234 : vector<32x4096xi32>
    %convert_element_type3A_236 = arith.extui %ge3A_235 : vector<32x4096xi1> to vector<32x4096xi32>
    %reduce_sum3A_237 = arith.constant dense<0> : vector<32xi32>
    %reduce_sum3A_238 = vector.multi_reduction <add>, %convert_element_type3A_236, %reduce_sum3A_237 [1] : vector<32x4096xi32> to vector<32xi32>
    %broadcast_in_dim3A_239 = vector.shape_cast %reduce_sum3A_238 : vector<32xi32> to vector<32x1xi32>
    %ge3A_240 = arith.constant 100 : i32
    %ge3A_241 = vector.broadcast %ge3A_240 : i32 to vector<32x1xi32>
    %ge3A_242 = arith.cmpi sge, %broadcast_in_dim3A_239, %ge3A_241 : vector<32x1xi32>
    %select_n3A_243 = arith.select %ge3A_242, %add3A_233, %select_n3A_230 : vector<32x1xi1>, vector<32x1xi32>
    %add3A_244 = arith.constant 32768 : i32
    %add3A_245 = vector.broadcast %add3A_244 : i32 to vector<32x1xi32>
    %add3A_246 = arith.addi %select_n3A_243, %add3A_245 : vector<32x1xi32>
    %ge3A_247 = vector.broadcast %add3A_246 : vector<32x1xi32> to vector<32x4096xi32>
    %ge3A_248 = arith.cmpi sge, %select_n3A_35, %ge3A_247 : vector<32x4096xi32>
    %convert_element_type3A_249 = arith.extui %ge3A_248 : vector<32x4096xi1> to vector<32x4096xi32>
    %reduce_sum3A_250 = arith.constant dense<0> : vector<32xi32>
    %reduce_sum3A_251 = vector.multi_reduction <add>, %convert_element_type3A_249, %reduce_sum3A_250 [1] : vector<32x4096xi32> to vector<32xi32>
    %broadcast_in_dim3A_252 = vector.shape_cast %reduce_sum3A_251 : vector<32xi32> to vector<32x1xi32>
    %ge3A_253 = arith.constant 100 : i32
    %ge3A_254 = vector.broadcast %ge3A_253 : i32 to vector<32x1xi32>
    %ge3A_255 = arith.cmpi sge, %broadcast_in_dim3A_252, %ge3A_254 : vector<32x1xi32>
    %select_n3A_256 = arith.select %ge3A_255, %add3A_246, %select_n3A_243 : vector<32x1xi1>, vector<32x1xi32>
    %add3A_257 = arith.constant 16384 : i32
    %add3A_258 = vector.broadcast %add3A_257 : i32 to vector<32x1xi32>
    %add3A_259 = arith.addi %select_n3A_256, %add3A_258 : vector<32x1xi32>
    %ge3A_260 = vector.broadcast %add3A_259 : vector<32x1xi32> to vector<32x4096xi32>
    %ge3A_261 = arith.cmpi sge, %select_n3A_35, %ge3A_260 : vector<32x4096xi32>
    %convert_element_type3A_262 = arith.extui %ge3A_261 : vector<32x4096xi1> to vector<32x4096xi32>
    %reduce_sum3A_263 = arith.constant dense<0> : vector<32xi32>
    %reduce_sum3A_264 = vector.multi_reduction <add>, %convert_element_type3A_262, %reduce_sum3A_263 [1] : vector<32x4096xi32> to vector<32xi32>
    %broadcast_in_dim3A_265 = vector.shape_cast %reduce_sum3A_264 : vector<32xi32> to vector<32x1xi32>
    %ge3A_266 = arith.constant 100 : i32
    %ge3A_267 = vector.broadcast %ge3A_266 : i32 to vector<32x1xi32>
    %ge3A_268 = arith.cmpi sge, %broadcast_in_dim3A_265, %ge3A_267 : vector<32x1xi32>
    %select_n3A_269 = arith.select %ge3A_268, %add3A_259, %select_n3A_256 : vector<32x1xi1>, vector<32x1xi32>
    %add3A_270 = arith.constant 8192 : i32
    %add3A_271 = vector.broadcast %add3A_270 : i32 to vector<32x1xi32>
    %add3A_272 = arith.addi %select_n3A_269, %add3A_271 : vector<32x1xi32>
    %ge3A_273 = vector.broadcast %add3A_272 : vector<32x1xi32> to vector<32x4096xi32>
    %ge3A_274 = arith.cmpi sge, %select_n3A_35, %ge3A_273 : vector<32x4096xi32>
    %convert_element_type3A_275 = arith.extui %ge3A_274 : vector<32x4096xi1> to vector<32x4096xi32>
    %reduce_sum3A_276 = arith.constant dense<0> : vector<32xi32>
    %reduce_sum3A_277 = vector.multi_reduction <add>, %convert_element_type3A_275, %reduce_sum3A_276 [1] : vector<32x4096xi32> to vector<32xi32>
    %broadcast_in_dim3A_278 = vector.shape_cast %reduce_sum3A_277 : vector<32xi32> to vector<32x1xi32>
    %ge3A_279 = arith.constant 100 : i32
    %ge3A_280 = vector.broadcast %ge3A_279 : i32 to vector<32x1xi32>
    %ge3A_281 = arith.cmpi sge, %broadcast_in_dim3A_278, %ge3A_280 : vector<32x1xi32>
    %select_n3A_282 = arith.select %ge3A_281, %add3A_272, %select_n3A_269 : vector<32x1xi1>, vector<32x1xi32>
    %add3A_283 = arith.constant 4096 : i32
    %add3A_284 = vector.broadcast %add3A_283 : i32 to vector<32x1xi32>
    %add3A_285 = arith.addi %select_n3A_282, %add3A_284 : vector<32x1xi32>
    %ge3A_286 = vector.broadcast %add3A_285 : vector<32x1xi32> to vector<32x4096xi32>
    %ge3A_287 = arith.cmpi sge, %select_n3A_35, %ge3A_286 : vector<32x4096xi32>
    %convert_element_type3A_288 = arith.extui %ge3A_287 : vector<32x4096xi1> to vector<32x4096xi32>
    %reduce_sum3A_289 = arith.constant dense<0> : vector<32xi32>
    %reduce_sum3A_290 = vector.multi_reduction <add>, %convert_element_type3A_288, %reduce_sum3A_289 [1] : vector<32x4096xi32> to vector<32xi32>
    %broadcast_in_dim3A_291 = vector.shape_cast %reduce_sum3A_290 : vector<32xi32> to vector<32x1xi32>
    %ge3A_292 = arith.constant 100 : i32
    %ge3A_293 = vector.broadcast %ge3A_292 : i32 to vector<32x1xi32>
    %ge3A_294 = arith.cmpi sge, %broadcast_in_dim3A_291, %ge3A_293 : vector<32x1xi32>
    %select_n3A_295 = arith.select %ge3A_294, %add3A_285, %select_n3A_282 : vector<32x1xi1>, vector<32x1xi32>
    %add3A_296 = arith.constant 2048 : i32
    %add3A_297 = vector.broadcast %add3A_296 : i32 to vector<32x1xi32>
    %add3A_298 = arith.addi %select_n3A_295, %add3A_297 : vector<32x1xi32>
    %ge3A_299 = vector.broadcast %add3A_298 : vector<32x1xi32> to vector<32x4096xi32>
    %ge3A_300 = arith.cmpi sge, %select_n3A_35, %ge3A_299 : vector<32x4096xi32>
    %convert_element_type3A_301 = arith.extui %ge3A_300 : vector<32x4096xi1> to vector<32x4096xi32>
    %reduce_sum3A_302 = arith.constant dense<0> : vector<32xi32>
    %reduce_sum3A_303 = vector.multi_reduction <add>, %convert_element_type3A_301, %reduce_sum3A_302 [1] : vector<32x4096xi32> to vector<32xi32>
    %broadcast_in_dim3A_304 = vector.shape_cast %reduce_sum3A_303 : vector<32xi32> to vector<32x1xi32>
    %ge3A_305 = arith.constant 100 : i32
    %ge3A_306 = vector.broadcast %ge3A_305 : i32 to vector<32x1xi32>
    %ge3A_307 = arith.cmpi sge, %broadcast_in_dim3A_304, %ge3A_306 : vector<32x1xi32>
    %select_n3A_308 = arith.select %ge3A_307, %add3A_298, %select_n3A_295 : vector<32x1xi1>, vector<32x1xi32>
    %add3A_309 = arith.constant 1024 : i32
    %add3A_310 = vector.broadcast %add3A_309 : i32 to vector<32x1xi32>
    %add3A_311 = arith.addi %select_n3A_308, %add3A_310 : vector<32x1xi32>
    %ge3A_312 = vector.broadcast %add3A_311 : vector<32x1xi32> to vector<32x4096xi32>
    %ge3A_313 = arith.cmpi sge, %select_n3A_35, %ge3A_312 : vector<32x4096xi32>
    %convert_element_type3A_314 = arith.extui %ge3A_313 : vector<32x4096xi1> to vector<32x4096xi32>
    %reduce_sum3A_315 = arith.constant dense<0> : vector<32xi32>
    %reduce_sum3A_316 = vector.multi_reduction <add>, %convert_element_type3A_314, %reduce_sum3A_315 [1] : vector<32x4096xi32> to vector<32xi32>
    %broadcast_in_dim3A_317 = vector.shape_cast %reduce_sum3A_316 : vector<32xi32> to vector<32x1xi32>
    %ge3A_318 = arith.constant 100 : i32
    %ge3A_319 = vector.broadcast %ge3A_318 : i32 to vector<32x1xi32>
    %ge3A_320 = arith.cmpi sge, %broadcast_in_dim3A_317, %ge3A_319 : vector<32x1xi32>
    %select_n3A_321 = arith.select %ge3A_320, %add3A_311, %select_n3A_308 : vector<32x1xi1>, vector<32x1xi32>
    %add3A_322 = arith.constant 512 : i32
    %add3A_323 = vector.broadcast %add3A_322 : i32 to vector<32x1xi32>
    %add3A_324 = arith.addi %select_n3A_321, %add3A_323 : vector<32x1xi32>
    %ge3A_325 = vector.broadcast %add3A_324 : vector<32x1xi32> to vector<32x4096xi32>
    %ge3A_326 = arith.cmpi sge, %select_n3A_35, %ge3A_325 : vector<32x4096xi32>
    %convert_element_type3A_327 = arith.extui %ge3A_326 : vector<32x4096xi1> to vector<32x4096xi32>
    %reduce_sum3A_328 = arith.constant dense<0> : vector<32xi32>
    %reduce_sum3A_329 = vector.multi_reduction <add>, %convert_element_type3A_327, %reduce_sum3A_328 [1] : vector<32x4096xi32> to vector<32xi32>
    %broadcast_in_dim3A_330 = vector.shape_cast %reduce_sum3A_329 : vector<32xi32> to vector<32x1xi32>
    %ge3A_331 = arith.constant 100 : i32
    %ge3A_332 = vector.broadcast %ge3A_331 : i32 to vector<32x1xi32>
    %ge3A_333 = arith.cmpi sge, %broadcast_in_dim3A_330, %ge3A_332 : vector<32x1xi32>
    %select_n3A_334 = arith.select %ge3A_333, %add3A_324, %select_n3A_321 : vector<32x1xi1>, vector<32x1xi32>
    %add3A_335 = arith.constant 256 : i32
    %add3A_336 = vector.broadcast %add3A_335 : i32 to vector<32x1xi32>
    %add3A_337 = arith.addi %select_n3A_334, %add3A_336 : vector<32x1xi32>
    %ge3A_338 = vector.broadcast %add3A_337 : vector<32x1xi32> to vector<32x4096xi32>
    %ge3A_339 = arith.cmpi sge, %select_n3A_35, %ge3A_338 : vector<32x4096xi32>
    %convert_element_type3A_340 = arith.extui %ge3A_339 : vector<32x4096xi1> to vector<32x4096xi32>
    %reduce_sum3A_341 = arith.constant dense<0> : vector<32xi32>
    %reduce_sum3A_342 = vector.multi_reduction <add>, %convert_element_type3A_340, %reduce_sum3A_341 [1] : vector<32x4096xi32> to vector<32xi32>
    %broadcast_in_dim3A_343 = vector.shape_cast %reduce_sum3A_342 : vector<32xi32> to vector<32x1xi32>
    %ge3A_344 = arith.constant 100 : i32
    %ge3A_345 = vector.broadcast %ge3A_344 : i32 to vector<32x1xi32>
    %ge3A_346 = arith.cmpi sge, %broadcast_in_dim3A_343, %ge3A_345 : vector<32x1xi32>
    %select_n3A_347 = arith.select %ge3A_346, %add3A_337, %select_n3A_334 : vector<32x1xi1>, vector<32x1xi32>
    %add3A_348 = arith.constant 128 : i32
    %add3A_349 = vector.broadcast %add3A_348 : i32 to vector<32x1xi32>
    %add3A_350 = arith.addi %select_n3A_347, %add3A_349 : vector<32x1xi32>
    %ge3A_351 = vector.broadcast %add3A_350 : vector<32x1xi32> to vector<32x4096xi32>
    %ge3A_352 = arith.cmpi sge, %select_n3A_35, %ge3A_351 : vector<32x4096xi32>
    %convert_element_type3A_353 = arith.extui %ge3A_352 : vector<32x4096xi1> to vector<32x4096xi32>
    %reduce_sum3A_354 = arith.constant dense<0> : vector<32xi32>
    %reduce_sum3A_355 = vector.multi_reduction <add>, %convert_element_type3A_353, %reduce_sum3A_354 [1] : vector<32x4096xi32> to vector<32xi32>
    %broadcast_in_dim3A_356 = vector.shape_cast %reduce_sum3A_355 : vector<32xi32> to vector<32x1xi32>
    %ge3A_357 = arith.constant 100 : i32
    %ge3A_358 = vector.broadcast %ge3A_357 : i32 to vector<32x1xi32>
    %ge3A_359 = arith.cmpi sge, %broadcast_in_dim3A_356, %ge3A_358 : vector<32x1xi32>
    %select_n3A_360 = arith.select %ge3A_359, %add3A_350, %select_n3A_347 : vector<32x1xi1>, vector<32x1xi32>
    %add3A_361 = arith.constant 64 : i32
    %add3A_362 = vector.broadcast %add3A_361 : i32 to vector<32x1xi32>
    %add3A_363 = arith.addi %select_n3A_360, %add3A_362 : vector<32x1xi32>
    %ge3A_364 = vector.broadcast %add3A_363 : vector<32x1xi32> to vector<32x4096xi32>
    %ge3A_365 = arith.cmpi sge, %select_n3A_35, %ge3A_364 : vector<32x4096xi32>
    %convert_element_type3A_366 = arith.extui %ge3A_365 : vector<32x4096xi1> to vector<32x4096xi32>
    %reduce_sum3A_367 = arith.constant dense<0> : vector<32xi32>
    %reduce_sum3A_368 = vector.multi_reduction <add>, %convert_element_type3A_366, %reduce_sum3A_367 [1] : vector<32x4096xi32> to vector<32xi32>
    %broadcast_in_dim3A_369 = vector.shape_cast %reduce_sum3A_368 : vector<32xi32> to vector<32x1xi32>
    %ge3A_370 = arith.constant 100 : i32
    %ge3A_371 = vector.broadcast %ge3A_370 : i32 to vector<32x1xi32>
    %ge3A_372 = arith.cmpi sge, %broadcast_in_dim3A_369, %ge3A_371 : vector<32x1xi32>
    %select_n3A_373 = arith.select %ge3A_372, %add3A_363, %select_n3A_360 : vector<32x1xi1>, vector<32x1xi32>
    %add3A_374 = arith.constant 32 : i32
    %add3A_375 = vector.broadcast %add3A_374 : i32 to vector<32x1xi32>
    %add3A_376 = arith.addi %select_n3A_373, %add3A_375 : vector<32x1xi32>
    %ge3A_377 = vector.broadcast %add3A_376 : vector<32x1xi32> to vector<32x4096xi32>
    %ge3A_378 = arith.cmpi sge, %select_n3A_35, %ge3A_377 : vector<32x4096xi32>
    %convert_element_type3A_379 = arith.extui %ge3A_378 : vector<32x4096xi1> to vector<32x4096xi32>
    %reduce_sum3A_380 = arith.constant dense<0> : vector<32xi32>
    %reduce_sum3A_381 = vector.multi_reduction <add>, %convert_element_type3A_379, %reduce_sum3A_380 [1] : vector<32x4096xi32> to vector<32xi32>
    %broadcast_in_dim3A_382 = vector.shape_cast %reduce_sum3A_381 : vector<32xi32> to vector<32x1xi32>
    %ge3A_383 = arith.constant 100 : i32
    %ge3A_384 = vector.broadcast %ge3A_383 : i32 to vector<32x1xi32>
    %ge3A_385 = arith.cmpi sge, %broadcast_in_dim3A_382, %ge3A_384 : vector<32x1xi32>
    %select_n3A_386 = arith.select %ge3A_385, %add3A_376, %select_n3A_373 : vector<32x1xi1>, vector<32x1xi32>
    %add3A_387 = arith.constant 16 : i32
    %add3A_388 = vector.broadcast %add3A_387 : i32 to vector<32x1xi32>
    %add3A_389 = arith.addi %select_n3A_386, %add3A_388 : vector<32x1xi32>
    %ge3A_390 = vector.broadcast %add3A_389 : vector<32x1xi32> to vector<32x4096xi32>
    %ge3A_391 = arith.cmpi sge, %select_n3A_35, %ge3A_390 : vector<32x4096xi32>
    %convert_element_type3A_392 = arith.extui %ge3A_391 : vector<32x4096xi1> to vector<32x4096xi32>
    %reduce_sum3A_393 = arith.constant dense<0> : vector<32xi32>
    %reduce_sum3A_394 = vector.multi_reduction <add>, %convert_element_type3A_392, %reduce_sum3A_393 [1] : vector<32x4096xi32> to vector<32xi32>
    %broadcast_in_dim3A_395 = vector.shape_cast %reduce_sum3A_394 : vector<32xi32> to vector<32x1xi32>
    %ge3A_396 = arith.constant 100 : i32
    %ge3A_397 = vector.broadcast %ge3A_396 : i32 to vector<32x1xi32>
    %ge3A_398 = arith.cmpi sge, %broadcast_in_dim3A_395, %ge3A_397 : vector<32x1xi32>
    %select_n3A_399 = arith.select %ge3A_398, %add3A_389, %select_n3A_386 : vector<32x1xi1>, vector<32x1xi32>
    %add3A_400 = arith.constant 8 : i32
    %add3A_401 = vector.broadcast %add3A_400 : i32 to vector<32x1xi32>
    %add3A_402 = arith.addi %select_n3A_399, %add3A_401 : vector<32x1xi32>
    %ge3A_403 = vector.broadcast %add3A_402 : vector<32x1xi32> to vector<32x4096xi32>
    %ge3A_404 = arith.cmpi sge, %select_n3A_35, %ge3A_403 : vector<32x4096xi32>
    %convert_element_type3A_405 = arith.extui %ge3A_404 : vector<32x4096xi1> to vector<32x4096xi32>
    %reduce_sum3A_406 = arith.constant dense<0> : vector<32xi32>
    %reduce_sum3A_407 = vector.multi_reduction <add>, %convert_element_type3A_405, %reduce_sum3A_406 [1] : vector<32x4096xi32> to vector<32xi32>
    %broadcast_in_dim3A_408 = vector.shape_cast %reduce_sum3A_407 : vector<32xi32> to vector<32x1xi32>
    %ge3A_409 = arith.constant 100 : i32
    %ge3A_410 = vector.broadcast %ge3A_409 : i32 to vector<32x1xi32>
    %ge3A_411 = arith.cmpi sge, %broadcast_in_dim3A_408, %ge3A_410 : vector<32x1xi32>
    %select_n3A_412 = arith.select %ge3A_411, %add3A_402, %select_n3A_399 : vector<32x1xi1>, vector<32x1xi32>
    %add3A_413 = arith.constant 4 : i32
    %add3A_414 = vector.broadcast %add3A_413 : i32 to vector<32x1xi32>
    %add3A_415 = arith.addi %select_n3A_412, %add3A_414 : vector<32x1xi32>
    %ge3A_416 = vector.broadcast %add3A_415 : vector<32x1xi32> to vector<32x4096xi32>
    %ge3A_417 = arith.cmpi sge, %select_n3A_35, %ge3A_416 : vector<32x4096xi32>
    %convert_element_type3A_418 = arith.extui %ge3A_417 : vector<32x4096xi1> to vector<32x4096xi32>
    %reduce_sum3A_419 = arith.constant dense<0> : vector<32xi32>
    %reduce_sum3A_420 = vector.multi_reduction <add>, %convert_element_type3A_418, %reduce_sum3A_419 [1] : vector<32x4096xi32> to vector<32xi32>
    %broadcast_in_dim3A_421 = vector.shape_cast %reduce_sum3A_420 : vector<32xi32> to vector<32x1xi32>
    %ge3A_422 = arith.constant 100 : i32
    %ge3A_423 = vector.broadcast %ge3A_422 : i32 to vector<32x1xi32>
    %ge3A_424 = arith.cmpi sge, %broadcast_in_dim3A_421, %ge3A_423 : vector<32x1xi32>
    %select_n3A_425 = arith.select %ge3A_424, %add3A_415, %select_n3A_412 : vector<32x1xi1>, vector<32x1xi32>
    %add3A_426 = arith.constant 2 : i32
    %add3A_427 = vector.broadcast %add3A_426 : i32 to vector<32x1xi32>
    %add3A_428 = arith.addi %select_n3A_425, %add3A_427 : vector<32x1xi32>
    %ge3A_429 = vector.broadcast %add3A_428 : vector<32x1xi32> to vector<32x4096xi32>
    %ge3A_430 = arith.cmpi sge, %select_n3A_35, %ge3A_429 : vector<32x4096xi32>
    %convert_element_type3A_431 = arith.extui %ge3A_430 : vector<32x4096xi1> to vector<32x4096xi32>
    %reduce_sum3A_432 = arith.constant dense<0> : vector<32xi32>
    %reduce_sum3A_433 = vector.multi_reduction <add>, %convert_element_type3A_431, %reduce_sum3A_432 [1] : vector<32x4096xi32> to vector<32xi32>
    %broadcast_in_dim3A_434 = vector.shape_cast %reduce_sum3A_433 : vector<32xi32> to vector<32x1xi32>
    %ge3A_435 = arith.constant 100 : i32
    %ge3A_436 = vector.broadcast %ge3A_435 : i32 to vector<32x1xi32>
    %ge3A_437 = arith.cmpi sge, %broadcast_in_dim3A_434, %ge3A_436 : vector<32x1xi32>
    %select_n3A_438 = arith.select %ge3A_437, %add3A_428, %select_n3A_425 : vector<32x1xi1>, vector<32x1xi32>
    %add3A_439 = arith.constant 1 : i32
    %add3A_440 = vector.broadcast %add3A_439 : i32 to vector<32x1xi32>
    %add3A_441 = arith.addi %select_n3A_438, %add3A_440 : vector<32x1xi32>
    %ge3A_442 = vector.broadcast %add3A_441 : vector<32x1xi32> to vector<32x4096xi32>
    %ge3A_443 = arith.cmpi sge, %select_n3A_35, %ge3A_442 : vector<32x4096xi32>
    %convert_element_type3A_444 = arith.extui %ge3A_443 : vector<32x4096xi1> to vector<32x4096xi32>
    %reduce_sum3A_445 = arith.constant dense<0> : vector<32xi32>
    %reduce_sum3A_446 = vector.multi_reduction <add>, %convert_element_type3A_444, %reduce_sum3A_445 [1] : vector<32x4096xi32> to vector<32xi32>
    %broadcast_in_dim3A_447 = vector.shape_cast %reduce_sum3A_446 : vector<32xi32> to vector<32x1xi32>
    %ge3A_448 = arith.constant 100 : i32
    %ge3A_449 = vector.broadcast %ge3A_448 : i32 to vector<32x1xi32>
    %ge3A_450 = arith.cmpi sge, %broadcast_in_dim3A_447, %ge3A_449 : vector<32x1xi32>
    %select_n3A_451 = arith.select %ge3A_450, %add3A_441, %select_n3A_438 : vector<32x1xi1>, vector<32x1xi32>
    %gt3A = vector.broadcast %select_n3A_451 : vector<32x1xi32> to vector<32x4096xi32>
    %gt3A_452 = arith.cmpi sgt, %select_n3A_35, %gt3A : vector<32x4096xi32>
    %convert_element_type3A_453 = arith.extui %gt3A_452 : vector<32x4096xi1> to vector<32x4096xi32>
    %reduce_sum3A_454 = arith.constant dense<0> : vector<32xi32>
    %reduce_sum3A_455 = vector.multi_reduction <add>, %convert_element_type3A_453, %reduce_sum3A_454 [1] : vector<32x4096xi32> to vector<32xi32>
    %broadcast_in_dim3A_456 = vector.shape_cast %reduce_sum3A_455 : vector<32xi32> to vector<32x1xi32>
    %eq3A_457 = vector.broadcast %select_n3A_451 : vector<32x1xi32> to vector<32x4096xi32>
    %eq3A_458 = arith.cmpi eq, %select_n3A_35, %eq3A_457 : vector<32x4096xi32>
    %convert_element_type3A_459 = arith.extui %eq3A_458 : vector<32x4096xi1> to vector<32x4096xi32>
    %reduce_sum3A_460 = arith.constant dense<0> : vector<32xi32>
    %reduce_sum3A_461 = vector.multi_reduction <add>, %convert_element_type3A_459, %reduce_sum3A_460 [1] : vector<32x4096xi32> to vector<32xi32>
    %broadcast_in_dim3A_462 = vector.shape_cast %reduce_sum3A_461 : vector<32xi32> to vector<32x1xi32>
    %sub3A_463 = arith.constant 100 : i32
    %sub3A_464 = vector.broadcast %sub3A_463 : i32 to vector<32x1xi32>
    %sub3A_465 = arith.subi %sub3A_464, %broadcast_in_dim3A_456 : vector<32x1xi32>
    %sub3A_466 = arith.subi %broadcast_in_dim3A_462, %sub3A_465 : vector<32x1xi32>
    %add3A_467 = arith.constant 1 : i32
    %add3A_468 = vector.broadcast %add3A_467 : i32 to vector<32x1xi32>
    %add3A_469 = arith.addi %sub3A_466, %add3A_468 : vector<32x1xi32>
    %broadcast_in_dim3A_470 = arith.constant 0 : i32
    %broadcast_in_dim3A_471 = vector.broadcast %broadcast_in_dim3A_470 : i32 to vector<32x1xi32>
    %add3A_472 = arith.constant 65536 : i32
    %add3A_473 = vector.broadcast %add3A_472 : i32 to vector<32x1xi32>
    %add3A_474 = arith.addi %broadcast_in_dim3A_471, %add3A_473 : vector<32x1xi32>
    %ge3A_475 = vector.broadcast %add3A_474 : vector<32x1xi32> to vector<32x4096xi32>
    %ge3A_476 = arith.cmpi sge, %add3A_30, %ge3A_475 : vector<32x4096xi32>
    %and3A_477 = arith.andi %eq3A_458, %ge3A_476 : vector<32x4096xi1>
    %convert_element_type3A_478 = arith.extui %and3A_477 : vector<32x4096xi1> to vector<32x4096xi32>
    %reduce_sum3A_479 = arith.constant dense<0> : vector<32xi32>
    %reduce_sum3A_480 = vector.multi_reduction <add>, %convert_element_type3A_478, %reduce_sum3A_479 [1] : vector<32x4096xi32> to vector<32xi32>
    %broadcast_in_dim3A_481 = vector.shape_cast %reduce_sum3A_480 : vector<32xi32> to vector<32x1xi32>
    %ge3A_482 = arith.cmpi sge, %broadcast_in_dim3A_481, %add3A_469 : vector<32x1xi32>
    %select_n3A_483 = arith.select %ge3A_482, %add3A_474, %broadcast_in_dim3A_471 : vector<32x1xi1>, vector<32x1xi32>
    %add3A_484 = arith.constant 32768 : i32
    %add3A_485 = vector.broadcast %add3A_484 : i32 to vector<32x1xi32>
    %add3A_486 = arith.addi %select_n3A_483, %add3A_485 : vector<32x1xi32>
    %ge3A_487 = vector.broadcast %add3A_486 : vector<32x1xi32> to vector<32x4096xi32>
    %ge3A_488 = arith.cmpi sge, %add3A_30, %ge3A_487 : vector<32x4096xi32>
    %and3A_489 = arith.andi %eq3A_458, %ge3A_488 : vector<32x4096xi1>
    %convert_element_type3A_490 = arith.extui %and3A_489 : vector<32x4096xi1> to vector<32x4096xi32>
    %reduce_sum3A_491 = arith.constant dense<0> : vector<32xi32>
    %reduce_sum3A_492 = vector.multi_reduction <add>, %convert_element_type3A_490, %reduce_sum3A_491 [1] : vector<32x4096xi32> to vector<32xi32>
    %broadcast_in_dim3A_493 = vector.shape_cast %reduce_sum3A_492 : vector<32xi32> to vector<32x1xi32>
    %ge3A_494 = arith.cmpi sge, %broadcast_in_dim3A_493, %add3A_469 : vector<32x1xi32>
    %select_n3A_495 = arith.select %ge3A_494, %add3A_486, %select_n3A_483 : vector<32x1xi1>, vector<32x1xi32>
    %add3A_496 = arith.constant 16384 : i32
    %add3A_497 = vector.broadcast %add3A_496 : i32 to vector<32x1xi32>
    %add3A_498 = arith.addi %select_n3A_495, %add3A_497 : vector<32x1xi32>
    %ge3A_499 = vector.broadcast %add3A_498 : vector<32x1xi32> to vector<32x4096xi32>
    %ge3A_500 = arith.cmpi sge, %add3A_30, %ge3A_499 : vector<32x4096xi32>
    %and3A_501 = arith.andi %eq3A_458, %ge3A_500 : vector<32x4096xi1>
    %convert_element_type3A_502 = arith.extui %and3A_501 : vector<32x4096xi1> to vector<32x4096xi32>
    %reduce_sum3A_503 = arith.constant dense<0> : vector<32xi32>
    %reduce_sum3A_504 = vector.multi_reduction <add>, %convert_element_type3A_502, %reduce_sum3A_503 [1] : vector<32x4096xi32> to vector<32xi32>
    %broadcast_in_dim3A_505 = vector.shape_cast %reduce_sum3A_504 : vector<32xi32> to vector<32x1xi32>
    %ge3A_506 = arith.cmpi sge, %broadcast_in_dim3A_505, %add3A_469 : vector<32x1xi32>
    %select_n3A_507 = arith.select %ge3A_506, %add3A_498, %select_n3A_495 : vector<32x1xi1>, vector<32x1xi32>
    %add3A_508 = arith.constant 8192 : i32
    %add3A_509 = vector.broadcast %add3A_508 : i32 to vector<32x1xi32>
    %add3A_510 = arith.addi %select_n3A_507, %add3A_509 : vector<32x1xi32>
    %ge3A_511 = vector.broadcast %add3A_510 : vector<32x1xi32> to vector<32x4096xi32>
    %ge3A_512 = arith.cmpi sge, %add3A_30, %ge3A_511 : vector<32x4096xi32>
    %and3A_513 = arith.andi %eq3A_458, %ge3A_512 : vector<32x4096xi1>
    %convert_element_type3A_514 = arith.extui %and3A_513 : vector<32x4096xi1> to vector<32x4096xi32>
    %reduce_sum3A_515 = arith.constant dense<0> : vector<32xi32>
    %reduce_sum3A_516 = vector.multi_reduction <add>, %convert_element_type3A_514, %reduce_sum3A_515 [1] : vector<32x4096xi32> to vector<32xi32>
    %broadcast_in_dim3A_517 = vector.shape_cast %reduce_sum3A_516 : vector<32xi32> to vector<32x1xi32>
    %ge3A_518 = arith.cmpi sge, %broadcast_in_dim3A_517, %add3A_469 : vector<32x1xi32>
    %select_n3A_519 = arith.select %ge3A_518, %add3A_510, %select_n3A_507 : vector<32x1xi1>, vector<32x1xi32>
    %add3A_520 = arith.constant 4096 : i32
    %add3A_521 = vector.broadcast %add3A_520 : i32 to vector<32x1xi32>
    %add3A_522 = arith.addi %select_n3A_519, %add3A_521 : vector<32x1xi32>
    %ge3A_523 = vector.broadcast %add3A_522 : vector<32x1xi32> to vector<32x4096xi32>
    %ge3A_524 = arith.cmpi sge, %add3A_30, %ge3A_523 : vector<32x4096xi32>
    %and3A_525 = arith.andi %eq3A_458, %ge3A_524 : vector<32x4096xi1>
    %convert_element_type3A_526 = arith.extui %and3A_525 : vector<32x4096xi1> to vector<32x4096xi32>
    %reduce_sum3A_527 = arith.constant dense<0> : vector<32xi32>
    %reduce_sum3A_528 = vector.multi_reduction <add>, %convert_element_type3A_526, %reduce_sum3A_527 [1] : vector<32x4096xi32> to vector<32xi32>
    %broadcast_in_dim3A_529 = vector.shape_cast %reduce_sum3A_528 : vector<32xi32> to vector<32x1xi32>
    %ge3A_530 = arith.cmpi sge, %broadcast_in_dim3A_529, %add3A_469 : vector<32x1xi32>
    %select_n3A_531 = arith.select %ge3A_530, %add3A_522, %select_n3A_519 : vector<32x1xi1>, vector<32x1xi32>
    %add3A_532 = arith.constant 2048 : i32
    %add3A_533 = vector.broadcast %add3A_532 : i32 to vector<32x1xi32>
    %add3A_534 = arith.addi %select_n3A_531, %add3A_533 : vector<32x1xi32>
    %ge3A_535 = vector.broadcast %add3A_534 : vector<32x1xi32> to vector<32x4096xi32>
    %ge3A_536 = arith.cmpi sge, %add3A_30, %ge3A_535 : vector<32x4096xi32>
    %and3A_537 = arith.andi %eq3A_458, %ge3A_536 : vector<32x4096xi1>
    %convert_element_type3A_538 = arith.extui %and3A_537 : vector<32x4096xi1> to vector<32x4096xi32>
    %reduce_sum3A_539 = arith.constant dense<0> : vector<32xi32>
    %reduce_sum3A_540 = vector.multi_reduction <add>, %convert_element_type3A_538, %reduce_sum3A_539 [1] : vector<32x4096xi32> to vector<32xi32>
    %broadcast_in_dim3A_541 = vector.shape_cast %reduce_sum3A_540 : vector<32xi32> to vector<32x1xi32>
    %ge3A_542 = arith.cmpi sge, %broadcast_in_dim3A_541, %add3A_469 : vector<32x1xi32>
    %select_n3A_543 = arith.select %ge3A_542, %add3A_534, %select_n3A_531 : vector<32x1xi1>, vector<32x1xi32>
    %add3A_544 = arith.constant 1024 : i32
    %add3A_545 = vector.broadcast %add3A_544 : i32 to vector<32x1xi32>
    %add3A_546 = arith.addi %select_n3A_543, %add3A_545 : vector<32x1xi32>
    %ge3A_547 = vector.broadcast %add3A_546 : vector<32x1xi32> to vector<32x4096xi32>
    %ge3A_548 = arith.cmpi sge, %add3A_30, %ge3A_547 : vector<32x4096xi32>
    %and3A_549 = arith.andi %eq3A_458, %ge3A_548 : vector<32x4096xi1>
    %convert_element_type3A_550 = arith.extui %and3A_549 : vector<32x4096xi1> to vector<32x4096xi32>
    %reduce_sum3A_551 = arith.constant dense<0> : vector<32xi32>
    %reduce_sum3A_552 = vector.multi_reduction <add>, %convert_element_type3A_550, %reduce_sum3A_551 [1] : vector<32x4096xi32> to vector<32xi32>
    %broadcast_in_dim3A_553 = vector.shape_cast %reduce_sum3A_552 : vector<32xi32> to vector<32x1xi32>
    %ge3A_554 = arith.cmpi sge, %broadcast_in_dim3A_553, %add3A_469 : vector<32x1xi32>
    %select_n3A_555 = arith.select %ge3A_554, %add3A_546, %select_n3A_543 : vector<32x1xi1>, vector<32x1xi32>
    %add3A_556 = arith.constant 512 : i32
    %add3A_557 = vector.broadcast %add3A_556 : i32 to vector<32x1xi32>
    %add3A_558 = arith.addi %select_n3A_555, %add3A_557 : vector<32x1xi32>
    %ge3A_559 = vector.broadcast %add3A_558 : vector<32x1xi32> to vector<32x4096xi32>
    %ge3A_560 = arith.cmpi sge, %add3A_30, %ge3A_559 : vector<32x4096xi32>
    %and3A_561 = arith.andi %eq3A_458, %ge3A_560 : vector<32x4096xi1>
    %convert_element_type3A_562 = arith.extui %and3A_561 : vector<32x4096xi1> to vector<32x4096xi32>
    %reduce_sum3A_563 = arith.constant dense<0> : vector<32xi32>
    %reduce_sum3A_564 = vector.multi_reduction <add>, %convert_element_type3A_562, %reduce_sum3A_563 [1] : vector<32x4096xi32> to vector<32xi32>
    %broadcast_in_dim3A_565 = vector.shape_cast %reduce_sum3A_564 : vector<32xi32> to vector<32x1xi32>
    %ge3A_566 = arith.cmpi sge, %broadcast_in_dim3A_565, %add3A_469 : vector<32x1xi32>
    %select_n3A_567 = arith.select %ge3A_566, %add3A_558, %select_n3A_555 : vector<32x1xi1>, vector<32x1xi32>
    %add3A_568 = arith.constant 256 : i32
    %add3A_569 = vector.broadcast %add3A_568 : i32 to vector<32x1xi32>
    %add3A_570 = arith.addi %select_n3A_567, %add3A_569 : vector<32x1xi32>
    %ge3A_571 = vector.broadcast %add3A_570 : vector<32x1xi32> to vector<32x4096xi32>
    %ge3A_572 = arith.cmpi sge, %add3A_30, %ge3A_571 : vector<32x4096xi32>
    %and3A_573 = arith.andi %eq3A_458, %ge3A_572 : vector<32x4096xi1>
    %convert_element_type3A_574 = arith.extui %and3A_573 : vector<32x4096xi1> to vector<32x4096xi32>
    %reduce_sum3A_575 = arith.constant dense<0> : vector<32xi32>
    %reduce_sum3A_576 = vector.multi_reduction <add>, %convert_element_type3A_574, %reduce_sum3A_575 [1] : vector<32x4096xi32> to vector<32xi32>
    %broadcast_in_dim3A_577 = vector.shape_cast %reduce_sum3A_576 : vector<32xi32> to vector<32x1xi32>
    %ge3A_578 = arith.cmpi sge, %broadcast_in_dim3A_577, %add3A_469 : vector<32x1xi32>
    %select_n3A_579 = arith.select %ge3A_578, %add3A_570, %select_n3A_567 : vector<32x1xi1>, vector<32x1xi32>
    %add3A_580 = arith.constant 128 : i32
    %add3A_581 = vector.broadcast %add3A_580 : i32 to vector<32x1xi32>
    %add3A_582 = arith.addi %select_n3A_579, %add3A_581 : vector<32x1xi32>
    %ge3A_583 = vector.broadcast %add3A_582 : vector<32x1xi32> to vector<32x4096xi32>
    %ge3A_584 = arith.cmpi sge, %add3A_30, %ge3A_583 : vector<32x4096xi32>
    %and3A_585 = arith.andi %eq3A_458, %ge3A_584 : vector<32x4096xi1>
    %convert_element_type3A_586 = arith.extui %and3A_585 : vector<32x4096xi1> to vector<32x4096xi32>
    %reduce_sum3A_587 = arith.constant dense<0> : vector<32xi32>
    %reduce_sum3A_588 = vector.multi_reduction <add>, %convert_element_type3A_586, %reduce_sum3A_587 [1] : vector<32x4096xi32> to vector<32xi32>
    %broadcast_in_dim3A_589 = vector.shape_cast %reduce_sum3A_588 : vector<32xi32> to vector<32x1xi32>
    %ge3A_590 = arith.cmpi sge, %broadcast_in_dim3A_589, %add3A_469 : vector<32x1xi32>
    %select_n3A_591 = arith.select %ge3A_590, %add3A_582, %select_n3A_579 : vector<32x1xi1>, vector<32x1xi32>
    %add3A_592 = arith.constant 64 : i32
    %add3A_593 = vector.broadcast %add3A_592 : i32 to vector<32x1xi32>
    %add3A_594 = arith.addi %select_n3A_591, %add3A_593 : vector<32x1xi32>
    %ge3A_595 = vector.broadcast %add3A_594 : vector<32x1xi32> to vector<32x4096xi32>
    %ge3A_596 = arith.cmpi sge, %add3A_30, %ge3A_595 : vector<32x4096xi32>
    %and3A_597 = arith.andi %eq3A_458, %ge3A_596 : vector<32x4096xi1>
    %convert_element_type3A_598 = arith.extui %and3A_597 : vector<32x4096xi1> to vector<32x4096xi32>
    %reduce_sum3A_599 = arith.constant dense<0> : vector<32xi32>
    %reduce_sum3A_600 = vector.multi_reduction <add>, %convert_element_type3A_598, %reduce_sum3A_599 [1] : vector<32x4096xi32> to vector<32xi32>
    %broadcast_in_dim3A_601 = vector.shape_cast %reduce_sum3A_600 : vector<32xi32> to vector<32x1xi32>
    %ge3A_602 = arith.cmpi sge, %broadcast_in_dim3A_601, %add3A_469 : vector<32x1xi32>
    %select_n3A_603 = arith.select %ge3A_602, %add3A_594, %select_n3A_591 : vector<32x1xi1>, vector<32x1xi32>
    %add3A_604 = arith.constant 32 : i32
    %add3A_605 = vector.broadcast %add3A_604 : i32 to vector<32x1xi32>
    %add3A_606 = arith.addi %select_n3A_603, %add3A_605 : vector<32x1xi32>
    %ge3A_607 = vector.broadcast %add3A_606 : vector<32x1xi32> to vector<32x4096xi32>
    %ge3A_608 = arith.cmpi sge, %add3A_30, %ge3A_607 : vector<32x4096xi32>
    %and3A_609 = arith.andi %eq3A_458, %ge3A_608 : vector<32x4096xi1>
    %convert_element_type3A_610 = arith.extui %and3A_609 : vector<32x4096xi1> to vector<32x4096xi32>
    %reduce_sum3A_611 = arith.constant dense<0> : vector<32xi32>
    %reduce_sum3A_612 = vector.multi_reduction <add>, %convert_element_type3A_610, %reduce_sum3A_611 [1] : vector<32x4096xi32> to vector<32xi32>
    %broadcast_in_dim3A_613 = vector.shape_cast %reduce_sum3A_612 : vector<32xi32> to vector<32x1xi32>
    %ge3A_614 = arith.cmpi sge, %broadcast_in_dim3A_613, %add3A_469 : vector<32x1xi32>
    %select_n3A_615 = arith.select %ge3A_614, %add3A_606, %select_n3A_603 : vector<32x1xi1>, vector<32x1xi32>
    %add3A_616 = arith.constant 16 : i32
    %add3A_617 = vector.broadcast %add3A_616 : i32 to vector<32x1xi32>
    %add3A_618 = arith.addi %select_n3A_615, %add3A_617 : vector<32x1xi32>
    %ge3A_619 = vector.broadcast %add3A_618 : vector<32x1xi32> to vector<32x4096xi32>
    %ge3A_620 = arith.cmpi sge, %add3A_30, %ge3A_619 : vector<32x4096xi32>
    %and3A_621 = arith.andi %eq3A_458, %ge3A_620 : vector<32x4096xi1>
    %convert_element_type3A_622 = arith.extui %and3A_621 : vector<32x4096xi1> to vector<32x4096xi32>
    %reduce_sum3A_623 = arith.constant dense<0> : vector<32xi32>
    %reduce_sum3A_624 = vector.multi_reduction <add>, %convert_element_type3A_622, %reduce_sum3A_623 [1] : vector<32x4096xi32> to vector<32xi32>
    %broadcast_in_dim3A_625 = vector.shape_cast %reduce_sum3A_624 : vector<32xi32> to vector<32x1xi32>
    %ge3A_626 = arith.cmpi sge, %broadcast_in_dim3A_625, %add3A_469 : vector<32x1xi32>
    %select_n3A_627 = arith.select %ge3A_626, %add3A_618, %select_n3A_615 : vector<32x1xi1>, vector<32x1xi32>
    %add3A_628 = arith.constant 8 : i32
    %add3A_629 = vector.broadcast %add3A_628 : i32 to vector<32x1xi32>
    %add3A_630 = arith.addi %select_n3A_627, %add3A_629 : vector<32x1xi32>
    %ge3A_631 = vector.broadcast %add3A_630 : vector<32x1xi32> to vector<32x4096xi32>
    %ge3A_632 = arith.cmpi sge, %add3A_30, %ge3A_631 : vector<32x4096xi32>
    %and3A_633 = arith.andi %eq3A_458, %ge3A_632 : vector<32x4096xi1>
    %convert_element_type3A_634 = arith.extui %and3A_633 : vector<32x4096xi1> to vector<32x4096xi32>
    %reduce_sum3A_635 = arith.constant dense<0> : vector<32xi32>
    %reduce_sum3A_636 = vector.multi_reduction <add>, %convert_element_type3A_634, %reduce_sum3A_635 [1] : vector<32x4096xi32> to vector<32xi32>
    %broadcast_in_dim3A_637 = vector.shape_cast %reduce_sum3A_636 : vector<32xi32> to vector<32x1xi32>
    %ge3A_638 = arith.cmpi sge, %broadcast_in_dim3A_637, %add3A_469 : vector<32x1xi32>
    %select_n3A_639 = arith.select %ge3A_638, %add3A_630, %select_n3A_627 : vector<32x1xi1>, vector<32x1xi32>
    %add3A_640 = arith.constant 4 : i32
    %add3A_641 = vector.broadcast %add3A_640 : i32 to vector<32x1xi32>
    %add3A_642 = arith.addi %select_n3A_639, %add3A_641 : vector<32x1xi32>
    %ge3A_643 = vector.broadcast %add3A_642 : vector<32x1xi32> to vector<32x4096xi32>
    %ge3A_644 = arith.cmpi sge, %add3A_30, %ge3A_643 : vector<32x4096xi32>
    %and3A_645 = arith.andi %eq3A_458, %ge3A_644 : vector<32x4096xi1>
    %convert_element_type3A_646 = arith.extui %and3A_645 : vector<32x4096xi1> to vector<32x4096xi32>
    %reduce_sum3A_647 = arith.constant dense<0> : vector<32xi32>
    %reduce_sum3A_648 = vector.multi_reduction <add>, %convert_element_type3A_646, %reduce_sum3A_647 [1] : vector<32x4096xi32> to vector<32xi32>
    %broadcast_in_dim3A_649 = vector.shape_cast %reduce_sum3A_648 : vector<32xi32> to vector<32x1xi32>
    %ge3A_650 = arith.cmpi sge, %broadcast_in_dim3A_649, %add3A_469 : vector<32x1xi32>
    %select_n3A_651 = arith.select %ge3A_650, %add3A_642, %select_n3A_639 : vector<32x1xi1>, vector<32x1xi32>
    %add3A_652 = arith.constant 2 : i32
    %add3A_653 = vector.broadcast %add3A_652 : i32 to vector<32x1xi32>
    %add3A_654 = arith.addi %select_n3A_651, %add3A_653 : vector<32x1xi32>
    %ge3A_655 = vector.broadcast %add3A_654 : vector<32x1xi32> to vector<32x4096xi32>
    %ge3A_656 = arith.cmpi sge, %add3A_30, %ge3A_655 : vector<32x4096xi32>
    %and3A_657 = arith.andi %eq3A_458, %ge3A_656 : vector<32x4096xi1>
    %convert_element_type3A_658 = arith.extui %and3A_657 : vector<32x4096xi1> to vector<32x4096xi32>
    %reduce_sum3A_659 = arith.constant dense<0> : vector<32xi32>
    %reduce_sum3A_660 = vector.multi_reduction <add>, %convert_element_type3A_658, %reduce_sum3A_659 [1] : vector<32x4096xi32> to vector<32xi32>
    %broadcast_in_dim3A_661 = vector.shape_cast %reduce_sum3A_660 : vector<32xi32> to vector<32x1xi32>
    %ge3A_662 = arith.cmpi sge, %broadcast_in_dim3A_661, %add3A_469 : vector<32x1xi32>
    %select_n3A_663 = arith.select %ge3A_662, %add3A_654, %select_n3A_651 : vector<32x1xi1>, vector<32x1xi32>
    %add3A_664 = arith.constant 1 : i32
    %add3A_665 = vector.broadcast %add3A_664 : i32 to vector<32x1xi32>
    %add3A_666 = arith.addi %select_n3A_663, %add3A_665 : vector<32x1xi32>
    %ge3A_667 = vector.broadcast %add3A_666 : vector<32x1xi32> to vector<32x4096xi32>
    %ge3A_668 = arith.cmpi sge, %add3A_30, %ge3A_667 : vector<32x4096xi32>
    %and3A_669 = arith.andi %eq3A_458, %ge3A_668 : vector<32x4096xi1>
    %convert_element_type3A_670 = arith.extui %and3A_669 : vector<32x4096xi1> to vector<32x4096xi32>
    %reduce_sum3A_671 = arith.constant dense<0> : vector<32xi32>
    %reduce_sum3A_672 = vector.multi_reduction <add>, %convert_element_type3A_670, %reduce_sum3A_671 [1] : vector<32x4096xi32> to vector<32xi32>
    %broadcast_in_dim3A_673 = vector.shape_cast %reduce_sum3A_672 : vector<32xi32> to vector<32x1xi32>
    %ge3A_674 = arith.cmpi sge, %broadcast_in_dim3A_673, %add3A_469 : vector<32x1xi32>
    %select_n3A_675 = arith.select %ge3A_674, %add3A_666, %select_n3A_663 : vector<32x1xi1>, vector<32x1xi32>
    %iota3A_676 = tpu.iota {dimensions = array<i32: 1>} : vector<32x128xi32>
    %eq3A_677 = arith.constant 0 : i32
    %eq3A_678 = vector.broadcast %eq3A_677 : i32 to vector<32x128xi32>
    %eq3A_679 = arith.cmpi eq, %iota3A_676, %eq3A_678 : vector<32x128xi32>
    %eq3A_680 = arith.constant 1 : i32
    %eq3A_681 = vector.broadcast %eq3A_680 : i32 to vector<32x128xi32>
    %eq3A_682 = arith.cmpi eq, %iota3A_676, %eq3A_681 : vector<32x128xi32>
    %jit3A_683 = arith.constant 0 : i32
    %broadcast_in_dim3A_684 = vector.shape_cast %select_n3A_675 : vector<32x1xi32> to vector<32x1xi32>
    %broadcast_in_dim3A_685 = vector.broadcast %broadcast_in_dim3A_684 : vector<32x1xi32> to vector<32x128xi32>
    %broadcast_in_dim3A_686 = vector.broadcast %jit3A_683 : i32 to vector<32x128xi32>
    %select_n3A_687 = arith.select %eq3A_682, %broadcast_in_dim3A_685, %broadcast_in_dim3A_686 : vector<32x128xi1>, vector<32x128xi32>
    %broadcast_in_dim3A_688 = vector.shape_cast %select_n3A_451 : vector<32x1xi32> to vector<32x1xi32>
    %broadcast_in_dim3A_689 = vector.broadcast %broadcast_in_dim3A_688 : vector<32x1xi32> to vector<32x128xi32>
    %select_n3A_690 = arith.select %eq3A_679, %broadcast_in_dim3A_689, %select_n3A_687 : vector<32x128xi1>, vector<32x128xi32>
    %swap3A = arith.constant 0 : index
    %swap3A_691 = arith.constant 0 : index
    %swap3A_692 = vector.load %arg3[%swap3A, %swap3A_691] : memref<32x128xi32, #tpu.memory_space<vmem>>, vector<32x128xi32>
    tpu.vector_store %arg3[%swap3A, %swap3A_691], %select_n3A_690 {strides = array<i32>} : memref<32x128xi32, #tpu.memory_space<vmem>>, vector<32x128xi32>,
    %swap3A_693 = arith.constant 0 : index
    %swap3A_694 = arith.constant 0 : index
    %swap3A_695 = vector.load %arg4[%swap3A_693, %swap3A_694] : memref<32x4096xi32, #tpu.memory_space<vmem>>, vector<32x4096xi32>
    tpu.vector_store %arg4[%swap3A_693, %swap3A_694], %add3A_30 {strides = array<i32>} : memref<32x4096xi32, #tpu.memory_space<vmem>>, vector<32x4096xi32>,
    return
  }
  func.func @transform_0(%arg0: i32) -> (i32, i32) {
    %c0_i32 = arith.constant 0 : i32
    %c0_i32_0 = arith.constant 0 : i32
    return %arg0, %c0_i32 : i32, i32
  }
  func.func @transform_1(%arg0: i32) -> (i32, i32) {
    %c0_i32 = arith.constant 0 : i32
    %c0_i32_0 = arith.constant 0 : i32
    return %arg0, %c0_i32 : i32, i32
  }
  func.func @transform_2(%arg0: i32) -> (i32, i32) {
    %c0_i32 = arith.constant 0 : i32
    %c0_i32_0 = arith.constant 0 : i32
    return %arg0, %c0_i32 : i32, i32
  }
  func.func @transform_3(%arg0: i32) -> (i32, i32) {
    %c0_i32 = arith.constant 0 : i32
    %c0_i32_0 = arith.constant 0 : i32
    return %arg0, %c0_i32 : i32, i32
  }
}

module attributes {stable_mosaic.version = 14 : i64} {
  func.func @_mini_sort_kernel(%arg0: i32, %arg1: memref<32x128xf32, #tpu.memory_space<vmem>>, %arg2: memref<32x128xi32, #tpu.memory_space<vmem>>, %arg3: memref<32x128xf32, #tpu.memory_space<vmem>>, %arg4: memref<32x128xi32, #tpu.memory_space<vmem>>) attributes {dimension_semantics = [#tpu.dimension_semantics<arbitrary>], iteration_bounds = array<i64: 32>, scalar_prefetch = 0 : i64, scratch_operands = 0 : i64, tpu.core_type = #tpu.core_type<tc>, window_params = [{transform_indices = @transform_0, window_bounds = array<i64: 32, 128>}, {transform_indices = @transform_1, window_bounds = array<i64: 32, 128>}, {transform_indices = @transform_2, window_bounds = array<i64: 32, 128>}, {transform_indices = @transform_3, window_bounds = array<i64: 32, 128>}]} {
    %get3A = arith.constant 0 : index
    %get3A_0 = arith.constant 0 : index
    %get3A_1 = vector.load %arg1[%get3A, %get3A_0] : memref<32x128xf32, #tpu.memory_space<vmem>>, vector<32x128xf32>
    %get3A_2 = arith.constant 0 : index
    %get3A_3 = arith.constant 0 : index
    %get3A_4 = vector.load %arg2[%get3A_2, %get3A_3] : memref<32x128xi32, #tpu.memory_space<vmem>>, vector<32x128xi32>
    %iota3A = tpu.iota {dimensions = array<i32: 1>} : vector<32x128xi32>
    %lt3A = arith.constant 100 : i32
    %lt3A_5 = vector.broadcast %lt3A : i32 to vector<32x128xi32>
    %lt3A_6 = arith.cmpi slt, %iota3A, %lt3A_5 : vector<32x128xi32>
    %jit3A = arith.constant 0xFF800000 : f32
    %broadcast_in_dim3A = vector.broadcast %jit3A : f32 to vector<32x128xf32>
    %select_n3A = arith.select %lt3A_6, %get3A_1, %broadcast_in_dim3A : vector<32x128xi1>, vector<32x128xf32>
    %add3A = arith.constant 1073741824 : i32
    %add3A_7 = vector.broadcast %add3A : i32 to vector<32x128xi32>
    %add3A_8 = arith.addi %add3A_7, %iota3A : vector<32x128xi32>
    %select_n3A_9 = arith.select %lt3A_6, %get3A_4, %add3A_8 : vector<32x128xi1>, vector<32x128xi32>
    %iota3A_10 = tpu.iota {dimensions = array<i32: 1>} : vector<32x128xi32>
    %and3A = arith.constant 1 : i32
    %and3A_11 = vector.broadcast %and3A : i32 to vector<32x128xi32>
    %and3A_12 = arith.andi %iota3A_10, %and3A_11 : vector<32x128xi32>
    %eq3A = arith.constant 0 : i32
    %eq3A_13 = vector.broadcast %eq3A : i32 to vector<32x128xi32>
    %eq3A_14 = arith.cmpi eq, %and3A_12, %eq3A_13 : vector<32x128xi32>
    %slice3A = vector.extract_strided_slice %select_n3A {offsets = [0, 1], sizes = [32, 127], strides = [1, 1]} : vector<32x128xf32> to vector<32x127xf32>
    %slice3A_15 = vector.extract_strided_slice %select_n3A {offsets = [0, 0], sizes = [32, 1], strides = [1, 1]} : vector<32x128xf32> to vector<32x1xf32>
    %concatenate3A = tpu.concatenate %slice3A, %slice3A_15 in 1 : vector<32x127xf32>, vector<32x1xf32> -> vector<32x128xf32>
    %slice3A_16 = vector.extract_strided_slice %select_n3A {offsets = [0, 127], sizes = [32, 1], strides = [1, 1]} : vector<32x128xf32> to vector<32x1xf32>
    %slice3A_17 = vector.extract_strided_slice %select_n3A {offsets = [0, 0], sizes = [32, 127], strides = [1, 1]} : vector<32x128xf32> to vector<32x127xf32>
    %concatenate3A_18 = tpu.concatenate %slice3A_16, %slice3A_17 in 1 : vector<32x1xf32>, vector<32x127xf32> -> vector<32x128xf32>
    %select_n3A_19 = arith.select %eq3A_14, %concatenate3A, %concatenate3A_18 : vector<32x128xi1>, vector<32x128xf32>
    %slice3A_20 = vector.extract_strided_slice %select_n3A_9 {offsets = [0, 1], sizes = [32, 127], strides = [1, 1]} : vector<32x128xi32> to vector<32x127xi32>
    %slice3A_21 = vector.extract_strided_slice %select_n3A_9 {offsets = [0, 0], sizes = [32, 1], strides = [1, 1]} : vector<32x128xi32> to vector<32x1xi32>
    %concatenate3A_22 = tpu.concatenate %slice3A_20, %slice3A_21 in 1 : vector<32x127xi32>, vector<32x1xi32> -> vector<32x128xi32>
    %slice3A_23 = vector.extract_strided_slice %select_n3A_9 {offsets = [0, 127], sizes = [32, 1], strides = [1, 1]} : vector<32x128xi32> to vector<32x1xi32>
    %slice3A_24 = vector.extract_strided_slice %select_n3A_9 {offsets = [0, 0], sizes = [32, 127], strides = [1, 1]} : vector<32x128xi32> to vector<32x127xi32>
    %concatenate3A_25 = tpu.concatenate %slice3A_23, %slice3A_24 in 1 : vector<32x1xi32>, vector<32x127xi32> -> vector<32x128xi32>
    %select_n3A_26 = arith.select %eq3A_14, %concatenate3A_22, %concatenate3A_25 : vector<32x128xi1>, vector<32x128xi32>
    %and3A_27 = arith.constant 2 : i32
    %and3A_28 = vector.broadcast %and3A_27 : i32 to vector<32x128xi32>
    %and3A_29 = arith.andi %iota3A_10, %and3A_28 : vector<32x128xi32>
    %eq3A_30 = arith.constant 0 : i32
    %eq3A_31 = vector.broadcast %eq3A_30 : i32 to vector<32x128xi32>
    %eq3A_32 = arith.cmpi eq, %and3A_29, %eq3A_31 : vector<32x128xi32>
    %eq3A_33 = arith.xori %eq3A_14, %eq3A_32 : vector<32x128xi1>
    %eq3A_34 = arith.constant dense<true> : vector<32x128xi1>
    %eq3A_35 = arith.xori %eq3A_33, %eq3A_34 : vector<32x128xi1>
    %gt3A = arith.cmpf ogt, %select_n3A, %select_n3A_19 : vector<32x128xf32>
    %eq3A_36 = arith.cmpf oeq, %select_n3A, %select_n3A_19 : vector<32x128xf32>
    %lt3A_37 = arith.cmpi slt, %select_n3A_9, %select_n3A_26 : vector<32x128xi32>
    %and3A_38 = arith.andi %eq3A_36, %lt3A_37 : vector<32x128xi1>
    %or3A = arith.ori %gt3A, %and3A_38 : vector<32x128xi1>
    %xor3A = arith.xori %eq3A_35, %or3A : vector<32x128xi1>
    %select_n3A_39 = arith.select %xor3A, %select_n3A_19, %select_n3A : vector<32x128xi1>, vector<32x128xf32>
    %select_n3A_40 = arith.select %xor3A, %select_n3A_26, %select_n3A_9 : vector<32x128xi1>, vector<32x128xi32>
    %and3A_41 = arith.constant 2 : i32
    %and3A_42 = vector.broadcast %and3A_41 : i32 to vector<32x128xi32>
    %and3A_43 = arith.andi %iota3A_10, %and3A_42 : vector<32x128xi32>
    %eq3A_44 = arith.constant 0 : i32
    %eq3A_45 = vector.broadcast %eq3A_44 : i32 to vector<32x128xi32>
    %eq3A_46 = arith.cmpi eq, %and3A_43, %eq3A_45 : vector<32x128xi32>
    %slice3A_47 = vector.extract_strided_slice %select_n3A_39 {offsets = [0, 2], sizes = [32, 126], strides = [1, 1]} : vector<32x128xf32> to vector<32x126xf32>
    %slice3A_48 = vector.extract_strided_slice %select_n3A_39 {offsets = [0, 0], sizes = [32, 2], strides = [1, 1]} : vector<32x128xf32> to vector<32x2xf32>
    %concatenate3A_49 = tpu.concatenate %slice3A_47, %slice3A_48 in 1 : vector<32x126xf32>, vector<32x2xf32> -> vector<32x128xf32>
    %slice3A_50 = vector.extract_strided_slice %select_n3A_39 {offsets = [0, 126], sizes = [32, 2], strides = [1, 1]} : vector<32x128xf32> to vector<32x2xf32>
    %slice3A_51 = vector.extract_strided_slice %select_n3A_39 {offsets = [0, 0], sizes = [32, 126], strides = [1, 1]} : vector<32x128xf32> to vector<32x126xf32>
    %concatenate3A_52 = tpu.concatenate %slice3A_50, %slice3A_51 in 1 : vector<32x2xf32>, vector<32x126xf32> -> vector<32x128xf32>
    %select_n3A_53 = arith.select %eq3A_46, %concatenate3A_49, %concatenate3A_52 : vector<32x128xi1>, vector<32x128xf32>
    %slice3A_54 = vector.extract_strided_slice %select_n3A_40 {offsets = [0, 2], sizes = [32, 126], strides = [1, 1]} : vector<32x128xi32> to vector<32x126xi32>
    %slice3A_55 = vector.extract_strided_slice %select_n3A_40 {offsets = [0, 0], sizes = [32, 2], strides = [1, 1]} : vector<32x128xi32> to vector<32x2xi32>
    %concatenate3A_56 = tpu.concatenate %slice3A_54, %slice3A_55 in 1 : vector<32x126xi32>, vector<32x2xi32> -> vector<32x128xi32>
    %slice3A_57 = vector.extract_strided_slice %select_n3A_40 {offsets = [0, 126], sizes = [32, 2], strides = [1, 1]} : vector<32x128xi32> to vector<32x2xi32>
    %slice3A_58 = vector.extract_strided_slice %select_n3A_40 {offsets = [0, 0], sizes = [32, 126], strides = [1, 1]} : vector<32x128xi32> to vector<32x126xi32>
    %concatenate3A_59 = tpu.concatenate %slice3A_57, %slice3A_58 in 1 : vector<32x2xi32>, vector<32x126xi32> -> vector<32x128xi32>
    %select_n3A_60 = arith.select %eq3A_46, %concatenate3A_56, %concatenate3A_59 : vector<32x128xi1>, vector<32x128xi32>
    %and3A_61 = arith.constant 4 : i32
    %and3A_62 = vector.broadcast %and3A_61 : i32 to vector<32x128xi32>
    %and3A_63 = arith.andi %iota3A_10, %and3A_62 : vector<32x128xi32>
    %eq3A_64 = arith.constant 0 : i32
    %eq3A_65 = vector.broadcast %eq3A_64 : i32 to vector<32x128xi32>
    %eq3A_66 = arith.cmpi eq, %and3A_63, %eq3A_65 : vector<32x128xi32>
    %eq3A_67 = arith.xori %eq3A_46, %eq3A_66 : vector<32x128xi1>
    %eq3A_68 = arith.constant dense<true> : vector<32x128xi1>
    %eq3A_69 = arith.xori %eq3A_67, %eq3A_68 : vector<32x128xi1>
    %gt3A_70 = arith.cmpf ogt, %select_n3A_39, %select_n3A_53 : vector<32x128xf32>
    %eq3A_71 = arith.cmpf oeq, %select_n3A_39, %select_n3A_53 : vector<32x128xf32>
    %lt3A_72 = arith.cmpi slt, %select_n3A_40, %select_n3A_60 : vector<32x128xi32>
    %and3A_73 = arith.andi %eq3A_71, %lt3A_72 : vector<32x128xi1>
    %or3A_74 = arith.ori %gt3A_70, %and3A_73 : vector<32x128xi1>
    %xor3A_75 = arith.xori %eq3A_69, %or3A_74 : vector<32x128xi1>
    %select_n3A_76 = arith.select %xor3A_75, %select_n3A_53, %select_n3A_39 : vector<32x128xi1>, vector<32x128xf32>
    %select_n3A_77 = arith.select %xor3A_75, %select_n3A_60, %select_n3A_40 : vector<32x128xi1>, vector<32x128xi32>
    %and3A_78 = arith.constant 1 : i32
    %and3A_79 = vector.broadcast %and3A_78 : i32 to vector<32x128xi32>
    %and3A_80 = arith.andi %iota3A_10, %and3A_79 : vector<32x128xi32>
    %eq3A_81 = arith.constant 0 : i32
    %eq3A_82 = vector.broadcast %eq3A_81 : i32 to vector<32x128xi32>
    %eq3A_83 = arith.cmpi eq, %and3A_80, %eq3A_82 : vector<32x128xi32>
    %slice3A_84 = vector.extract_strided_slice %select_n3A_76 {offsets = [0, 1], sizes = [32, 127], strides = [1, 1]} : vector<32x128xf32> to vector<32x127xf32>
    %slice3A_85 = vector.extract_strided_slice %select_n3A_76 {offsets = [0, 0], sizes = [32, 1], strides = [1, 1]} : vector<32x128xf32> to vector<32x1xf32>
    %concatenate3A_86 = tpu.concatenate %slice3A_84, %slice3A_85 in 1 : vector<32x127xf32>, vector<32x1xf32> -> vector<32x128xf32>
    %slice3A_87 = vector.extract_strided_slice %select_n3A_76 {offsets = [0, 127], sizes = [32, 1], strides = [1, 1]} : vector<32x128xf32> to vector<32x1xf32>
    %slice3A_88 = vector.extract_strided_slice %select_n3A_76 {offsets = [0, 0], sizes = [32, 127], strides = [1, 1]} : vector<32x128xf32> to vector<32x127xf32>
    %concatenate3A_89 = tpu.concatenate %slice3A_87, %slice3A_88 in 1 : vector<32x1xf32>, vector<32x127xf32> -> vector<32x128xf32>
    %select_n3A_90 = arith.select %eq3A_83, %concatenate3A_86, %concatenate3A_89 : vector<32x128xi1>, vector<32x128xf32>
    %slice3A_91 = vector.extract_strided_slice %select_n3A_77 {offsets = [0, 1], sizes = [32, 127], strides = [1, 1]} : vector<32x128xi32> to vector<32x127xi32>
    %slice3A_92 = vector.extract_strided_slice %select_n3A_77 {offsets = [0, 0], sizes = [32, 1], strides = [1, 1]} : vector<32x128xi32> to vector<32x1xi32>
    %concatenate3A_93 = tpu.concatenate %slice3A_91, %slice3A_92 in 1 : vector<32x127xi32>, vector<32x1xi32> -> vector<32x128xi32>
    %slice3A_94 = vector.extract_strided_slice %select_n3A_77 {offsets = [0, 127], sizes = [32, 1], strides = [1, 1]} : vector<32x128xi32> to vector<32x1xi32>
    %slice3A_95 = vector.extract_strided_slice %select_n3A_77 {offsets = [0, 0], sizes = [32, 127], strides = [1, 1]} : vector<32x128xi32> to vector<32x127xi32>
    %concatenate3A_96 = tpu.concatenate %slice3A_94, %slice3A_95 in 1 : vector<32x1xi32>, vector<32x127xi32> -> vector<32x128xi32>
    %select_n3A_97 = arith.select %eq3A_83, %concatenate3A_93, %concatenate3A_96 : vector<32x128xi1>, vector<32x128xi32>
    %and3A_98 = arith.constant 4 : i32
    %and3A_99 = vector.broadcast %and3A_98 : i32 to vector<32x128xi32>
    %and3A_100 = arith.andi %iota3A_10, %and3A_99 : vector<32x128xi32>
    %eq3A_101 = arith.constant 0 : i32
    %eq3A_102 = vector.broadcast %eq3A_101 : i32 to vector<32x128xi32>
    %eq3A_103 = arith.cmpi eq, %and3A_100, %eq3A_102 : vector<32x128xi32>
    %eq3A_104 = arith.xori %eq3A_83, %eq3A_103 : vector<32x128xi1>
    %eq3A_105 = arith.constant dense<true> : vector<32x128xi1>
    %eq3A_106 = arith.xori %eq3A_104, %eq3A_105 : vector<32x128xi1>
    %gt3A_107 = arith.cmpf ogt, %select_n3A_76, %select_n3A_90 : vector<32x128xf32>
    %eq3A_108 = arith.cmpf oeq, %select_n3A_76, %select_n3A_90 : vector<32x128xf32>
    %lt3A_109 = arith.cmpi slt, %select_n3A_77, %select_n3A_97 : vector<32x128xi32>
    %and3A_110 = arith.andi %eq3A_108, %lt3A_109 : vector<32x128xi1>
    %or3A_111 = arith.ori %gt3A_107, %and3A_110 : vector<32x128xi1>
    %xor3A_112 = arith.xori %eq3A_106, %or3A_111 : vector<32x128xi1>
    %select_n3A_113 = arith.select %xor3A_112, %select_n3A_90, %select_n3A_76 : vector<32x128xi1>, vector<32x128xf32>
    %select_n3A_114 = arith.select %xor3A_112, %select_n3A_97, %select_n3A_77 : vector<32x128xi1>, vector<32x128xi32>
    %and3A_115 = arith.constant 4 : i32
    %and3A_116 = vector.broadcast %and3A_115 : i32 to vector<32x128xi32>
    %and3A_117 = arith.andi %iota3A_10, %and3A_116 : vector<32x128xi32>
    %eq3A_118 = arith.constant 0 : i32
    %eq3A_119 = vector.broadcast %eq3A_118 : i32 to vector<32x128xi32>
    %eq3A_120 = arith.cmpi eq, %and3A_117, %eq3A_119 : vector<32x128xi32>
    %slice3A_121 = vector.extract_strided_slice %select_n3A_113 {offsets = [0, 4], sizes = [32, 124], strides = [1, 1]} : vector<32x128xf32> to vector<32x124xf32>
    %slice3A_122 = vector.extract_strided_slice %select_n3A_113 {offsets = [0, 0], sizes = [32, 4], strides = [1, 1]} : vector<32x128xf32> to vector<32x4xf32>
    %concatenate3A_123 = tpu.concatenate %slice3A_121, %slice3A_122 in 1 : vector<32x124xf32>, vector<32x4xf32> -> vector<32x128xf32>
    %slice3A_124 = vector.extract_strided_slice %select_n3A_113 {offsets = [0, 124], sizes = [32, 4], strides = [1, 1]} : vector<32x128xf32> to vector<32x4xf32>
    %slice3A_125 = vector.extract_strided_slice %select_n3A_113 {offsets = [0, 0], sizes = [32, 124], strides = [1, 1]} : vector<32x128xf32> to vector<32x124xf32>
    %concatenate3A_126 = tpu.concatenate %slice3A_124, %slice3A_125 in 1 : vector<32x4xf32>, vector<32x124xf32> -> vector<32x128xf32>
    %select_n3A_127 = arith.select %eq3A_120, %concatenate3A_123, %concatenate3A_126 : vector<32x128xi1>, vector<32x128xf32>
    %slice3A_128 = vector.extract_strided_slice %select_n3A_114 {offsets = [0, 4], sizes = [32, 124], strides = [1, 1]} : vector<32x128xi32> to vector<32x124xi32>
    %slice3A_129 = vector.extract_strided_slice %select_n3A_114 {offsets = [0, 0], sizes = [32, 4], strides = [1, 1]} : vector<32x128xi32> to vector<32x4xi32>
    %concatenate3A_130 = tpu.concatenate %slice3A_128, %slice3A_129 in 1 : vector<32x124xi32>, vector<32x4xi32> -> vector<32x128xi32>
    %slice3A_131 = vector.extract_strided_slice %select_n3A_114 {offsets = [0, 124], sizes = [32, 4], strides = [1, 1]} : vector<32x128xi32> to vector<32x4xi32>
    %slice3A_132 = vector.extract_strided_slice %select_n3A_114 {offsets = [0, 0], sizes = [32, 124], strides = [1, 1]} : vector<32x128xi32> to vector<32x124xi32>
    %concatenate3A_133 = tpu.concatenate %slice3A_131, %slice3A_132 in 1 : vector<32x4xi32>, vector<32x124xi32> -> vector<32x128xi32>
    %select_n3A_134 = arith.select %eq3A_120, %concatenate3A_130, %concatenate3A_133 : vector<32x128xi1>, vector<32x128xi32>
    %and3A_135 = arith.constant 8 : i32
    %and3A_136 = vector.broadcast %and3A_135 : i32 to vector<32x128xi32>
    %and3A_137 = arith.andi %iota3A_10, %and3A_136 : vector<32x128xi32>
    %eq3A_138 = arith.constant 0 : i32
    %eq3A_139 = vector.broadcast %eq3A_138 : i32 to vector<32x128xi32>
    %eq3A_140 = arith.cmpi eq, %and3A_137, %eq3A_139 : vector<32x128xi32>
    %eq3A_141 = arith.xori %eq3A_120, %eq3A_140 : vector<32x128xi1>
    %eq3A_142 = arith.constant dense<true> : vector<32x128xi1>
    %eq3A_143 = arith.xori %eq3A_141, %eq3A_142 : vector<32x128xi1>
    %gt3A_144 = arith.cmpf ogt, %select_n3A_113, %select_n3A_127 : vector<32x128xf32>
    %eq3A_145 = arith.cmpf oeq, %select_n3A_113, %select_n3A_127 : vector<32x128xf32>
    %lt3A_146 = arith.cmpi slt, %select_n3A_114, %select_n3A_134 : vector<32x128xi32>
    %and3A_147 = arith.andi %eq3A_145, %lt3A_146 : vector<32x128xi1>
    %or3A_148 = arith.ori %gt3A_144, %and3A_147 : vector<32x128xi1>
    %xor3A_149 = arith.xori %eq3A_143, %or3A_148 : vector<32x128xi1>
    %select_n3A_150 = arith.select %xor3A_149, %select_n3A_127, %select_n3A_113 : vector<32x128xi1>, vector<32x128xf32>
    %select_n3A_151 = arith.select %xor3A_149, %select_n3A_134, %select_n3A_114 : vector<32x128xi1>, vector<32x128xi32>
    %and3A_152 = arith.constant 2 : i32
    %and3A_153 = vector.broadcast %and3A_152 : i32 to vector<32x128xi32>
    %and3A_154 = arith.andi %iota3A_10, %and3A_153 : vector<32x128xi32>
    %eq3A_155 = arith.constant 0 : i32
    %eq3A_156 = vector.broadcast %eq3A_155 : i32 to vector<32x128xi32>
    %eq3A_157 = arith.cmpi eq, %and3A_154, %eq3A_156 : vector<32x128xi32>
    %slice3A_158 = vector.extract_strided_slice %select_n3A_150 {offsets = [0, 2], sizes = [32, 126], strides = [1, 1]} : vector<32x128xf32> to vector<32x126xf32>
    %slice3A_159 = vector.extract_strided_slice %select_n3A_150 {offsets = [0, 0], sizes = [32, 2], strides = [1, 1]} : vector<32x128xf32> to vector<32x2xf32>
    %concatenate3A_160 = tpu.concatenate %slice3A_158, %slice3A_159 in 1 : vector<32x126xf32>, vector<32x2xf32> -> vector<32x128xf32>
    %slice3A_161 = vector.extract_strided_slice %select_n3A_150 {offsets = [0, 126], sizes = [32, 2], strides = [1, 1]} : vector<32x128xf32> to vector<32x2xf32>
    %slice3A_162 = vector.extract_strided_slice %select_n3A_150 {offsets = [0, 0], sizes = [32, 126], strides = [1, 1]} : vector<32x128xf32> to vector<32x126xf32>
    %concatenate3A_163 = tpu.concatenate %slice3A_161, %slice3A_162 in 1 : vector<32x2xf32>, vector<32x126xf32> -> vector<32x128xf32>
    %select_n3A_164 = arith.select %eq3A_157, %concatenate3A_160, %concatenate3A_163 : vector<32x128xi1>, vector<32x128xf32>
    %slice3A_165 = vector.extract_strided_slice %select_n3A_151 {offsets = [0, 2], sizes = [32, 126], strides = [1, 1]} : vector<32x128xi32> to vector<32x126xi32>
    %slice3A_166 = vector.extract_strided_slice %select_n3A_151 {offsets = [0, 0], sizes = [32, 2], strides = [1, 1]} : vector<32x128xi32> to vector<32x2xi32>
    %concatenate3A_167 = tpu.concatenate %slice3A_165, %slice3A_166 in 1 : vector<32x126xi32>, vector<32x2xi32> -> vector<32x128xi32>
    %slice3A_168 = vector.extract_strided_slice %select_n3A_151 {offsets = [0, 126], sizes = [32, 2], strides = [1, 1]} : vector<32x128xi32> to vector<32x2xi32>
    %slice3A_169 = vector.extract_strided_slice %select_n3A_151 {offsets = [0, 0], sizes = [32, 126], strides = [1, 1]} : vector<32x128xi32> to vector<32x126xi32>
    %concatenate3A_170 = tpu.concatenate %slice3A_168, %slice3A_169 in 1 : vector<32x2xi32>, vector<32x126xi32> -> vector<32x128xi32>
    %select_n3A_171 = arith.select %eq3A_157, %concatenate3A_167, %concatenate3A_170 : vector<32x128xi1>, vector<32x128xi32>
    %and3A_172 = arith.constant 8 : i32
    %and3A_173 = vector.broadcast %and3A_172 : i32 to vector<32x128xi32>
    %and3A_174 = arith.andi %iota3A_10, %and3A_173 : vector<32x128xi32>
    %eq3A_175 = arith.constant 0 : i32
    %eq3A_176 = vector.broadcast %eq3A_175 : i32 to vector<32x128xi32>
    %eq3A_177 = arith.cmpi eq, %and3A_174, %eq3A_176 : vector<32x128xi32>
    %eq3A_178 = arith.xori %eq3A_157, %eq3A_177 : vector<32x128xi1>
    %eq3A_179 = arith.constant dense<true> : vector<32x128xi1>
    %eq3A_180 = arith.xori %eq3A_178, %eq3A_179 : vector<32x128xi1>
    %gt3A_181 = arith.cmpf ogt, %select_n3A_150, %select_n3A_164 : vector<32x128xf32>
    %eq3A_182 = arith.cmpf oeq, %select_n3A_150, %select_n3A_164 : vector<32x128xf32>
    %lt3A_183 = arith.cmpi slt, %select_n3A_151, %select_n3A_171 : vector<32x128xi32>
    %and3A_184 = arith.andi %eq3A_182, %lt3A_183 : vector<32x128xi1>
    %or3A_185 = arith.ori %gt3A_181, %and3A_184 : vector<32x128xi1>
    %xor3A_186 = arith.xori %eq3A_180, %or3A_185 : vector<32x128xi1>
    %select_n3A_187 = arith.select %xor3A_186, %select_n3A_164, %select_n3A_150 : vector<32x128xi1>, vector<32x128xf32>
    %select_n3A_188 = arith.select %xor3A_186, %select_n3A_171, %select_n3A_151 : vector<32x128xi1>, vector<32x128xi32>
    %and3A_189 = arith.constant 1 : i32
    %and3A_190 = vector.broadcast %and3A_189 : i32 to vector<32x128xi32>
    %and3A_191 = arith.andi %iota3A_10, %and3A_190 : vector<32x128xi32>
    %eq3A_192 = arith.constant 0 : i32
    %eq3A_193 = vector.broadcast %eq3A_192 : i32 to vector<32x128xi32>
    %eq3A_194 = arith.cmpi eq, %and3A_191, %eq3A_193 : vector<32x128xi32>
    %slice3A_195 = vector.extract_strided_slice %select_n3A_187 {offsets = [0, 1], sizes = [32, 127], strides = [1, 1]} : vector<32x128xf32> to vector<32x127xf32>
    %slice3A_196 = vector.extract_strided_slice %select_n3A_187 {offsets = [0, 0], sizes = [32, 1], strides = [1, 1]} : vector<32x128xf32> to vector<32x1xf32>
    %concatenate3A_197 = tpu.concatenate %slice3A_195, %slice3A_196 in 1 : vector<32x127xf32>, vector<32x1xf32> -> vector<32x128xf32>
    %slice3A_198 = vector.extract_strided_slice %select_n3A_187 {offsets = [0, 127], sizes = [32, 1], strides = [1, 1]} : vector<32x128xf32> to vector<32x1xf32>
    %slice3A_199 = vector.extract_strided_slice %select_n3A_187 {offsets = [0, 0], sizes = [32, 127], strides = [1, 1]} : vector<32x128xf32> to vector<32x127xf32>
    %concatenate3A_200 = tpu.concatenate %slice3A_198, %slice3A_199 in 1 : vector<32x1xf32>, vector<32x127xf32> -> vector<32x128xf32>
    %select_n3A_201 = arith.select %eq3A_194, %concatenate3A_197, %concatenate3A_200 : vector<32x128xi1>, vector<32x128xf32>
    %slice3A_202 = vector.extract_strided_slice %select_n3A_188 {offsets = [0, 1], sizes = [32, 127], strides = [1, 1]} : vector<32x128xi32> to vector<32x127xi32>
    %slice3A_203 = vector.extract_strided_slice %select_n3A_188 {offsets = [0, 0], sizes = [32, 1], strides = [1, 1]} : vector<32x128xi32> to vector<32x1xi32>
    %concatenate3A_204 = tpu.concatenate %slice3A_202, %slice3A_203 in 1 : vector<32x127xi32>, vector<32x1xi32> -> vector<32x128xi32>
    %slice3A_205 = vector.extract_strided_slice %select_n3A_188 {offsets = [0, 127], sizes = [32, 1], strides = [1, 1]} : vector<32x128xi32> to vector<32x1xi32>
    %slice3A_206 = vector.extract_strided_slice %select_n3A_188 {offsets = [0, 0], sizes = [32, 127], strides = [1, 1]} : vector<32x128xi32> to vector<32x127xi32>
    %concatenate3A_207 = tpu.concatenate %slice3A_205, %slice3A_206 in 1 : vector<32x1xi32>, vector<32x127xi32> -> vector<32x128xi32>
    %select_n3A_208 = arith.select %eq3A_194, %concatenate3A_204, %concatenate3A_207 : vector<32x128xi1>, vector<32x128xi32>
    %and3A_209 = arith.constant 8 : i32
    %and3A_210 = vector.broadcast %and3A_209 : i32 to vector<32x128xi32>
    %and3A_211 = arith.andi %iota3A_10, %and3A_210 : vector<32x128xi32>
    %eq3A_212 = arith.constant 0 : i32
    %eq3A_213 = vector.broadcast %eq3A_212 : i32 to vector<32x128xi32>
    %eq3A_214 = arith.cmpi eq, %and3A_211, %eq3A_213 : vector<32x128xi32>
    %eq3A_215 = arith.xori %eq3A_194, %eq3A_214 : vector<32x128xi1>
    %eq3A_216 = arith.constant dense<true> : vector<32x128xi1>
    %eq3A_217 = arith.xori %eq3A_215, %eq3A_216 : vector<32x128xi1>
    %gt3A_218 = arith.cmpf ogt, %select_n3A_187, %select_n3A_201 : vector<32x128xf32>
    %eq3A_219 = arith.cmpf oeq, %select_n3A_187, %select_n3A_201 : vector<32x128xf32>
    %lt3A_220 = arith.cmpi slt, %select_n3A_188, %select_n3A_208 : vector<32x128xi32>
    %and3A_221 = arith.andi %eq3A_219, %lt3A_220 : vector<32x128xi1>
    %or3A_222 = arith.ori %gt3A_218, %and3A_221 : vector<32x128xi1>
    %xor3A_223 = arith.xori %eq3A_217, %or3A_222 : vector<32x128xi1>
    %select_n3A_224 = arith.select %xor3A_223, %select_n3A_201, %select_n3A_187 : vector<32x128xi1>, vector<32x128xf32>
    %select_n3A_225 = arith.select %xor3A_223, %select_n3A_208, %select_n3A_188 : vector<32x128xi1>, vector<32x128xi32>
    %and3A_226 = arith.constant 8 : i32
    %and3A_227 = vector.broadcast %and3A_226 : i32 to vector<32x128xi32>
    %and3A_228 = arith.andi %iota3A_10, %and3A_227 : vector<32x128xi32>
    %eq3A_229 = arith.constant 0 : i32
    %eq3A_230 = vector.broadcast %eq3A_229 : i32 to vector<32x128xi32>
    %eq3A_231 = arith.cmpi eq, %and3A_228, %eq3A_230 : vector<32x128xi32>
    %slice3A_232 = vector.extract_strided_slice %select_n3A_224 {offsets = [0, 8], sizes = [32, 120], strides = [1, 1]} : vector<32x128xf32> to vector<32x120xf32>
    %slice3A_233 = vector.extract_strided_slice %select_n3A_224 {offsets = [0, 0], sizes = [32, 8], strides = [1, 1]} : vector<32x128xf32> to vector<32x8xf32>
    %concatenate3A_234 = tpu.concatenate %slice3A_232, %slice3A_233 in 1 : vector<32x120xf32>, vector<32x8xf32> -> vector<32x128xf32>
    %slice3A_235 = vector.extract_strided_slice %select_n3A_224 {offsets = [0, 120], sizes = [32, 8], strides = [1, 1]} : vector<32x128xf32> to vector<32x8xf32>
    %slice3A_236 = vector.extract_strided_slice %select_n3A_224 {offsets = [0, 0], sizes = [32, 120], strides = [1, 1]} : vector<32x128xf32> to vector<32x120xf32>
    %concatenate3A_237 = tpu.concatenate %slice3A_235, %slice3A_236 in 1 : vector<32x8xf32>, vector<32x120xf32> -> vector<32x128xf32>
    %select_n3A_238 = arith.select %eq3A_231, %concatenate3A_234, %concatenate3A_237 : vector<32x128xi1>, vector<32x128xf32>
    %slice3A_239 = vector.extract_strided_slice %select_n3A_225 {offsets = [0, 8], sizes = [32, 120], strides = [1, 1]} : vector<32x128xi32> to vector<32x120xi32>
    %slice3A_240 = vector.extract_strided_slice %select_n3A_225 {offsets = [0, 0], sizes = [32, 8], strides = [1, 1]} : vector<32x128xi32> to vector<32x8xi32>
    %concatenate3A_241 = tpu.concatenate %slice3A_239, %slice3A_240 in 1 : vector<32x120xi32>, vector<32x8xi32> -> vector<32x128xi32>
    %slice3A_242 = vector.extract_strided_slice %select_n3A_225 {offsets = [0, 120], sizes = [32, 8], strides = [1, 1]} : vector<32x128xi32> to vector<32x8xi32>
    %slice3A_243 = vector.extract_strided_slice %select_n3A_225 {offsets = [0, 0], sizes = [32, 120], strides = [1, 1]} : vector<32x128xi32> to vector<32x120xi32>
    %concatenate3A_244 = tpu.concatenate %slice3A_242, %slice3A_243 in 1 : vector<32x8xi32>, vector<32x120xi32> -> vector<32x128xi32>
    %select_n3A_245 = arith.select %eq3A_231, %concatenate3A_241, %concatenate3A_244 : vector<32x128xi1>, vector<32x128xi32>
    %and3A_246 = arith.constant 16 : i32
    %and3A_247 = vector.broadcast %and3A_246 : i32 to vector<32x128xi32>
    %and3A_248 = arith.andi %iota3A_10, %and3A_247 : vector<32x128xi32>
    %eq3A_249 = arith.constant 0 : i32
    %eq3A_250 = vector.broadcast %eq3A_249 : i32 to vector<32x128xi32>
    %eq3A_251 = arith.cmpi eq, %and3A_248, %eq3A_250 : vector<32x128xi32>
    %eq3A_252 = arith.xori %eq3A_231, %eq3A_251 : vector<32x128xi1>
    %eq3A_253 = arith.constant dense<true> : vector<32x128xi1>
    %eq3A_254 = arith.xori %eq3A_252, %eq3A_253 : vector<32x128xi1>
    %gt3A_255 = arith.cmpf ogt, %select_n3A_224, %select_n3A_238 : vector<32x128xf32>
    %eq3A_256 = arith.cmpf oeq, %select_n3A_224, %select_n3A_238 : vector<32x128xf32>
    %lt3A_257 = arith.cmpi slt, %select_n3A_225, %select_n3A_245 : vector<32x128xi32>
    %and3A_258 = arith.andi %eq3A_256, %lt3A_257 : vector<32x128xi1>
    %or3A_259 = arith.ori %gt3A_255, %and3A_258 : vector<32x128xi1>
    %xor3A_260 = arith.xori %eq3A_254, %or3A_259 : vector<32x128xi1>
    %select_n3A_261 = arith.select %xor3A_260, %select_n3A_238, %select_n3A_224 : vector<32x128xi1>, vector<32x128xf32>
    %select_n3A_262 = arith.select %xor3A_260, %select_n3A_245, %select_n3A_225 : vector<32x128xi1>, vector<32x128xi32>
    %and3A_263 = arith.constant 4 : i32
    %and3A_264 = vector.broadcast %and3A_263 : i32 to vector<32x128xi32>
    %and3A_265 = arith.andi %iota3A_10, %and3A_264 : vector<32x128xi32>
    %eq3A_266 = arith.constant 0 : i32
    %eq3A_267 = vector.broadcast %eq3A_266 : i32 to vector<32x128xi32>
    %eq3A_268 = arith.cmpi eq, %and3A_265, %eq3A_267 : vector<32x128xi32>
    %slice3A_269 = vector.extract_strided_slice %select_n3A_261 {offsets = [0, 4], sizes = [32, 124], strides = [1, 1]} : vector<32x128xf32> to vector<32x124xf32>
    %slice3A_270 = vector.extract_strided_slice %select_n3A_261 {offsets = [0, 0], sizes = [32, 4], strides = [1, 1]} : vector<32x128xf32> to vector<32x4xf32>
    %concatenate3A_271 = tpu.concatenate %slice3A_269, %slice3A_270 in 1 : vector<32x124xf32>, vector<32x4xf32> -> vector<32x128xf32>
    %slice3A_272 = vector.extract_strided_slice %select_n3A_261 {offsets = [0, 124], sizes = [32, 4], strides = [1, 1]} : vector<32x128xf32> to vector<32x4xf32>
    %slice3A_273 = vector.extract_strided_slice %select_n3A_261 {offsets = [0, 0], sizes = [32, 124], strides = [1, 1]} : vector<32x128xf32> to vector<32x124xf32>
    %concatenate3A_274 = tpu.concatenate %slice3A_272, %slice3A_273 in 1 : vector<32x4xf32>, vector<32x124xf32> -> vector<32x128xf32>
    %select_n3A_275 = arith.select %eq3A_268, %concatenate3A_271, %concatenate3A_274 : vector<32x128xi1>, vector<32x128xf32>
    %slice3A_276 = vector.extract_strided_slice %select_n3A_262 {offsets = [0, 4], sizes = [32, 124], strides = [1, 1]} : vector<32x128xi32> to vector<32x124xi32>
    %slice3A_277 = vector.extract_strided_slice %select_n3A_262 {offsets = [0, 0], sizes = [32, 4], strides = [1, 1]} : vector<32x128xi32> to vector<32x4xi32>
    %concatenate3A_278 = tpu.concatenate %slice3A_276, %slice3A_277 in 1 : vector<32x124xi32>, vector<32x4xi32> -> vector<32x128xi32>
    %slice3A_279 = vector.extract_strided_slice %select_n3A_262 {offsets = [0, 124], sizes = [32, 4], strides = [1, 1]} : vector<32x128xi32> to vector<32x4xi32>
    %slice3A_280 = vector.extract_strided_slice %select_n3A_262 {offsets = [0, 0], sizes = [32, 124], strides = [1, 1]} : vector<32x128xi32> to vector<32x124xi32>
    %concatenate3A_281 = tpu.concatenate %slice3A_279, %slice3A_280 in 1 : vector<32x4xi32>, vector<32x124xi32> -> vector<32x128xi32>
    %select_n3A_282 = arith.select %eq3A_268, %concatenate3A_278, %concatenate3A_281 : vector<32x128xi1>, vector<32x128xi32>
    %and3A_283 = arith.constant 16 : i32
    %and3A_284 = vector.broadcast %and3A_283 : i32 to vector<32x128xi32>
    %and3A_285 = arith.andi %iota3A_10, %and3A_284 : vector<32x128xi32>
    %eq3A_286 = arith.constant 0 : i32
    %eq3A_287 = vector.broadcast %eq3A_286 : i32 to vector<32x128xi32>
    %eq3A_288 = arith.cmpi eq, %and3A_285, %eq3A_287 : vector<32x128xi32>
    %eq3A_289 = arith.xori %eq3A_268, %eq3A_288 : vector<32x128xi1>
    %eq3A_290 = arith.constant dense<true> : vector<32x128xi1>
    %eq3A_291 = arith.xori %eq3A_289, %eq3A_290 : vector<32x128xi1>
    %gt3A_292 = arith.cmpf ogt, %select_n3A_261, %select_n3A_275 : vector<32x128xf32>
    %eq3A_293 = arith.cmpf oeq, %select_n3A_261, %select_n3A_275 : vector<32x128xf32>
    %lt3A_294 = arith.cmpi slt, %select_n3A_262, %select_n3A_282 : vector<32x128xi32>
    %and3A_295 = arith.andi %eq3A_293, %lt3A_294 : vector<32x128xi1>
    %or3A_296 = arith.ori %gt3A_292, %and3A_295 : vector<32x128xi1>
    %xor3A_297 = arith.xori %eq3A_291, %or3A_296 : vector<32x128xi1>
    %select_n3A_298 = arith.select %xor3A_297, %select_n3A_275, %select_n3A_261 : vector<32x128xi1>, vector<32x128xf32>
    %select_n3A_299 = arith.select %xor3A_297, %select_n3A_282, %select_n3A_262 : vector<32x128xi1>, vector<32x128xi32>
    %and3A_300 = arith.constant 2 : i32
    %and3A_301 = vector.broadcast %and3A_300 : i32 to vector<32x128xi32>
    %and3A_302 = arith.andi %iota3A_10, %and3A_301 : vector<32x128xi32>
    %eq3A_303 = arith.constant 0 : i32
    %eq3A_304 = vector.broadcast %eq3A_303 : i32 to vector<32x128xi32>
    %eq3A_305 = arith.cmpi eq, %and3A_302, %eq3A_304 : vector<32x128xi32>
    %slice3A_306 = vector.extract_strided_slice %select_n3A_298 {offsets = [0, 2], sizes = [32, 126], strides = [1, 1]} : vector<32x128xf32> to vector<32x126xf32>
    %slice3A_307 = vector.extract_strided_slice %select_n3A_298 {offsets = [0, 0], sizes = [32, 2], strides = [1, 1]} : vector<32x128xf32> to vector<32x2xf32>
    %concatenate3A_308 = tpu.concatenate %slice3A_306, %slice3A_307 in 1 : vector<32x126xf32>, vector<32x2xf32> -> vector<32x128xf32>
    %slice3A_309 = vector.extract_strided_slice %select_n3A_298 {offsets = [0, 126], sizes = [32, 2], strides = [1, 1]} : vector<32x128xf32> to vector<32x2xf32>
    %slice3A_310 = vector.extract_strided_slice %select_n3A_298 {offsets = [0, 0], sizes = [32, 126], strides = [1, 1]} : vector<32x128xf32> to vector<32x126xf32>
    %concatenate3A_311 = tpu.concatenate %slice3A_309, %slice3A_310 in 1 : vector<32x2xf32>, vector<32x126xf32> -> vector<32x128xf32>
    %select_n3A_312 = arith.select %eq3A_305, %concatenate3A_308, %concatenate3A_311 : vector<32x128xi1>, vector<32x128xf32>
    %slice3A_313 = vector.extract_strided_slice %select_n3A_299 {offsets = [0, 2], sizes = [32, 126], strides = [1, 1]} : vector<32x128xi32> to vector<32x126xi32>
    %slice3A_314 = vector.extract_strided_slice %select_n3A_299 {offsets = [0, 0], sizes = [32, 2], strides = [1, 1]} : vector<32x128xi32> to vector<32x2xi32>
    %concatenate3A_315 = tpu.concatenate %slice3A_313, %slice3A_314 in 1 : vector<32x126xi32>, vector<32x2xi32> -> vector<32x128xi32>
    %slice3A_316 = vector.extract_strided_slice %select_n3A_299 {offsets = [0, 126], sizes = [32, 2], strides = [1, 1]} : vector<32x128xi32> to vector<32x2xi32>
    %slice3A_317 = vector.extract_strided_slice %select_n3A_299 {offsets = [0, 0], sizes = [32, 126], strides = [1, 1]} : vector<32x128xi32> to vector<32x126xi32>
    %concatenate3A_318 = tpu.concatenate %slice3A_316, %slice3A_317 in 1 : vector<32x2xi32>, vector<32x126xi32> -> vector<32x128xi32>
    %select_n3A_319 = arith.select %eq3A_305, %concatenate3A_315, %concatenate3A_318 : vector<32x128xi1>, vector<32x128xi32>
    %and3A_320 = arith.constant 16 : i32
    %and3A_321 = vector.broadcast %and3A_320 : i32 to vector<32x128xi32>
    %and3A_322 = arith.andi %iota3A_10, %and3A_321 : vector<32x128xi32>
    %eq3A_323 = arith.constant 0 : i32
    %eq3A_324 = vector.broadcast %eq3A_323 : i32 to vector<32x128xi32>
    %eq3A_325 = arith.cmpi eq, %and3A_322, %eq3A_324 : vector<32x128xi32>
    %eq3A_326 = arith.xori %eq3A_305, %eq3A_325 : vector<32x128xi1>
    %eq3A_327 = arith.constant dense<true> : vector<32x128xi1>
    %eq3A_328 = arith.xori %eq3A_326, %eq3A_327 : vector<32x128xi1>
    %gt3A_329 = arith.cmpf ogt, %select_n3A_298, %select_n3A_312 : vector<32x128xf32>
    %eq3A_330 = arith.cmpf oeq, %select_n3A_298, %select_n3A_312 : vector<32x128xf32>
    %lt3A_331 = arith.cmpi slt, %select_n3A_299, %select_n3A_319 : vector<32x128xi32>
    %and3A_332 = arith.andi %eq3A_330, %lt3A_331 : vector<32x128xi1>
    %or3A_333 = arith.ori %gt3A_329, %and3A_332 : vector<32x128xi1>
    %xor3A_334 = arith.xori %eq3A_328, %or3A_333 : vector<32x128xi1>
    %select_n3A_335 = arith.select %xor3A_334, %select_n3A_312, %select_n3A_298 : vector<32x128xi1>, vector<32x128xf32>
    %select_n3A_336 = arith.select %xor3A_334, %select_n3A_319, %select_n3A_299 : vector<32x128xi1>, vector<32x128xi32>
    %and3A_337 = arith.constant 1 : i32
    %and3A_338 = vector.broadcast %and3A_337 : i32 to vector<32x128xi32>
    %and3A_339 = arith.andi %iota3A_10, %and3A_338 : vector<32x128xi32>
    %eq3A_340 = arith.constant 0 : i32
    %eq3A_341 = vector.broadcast %eq3A_340 : i32 to vector<32x128xi32>
    %eq3A_342 = arith.cmpi eq, %and3A_339, %eq3A_341 : vector<32x128xi32>
    %slice3A_343 = vector.extract_strided_slice %select_n3A_335 {offsets = [0, 1], sizes = [32, 127], strides = [1, 1]} : vector<32x128xf32> to vector<32x127xf32>
    %slice3A_344 = vector.extract_strided_slice %select_n3A_335 {offsets = [0, 0], sizes = [32, 1], strides = [1, 1]} : vector<32x128xf32> to vector<32x1xf32>
    %concatenate3A_345 = tpu.concatenate %slice3A_343, %slice3A_344 in 1 : vector<32x127xf32>, vector<32x1xf32> -> vector<32x128xf32>
    %slice3A_346 = vector.extract_strided_slice %select_n3A_335 {offsets = [0, 127], sizes = [32, 1], strides = [1, 1]} : vector<32x128xf32> to vector<32x1xf32>
    %slice3A_347 = vector.extract_strided_slice %select_n3A_335 {offsets = [0, 0], sizes = [32, 127], strides = [1, 1]} : vector<32x128xf32> to vector<32x127xf32>
    %concatenate3A_348 = tpu.concatenate %slice3A_346, %slice3A_347 in 1 : vector<32x1xf32>, vector<32x127xf32> -> vector<32x128xf32>
    %select_n3A_349 = arith.select %eq3A_342, %concatenate3A_345, %concatenate3A_348 : vector<32x128xi1>, vector<32x128xf32>
    %slice3A_350 = vector.extract_strided_slice %select_n3A_336 {offsets = [0, 1], sizes = [32, 127], strides = [1, 1]} : vector<32x128xi32> to vector<32x127xi32>
    %slice3A_351 = vector.extract_strided_slice %select_n3A_336 {offsets = [0, 0], sizes = [32, 1], strides = [1, 1]} : vector<32x128xi32> to vector<32x1xi32>
    %concatenate3A_352 = tpu.concatenate %slice3A_350, %slice3A_351 in 1 : vector<32x127xi32>, vector<32x1xi32> -> vector<32x128xi32>
    %slice3A_353 = vector.extract_strided_slice %select_n3A_336 {offsets = [0, 127], sizes = [32, 1], strides = [1, 1]} : vector<32x128xi32> to vector<32x1xi32>
    %slice3A_354 = vector.extract_strided_slice %select_n3A_336 {offsets = [0, 0], sizes = [32, 127], strides = [1, 1]} : vector<32x128xi32> to vector<32x127xi32>
    %concatenate3A_355 = tpu.concatenate %slice3A_353, %slice3A_354 in 1 : vector<32x1xi32>, vector<32x127xi32> -> vector<32x128xi32>
    %select_n3A_356 = arith.select %eq3A_342, %concatenate3A_352, %concatenate3A_355 : vector<32x128xi1>, vector<32x128xi32>
    %and3A_357 = arith.constant 16 : i32
    %and3A_358 = vector.broadcast %and3A_357 : i32 to vector<32x128xi32>
    %and3A_359 = arith.andi %iota3A_10, %and3A_358 : vector<32x128xi32>
    %eq3A_360 = arith.constant 0 : i32
    %eq3A_361 = vector.broadcast %eq3A_360 : i32 to vector<32x128xi32>
    %eq3A_362 = arith.cmpi eq, %and3A_359, %eq3A_361 : vector<32x128xi32>
    %eq3A_363 = arith.xori %eq3A_342, %eq3A_362 : vector<32x128xi1>
    %eq3A_364 = arith.constant dense<true> : vector<32x128xi1>
    %eq3A_365 = arith.xori %eq3A_363, %eq3A_364 : vector<32x128xi1>
    %gt3A_366 = arith.cmpf ogt, %select_n3A_335, %select_n3A_349 : vector<32x128xf32>
    %eq3A_367 = arith.cmpf oeq, %select_n3A_335, %select_n3A_349 : vector<32x128xf32>
    %lt3A_368 = arith.cmpi slt, %select_n3A_336, %select_n3A_356 : vector<32x128xi32>
    %and3A_369 = arith.andi %eq3A_367, %lt3A_368 : vector<32x128xi1>
    %or3A_370 = arith.ori %gt3A_366, %and3A_369 : vector<32x128xi1>
    %xor3A_371 = arith.xori %eq3A_365, %or3A_370 : vector<32x128xi1>
    %select_n3A_372 = arith.select %xor3A_371, %select_n3A_349, %select_n3A_335 : vector<32x128xi1>, vector<32x128xf32>
    %select_n3A_373 = arith.select %xor3A_371, %select_n3A_356, %select_n3A_336 : vector<32x128xi1>, vector<32x128xi32>
    %and3A_374 = arith.constant 16 : i32
    %and3A_375 = vector.broadcast %and3A_374 : i32 to vector<32x128xi32>
    %and3A_376 = arith.andi %iota3A_10, %and3A_375 : vector<32x128xi32>
    %eq3A_377 = arith.constant 0 : i32
    %eq3A_378 = vector.broadcast %eq3A_377 : i32 to vector<32x128xi32>
    %eq3A_379 = arith.cmpi eq, %and3A_376, %eq3A_378 : vector<32x128xi32>
    %slice3A_380 = vector.extract_strided_slice %select_n3A_372 {offsets = [0, 16], sizes = [32, 112], strides = [1, 1]} : vector<32x128xf32> to vector<32x112xf32>
    %slice3A_381 = vector.extract_strided_slice %select_n3A_372 {offsets = [0, 0], sizes = [32, 16], strides = [1, 1]} : vector<32x128xf32> to vector<32x16xf32>
    %concatenate3A_382 = tpu.concatenate %slice3A_380, %slice3A_381 in 1 : vector<32x112xf32>, vector<32x16xf32> -> vector<32x128xf32>
    %slice3A_383 = vector.extract_strided_slice %select_n3A_372 {offsets = [0, 112], sizes = [32, 16], strides = [1, 1]} : vector<32x128xf32> to vector<32x16xf32>
    %slice3A_384 = vector.extract_strided_slice %select_n3A_372 {offsets = [0, 0], sizes = [32, 112], strides = [1, 1]} : vector<32x128xf32> to vector<32x112xf32>
    %concatenate3A_385 = tpu.concatenate %slice3A_383, %slice3A_384 in 1 : vector<32x16xf32>, vector<32x112xf32> -> vector<32x128xf32>
    %select_n3A_386 = arith.select %eq3A_379, %concatenate3A_382, %concatenate3A_385 : vector<32x128xi1>, vector<32x128xf32>
    %slice3A_387 = vector.extract_strided_slice %select_n3A_373 {offsets = [0, 16], sizes = [32, 112], strides = [1, 1]} : vector<32x128xi32> to vector<32x112xi32>
    %slice3A_388 = vector.extract_strided_slice %select_n3A_373 {offsets = [0, 0], sizes = [32, 16], strides = [1, 1]} : vector<32x128xi32> to vector<32x16xi32>
    %concatenate3A_389 = tpu.concatenate %slice3A_387, %slice3A_388 in 1 : vector<32x112xi32>, vector<32x16xi32> -> vector<32x128xi32>
    %slice3A_390 = vector.extract_strided_slice %select_n3A_373 {offsets = [0, 112], sizes = [32, 16], strides = [1, 1]} : vector<32x128xi32> to vector<32x16xi32>
    %slice3A_391 = vector.extract_strided_slice %select_n3A_373 {offsets = [0, 0], sizes = [32, 112], strides = [1, 1]} : vector<32x128xi32> to vector<32x112xi32>
    %concatenate3A_392 = tpu.concatenate %slice3A_390, %slice3A_391 in 1 : vector<32x16xi32>, vector<32x112xi32> -> vector<32x128xi32>
    %select_n3A_393 = arith.select %eq3A_379, %concatenate3A_389, %concatenate3A_392 : vector<32x128xi1>, vector<32x128xi32>
    %and3A_394 = arith.constant 32 : i32
    %and3A_395 = vector.broadcast %and3A_394 : i32 to vector<32x128xi32>
    %and3A_396 = arith.andi %iota3A_10, %and3A_395 : vector<32x128xi32>
    %eq3A_397 = arith.constant 0 : i32
    %eq3A_398 = vector.broadcast %eq3A_397 : i32 to vector<32x128xi32>
    %eq3A_399 = arith.cmpi eq, %and3A_396, %eq3A_398 : vector<32x128xi32>
    %eq3A_400 = arith.xori %eq3A_379, %eq3A_399 : vector<32x128xi1>
    %eq3A_401 = arith.constant dense<true> : vector<32x128xi1>
    %eq3A_402 = arith.xori %eq3A_400, %eq3A_401 : vector<32x128xi1>
    %gt3A_403 = arith.cmpf ogt, %select_n3A_372, %select_n3A_386 : vector<32x128xf32>
    %eq3A_404 = arith.cmpf oeq, %select_n3A_372, %select_n3A_386 : vector<32x128xf32>
    %lt3A_405 = arith.cmpi slt, %select_n3A_373, %select_n3A_393 : vector<32x128xi32>
    %and3A_406 = arith.andi %eq3A_404, %lt3A_405 : vector<32x128xi1>
    %or3A_407 = arith.ori %gt3A_403, %and3A_406 : vector<32x128xi1>
    %xor3A_408 = arith.xori %eq3A_402, %or3A_407 : vector<32x128xi1>
    %select_n3A_409 = arith.select %xor3A_408, %select_n3A_386, %select_n3A_372 : vector<32x128xi1>, vector<32x128xf32>
    %select_n3A_410 = arith.select %xor3A_408, %select_n3A_393, %select_n3A_373 : vector<32x128xi1>, vector<32x128xi32>
    %and3A_411 = arith.constant 8 : i32
    %and3A_412 = vector.broadcast %and3A_411 : i32 to vector<32x128xi32>
    %and3A_413 = arith.andi %iota3A_10, %and3A_412 : vector<32x128xi32>
    %eq3A_414 = arith.constant 0 : i32
    %eq3A_415 = vector.broadcast %eq3A_414 : i32 to vector<32x128xi32>
    %eq3A_416 = arith.cmpi eq, %and3A_413, %eq3A_415 : vector<32x128xi32>
    %slice3A_417 = vector.extract_strided_slice %select_n3A_409 {offsets = [0, 8], sizes = [32, 120], strides = [1, 1]} : vector<32x128xf32> to vector<32x120xf32>
    %slice3A_418 = vector.extract_strided_slice %select_n3A_409 {offsets = [0, 0], sizes = [32, 8], strides = [1, 1]} : vector<32x128xf32> to vector<32x8xf32>
    %concatenate3A_419 = tpu.concatenate %slice3A_417, %slice3A_418 in 1 : vector<32x120xf32>, vector<32x8xf32> -> vector<32x128xf32>
    %slice3A_420 = vector.extract_strided_slice %select_n3A_409 {offsets = [0, 120], sizes = [32, 8], strides = [1, 1]} : vector<32x128xf32> to vector<32x8xf32>
    %slice3A_421 = vector.extract_strided_slice %select_n3A_409 {offsets = [0, 0], sizes = [32, 120], strides = [1, 1]} : vector<32x128xf32> to vector<32x120xf32>
    %concatenate3A_422 = tpu.concatenate %slice3A_420, %slice3A_421 in 1 : vector<32x8xf32>, vector<32x120xf32> -> vector<32x128xf32>
    %select_n3A_423 = arith.select %eq3A_416, %concatenate3A_419, %concatenate3A_422 : vector<32x128xi1>, vector<32x128xf32>
    %slice3A_424 = vector.extract_strided_slice %select_n3A_410 {offsets = [0, 8], sizes = [32, 120], strides = [1, 1]} : vector<32x128xi32> to vector<32x120xi32>
    %slice3A_425 = vector.extract_strided_slice %select_n3A_410 {offsets = [0, 0], sizes = [32, 8], strides = [1, 1]} : vector<32x128xi32> to vector<32x8xi32>
    %concatenate3A_426 = tpu.concatenate %slice3A_424, %slice3A_425 in 1 : vector<32x120xi32>, vector<32x8xi32> -> vector<32x128xi32>
    %slice3A_427 = vector.extract_strided_slice %select_n3A_410 {offsets = [0, 120], sizes = [32, 8], strides = [1, 1]} : vector<32x128xi32> to vector<32x8xi32>
    %slice3A_428 = vector.extract_strided_slice %select_n3A_410 {offsets = [0, 0], sizes = [32, 120], strides = [1, 1]} : vector<32x128xi32> to vector<32x120xi32>
    %concatenate3A_429 = tpu.concatenate %slice3A_427, %slice3A_428 in 1 : vector<32x8xi32>, vector<32x120xi32> -> vector<32x128xi32>
    %select_n3A_430 = arith.select %eq3A_416, %concatenate3A_426, %concatenate3A_429 : vector<32x128xi1>, vector<32x128xi32>
    %and3A_431 = arith.constant 32 : i32
    %and3A_432 = vector.broadcast %and3A_431 : i32 to vector<32x128xi32>
    %and3A_433 = arith.andi %iota3A_10, %and3A_432 : vector<32x128xi32>
    %eq3A_434 = arith.constant 0 : i32
    %eq3A_435 = vector.broadcast %eq3A_434 : i32 to vector<32x128xi32>
    %eq3A_436 = arith.cmpi eq, %and3A_433, %eq3A_435 : vector<32x128xi32>
    %eq3A_437 = arith.xori %eq3A_416, %eq3A_436 : vector<32x128xi1>
    %eq3A_438 = arith.constant dense<true> : vector<32x128xi1>
    %eq3A_439 = arith.xori %eq3A_437, %eq3A_438 : vector<32x128xi1>
    %gt3A_440 = arith.cmpf ogt, %select_n3A_409, %select_n3A_423 : vector<32x128xf32>
    %eq3A_441 = arith.cmpf oeq, %select_n3A_409, %select_n3A_423 : vector<32x128xf32>
    %lt3A_442 = arith.cmpi slt, %select_n3A_410, %select_n3A_430 : vector<32x128xi32>
    %and3A_443 = arith.andi %eq3A_441, %lt3A_442 : vector<32x128xi1>
    %or3A_444 = arith.ori %gt3A_440, %and3A_443 : vector<32x128xi1>
    %xor3A_445 = arith.xori %eq3A_439, %or3A_444 : vector<32x128xi1>
    %select_n3A_446 = arith.select %xor3A_445, %select_n3A_423, %select_n3A_409 : vector<32x128xi1>, vector<32x128xf32>
    %select_n3A_447 = arith.select %xor3A_445, %select_n3A_430, %select_n3A_410 : vector<32x128xi1>, vector<32x128xi32>
    %and3A_448 = arith.constant 4 : i32
    %and3A_449 = vector.broadcast %and3A_448 : i32 to vector<32x128xi32>
    %and3A_450 = arith.andi %iota3A_10, %and3A_449 : vector<32x128xi32>
    %eq3A_451 = arith.constant 0 : i32
    %eq3A_452 = vector.broadcast %eq3A_451 : i32 to vector<32x128xi32>
    %eq3A_453 = arith.cmpi eq, %and3A_450, %eq3A_452 : vector<32x128xi32>
    %slice3A_454 = vector.extract_strided_slice %select_n3A_446 {offsets = [0, 4], sizes = [32, 124], strides = [1, 1]} : vector<32x128xf32> to vector<32x124xf32>
    %slice3A_455 = vector.extract_strided_slice %select_n3A_446 {offsets = [0, 0], sizes = [32, 4], strides = [1, 1]} : vector<32x128xf32> to vector<32x4xf32>
    %concatenate3A_456 = tpu.concatenate %slice3A_454, %slice3A_455 in 1 : vector<32x124xf32>, vector<32x4xf32> -> vector<32x128xf32>
    %slice3A_457 = vector.extract_strided_slice %select_n3A_446 {offsets = [0, 124], sizes = [32, 4], strides = [1, 1]} : vector<32x128xf32> to vector<32x4xf32>
    %slice3A_458 = vector.extract_strided_slice %select_n3A_446 {offsets = [0, 0], sizes = [32, 124], strides = [1, 1]} : vector<32x128xf32> to vector<32x124xf32>
    %concatenate3A_459 = tpu.concatenate %slice3A_457, %slice3A_458 in 1 : vector<32x4xf32>, vector<32x124xf32> -> vector<32x128xf32>
    %select_n3A_460 = arith.select %eq3A_453, %concatenate3A_456, %concatenate3A_459 : vector<32x128xi1>, vector<32x128xf32>
    %slice3A_461 = vector.extract_strided_slice %select_n3A_447 {offsets = [0, 4], sizes = [32, 124], strides = [1, 1]} : vector<32x128xi32> to vector<32x124xi32>
    %slice3A_462 = vector.extract_strided_slice %select_n3A_447 {offsets = [0, 0], sizes = [32, 4], strides = [1, 1]} : vector<32x128xi32> to vector<32x4xi32>
    %concatenate3A_463 = tpu.concatenate %slice3A_461, %slice3A_462 in 1 : vector<32x124xi32>, vector<32x4xi32> -> vector<32x128xi32>
    %slice3A_464 = vector.extract_strided_slice %select_n3A_447 {offsets = [0, 124], sizes = [32, 4], strides = [1, 1]} : vector<32x128xi32> to vector<32x4xi32>
    %slice3A_465 = vector.extract_strided_slice %select_n3A_447 {offsets = [0, 0], sizes = [32, 124], strides = [1, 1]} : vector<32x128xi32> to vector<32x124xi32>
    %concatenate3A_466 = tpu.concatenate %slice3A_464, %slice3A_465 in 1 : vector<32x4xi32>, vector<32x124xi32> -> vector<32x128xi32>
    %select_n3A_467 = arith.select %eq3A_453, %concatenate3A_463, %concatenate3A_466 : vector<32x128xi1>, vector<32x128xi32>
    %and3A_468 = arith.constant 32 : i32
    %and3A_469 = vector.broadcast %and3A_468 : i32 to vector<32x128xi32>
    %and3A_470 = arith.andi %iota3A_10, %and3A_469 : vector<32x128xi32>
    %eq3A_471 = arith.constant 0 : i32
    %eq3A_472 = vector.broadcast %eq3A_471 : i32 to vector<32x128xi32>
    %eq3A_473 = arith.cmpi eq, %and3A_470, %eq3A_472 : vector<32x128xi32>
    %eq3A_474 = arith.xori %eq3A_453, %eq3A_473 : vector<32x128xi1>
    %eq3A_475 = arith.constant dense<true> : vector<32x128xi1>
    %eq3A_476 = arith.xori %eq3A_474, %eq3A_475 : vector<32x128xi1>
    %gt3A_477 = arith.cmpf ogt, %select_n3A_446, %select_n3A_460 : vector<32x128xf32>
    %eq3A_478 = arith.cmpf oeq, %select_n3A_446, %select_n3A_460 : vector<32x128xf32>
    %lt3A_479 = arith.cmpi slt, %select_n3A_447, %select_n3A_467 : vector<32x128xi32>
    %and3A_480 = arith.andi %eq3A_478, %lt3A_479 : vector<32x128xi1>
    %or3A_481 = arith.ori %gt3A_477, %and3A_480 : vector<32x128xi1>
    %xor3A_482 = arith.xori %eq3A_476, %or3A_481 : vector<32x128xi1>
    %select_n3A_483 = arith.select %xor3A_482, %select_n3A_460, %select_n3A_446 : vector<32x128xi1>, vector<32x128xf32>
    %select_n3A_484 = arith.select %xor3A_482, %select_n3A_467, %select_n3A_447 : vector<32x128xi1>, vector<32x128xi32>
    %and3A_485 = arith.constant 2 : i32
    %and3A_486 = vector.broadcast %and3A_485 : i32 to vector<32x128xi32>
    %and3A_487 = arith.andi %iota3A_10, %and3A_486 : vector<32x128xi32>
    %eq3A_488 = arith.constant 0 : i32
    %eq3A_489 = vector.broadcast %eq3A_488 : i32 to vector<32x128xi32>
    %eq3A_490 = arith.cmpi eq, %and3A_487, %eq3A_489 : vector<32x128xi32>
    %slice3A_491 = vector.extract_strided_slice %select_n3A_483 {offsets = [0, 2], sizes = [32, 126], strides = [1, 1]} : vector<32x128xf32> to vector<32x126xf32>
    %slice3A_492 = vector.extract_strided_slice %select_n3A_483 {offsets = [0, 0], sizes = [32, 2], strides = [1, 1]} : vector<32x128xf32> to vector<32x2xf32>
    %concatenate3A_493 = tpu.concatenate %slice3A_491, %slice3A_492 in 1 : vector<32x126xf32>, vector<32x2xf32> -> vector<32x128xf32>
    %slice3A_494 = vector.extract_strided_slice %select_n3A_483 {offsets = [0, 126], sizes = [32, 2], strides = [1, 1]} : vector<32x128xf32> to vector<32x2xf32>
    %slice3A_495 = vector.extract_strided_slice %select_n3A_483 {offsets = [0, 0], sizes = [32, 126], strides = [1, 1]} : vector<32x128xf32> to vector<32x126xf32>
    %concatenate3A_496 = tpu.concatenate %slice3A_494, %slice3A_495 in 1 : vector<32x2xf32>, vector<32x126xf32> -> vector<32x128xf32>
    %select_n3A_497 = arith.select %eq3A_490, %concatenate3A_493, %concatenate3A_496 : vector<32x128xi1>, vector<32x128xf32>
    %slice3A_498 = vector.extract_strided_slice %select_n3A_484 {offsets = [0, 2], sizes = [32, 126], strides = [1, 1]} : vector<32x128xi32> to vector<32x126xi32>
    %slice3A_499 = vector.extract_strided_slice %select_n3A_484 {offsets = [0, 0], sizes = [32, 2], strides = [1, 1]} : vector<32x128xi32> to vector<32x2xi32>
    %concatenate3A_500 = tpu.concatenate %slice3A_498, %slice3A_499 in 1 : vector<32x126xi32>, vector<32x2xi32> -> vector<32x128xi32>
    %slice3A_501 = vector.extract_strided_slice %select_n3A_484 {offsets = [0, 126], sizes = [32, 2], strides = [1, 1]} : vector<32x128xi32> to vector<32x2xi32>
    %slice3A_502 = vector.extract_strided_slice %select_n3A_484 {offsets = [0, 0], sizes = [32, 126], strides = [1, 1]} : vector<32x128xi32> to vector<32x126xi32>
    %concatenate3A_503 = tpu.concatenate %slice3A_501, %slice3A_502 in 1 : vector<32x2xi32>, vector<32x126xi32> -> vector<32x128xi32>
    %select_n3A_504 = arith.select %eq3A_490, %concatenate3A_500, %concatenate3A_503 : vector<32x128xi1>, vector<32x128xi32>
    %and3A_505 = arith.constant 32 : i32
    %and3A_506 = vector.broadcast %and3A_505 : i32 to vector<32x128xi32>
    %and3A_507 = arith.andi %iota3A_10, %and3A_506 : vector<32x128xi32>
    %eq3A_508 = arith.constant 0 : i32
    %eq3A_509 = vector.broadcast %eq3A_508 : i32 to vector<32x128xi32>
    %eq3A_510 = arith.cmpi eq, %and3A_507, %eq3A_509 : vector<32x128xi32>
    %eq3A_511 = arith.xori %eq3A_490, %eq3A_510 : vector<32x128xi1>
    %eq3A_512 = arith.constant dense<true> : vector<32x128xi1>
    %eq3A_513 = arith.xori %eq3A_511, %eq3A_512 : vector<32x128xi1>
    %gt3A_514 = arith.cmpf ogt, %select_n3A_483, %select_n3A_497 : vector<32x128xf32>
    %eq3A_515 = arith.cmpf oeq, %select_n3A_483, %select_n3A_497 : vector<32x128xf32>
    %lt3A_516 = arith.cmpi slt, %select_n3A_484, %select_n3A_504 : vector<32x128xi32>
    %and3A_517 = arith.andi %eq3A_515, %lt3A_516 : vector<32x128xi1>
    %or3A_518 = arith.ori %gt3A_514, %and3A_517 : vector<32x128xi1>
    %xor3A_519 = arith.xori %eq3A_513, %or3A_518 : vector<32x128xi1>
    %select_n3A_520 = arith.select %xor3A_519, %select_n3A_497, %select_n3A_483 : vector<32x128xi1>, vector<32x128xf32>
    %select_n3A_521 = arith.select %xor3A_519, %select_n3A_504, %select_n3A_484 : vector<32x128xi1>, vector<32x128xi32>
    %and3A_522 = arith.constant 1 : i32
    %and3A_523 = vector.broadcast %and3A_522 : i32 to vector<32x128xi32>
    %and3A_524 = arith.andi %iota3A_10, %and3A_523 : vector<32x128xi32>
    %eq3A_525 = arith.constant 0 : i32
    %eq3A_526 = vector.broadcast %eq3A_525 : i32 to vector<32x128xi32>
    %eq3A_527 = arith.cmpi eq, %and3A_524, %eq3A_526 : vector<32x128xi32>
    %slice3A_528 = vector.extract_strided_slice %select_n3A_520 {offsets = [0, 1], sizes = [32, 127], strides = [1, 1]} : vector<32x128xf32> to vector<32x127xf32>
    %slice3A_529 = vector.extract_strided_slice %select_n3A_520 {offsets = [0, 0], sizes = [32, 1], strides = [1, 1]} : vector<32x128xf32> to vector<32x1xf32>
    %concatenate3A_530 = tpu.concatenate %slice3A_528, %slice3A_529 in 1 : vector<32x127xf32>, vector<32x1xf32> -> vector<32x128xf32>
    %slice3A_531 = vector.extract_strided_slice %select_n3A_520 {offsets = [0, 127], sizes = [32, 1], strides = [1, 1]} : vector<32x128xf32> to vector<32x1xf32>
    %slice3A_532 = vector.extract_strided_slice %select_n3A_520 {offsets = [0, 0], sizes = [32, 127], strides = [1, 1]} : vector<32x128xf32> to vector<32x127xf32>
    %concatenate3A_533 = tpu.concatenate %slice3A_531, %slice3A_532 in 1 : vector<32x1xf32>, vector<32x127xf32> -> vector<32x128xf32>
    %select_n3A_534 = arith.select %eq3A_527, %concatenate3A_530, %concatenate3A_533 : vector<32x128xi1>, vector<32x128xf32>
    %slice3A_535 = vector.extract_strided_slice %select_n3A_521 {offsets = [0, 1], sizes = [32, 127], strides = [1, 1]} : vector<32x128xi32> to vector<32x127xi32>
    %slice3A_536 = vector.extract_strided_slice %select_n3A_521 {offsets = [0, 0], sizes = [32, 1], strides = [1, 1]} : vector<32x128xi32> to vector<32x1xi32>
    %concatenate3A_537 = tpu.concatenate %slice3A_535, %slice3A_536 in 1 : vector<32x127xi32>, vector<32x1xi32> -> vector<32x128xi32>
    %slice3A_538 = vector.extract_strided_slice %select_n3A_521 {offsets = [0, 127], sizes = [32, 1], strides = [1, 1]} : vector<32x128xi32> to vector<32x1xi32>
    %slice3A_539 = vector.extract_strided_slice %select_n3A_521 {offsets = [0, 0], sizes = [32, 127], strides = [1, 1]} : vector<32x128xi32> to vector<32x127xi32>
    %concatenate3A_540 = tpu.concatenate %slice3A_538, %slice3A_539 in 1 : vector<32x1xi32>, vector<32x127xi32> -> vector<32x128xi32>
    %select_n3A_541 = arith.select %eq3A_527, %concatenate3A_537, %concatenate3A_540 : vector<32x128xi1>, vector<32x128xi32>
    %and3A_542 = arith.constant 32 : i32
    %and3A_543 = vector.broadcast %and3A_542 : i32 to vector<32x128xi32>
    %and3A_544 = arith.andi %iota3A_10, %and3A_543 : vector<32x128xi32>
    %eq3A_545 = arith.constant 0 : i32
    %eq3A_546 = vector.broadcast %eq3A_545 : i32 to vector<32x128xi32>
    %eq3A_547 = arith.cmpi eq, %and3A_544, %eq3A_546 : vector<32x128xi32>
    %eq3A_548 = arith.xori %eq3A_527, %eq3A_547 : vector<32x128xi1>
    %eq3A_549 = arith.constant dense<true> : vector<32x128xi1>
    %eq3A_550 = arith.xori %eq3A_548, %eq3A_549 : vector<32x128xi1>
    %gt3A_551 = arith.cmpf ogt, %select_n3A_520, %select_n3A_534 : vector<32x128xf32>
    %eq3A_552 = arith.cmpf oeq, %select_n3A_520, %select_n3A_534 : vector<32x128xf32>
    %lt3A_553 = arith.cmpi slt, %select_n3A_521, %select_n3A_541 : vector<32x128xi32>
    %and3A_554 = arith.andi %eq3A_552, %lt3A_553 : vector<32x128xi1>
    %or3A_555 = arith.ori %gt3A_551, %and3A_554 : vector<32x128xi1>
    %xor3A_556 = arith.xori %eq3A_550, %or3A_555 : vector<32x128xi1>
    %select_n3A_557 = arith.select %xor3A_556, %select_n3A_534, %select_n3A_520 : vector<32x128xi1>, vector<32x128xf32>
    %select_n3A_558 = arith.select %xor3A_556, %select_n3A_541, %select_n3A_521 : vector<32x128xi1>, vector<32x128xi32>
    %and3A_559 = arith.constant 32 : i32
    %and3A_560 = vector.broadcast %and3A_559 : i32 to vector<32x128xi32>
    %and3A_561 = arith.andi %iota3A_10, %and3A_560 : vector<32x128xi32>
    %eq3A_562 = arith.constant 0 : i32
    %eq3A_563 = vector.broadcast %eq3A_562 : i32 to vector<32x128xi32>
    %eq3A_564 = arith.cmpi eq, %and3A_561, %eq3A_563 : vector<32x128xi32>
    %slice3A_565 = vector.extract_strided_slice %select_n3A_557 {offsets = [0, 32], sizes = [32, 96], strides = [1, 1]} : vector<32x128xf32> to vector<32x96xf32>
    %slice3A_566 = vector.extract_strided_slice %select_n3A_557 {offsets = [0, 0], sizes = [32, 32], strides = [1, 1]} : vector<32x128xf32> to vector<32x32xf32>
    %concatenate3A_567 = tpu.concatenate %slice3A_565, %slice3A_566 in 1 : vector<32x96xf32>, vector<32x32xf32> -> vector<32x128xf32>
    %slice3A_568 = vector.extract_strided_slice %select_n3A_557 {offsets = [0, 96], sizes = [32, 32], strides = [1, 1]} : vector<32x128xf32> to vector<32x32xf32>
    %slice3A_569 = vector.extract_strided_slice %select_n3A_557 {offsets = [0, 0], sizes = [32, 96], strides = [1, 1]} : vector<32x128xf32> to vector<32x96xf32>
    %concatenate3A_570 = tpu.concatenate %slice3A_568, %slice3A_569 in 1 : vector<32x32xf32>, vector<32x96xf32> -> vector<32x128xf32>
    %select_n3A_571 = arith.select %eq3A_564, %concatenate3A_567, %concatenate3A_570 : vector<32x128xi1>, vector<32x128xf32>
    %slice3A_572 = vector.extract_strided_slice %select_n3A_558 {offsets = [0, 32], sizes = [32, 96], strides = [1, 1]} : vector<32x128xi32> to vector<32x96xi32>
    %slice3A_573 = vector.extract_strided_slice %select_n3A_558 {offsets = [0, 0], sizes = [32, 32], strides = [1, 1]} : vector<32x128xi32> to vector<32x32xi32>
    %concatenate3A_574 = tpu.concatenate %slice3A_572, %slice3A_573 in 1 : vector<32x96xi32>, vector<32x32xi32> -> vector<32x128xi32>
    %slice3A_575 = vector.extract_strided_slice %select_n3A_558 {offsets = [0, 96], sizes = [32, 32], strides = [1, 1]} : vector<32x128xi32> to vector<32x32xi32>
    %slice3A_576 = vector.extract_strided_slice %select_n3A_558 {offsets = [0, 0], sizes = [32, 96], strides = [1, 1]} : vector<32x128xi32> to vector<32x96xi32>
    %concatenate3A_577 = tpu.concatenate %slice3A_575, %slice3A_576 in 1 : vector<32x32xi32>, vector<32x96xi32> -> vector<32x128xi32>
    %select_n3A_578 = arith.select %eq3A_564, %concatenate3A_574, %concatenate3A_577 : vector<32x128xi1>, vector<32x128xi32>
    %and3A_579 = arith.constant 64 : i32
    %and3A_580 = vector.broadcast %and3A_579 : i32 to vector<32x128xi32>
    %and3A_581 = arith.andi %iota3A_10, %and3A_580 : vector<32x128xi32>
    %eq3A_582 = arith.constant 0 : i32
    %eq3A_583 = vector.broadcast %eq3A_582 : i32 to vector<32x128xi32>
    %eq3A_584 = arith.cmpi eq, %and3A_581, %eq3A_583 : vector<32x128xi32>
    %eq3A_585 = arith.xori %eq3A_564, %eq3A_584 : vector<32x128xi1>
    %eq3A_586 = arith.constant dense<true> : vector<32x128xi1>
    %eq3A_587 = arith.xori %eq3A_585, %eq3A_586 : vector<32x128xi1>
    %gt3A_588 = arith.cmpf ogt, %select_n3A_557, %select_n3A_571 : vector<32x128xf32>
    %eq3A_589 = arith.cmpf oeq, %select_n3A_557, %select_n3A_571 : vector<32x128xf32>
    %lt3A_590 = arith.cmpi slt, %select_n3A_558, %select_n3A_578 : vector<32x128xi32>
    %and3A_591 = arith.andi %eq3A_589, %lt3A_590 : vector<32x128xi1>
    %or3A_592 = arith.ori %gt3A_588, %and3A_591 : vector<32x128xi1>
    %xor3A_593 = arith.xori %eq3A_587, %or3A_592 : vector<32x128xi1>
    %select_n3A_594 = arith.select %xor3A_593, %select_n3A_571, %select_n3A_557 : vector<32x128xi1>, vector<32x128xf32>
    %select_n3A_595 = arith.select %xor3A_593, %select_n3A_578, %select_n3A_558 : vector<32x128xi1>, vector<32x128xi32>
    %and3A_596 = arith.constant 16 : i32
    %and3A_597 = vector.broadcast %and3A_596 : i32 to vector<32x128xi32>
    %and3A_598 = arith.andi %iota3A_10, %and3A_597 : vector<32x128xi32>
    %eq3A_599 = arith.constant 0 : i32
    %eq3A_600 = vector.broadcast %eq3A_599 : i32 to vector<32x128xi32>
    %eq3A_601 = arith.cmpi eq, %and3A_598, %eq3A_600 : vector<32x128xi32>
    %slice3A_602 = vector.extract_strided_slice %select_n3A_594 {offsets = [0, 16], sizes = [32, 112], strides = [1, 1]} : vector<32x128xf32> to vector<32x112xf32>
    %slice3A_603 = vector.extract_strided_slice %select_n3A_594 {offsets = [0, 0], sizes = [32, 16], strides = [1, 1]} : vector<32x128xf32> to vector<32x16xf32>
    %concatenate3A_604 = tpu.concatenate %slice3A_602, %slice3A_603 in 1 : vector<32x112xf32>, vector<32x16xf32> -> vector<32x128xf32>
    %slice3A_605 = vector.extract_strided_slice %select_n3A_594 {offsets = [0, 112], sizes = [32, 16], strides = [1, 1]} : vector<32x128xf32> to vector<32x16xf32>
    %slice3A_606 = vector.extract_strided_slice %select_n3A_594 {offsets = [0, 0], sizes = [32, 112], strides = [1, 1]} : vector<32x128xf32> to vector<32x112xf32>
    %concatenate3A_607 = tpu.concatenate %slice3A_605, %slice3A_606 in 1 : vector<32x16xf32>, vector<32x112xf32> -> vector<32x128xf32>
    %select_n3A_608 = arith.select %eq3A_601, %concatenate3A_604, %concatenate3A_607 : vector<32x128xi1>, vector<32x128xf32>
    %slice3A_609 = vector.extract_strided_slice %select_n3A_595 {offsets = [0, 16], sizes = [32, 112], strides = [1, 1]} : vector<32x128xi32> to vector<32x112xi32>
    %slice3A_610 = vector.extract_strided_slice %select_n3A_595 {offsets = [0, 0], sizes = [32, 16], strides = [1, 1]} : vector<32x128xi32> to vector<32x16xi32>
    %concatenate3A_611 = tpu.concatenate %slice3A_609, %slice3A_610 in 1 : vector<32x112xi32>, vector<32x16xi32> -> vector<32x128xi32>
    %slice3A_612 = vector.extract_strided_slice %select_n3A_595 {offsets = [0, 112], sizes = [32, 16], strides = [1, 1]} : vector<32x128xi32> to vector<32x16xi32>
    %slice3A_613 = vector.extract_strided_slice %select_n3A_595 {offsets = [0, 0], sizes = [32, 112], strides = [1, 1]} : vector<32x128xi32> to vector<32x112xi32>
    %concatenate3A_614 = tpu.concatenate %slice3A_612, %slice3A_613 in 1 : vector<32x16xi32>, vector<32x112xi32> -> vector<32x128xi32>
    %select_n3A_615 = arith.select %eq3A_601, %concatenate3A_611, %concatenate3A_614 : vector<32x128xi1>, vector<32x128xi32>
    %and3A_616 = arith.constant 64 : i32
    %and3A_617 = vector.broadcast %and3A_616 : i32 to vector<32x128xi32>
    %and3A_618 = arith.andi %iota3A_10, %and3A_617 : vector<32x128xi32>
    %eq3A_619 = arith.constant 0 : i32
    %eq3A_620 = vector.broadcast %eq3A_619 : i32 to vector<32x128xi32>
    %eq3A_621 = arith.cmpi eq, %and3A_618, %eq3A_620 : vector<32x128xi32>
    %eq3A_622 = arith.xori %eq3A_601, %eq3A_621 : vector<32x128xi1>
    %eq3A_623 = arith.constant dense<true> : vector<32x128xi1>
    %eq3A_624 = arith.xori %eq3A_622, %eq3A_623 : vector<32x128xi1>
    %gt3A_625 = arith.cmpf ogt, %select_n3A_594, %select_n3A_608 : vector<32x128xf32>
    %eq3A_626 = arith.cmpf oeq, %select_n3A_594, %select_n3A_608 : vector<32x128xf32>
    %lt3A_627 = arith.cmpi slt, %select_n3A_595, %select_n3A_615 : vector<32x128xi32>
    %and3A_628 = arith.andi %eq3A_626, %lt3A_627 : vector<32x128xi1>
    %or3A_629 = arith.ori %gt3A_625, %and3A_628 : vector<32x128xi1>
    %xor3A_630 = arith.xori %eq3A_624, %or3A_629 : vector<32x128xi1>
    %select_n3A_631 = arith.select %xor3A_630, %select_n3A_608, %select_n3A_594 : vector<32x128xi1>, vector<32x128xf32>
    %select_n3A_632 = arith.select %xor3A_630, %select_n3A_615, %select_n3A_595 : vector<32x128xi1>, vector<32x128xi32>
    %and3A_633 = arith.constant 8 : i32
    %and3A_634 = vector.broadcast %and3A_633 : i32 to vector<32x128xi32>
    %and3A_635 = arith.andi %iota3A_10, %and3A_634 : vector<32x128xi32>
    %eq3A_636 = arith.constant 0 : i32
    %eq3A_637 = vector.broadcast %eq3A_636 : i32 to vector<32x128xi32>
    %eq3A_638 = arith.cmpi eq, %and3A_635, %eq3A_637 : vector<32x128xi32>
    %slice3A_639 = vector.extract_strided_slice %select_n3A_631 {offsets = [0, 8], sizes = [32, 120], strides = [1, 1]} : vector<32x128xf32> to vector<32x120xf32>
    %slice3A_640 = vector.extract_strided_slice %select_n3A_631 {offsets = [0, 0], sizes = [32, 8], strides = [1, 1]} : vector<32x128xf32> to vector<32x8xf32>
    %concatenate3A_641 = tpu.concatenate %slice3A_639, %slice3A_640 in 1 : vector<32x120xf32>, vector<32x8xf32> -> vector<32x128xf32>
    %slice3A_642 = vector.extract_strided_slice %select_n3A_631 {offsets = [0, 120], sizes = [32, 8], strides = [1, 1]} : vector<32x128xf32> to vector<32x8xf32>
    %slice3A_643 = vector.extract_strided_slice %select_n3A_631 {offsets = [0, 0], sizes = [32, 120], strides = [1, 1]} : vector<32x128xf32> to vector<32x120xf32>
    %concatenate3A_644 = tpu.concatenate %slice3A_642, %slice3A_643 in 1 : vector<32x8xf32>, vector<32x120xf32> -> vector<32x128xf32>
    %select_n3A_645 = arith.select %eq3A_638, %concatenate3A_641, %concatenate3A_644 : vector<32x128xi1>, vector<32x128xf32>
    %slice3A_646 = vector.extract_strided_slice %select_n3A_632 {offsets = [0, 8], sizes = [32, 120], strides = [1, 1]} : vector<32x128xi32> to vector<32x120xi32>
    %slice3A_647 = vector.extract_strided_slice %select_n3A_632 {offsets = [0, 0], sizes = [32, 8], strides = [1, 1]} : vector<32x128xi32> to vector<32x8xi32>
    %concatenate3A_648 = tpu.concatenate %slice3A_646, %slice3A_647 in 1 : vector<32x120xi32>, vector<32x8xi32> -> vector<32x128xi32>
    %slice3A_649 = vector.extract_strided_slice %select_n3A_632 {offsets = [0, 120], sizes = [32, 8], strides = [1, 1]} : vector<32x128xi32> to vector<32x8xi32>
    %slice3A_650 = vector.extract_strided_slice %select_n3A_632 {offsets = [0, 0], sizes = [32, 120], strides = [1, 1]} : vector<32x128xi32> to vector<32x120xi32>
    %concatenate3A_651 = tpu.concatenate %slice3A_649, %slice3A_650 in 1 : vector<32x8xi32>, vector<32x120xi32> -> vector<32x128xi32>
    %select_n3A_652 = arith.select %eq3A_638, %concatenate3A_648, %concatenate3A_651 : vector<32x128xi1>, vector<32x128xi32>
    %and3A_653 = arith.constant 64 : i32
    %and3A_654 = vector.broadcast %and3A_653 : i32 to vector<32x128xi32>
    %and3A_655 = arith.andi %iota3A_10, %and3A_654 : vector<32x128xi32>
    %eq3A_656 = arith.constant 0 : i32
    %eq3A_657 = vector.broadcast %eq3A_656 : i32 to vector<32x128xi32>
    %eq3A_658 = arith.cmpi eq, %and3A_655, %eq3A_657 : vector<32x128xi32>
    %eq3A_659 = arith.xori %eq3A_638, %eq3A_658 : vector<32x128xi1>
    %eq3A_660 = arith.constant dense<true> : vector<32x128xi1>
    %eq3A_661 = arith.xori %eq3A_659, %eq3A_660 : vector<32x128xi1>
    %gt3A_662 = arith.cmpf ogt, %select_n3A_631, %select_n3A_645 : vector<32x128xf32>
    %eq3A_663 = arith.cmpf oeq, %select_n3A_631, %select_n3A_645 : vector<32x128xf32>
    %lt3A_664 = arith.cmpi slt, %select_n3A_632, %select_n3A_652 : vector<32x128xi32>
    %and3A_665 = arith.andi %eq3A_663, %lt3A_664 : vector<32x128xi1>
    %or3A_666 = arith.ori %gt3A_662, %and3A_665 : vector<32x128xi1>
    %xor3A_667 = arith.xori %eq3A_661, %or3A_666 : vector<32x128xi1>
    %select_n3A_668 = arith.select %xor3A_667, %select_n3A_645, %select_n3A_631 : vector<32x128xi1>, vector<32x128xf32>
    %select_n3A_669 = arith.select %xor3A_667, %select_n3A_652, %select_n3A_632 : vector<32x128xi1>, vector<32x128xi32>
    %and3A_670 = arith.constant 4 : i32
    %and3A_671 = vector.broadcast %and3A_670 : i32 to vector<32x128xi32>
    %and3A_672 = arith.andi %iota3A_10, %and3A_671 : vector<32x128xi32>
    %eq3A_673 = arith.constant 0 : i32
    %eq3A_674 = vector.broadcast %eq3A_673 : i32 to vector<32x128xi32>
    %eq3A_675 = arith.cmpi eq, %and3A_672, %eq3A_674 : vector<32x128xi32>
    %slice3A_676 = vector.extract_strided_slice %select_n3A_668 {offsets = [0, 4], sizes = [32, 124], strides = [1, 1]} : vector<32x128xf32> to vector<32x124xf32>
    %slice3A_677 = vector.extract_strided_slice %select_n3A_668 {offsets = [0, 0], sizes = [32, 4], strides = [1, 1]} : vector<32x128xf32> to vector<32x4xf32>
    %concatenate3A_678 = tpu.concatenate %slice3A_676, %slice3A_677 in 1 : vector<32x124xf32>, vector<32x4xf32> -> vector<32x128xf32>
    %slice3A_679 = vector.extract_strided_slice %select_n3A_668 {offsets = [0, 124], sizes = [32, 4], strides = [1, 1]} : vector<32x128xf32> to vector<32x4xf32>
    %slice3A_680 = vector.extract_strided_slice %select_n3A_668 {offsets = [0, 0], sizes = [32, 124], strides = [1, 1]} : vector<32x128xf32> to vector<32x124xf32>
    %concatenate3A_681 = tpu.concatenate %slice3A_679, %slice3A_680 in 1 : vector<32x4xf32>, vector<32x124xf32> -> vector<32x128xf32>
    %select_n3A_682 = arith.select %eq3A_675, %concatenate3A_678, %concatenate3A_681 : vector<32x128xi1>, vector<32x128xf32>
    %slice3A_683 = vector.extract_strided_slice %select_n3A_669 {offsets = [0, 4], sizes = [32, 124], strides = [1, 1]} : vector<32x128xi32> to vector<32x124xi32>
    %slice3A_684 = vector.extract_strided_slice %select_n3A_669 {offsets = [0, 0], sizes = [32, 4], strides = [1, 1]} : vector<32x128xi32> to vector<32x4xi32>
    %concatenate3A_685 = tpu.concatenate %slice3A_683, %slice3A_684 in 1 : vector<32x124xi32>, vector<32x4xi32> -> vector<32x128xi32>
    %slice3A_686 = vector.extract_strided_slice %select_n3A_669 {offsets = [0, 124], sizes = [32, 4], strides = [1, 1]} : vector<32x128xi32> to vector<32x4xi32>
    %slice3A_687 = vector.extract_strided_slice %select_n3A_669 {offsets = [0, 0], sizes = [32, 124], strides = [1, 1]} : vector<32x128xi32> to vector<32x124xi32>
    %concatenate3A_688 = tpu.concatenate %slice3A_686, %slice3A_687 in 1 : vector<32x4xi32>, vector<32x124xi32> -> vector<32x128xi32>
    %select_n3A_689 = arith.select %eq3A_675, %concatenate3A_685, %concatenate3A_688 : vector<32x128xi1>, vector<32x128xi32>
    %and3A_690 = arith.constant 64 : i32
    %and3A_691 = vector.broadcast %and3A_690 : i32 to vector<32x128xi32>
    %and3A_692 = arith.andi %iota3A_10, %and3A_691 : vector<32x128xi32>
    %eq3A_693 = arith.constant 0 : i32
    %eq3A_694 = vector.broadcast %eq3A_693 : i32 to vector<32x128xi32>
    %eq3A_695 = arith.cmpi eq, %and3A_692, %eq3A_694 : vector<32x128xi32>
    %eq3A_696 = arith.xori %eq3A_675, %eq3A_695 : vector<32x128xi1>
    %eq3A_697 = arith.constant dense<true> : vector<32x128xi1>
    %eq3A_698 = arith.xori %eq3A_696, %eq3A_697 : vector<32x128xi1>
    %gt3A_699 = arith.cmpf ogt, %select_n3A_668, %select_n3A_682 : vector<32x128xf32>
    %eq3A_700 = arith.cmpf oeq, %select_n3A_668, %select_n3A_682 : vector<32x128xf32>
    %lt3A_701 = arith.cmpi slt, %select_n3A_669, %select_n3A_689 : vector<32x128xi32>
    %and3A_702 = arith.andi %eq3A_700, %lt3A_701 : vector<32x128xi1>
    %or3A_703 = arith.ori %gt3A_699, %and3A_702 : vector<32x128xi1>
    %xor3A_704 = arith.xori %eq3A_698, %or3A_703 : vector<32x128xi1>
    %select_n3A_705 = arith.select %xor3A_704, %select_n3A_682, %select_n3A_668 : vector<32x128xi1>, vector<32x128xf32>
    %select_n3A_706 = arith.select %xor3A_704, %select_n3A_689, %select_n3A_669 : vector<32x128xi1>, vector<32x128xi32>
    %and3A_707 = arith.constant 2 : i32
    %and3A_708 = vector.broadcast %and3A_707 : i32 to vector<32x128xi32>
    %and3A_709 = arith.andi %iota3A_10, %and3A_708 : vector<32x128xi32>
    %eq3A_710 = arith.constant 0 : i32
    %eq3A_711 = vector.broadcast %eq3A_710 : i32 to vector<32x128xi32>
    %eq3A_712 = arith.cmpi eq, %and3A_709, %eq3A_711 : vector<32x128xi32>
    %slice3A_713 = vector.extract_strided_slice %select_n3A_705 {offsets = [0, 2], sizes = [32, 126], strides = [1, 1]} : vector<32x128xf32> to vector<32x126xf32>
    %slice3A_714 = vector.extract_strided_slice %select_n3A_705 {offsets = [0, 0], sizes = [32, 2], strides = [1, 1]} : vector<32x128xf32> to vector<32x2xf32>
    %concatenate3A_715 = tpu.concatenate %slice3A_713, %slice3A_714 in 1 : vector<32x126xf32>, vector<32x2xf32> -> vector<32x128xf32>
    %slice3A_716 = vector.extract_strided_slice %select_n3A_705 {offsets = [0, 126], sizes = [32, 2], strides = [1, 1]} : vector<32x128xf32> to vector<32x2xf32>
    %slice3A_717 = vector.extract_strided_slice %select_n3A_705 {offsets = [0, 0], sizes = [32, 126], strides = [1, 1]} : vector<32x128xf32> to vector<32x126xf32>
    %concatenate3A_718 = tpu.concatenate %slice3A_716, %slice3A_717 in 1 : vector<32x2xf32>, vector<32x126xf32> -> vector<32x128xf32>
    %select_n3A_719 = arith.select %eq3A_712, %concatenate3A_715, %concatenate3A_718 : vector<32x128xi1>, vector<32x128xf32>
    %slice3A_720 = vector.extract_strided_slice %select_n3A_706 {offsets = [0, 2], sizes = [32, 126], strides = [1, 1]} : vector<32x128xi32> to vector<32x126xi32>
    %slice3A_721 = vector.extract_strided_slice %select_n3A_706 {offsets = [0, 0], sizes = [32, 2], strides = [1, 1]} : vector<32x128xi32> to vector<32x2xi32>
    %concatenate3A_722 = tpu.concatenate %slice3A_720, %slice3A_721 in 1 : vector<32x126xi32>, vector<32x2xi32> -> vector<32x128xi32>
    %slice3A_723 = vector.extract_strided_slice %select_n3A_706 {offsets = [0, 126], sizes = [32, 2], strides = [1, 1]} : vector<32x128xi32> to vector<32x2xi32>
    %slice3A_724 = vector.extract_strided_slice %select_n3A_706 {offsets = [0, 0], sizes = [32, 126], strides = [1, 1]} : vector<32x128xi32> to vector<32x126xi32>
    %concatenate3A_725 = tpu.concatenate %slice3A_723, %slice3A_724 in 1 : vector<32x2xi32>, vector<32x126xi32> -> vector<32x128xi32>
    %select_n3A_726 = arith.select %eq3A_712, %concatenate3A_722, %concatenate3A_725 : vector<32x128xi1>, vector<32x128xi32>
    %and3A_727 = arith.constant 64 : i32
    %and3A_728 = vector.broadcast %and3A_727 : i32 to vector<32x128xi32>
    %and3A_729 = arith.andi %iota3A_10, %and3A_728 : vector<32x128xi32>
    %eq3A_730 = arith.constant 0 : i32
    %eq3A_731 = vector.broadcast %eq3A_730 : i32 to vector<32x128xi32>
    %eq3A_732 = arith.cmpi eq, %and3A_729, %eq3A_731 : vector<32x128xi32>
    %eq3A_733 = arith.xori %eq3A_712, %eq3A_732 : vector<32x128xi1>
    %eq3A_734 = arith.constant dense<true> : vector<32x128xi1>
    %eq3A_735 = arith.xori %eq3A_733, %eq3A_734 : vector<32x128xi1>
    %gt3A_736 = arith.cmpf ogt, %select_n3A_705, %select_n3A_719 : vector<32x128xf32>
    %eq3A_737 = arith.cmpf oeq, %select_n3A_705, %select_n3A_719 : vector<32x128xf32>
    %lt3A_738 = arith.cmpi slt, %select_n3A_706, %select_n3A_726 : vector<32x128xi32>
    %and3A_739 = arith.andi %eq3A_737, %lt3A_738 : vector<32x128xi1>
    %or3A_740 = arith.ori %gt3A_736, %and3A_739 : vector<32x128xi1>
    %xor3A_741 = arith.xori %eq3A_735, %or3A_740 : vector<32x128xi1>
    %select_n3A_742 = arith.select %xor3A_741, %select_n3A_719, %select_n3A_705 : vector<32x128xi1>, vector<32x128xf32>
    %select_n3A_743 = arith.select %xor3A_741, %select_n3A_726, %select_n3A_706 : vector<32x128xi1>, vector<32x128xi32>
    %and3A_744 = arith.constant 1 : i32
    %and3A_745 = vector.broadcast %and3A_744 : i32 to vector<32x128xi32>
    %and3A_746 = arith.andi %iota3A_10, %and3A_745 : vector<32x128xi32>
    %eq3A_747 = arith.constant 0 : i32
    %eq3A_748 = vector.broadcast %eq3A_747 : i32 to vector<32x128xi32>
    %eq3A_749 = arith.cmpi eq, %and3A_746, %eq3A_748 : vector<32x128xi32>
    %slice3A_750 = vector.extract_strided_slice %select_n3A_742 {offsets = [0, 1], sizes = [32, 127], strides = [1, 1]} : vector<32x128xf32> to vector<32x127xf32>
    %slice3A_751 = vector.extract_strided_slice %select_n3A_742 {offsets = [0, 0], sizes = [32, 1], strides = [1, 1]} : vector<32x128xf32> to vector<32x1xf32>
    %concatenate3A_752 = tpu.concatenate %slice3A_750, %slice3A_751 in 1 : vector<32x127xf32>, vector<32x1xf32> -> vector<32x128xf32>
    %slice3A_753 = vector.extract_strided_slice %select_n3A_742 {offsets = [0, 127], sizes = [32, 1], strides = [1, 1]} : vector<32x128xf32> to vector<32x1xf32>
    %slice3A_754 = vector.extract_strided_slice %select_n3A_742 {offsets = [0, 0], sizes = [32, 127], strides = [1, 1]} : vector<32x128xf32> to vector<32x127xf32>
    %concatenate3A_755 = tpu.concatenate %slice3A_753, %slice3A_754 in 1 : vector<32x1xf32>, vector<32x127xf32> -> vector<32x128xf32>
    %select_n3A_756 = arith.select %eq3A_749, %concatenate3A_752, %concatenate3A_755 : vector<32x128xi1>, vector<32x128xf32>
    %slice3A_757 = vector.extract_strided_slice %select_n3A_743 {offsets = [0, 1], sizes = [32, 127], strides = [1, 1]} : vector<32x128xi32> to vector<32x127xi32>
    %slice3A_758 = vector.extract_strided_slice %select_n3A_743 {offsets = [0, 0], sizes = [32, 1], strides = [1, 1]} : vector<32x128xi32> to vector<32x1xi32>
    %concatenate3A_759 = tpu.concatenate %slice3A_757, %slice3A_758 in 1 : vector<32x127xi32>, vector<32x1xi32> -> vector<32x128xi32>
    %slice3A_760 = vector.extract_strided_slice %select_n3A_743 {offsets = [0, 127], sizes = [32, 1], strides = [1, 1]} : vector<32x128xi32> to vector<32x1xi32>
    %slice3A_761 = vector.extract_strided_slice %select_n3A_743 {offsets = [0, 0], sizes = [32, 127], strides = [1, 1]} : vector<32x128xi32> to vector<32x127xi32>
    %concatenate3A_762 = tpu.concatenate %slice3A_760, %slice3A_761 in 1 : vector<32x1xi32>, vector<32x127xi32> -> vector<32x128xi32>
    %select_n3A_763 = arith.select %eq3A_749, %concatenate3A_759, %concatenate3A_762 : vector<32x128xi1>, vector<32x128xi32>
    %and3A_764 = arith.constant 64 : i32
    %and3A_765 = vector.broadcast %and3A_764 : i32 to vector<32x128xi32>
    %and3A_766 = arith.andi %iota3A_10, %and3A_765 : vector<32x128xi32>
    %eq3A_767 = arith.constant 0 : i32
    %eq3A_768 = vector.broadcast %eq3A_767 : i32 to vector<32x128xi32>
    %eq3A_769 = arith.cmpi eq, %and3A_766, %eq3A_768 : vector<32x128xi32>
    %eq3A_770 = arith.xori %eq3A_749, %eq3A_769 : vector<32x128xi1>
    %eq3A_771 = arith.constant dense<true> : vector<32x128xi1>
    %eq3A_772 = arith.xori %eq3A_770, %eq3A_771 : vector<32x128xi1>
    %gt3A_773 = arith.cmpf ogt, %select_n3A_742, %select_n3A_756 : vector<32x128xf32>
    %eq3A_774 = arith.cmpf oeq, %select_n3A_742, %select_n3A_756 : vector<32x128xf32>
    %lt3A_775 = arith.cmpi slt, %select_n3A_743, %select_n3A_763 : vector<32x128xi32>
    %and3A_776 = arith.andi %eq3A_774, %lt3A_775 : vector<32x128xi1>
    %or3A_777 = arith.ori %gt3A_773, %and3A_776 : vector<32x128xi1>
    %xor3A_778 = arith.xori %eq3A_772, %or3A_777 : vector<32x128xi1>
    %select_n3A_779 = arith.select %xor3A_778, %select_n3A_756, %select_n3A_742 : vector<32x128xi1>, vector<32x128xf32>
    %select_n3A_780 = arith.select %xor3A_778, %select_n3A_763, %select_n3A_743 : vector<32x128xi1>, vector<32x128xi32>
    %and3A_781 = arith.constant 64 : i32
    %and3A_782 = vector.broadcast %and3A_781 : i32 to vector<32x128xi32>
    %and3A_783 = arith.andi %iota3A_10, %and3A_782 : vector<32x128xi32>
    %eq3A_784 = arith.constant 0 : i32
    %eq3A_785 = vector.broadcast %eq3A_784 : i32 to vector<32x128xi32>
    %eq3A_786 = arith.cmpi eq, %and3A_783, %eq3A_785 : vector<32x128xi32>
    %slice3A_787 = vector.extract_strided_slice %select_n3A_779 {offsets = [0, 64], sizes = [32, 64], strides = [1, 1]} : vector<32x128xf32> to vector<32x64xf32>
    %slice3A_788 = vector.extract_strided_slice %select_n3A_779 {offsets = [0, 0], sizes = [32, 64], strides = [1, 1]} : vector<32x128xf32> to vector<32x64xf32>
    %concatenate3A_789 = tpu.concatenate %slice3A_787, %slice3A_788 in 1 : vector<32x64xf32>, vector<32x64xf32> -> vector<32x128xf32>
    %slice3A_790 = vector.extract_strided_slice %select_n3A_779 {offsets = [0, 64], sizes = [32, 64], strides = [1, 1]} : vector<32x128xf32> to vector<32x64xf32>
    %slice3A_791 = vector.extract_strided_slice %select_n3A_779 {offsets = [0, 0], sizes = [32, 64], strides = [1, 1]} : vector<32x128xf32> to vector<32x64xf32>
    %concatenate3A_792 = tpu.concatenate %slice3A_790, %slice3A_791 in 1 : vector<32x64xf32>, vector<32x64xf32> -> vector<32x128xf32>
    %select_n3A_793 = arith.select %eq3A_786, %concatenate3A_789, %concatenate3A_792 : vector<32x128xi1>, vector<32x128xf32>
    %slice3A_794 = vector.extract_strided_slice %select_n3A_780 {offsets = [0, 64], sizes = [32, 64], strides = [1, 1]} : vector<32x128xi32> to vector<32x64xi32>
    %slice3A_795 = vector.extract_strided_slice %select_n3A_780 {offsets = [0, 0], sizes = [32, 64], strides = [1, 1]} : vector<32x128xi32> to vector<32x64xi32>
    %concatenate3A_796 = tpu.concatenate %slice3A_794, %slice3A_795 in 1 : vector<32x64xi32>, vector<32x64xi32> -> vector<32x128xi32>
    %slice3A_797 = vector.extract_strided_slice %select_n3A_780 {offsets = [0, 64], sizes = [32, 64], strides = [1, 1]} : vector<32x128xi32> to vector<32x64xi32>
    %slice3A_798 = vector.extract_strided_slice %select_n3A_780 {offsets = [0, 0], sizes = [32, 64], strides = [1, 1]} : vector<32x128xi32> to vector<32x64xi32>
    %concatenate3A_799 = tpu.concatenate %slice3A_797, %slice3A_798 in 1 : vector<32x64xi32>, vector<32x64xi32> -> vector<32x128xi32>
    %select_n3A_800 = arith.select %eq3A_786, %concatenate3A_796, %concatenate3A_799 : vector<32x128xi1>, vector<32x128xi32>
    %and3A_801 = arith.constant 128 : i32
    %and3A_802 = vector.broadcast %and3A_801 : i32 to vector<32x128xi32>
    %and3A_803 = arith.andi %iota3A_10, %and3A_802 : vector<32x128xi32>
    %eq3A_804 = arith.constant 0 : i32
    %eq3A_805 = vector.broadcast %eq3A_804 : i32 to vector<32x128xi32>
    %eq3A_806 = arith.cmpi eq, %and3A_803, %eq3A_805 : vector<32x128xi32>
    %eq3A_807 = arith.xori %eq3A_786, %eq3A_806 : vector<32x128xi1>
    %eq3A_808 = arith.constant dense<true> : vector<32x128xi1>
    %eq3A_809 = arith.xori %eq3A_807, %eq3A_808 : vector<32x128xi1>
    %gt3A_810 = arith.cmpf ogt, %select_n3A_779, %select_n3A_793 : vector<32x128xf32>
    %eq3A_811 = arith.cmpf oeq, %select_n3A_779, %select_n3A_793 : vector<32x128xf32>
    %lt3A_812 = arith.cmpi slt, %select_n3A_780, %select_n3A_800 : vector<32x128xi32>
    %and3A_813 = arith.andi %eq3A_811, %lt3A_812 : vector<32x128xi1>
    %or3A_814 = arith.ori %gt3A_810, %and3A_813 : vector<32x128xi1>
    %xor3A_815 = arith.xori %eq3A_809, %or3A_814 : vector<32x128xi1>
    %select_n3A_816 = arith.select %xor3A_815, %select_n3A_793, %select_n3A_779 : vector<32x128xi1>, vector<32x128xf32>
    %select_n3A_817 = arith.select %xor3A_815, %select_n3A_800, %select_n3A_780 : vector<32x128xi1>, vector<32x128xi32>
    %and3A_818 = arith.constant 32 : i32
    %and3A_819 = vector.broadcast %and3A_818 : i32 to vector<32x128xi32>
    %and3A_820 = arith.andi %iota3A_10, %and3A_819 : vector<32x128xi32>
    %eq3A_821 = arith.constant 0 : i32
    %eq3A_822 = vector.broadcast %eq3A_821 : i32 to vector<32x128xi32>
    %eq3A_823 = arith.cmpi eq, %and3A_820, %eq3A_822 : vector<32x128xi32>
    %slice3A_824 = vector.extract_strided_slice %select_n3A_816 {offsets = [0, 32], sizes = [32, 96], strides = [1, 1]} : vector<32x128xf32> to vector<32x96xf32>
    %slice3A_825 = vector.extract_strided_slice %select_n3A_816 {offsets = [0, 0], sizes = [32, 32], strides = [1, 1]} : vector<32x128xf32> to vector<32x32xf32>
    %concatenate3A_826 = tpu.concatenate %slice3A_824, %slice3A_825 in 1 : vector<32x96xf32>, vector<32x32xf32> -> vector<32x128xf32>
    %slice3A_827 = vector.extract_strided_slice %select_n3A_816 {offsets = [0, 96], sizes = [32, 32], strides = [1, 1]} : vector<32x128xf32> to vector<32x32xf32>
    %slice3A_828 = vector.extract_strided_slice %select_n3A_816 {offsets = [0, 0], sizes = [32, 96], strides = [1, 1]} : vector<32x128xf32> to vector<32x96xf32>
    %concatenate3A_829 = tpu.concatenate %slice3A_827, %slice3A_828 in 1 : vector<32x32xf32>, vector<32x96xf32> -> vector<32x128xf32>
    %select_n3A_830 = arith.select %eq3A_823, %concatenate3A_826, %concatenate3A_829 : vector<32x128xi1>, vector<32x128xf32>
    %slice3A_831 = vector.extract_strided_slice %select_n3A_817 {offsets = [0, 32], sizes = [32, 96], strides = [1, 1]} : vector<32x128xi32> to vector<32x96xi32>
    %slice3A_832 = vector.extract_strided_slice %select_n3A_817 {offsets = [0, 0], sizes = [32, 32], strides = [1, 1]} : vector<32x128xi32> to vector<32x32xi32>
    %concatenate3A_833 = tpu.concatenate %slice3A_831, %slice3A_832 in 1 : vector<32x96xi32>, vector<32x32xi32> -> vector<32x128xi32>
    %slice3A_834 = vector.extract_strided_slice %select_n3A_817 {offsets = [0, 96], sizes = [32, 32], strides = [1, 1]} : vector<32x128xi32> to vector<32x32xi32>
    %slice3A_835 = vector.extract_strided_slice %select_n3A_817 {offsets = [0, 0], sizes = [32, 96], strides = [1, 1]} : vector<32x128xi32> to vector<32x96xi32>
    %concatenate3A_836 = tpu.concatenate %slice3A_834, %slice3A_835 in 1 : vector<32x32xi32>, vector<32x96xi32> -> vector<32x128xi32>
    %select_n3A_837 = arith.select %eq3A_823, %concatenate3A_833, %concatenate3A_836 : vector<32x128xi1>, vector<32x128xi32>
    %and3A_838 = arith.constant 128 : i32
    %and3A_839 = vector.broadcast %and3A_838 : i32 to vector<32x128xi32>
    %and3A_840 = arith.andi %iota3A_10, %and3A_839 : vector<32x128xi32>
    %eq3A_841 = arith.constant 0 : i32
    %eq3A_842 = vector.broadcast %eq3A_841 : i32 to vector<32x128xi32>
    %eq3A_843 = arith.cmpi eq, %and3A_840, %eq3A_842 : vector<32x128xi32>
    %eq3A_844 = arith.xori %eq3A_823, %eq3A_843 : vector<32x128xi1>
    %eq3A_845 = arith.constant dense<true> : vector<32x128xi1>
    %eq3A_846 = arith.xori %eq3A_844, %eq3A_845 : vector<32x128xi1>
    %gt3A_847 = arith.cmpf ogt, %select_n3A_816, %select_n3A_830 : vector<32x128xf32>
    %eq3A_848 = arith.cmpf oeq, %select_n3A_816, %select_n3A_830 : vector<32x128xf32>
    %lt3A_849 = arith.cmpi slt, %select_n3A_817, %select_n3A_837 : vector<32x128xi32>
    %and3A_850 = arith.andi %eq3A_848, %lt3A_849 : vector<32x128xi1>
    %or3A_851 = arith.ori %gt3A_847, %and3A_850 : vector<32x128xi1>
    %xor3A_852 = arith.xori %eq3A_846, %or3A_851 : vector<32x128xi1>
    %select_n3A_853 = arith.select %xor3A_852, %select_n3A_830, %select_n3A_816 : vector<32x128xi1>, vector<32x128xf32>
    %select_n3A_854 = arith.select %xor3A_852, %select_n3A_837, %select_n3A_817 : vector<32x128xi1>, vector<32x128xi32>
    %and3A_855 = arith.constant 16 : i32
    %and3A_856 = vector.broadcast %and3A_855 : i32 to vector<32x128xi32>
    %and3A_857 = arith.andi %iota3A_10, %and3A_856 : vector<32x128xi32>
    %eq3A_858 = arith.constant 0 : i32
    %eq3A_859 = vector.broadcast %eq3A_858 : i32 to vector<32x128xi32>
    %eq3A_860 = arith.cmpi eq, %and3A_857, %eq3A_859 : vector<32x128xi32>
    %slice3A_861 = vector.extract_strided_slice %select_n3A_853 {offsets = [0, 16], sizes = [32, 112], strides = [1, 1]} : vector<32x128xf32> to vector<32x112xf32>
    %slice3A_862 = vector.extract_strided_slice %select_n3A_853 {offsets = [0, 0], sizes = [32, 16], strides = [1, 1]} : vector<32x128xf32> to vector<32x16xf32>
    %concatenate3A_863 = tpu.concatenate %slice3A_861, %slice3A_862 in 1 : vector<32x112xf32>, vector<32x16xf32> -> vector<32x128xf32>
    %slice3A_864 = vector.extract_strided_slice %select_n3A_853 {offsets = [0, 112], sizes = [32, 16], strides = [1, 1]} : vector<32x128xf32> to vector<32x16xf32>
    %slice3A_865 = vector.extract_strided_slice %select_n3A_853 {offsets = [0, 0], sizes = [32, 112], strides = [1, 1]} : vector<32x128xf32> to vector<32x112xf32>
    %concatenate3A_866 = tpu.concatenate %slice3A_864, %slice3A_865 in 1 : vector<32x16xf32>, vector<32x112xf32> -> vector<32x128xf32>
    %select_n3A_867 = arith.select %eq3A_860, %concatenate3A_863, %concatenate3A_866 : vector<32x128xi1>, vector<32x128xf32>
    %slice3A_868 = vector.extract_strided_slice %select_n3A_854 {offsets = [0, 16], sizes = [32, 112], strides = [1, 1]} : vector<32x128xi32> to vector<32x112xi32>
    %slice3A_869 = vector.extract_strided_slice %select_n3A_854 {offsets = [0, 0], sizes = [32, 16], strides = [1, 1]} : vector<32x128xi32> to vector<32x16xi32>
    %concatenate3A_870 = tpu.concatenate %slice3A_868, %slice3A_869 in 1 : vector<32x112xi32>, vector<32x16xi32> -> vector<32x128xi32>
    %slice3A_871 = vector.extract_strided_slice %select_n3A_854 {offsets = [0, 112], sizes = [32, 16], strides = [1, 1]} : vector<32x128xi32> to vector<32x16xi32>
    %slice3A_872 = vector.extract_strided_slice %select_n3A_854 {offsets = [0, 0], sizes = [32, 112], strides = [1, 1]} : vector<32x128xi32> to vector<32x112xi32>
    %concatenate3A_873 = tpu.concatenate %slice3A_871, %slice3A_872 in 1 : vector<32x16xi32>, vector<32x112xi32> -> vector<32x128xi32>
    %select_n3A_874 = arith.select %eq3A_860, %concatenate3A_870, %concatenate3A_873 : vector<32x128xi1>, vector<32x128xi32>
    %and3A_875 = arith.constant 128 : i32
    %and3A_876 = vector.broadcast %and3A_875 : i32 to vector<32x128xi32>
    %and3A_877 = arith.andi %iota3A_10, %and3A_876 : vector<32x128xi32>
    %eq3A_878 = arith.constant 0 : i32
    %eq3A_879 = vector.broadcast %eq3A_878 : i32 to vector<32x128xi32>
    %eq3A_880 = arith.cmpi eq, %and3A_877, %eq3A_879 : vector<32x128xi32>
    %eq3A_881 = arith.xori %eq3A_860, %eq3A_880 : vector<32x128xi1>
    %eq3A_882 = arith.constant dense<true> : vector<32x128xi1>
    %eq3A_883 = arith.xori %eq3A_881, %eq3A_882 : vector<32x128xi1>
    %gt3A_884 = arith.cmpf ogt, %select_n3A_853, %select_n3A_867 : vector<32x128xf32>
    %eq3A_885 = arith.cmpf oeq, %select_n3A_853, %select_n3A_867 : vector<32x128xf32>
    %lt3A_886 = arith.cmpi slt, %select_n3A_854, %select_n3A_874 : vector<32x128xi32>
    %and3A_887 = arith.andi %eq3A_885, %lt3A_886 : vector<32x128xi1>
    %or3A_888 = arith.ori %gt3A_884, %and3A_887 : vector<32x128xi1>
    %xor3A_889 = arith.xori %eq3A_883, %or3A_888 : vector<32x128xi1>
    %select_n3A_890 = arith.select %xor3A_889, %select_n3A_867, %select_n3A_853 : vector<32x128xi1>, vector<32x128xf32>
    %select_n3A_891 = arith.select %xor3A_889, %select_n3A_874, %select_n3A_854 : vector<32x128xi1>, vector<32x128xi32>
    %and3A_892 = arith.constant 8 : i32
    %and3A_893 = vector.broadcast %and3A_892 : i32 to vector<32x128xi32>
    %and3A_894 = arith.andi %iota3A_10, %and3A_893 : vector<32x128xi32>
    %eq3A_895 = arith.constant 0 : i32
    %eq3A_896 = vector.broadcast %eq3A_895 : i32 to vector<32x128xi32>
    %eq3A_897 = arith.cmpi eq, %and3A_894, %eq3A_896 : vector<32x128xi32>
    %slice3A_898 = vector.extract_strided_slice %select_n3A_890 {offsets = [0, 8], sizes = [32, 120], strides = [1, 1]} : vector<32x128xf32> to vector<32x120xf32>
    %slice3A_899 = vector.extract_strided_slice %select_n3A_890 {offsets = [0, 0], sizes = [32, 8], strides = [1, 1]} : vector<32x128xf32> to vector<32x8xf32>
    %concatenate3A_900 = tpu.concatenate %slice3A_898, %slice3A_899 in 1 : vector<32x120xf32>, vector<32x8xf32> -> vector<32x128xf32>
    %slice3A_901 = vector.extract_strided_slice %select_n3A_890 {offsets = [0, 120], sizes = [32, 8], strides = [1, 1]} : vector<32x128xf32> to vector<32x8xf32>
    %slice3A_902 = vector.extract_strided_slice %select_n3A_890 {offsets = [0, 0], sizes = [32, 120], strides = [1, 1]} : vector<32x128xf32> to vector<32x120xf32>
    %concatenate3A_903 = tpu.concatenate %slice3A_901, %slice3A_902 in 1 : vector<32x8xf32>, vector<32x120xf32> -> vector<32x128xf32>
    %select_n3A_904 = arith.select %eq3A_897, %concatenate3A_900, %concatenate3A_903 : vector<32x128xi1>, vector<32x128xf32>
    %slice3A_905 = vector.extract_strided_slice %select_n3A_891 {offsets = [0, 8], sizes = [32, 120], strides = [1, 1]} : vector<32x128xi32> to vector<32x120xi32>
    %slice3A_906 = vector.extract_strided_slice %select_n3A_891 {offsets = [0, 0], sizes = [32, 8], strides = [1, 1]} : vector<32x128xi32> to vector<32x8xi32>
    %concatenate3A_907 = tpu.concatenate %slice3A_905, %slice3A_906 in 1 : vector<32x120xi32>, vector<32x8xi32> -> vector<32x128xi32>
    %slice3A_908 = vector.extract_strided_slice %select_n3A_891 {offsets = [0, 120], sizes = [32, 8], strides = [1, 1]} : vector<32x128xi32> to vector<32x8xi32>
    %slice3A_909 = vector.extract_strided_slice %select_n3A_891 {offsets = [0, 0], sizes = [32, 120], strides = [1, 1]} : vector<32x128xi32> to vector<32x120xi32>
    %concatenate3A_910 = tpu.concatenate %slice3A_908, %slice3A_909 in 1 : vector<32x8xi32>, vector<32x120xi32> -> vector<32x128xi32>
    %select_n3A_911 = arith.select %eq3A_897, %concatenate3A_907, %concatenate3A_910 : vector<32x128xi1>, vector<32x128xi32>
    %and3A_912 = arith.constant 128 : i32
    %and3A_913 = vector.broadcast %and3A_912 : i32 to vector<32x128xi32>
    %and3A_914 = arith.andi %iota3A_10, %and3A_913 : vector<32x128xi32>
    %eq3A_915 = arith.constant 0 : i32
    %eq3A_916 = vector.broadcast %eq3A_915 : i32 to vector<32x128xi32>
    %eq3A_917 = arith.cmpi eq, %and3A_914, %eq3A_916 : vector<32x128xi32>
    %eq3A_918 = arith.xori %eq3A_897, %eq3A_917 : vector<32x128xi1>
    %eq3A_919 = arith.constant dense<true> : vector<32x128xi1>
    %eq3A_920 = arith.xori %eq3A_918, %eq3A_919 : vector<32x128xi1>
    %gt3A_921 = arith.cmpf ogt, %select_n3A_890, %select_n3A_904 : vector<32x128xf32>
    %eq3A_922 = arith.cmpf oeq, %select_n3A_890, %select_n3A_904 : vector<32x128xf32>
    %lt3A_923 = arith.cmpi slt, %select_n3A_891, %select_n3A_911 : vector<32x128xi32>
    %and3A_924 = arith.andi %eq3A_922, %lt3A_923 : vector<32x128xi1>
    %or3A_925 = arith.ori %gt3A_921, %and3A_924 : vector<32x128xi1>
    %xor3A_926 = arith.xori %eq3A_920, %or3A_925 : vector<32x128xi1>
    %select_n3A_927 = arith.select %xor3A_926, %select_n3A_904, %select_n3A_890 : vector<32x128xi1>, vector<32x128xf32>
    %select_n3A_928 = arith.select %xor3A_926, %select_n3A_911, %select_n3A_891 : vector<32x128xi1>, vector<32x128xi32>
    %and3A_929 = arith.constant 4 : i32
    %and3A_930 = vector.broadcast %and3A_929 : i32 to vector<32x128xi32>
    %and3A_931 = arith.andi %iota3A_10, %and3A_930 : vector<32x128xi32>
    %eq3A_932 = arith.constant 0 : i32
    %eq3A_933 = vector.broadcast %eq3A_932 : i32 to vector<32x128xi32>
    %eq3A_934 = arith.cmpi eq, %and3A_931, %eq3A_933 : vector<32x128xi32>
    %slice3A_935 = vector.extract_strided_slice %select_n3A_927 {offsets = [0, 4], sizes = [32, 124], strides = [1, 1]} : vector<32x128xf32> to vector<32x124xf32>
    %slice3A_936 = vector.extract_strided_slice %select_n3A_927 {offsets = [0, 0], sizes = [32, 4], strides = [1, 1]} : vector<32x128xf32> to vector<32x4xf32>
    %concatenate3A_937 = tpu.concatenate %slice3A_935, %slice3A_936 in 1 : vector<32x124xf32>, vector<32x4xf32> -> vector<32x128xf32>
    %slice3A_938 = vector.extract_strided_slice %select_n3A_927 {offsets = [0, 124], sizes = [32, 4], strides = [1, 1]} : vector<32x128xf32> to vector<32x4xf32>
    %slice3A_939 = vector.extract_strided_slice %select_n3A_927 {offsets = [0, 0], sizes = [32, 124], strides = [1, 1]} : vector<32x128xf32> to vector<32x124xf32>
    %concatenate3A_940 = tpu.concatenate %slice3A_938, %slice3A_939 in 1 : vector<32x4xf32>, vector<32x124xf32> -> vector<32x128xf32>
    %select_n3A_941 = arith.select %eq3A_934, %concatenate3A_937, %concatenate3A_940 : vector<32x128xi1>, vector<32x128xf32>
    %slice3A_942 = vector.extract_strided_slice %select_n3A_928 {offsets = [0, 4], sizes = [32, 124], strides = [1, 1]} : vector<32x128xi32> to vector<32x124xi32>
    %slice3A_943 = vector.extract_strided_slice %select_n3A_928 {offsets = [0, 0], sizes = [32, 4], strides = [1, 1]} : vector<32x128xi32> to vector<32x4xi32>
    %concatenate3A_944 = tpu.concatenate %slice3A_942, %slice3A_943 in 1 : vector<32x124xi32>, vector<32x4xi32> -> vector<32x128xi32>
    %slice3A_945 = vector.extract_strided_slice %select_n3A_928 {offsets = [0, 124], sizes = [32, 4], strides = [1, 1]} : vector<32x128xi32> to vector<32x4xi32>
    %slice3A_946 = vector.extract_strided_slice %select_n3A_928 {offsets = [0, 0], sizes = [32, 124], strides = [1, 1]} : vector<32x128xi32> to vector<32x124xi32>
    %concatenate3A_947 = tpu.concatenate %slice3A_945, %slice3A_946 in 1 : vector<32x4xi32>, vector<32x124xi32> -> vector<32x128xi32>
    %select_n3A_948 = arith.select %eq3A_934, %concatenate3A_944, %concatenate3A_947 : vector<32x128xi1>, vector<32x128xi32>
    %and3A_949 = arith.constant 128 : i32
    %and3A_950 = vector.broadcast %and3A_949 : i32 to vector<32x128xi32>
    %and3A_951 = arith.andi %iota3A_10, %and3A_950 : vector<32x128xi32>
    %eq3A_952 = arith.constant 0 : i32
    %eq3A_953 = vector.broadcast %eq3A_952 : i32 to vector<32x128xi32>
    %eq3A_954 = arith.cmpi eq, %and3A_951, %eq3A_953 : vector<32x128xi32>
    %eq3A_955 = arith.xori %eq3A_934, %eq3A_954 : vector<32x128xi1>
    %eq3A_956 = arith.constant dense<true> : vector<32x128xi1>
    %eq3A_957 = arith.xori %eq3A_955, %eq3A_956 : vector<32x128xi1>
    %gt3A_958 = arith.cmpf ogt, %select_n3A_927, %select_n3A_941 : vector<32x128xf32>
    %eq3A_959 = arith.cmpf oeq, %select_n3A_927, %select_n3A_941 : vector<32x128xf32>
    %lt3A_960 = arith.cmpi slt, %select_n3A_928, %select_n3A_948 : vector<32x128xi32>
    %and3A_961 = arith.andi %eq3A_959, %lt3A_960 : vector<32x128xi1>
    %or3A_962 = arith.ori %gt3A_958, %and3A_961 : vector<32x128xi1>
    %xor3A_963 = arith.xori %eq3A_957, %or3A_962 : vector<32x128xi1>
    %select_n3A_964 = arith.select %xor3A_963, %select_n3A_941, %select_n3A_927 : vector<32x128xi1>, vector<32x128xf32>
    %select_n3A_965 = arith.select %xor3A_963, %select_n3A_948, %select_n3A_928 : vector<32x128xi1>, vector<32x128xi32>
    %and3A_966 = arith.constant 2 : i32
    %and3A_967 = vector.broadcast %and3A_966 : i32 to vector<32x128xi32>
    %and3A_968 = arith.andi %iota3A_10, %and3A_967 : vector<32x128xi32>
    %eq3A_969 = arith.constant 0 : i32
    %eq3A_970 = vector.broadcast %eq3A_969 : i32 to vector<32x128xi32>
    %eq3A_971 = arith.cmpi eq, %and3A_968, %eq3A_970 : vector<32x128xi32>
    %slice3A_972 = vector.extract_strided_slice %select_n3A_964 {offsets = [0, 2], sizes = [32, 126], strides = [1, 1]} : vector<32x128xf32> to vector<32x126xf32>
    %slice3A_973 = vector.extract_strided_slice %select_n3A_964 {offsets = [0, 0], sizes = [32, 2], strides = [1, 1]} : vector<32x128xf32> to vector<32x2xf32>
    %concatenate3A_974 = tpu.concatenate %slice3A_972, %slice3A_973 in 1 : vector<32x126xf32>, vector<32x2xf32> -> vector<32x128xf32>
    %slice3A_975 = vector.extract_strided_slice %select_n3A_964 {offsets = [0, 126], sizes = [32, 2], strides = [1, 1]} : vector<32x128xf32> to vector<32x2xf32>
    %slice3A_976 = vector.extract_strided_slice %select_n3A_964 {offsets = [0, 0], sizes = [32, 126], strides = [1, 1]} : vector<32x128xf32> to vector<32x126xf32>
    %concatenate3A_977 = tpu.concatenate %slice3A_975, %slice3A_976 in 1 : vector<32x2xf32>, vector<32x126xf32> -> vector<32x128xf32>
    %select_n3A_978 = arith.select %eq3A_971, %concatenate3A_974, %concatenate3A_977 : vector<32x128xi1>, vector<32x128xf32>
    %slice3A_979 = vector.extract_strided_slice %select_n3A_965 {offsets = [0, 2], sizes = [32, 126], strides = [1, 1]} : vector<32x128xi32> to vector<32x126xi32>
    %slice3A_980 = vector.extract_strided_slice %select_n3A_965 {offsets = [0, 0], sizes = [32, 2], strides = [1, 1]} : vector<32x128xi32> to vector<32x2xi32>
    %concatenate3A_981 = tpu.concatenate %slice3A_979, %slice3A_980 in 1 : vector<32x126xi32>, vector<32x2xi32> -> vector<32x128xi32>
    %slice3A_982 = vector.extract_strided_slice %select_n3A_965 {offsets = [0, 126], sizes = [32, 2], strides = [1, 1]} : vector<32x128xi32> to vector<32x2xi32>
    %slice3A_983 = vector.extract_strided_slice %select_n3A_965 {offsets = [0, 0], sizes = [32, 126], strides = [1, 1]} : vector<32x128xi32> to vector<32x126xi32>
    %concatenate3A_984 = tpu.concatenate %slice3A_982, %slice3A_983 in 1 : vector<32x2xi32>, vector<32x126xi32> -> vector<32x128xi32>
    %select_n3A_985 = arith.select %eq3A_971, %concatenate3A_981, %concatenate3A_984 : vector<32x128xi1>, vector<32x128xi32>
    %and3A_986 = arith.constant 128 : i32
    %and3A_987 = vector.broadcast %and3A_986 : i32 to vector<32x128xi32>
    %and3A_988 = arith.andi %iota3A_10, %and3A_987 : vector<32x128xi32>
    %eq3A_989 = arith.constant 0 : i32
    %eq3A_990 = vector.broadcast %eq3A_989 : i32 to vector<32x128xi32>
    %eq3A_991 = arith.cmpi eq, %and3A_988, %eq3A_990 : vector<32x128xi32>
    %eq3A_992 = arith.xori %eq3A_971, %eq3A_991 : vector<32x128xi1>
    %eq3A_993 = arith.constant dense<true> : vector<32x128xi1>
    %eq3A_994 = arith.xori %eq3A_992, %eq3A_993 : vector<32x128xi1>
    %gt3A_995 = arith.cmpf ogt, %select_n3A_964, %select_n3A_978 : vector<32x128xf32>
    %eq3A_996 = arith.cmpf oeq, %select_n3A_964, %select_n3A_978 : vector<32x128xf32>
    %lt3A_997 = arith.cmpi slt, %select_n3A_965, %select_n3A_985 : vector<32x128xi32>
    %and3A_998 = arith.andi %eq3A_996, %lt3A_997 : vector<32x128xi1>
    %or3A_999 = arith.ori %gt3A_995, %and3A_998 : vector<32x128xi1>
    %xor3A_1000 = arith.xori %eq3A_994, %or3A_999 : vector<32x128xi1>
    %select_n3A_1001 = arith.select %xor3A_1000, %select_n3A_978, %select_n3A_964 : vector<32x128xi1>, vector<32x128xf32>
    %select_n3A_1002 = arith.select %xor3A_1000, %select_n3A_985, %select_n3A_965 : vector<32x128xi1>, vector<32x128xi32>
    %and3A_1003 = arith.constant 1 : i32
    %and3A_1004 = vector.broadcast %and3A_1003 : i32 to vector<32x128xi32>
    %and3A_1005 = arith.andi %iota3A_10, %and3A_1004 : vector<32x128xi32>
    %eq3A_1006 = arith.constant 0 : i32
    %eq3A_1007 = vector.broadcast %eq3A_1006 : i32 to vector<32x128xi32>
    %eq3A_1008 = arith.cmpi eq, %and3A_1005, %eq3A_1007 : vector<32x128xi32>
    %slice3A_1009 = vector.extract_strided_slice %select_n3A_1001 {offsets = [0, 1], sizes = [32, 127], strides = [1, 1]} : vector<32x128xf32> to vector<32x127xf32>
    %slice3A_1010 = vector.extract_strided_slice %select_n3A_1001 {offsets = [0, 0], sizes = [32, 1], strides = [1, 1]} : vector<32x128xf32> to vector<32x1xf32>
    %concatenate3A_1011 = tpu.concatenate %slice3A_1009, %slice3A_1010 in 1 : vector<32x127xf32>, vector<32x1xf32> -> vector<32x128xf32>
    %slice3A_1012 = vector.extract_strided_slice %select_n3A_1001 {offsets = [0, 127], sizes = [32, 1], strides = [1, 1]} : vector<32x128xf32> to vector<32x1xf32>
    %slice3A_1013 = vector.extract_strided_slice %select_n3A_1001 {offsets = [0, 0], sizes = [32, 127], strides = [1, 1]} : vector<32x128xf32> to vector<32x127xf32>
    %concatenate3A_1014 = tpu.concatenate %slice3A_1012, %slice3A_1013 in 1 : vector<32x1xf32>, vector<32x127xf32> -> vector<32x128xf32>
    %select_n3A_1015 = arith.select %eq3A_1008, %concatenate3A_1011, %concatenate3A_1014 : vector<32x128xi1>, vector<32x128xf32>
    %slice3A_1016 = vector.extract_strided_slice %select_n3A_1002 {offsets = [0, 1], sizes = [32, 127], strides = [1, 1]} : vector<32x128xi32> to vector<32x127xi32>
    %slice3A_1017 = vector.extract_strided_slice %select_n3A_1002 {offsets = [0, 0], sizes = [32, 1], strides = [1, 1]} : vector<32x128xi32> to vector<32x1xi32>
    %concatenate3A_1018 = tpu.concatenate %slice3A_1016, %slice3A_1017 in 1 : vector<32x127xi32>, vector<32x1xi32> -> vector<32x128xi32>
    %slice3A_1019 = vector.extract_strided_slice %select_n3A_1002 {offsets = [0, 127], sizes = [32, 1], strides = [1, 1]} : vector<32x128xi32> to vector<32x1xi32>
    %slice3A_1020 = vector.extract_strided_slice %select_n3A_1002 {offsets = [0, 0], sizes = [32, 127], strides = [1, 1]} : vector<32x128xi32> to vector<32x127xi32>
    %concatenate3A_1021 = tpu.concatenate %slice3A_1019, %slice3A_1020 in 1 : vector<32x1xi32>, vector<32x127xi32> -> vector<32x128xi32>
    %select_n3A_1022 = arith.select %eq3A_1008, %concatenate3A_1018, %concatenate3A_1021 : vector<32x128xi1>, vector<32x128xi32>
    %and3A_1023 = arith.constant 128 : i32
    %and3A_1024 = vector.broadcast %and3A_1023 : i32 to vector<32x128xi32>
    %and3A_1025 = arith.andi %iota3A_10, %and3A_1024 : vector<32x128xi32>
    %eq3A_1026 = arith.constant 0 : i32
    %eq3A_1027 = vector.broadcast %eq3A_1026 : i32 to vector<32x128xi32>
    %eq3A_1028 = arith.cmpi eq, %and3A_1025, %eq3A_1027 : vector<32x128xi32>
    %eq3A_1029 = arith.xori %eq3A_1008, %eq3A_1028 : vector<32x128xi1>
    %eq3A_1030 = arith.constant dense<true> : vector<32x128xi1>
    %eq3A_1031 = arith.xori %eq3A_1029, %eq3A_1030 : vector<32x128xi1>
    %gt3A_1032 = arith.cmpf ogt, %select_n3A_1001, %select_n3A_1015 : vector<32x128xf32>
    %eq3A_1033 = arith.cmpf oeq, %select_n3A_1001, %select_n3A_1015 : vector<32x128xf32>
    %lt3A_1034 = arith.cmpi slt, %select_n3A_1002, %select_n3A_1022 : vector<32x128xi32>
    %and3A_1035 = arith.andi %eq3A_1033, %lt3A_1034 : vector<32x128xi1>
    %or3A_1036 = arith.ori %gt3A_1032, %and3A_1035 : vector<32x128xi1>
    %xor3A_1037 = arith.xori %eq3A_1031, %or3A_1036 : vector<32x128xi1>
    %select_n3A_1038 = arith.select %xor3A_1037, %select_n3A_1015, %select_n3A_1001 : vector<32x128xi1>, vector<32x128xf32>
    %select_n3A_1039 = arith.select %xor3A_1037, %select_n3A_1022, %select_n3A_1002 : vector<32x128xi1>, vector<32x128xi32>
    %swap3A = arith.constant 0 : index
    %swap3A_1040 = arith.constant 0 : index
    %swap3A_1041 = vector.load %arg3[%swap3A, %swap3A_1040] : memref<32x128xf32, #tpu.memory_space<vmem>>, vector<32x128xf32>
    tpu.vector_store %arg3[%swap3A, %swap3A_1040], %select_n3A_1038 {strides = array<i32>} : memref<32x128xf32, #tpu.memory_space<vmem>>, vector<32x128xf32>,
    %swap3A_1042 = arith.constant 0 : index
    %swap3A_1043 = arith.constant 0 : index
    %swap3A_1044 = vector.load %arg4[%swap3A_1042, %swap3A_1043] : memref<32x128xi32, #tpu.memory_space<vmem>>, vector<32x128xi32>
    tpu.vector_store %arg4[%swap3A_1042, %swap3A_1043], %select_n3A_1039 {strides = array<i32>} : memref<32x128xi32, #tpu.memory_space<vmem>>, vector<32x128xi32>,
    return
  }
  func.func @transform_0(%arg0: i32) -> (i32, i32) {
    %c0_i32 = arith.constant 0 : i32
    %c0_i32_0 = arith.constant 0 : i32
    return %arg0, %c0_i32 : i32, i32
  }
  func.func @transform_1(%arg0: i32) -> (i32, i32) {
    %c0_i32 = arith.constant 0 : i32
    %c0_i32_0 = arith.constant 0 : i32
    return %arg0, %c0_i32 : i32, i32
  }
  func.func @transform_2(%arg0: i32) -> (i32, i32) {
    %c0_i32 = arith.constant 0 : i32
    %c0_i32_0 = arith.constant 0 : i32
    return %arg0, %c0_i32 : i32, i32
  }
  func.func @transform_3(%arg0: i32) -> (i32, i32) {
    %c0_i32 = arith.constant 0 : i32
    %c0_i32_0 = arith.constant 0 : i32
    return %arg0, %c0_i32 : i32, i32
  }
}

</mosaic_0001>

<sc_bundles>
// kernel: kernel.10.cloned.1.call-start
scs
__scs_entry_jumppad:
0x0: {  	(pc) =	sbr.rel $0x88, $3  }
0x1: {  	(tag) =	ssettag $0x0;
	lr =	simm.s32 $0x1  }
0x2: {  	[smem:$0x3F9E] =	sst lr;
	_ =	strace $0xD0000000  }
0x3: {  	_ = 	snop  }
0x4: {  	_ = 	snop  }
0x5: {  	_ = 	snop  }
0x6: {  	_ = 	snop  }
0x7: {  	_ = 	snop  }
__scs_overlays_trampoline_lowered:
0x8: {  	[smem:$0x3FAD] =	sst s0  }
0x9: {  	[smem:$0x3FAE] =	sst s1  }
0xa: {  	[smem:$0x3FAF] =	sst s2  }
0xb: {  	[smem:$0x3FB0] =	sst s3  }
0xc: {  	[smem:$0x3FB1] =	sst s4  }
0xd: {  	[smem:$0x3FB2] =	sst s5  }
0xe: {  	[smem:$0x3FB3] =	sst s6  }
0xf: {  	[smem:$0x3FB4] =	sst s7  }
0x10: {  	[smem:$0x3FB5] =	sst s8  }
0x11: {  	[smem:$0x3FB6] =	sst s9;
	s0 =	simm.s32 @!p0 $0x0  }
0x12: {  	s1 =	sld [smem:$0x3F9C];
	s0 =	simm.s32 @p0 $0x1  }
0x13: {  	[smem:$0x3FB7] =	sst s0;
	s0 =	simm.s32 @!p1 $0x0  }
0x14: {  	s2 =	sld [smem:$0x3F9B];
	s0 =	simm.s32 @p1 $0x1  }
0x15: {  	[smem:$0x3FB8] =	sst s0;
	s0 =	simm.s32 @!p2 $0x0  }
0x16: {  	s3 =	sld [smem:$0x3FDB];
	s0 =	simm.s32 @p2 $0x1  }
0x17: {  	s4 =	simm.s32 $0x1BF5;
	[smem:$0x3FBA] =	sst s0  }
0x18: {  	s0 =	sld [smem:$0x3F9D];
	_ =	swait.ge [sflag:s4], $0x0  }
0x19: {  	s7 =	sld [smem:$0x3F9E]  }
0x1a: {  	s8 =	sadd.s32 $0xFFFFE003, lr  }
0x1b: {  	s9 =	sadd.s32 $0xFFFFFEF7, lr;
	s5 =	simm.s32 $0xFFFFFFFF;
	p2 =	slt.u32 s8, $0xFFFFF086  }
0x1c: {  	p1 =	slt.u32 s9, $0xF7A;
	s5 =	simm.s32 @!p2 $0x0  }
0x1d: {  	s5 =	simm.s32 @p1 $0x1;
	p0 =	seq.s32 s7, s2  }
0x1e: {  	s7 =	smul.u32 @!p0 $0xF7A, s2;
	p2 =	seq.s32 @!p0 s5, $0x0  }
0x1f: {  	s9 =	smul.u32 $0xF7A, s1;
	s8 =	simm.s32 @!p0 $0x1BF5;
	p2 =	por !p2, p0  }
0x20: {  	[sflag:s8] =	ssyncset.s32 @!p0 $0xFFFFF086;
	s6 =	sadd.s32 @!p0 s3, s7;
	s7 =	simm.s32 @!p0 $0x108  }
0x21: {  	s3 =	sadd.s32 s3, s9;
	s6 =	sadd.s32 @!p0 $0x88, s6;
	s7 =	simm.s32 @p2 $0x1082  }
0x22: {  	[simem:s7], [sflag:s8] =	dma.local @!p0 [hbm:s6], $0xF7A  }
0x23: {  	s9 =	sor.u32 $0xD0000000, s2;
	s6 =	simm.s32 $0x108;
	_ =	swait.ge @!p0 [sflag:s8], $0x0  }
0x24: {  	s3 =	sadd.s32 $0x88, s3;
	s6 =	simm.s32 @!p1 $0x1082;
	[sflag:s4] =	ssyncset.s32 $0xFFFFF086  }
0x25: {  	[simem:s6], [sflag:s4] =	dma.local [hbm:s3], $0xF7A  }
0x26: {  	[smem:$0x3F9E] =	sst s1;
	(tag) =	ssettag s2;
	_ =	strace s9  }
0x27: {  	s1 =	sld [smem:$0x3FAE]  }
0x28: {  	s2 =	sld [smem:$0x3FAF]  }
0x29: {  	s4 =	sld [smem:$0x3FB1]  }
0x2a: {  	p0 =	seq.s32 s5, $0x0;
	s5 =	sld [smem:$0x3FB2]  }
0x2b: {  	s6 =	sld [smem:$0x3FB3]  }
0x2c: {  	s7 =	sld [smem:$0x3FB4]  }
0x2d: {  	s3 =	simm.s32 $0x108;
	s8 =	sld [smem:$0x3FB5]  }
0x2e: {  	s3 =	simm.s32 @!p0 $0x1082;
	s9 =	sld [smem:$0x3FB6]  }
0x2f: {  	lr =	sadd.s32 s0, s3;
	s0 =	sld [smem:$0x3FAD]  }
0x30: {  	s3 =	sld [smem:$0x3FB0]  }
0x31: {  	[smem:$0x3FB9] =	sst s10  }
0x32: {  	s10 =	sld [smem:$0x3FB7];
	_ =	sdelay $0x3  }
0x33: {  	p0 =	seq.s32 s10, $0x1;
	s10 =	sld [smem:$0x3FB9];
	_ =	sdelay $0x3  }
0x34: {  	[smem:$0x3FB9] =	sst s10  }
0x35: {  	s10 =	sld [smem:$0x3FB8];
	_ =	sdelay $0x3  }
0x36: {  	p1 =	seq.s32 s10, $0x1;
	s10 =	sld [smem:$0x3FB9];
	_ =	sdelay $0x3  }
0x37: {  	[smem:$0x3FB9] =	sst s10  }
0x38: {  	s10 =	sld [smem:$0x3FBA]  }
0x39: {  	_ = 	snop;
	(pc) =	sbr.ind lr, $3  }
0x3a: {  	_ = 	snop  }
0x3b: {  	_ = 	snop  }
0x3c: {  	p2 =	seq.s32 s10, $0x1;
	s10 =	sld [smem:$0x3FB9]  }
0x3d: {  	_ =	shalt  }
0x3e: {  	_ =	shalt  }
0x3f: {  	_ =	shalt  }
0x40: {  	_ =	shalt  }
0x41: {  	_ =	shalt  }
0x42: {  	_ =	shalt  }
0x43: {  	_ =	shalt  }
0x44: {  	_ =	shalt  }
0x45: {  	_ =	shalt  }
0x46: {  	_ =	shalt  }
0x47: {  	_ =	shalt  }
0x48: {  	_ =	shalt  }
0x49: {  	_ =	shalt  }
0x4a: {  	_ =	shalt  }
0x4b: {  	_ =	shalt  }
0x4c: {  	_ =	shalt  }
0x4d: {  	_ =	shalt  }
0x4e: {  	_ =	shalt  }
0x4f: {  	_ =	shalt  }
0x50: {  	_ =	shalt  }
0x51: {  	_ =	shalt  }
0x52: {  	_ =	shalt  }
0x53: {  	_ =	shalt  }
0x54: {  	_ =	shalt  }
0x55: {  	_ =	shalt  }
0x56: {  	_ =	shalt  }
0x57: {  	_ =	shalt  }
0x58: {  	_ =	shalt  }
0x59: {  	_ =	shalt  }
0x5a: {  	_ =	shalt  }
0x5b: {  	_ =	shalt  }
0x5c: {  	_ =	shalt  }
0x5d: {  	_ =	shalt  }
0x5e: {  	_ =	shalt  }
0x5f: {  	_ =	shalt  }
0x60: {  	_ =	shalt  }
0x61: {  	_ =	shalt  }
0x62: {  	_ =	shalt  }
0x63: {  	_ =	shalt  }
0x64: {  	_ =	shalt  }
0x65: {  	_ =	shalt  }
0x66: {  	_ =	shalt  }
0x67: {  	_ =	shalt  }
0x68: {  	_ =	shalt  }
0x69: {  	_ =	shalt  }
0x6a: {  	_ =	shalt  }
0x6b: {  	_ =	shalt  }
0x6c: {  	_ =	shalt  }
0x6d: {  	_ =	shalt  }
0x6e: {  	_ =	shalt  }
0x6f: {  	_ =	shalt  }
0x70: {  	_ =	shalt  }
0x71: {  	_ =	shalt  }
0x72: {  	_ =	shalt  }
0x73: {  	_ =	shalt  }
0x74: {  	_ =	shalt  }
0x75: {  	_ =	shalt  }
0x76: {  	_ =	shalt  }
0x77: {  	_ =	shalt  }
0x78: {  	_ =	shalt  }
0x79: {  	_ =	shalt  }
0x7a: {  	_ =	shalt  }
0x7b: {  	_ =	shalt  }
0x7c: {  	_ =	shalt  }
0x7d: {  	_ =	shalt  }
0x7e: {  	_ =	shalt  }
0x7f: {  	_ =	shalt  }
0x80: {  	_ =	shalt  }
0x81: {  	_ =	shalt  }
0x82: {  	_ =	shalt  }
0x83: {  	_ =	shalt  }
0x84: {  	_ =	shalt  }
0x85: {  	_ =	shalt  }
0x86: {  	_ =	shalt  }
0x87: {  	_ =	shalt  }
.Lfunc_end0:
.L_simem_size_0:
called_computation.2_lowered:
.L_overlay_start_0:
0x88: {  	s2 =	sld [smem:$0x3FD9]  }
0x89: {  	s3 =	sld [smem:$0x3FFE];
	_ =	sdelay $0x1  }
0x8a: {  	s1 =	srdreg.scid  }
0x8b: {  	s0 =	sand.u32 $0x1, s1  }
0x8c: {  	s15 =	sshll.u32 s0, $0xA;
	s2 =	sadd.s32 s3, s2  }
0x8d: {  	s2 =	sadd.s32 s2, s15  }
0x8e: {  	[smem:$0x3FC5] =	sst s2  }
0x8f: {  	_ = 	snop  }
0x90: {  	s2 =	sld [smem:$0x3FD0];
	_ =	sdelay $0x2  }
0x91: {  	s16 =	simm.s32 $0xB;
	s4 =	simm.s32 $0x10  }
0x92: {  	[smem:s4], [sflag:s16] =	dma.local [hbm:s2], $0x1  }
0x93: {  	_ =	swait.eq [sflag:s16], $0x1  }
0x94: {  	[sflag:s16] =	ssyncset.done $0x0  }
0x95: {  	[sflag:s16] =	ssyncadd.s32 $0xFFFFFFFF  }
0x96: {  	s17 =	sld [smem:$0x12];
	(tm) =	ssettm $0x1  }
0x97: {  	s18 =	sld [smem:$0x3FFB];
	_ =	sdelay $0x3  }
0x98: {  	_ =	strace s18  }
0x99: {  	s2 =	sld [smem:$0x3FFC];
	_ =	sdelay $0x3  }
0x9a: {  	_ =	strace s2  }
0x9b: {  	s2 =	sld [smem:$0x3FFD];
	_ =	sdelay $0x3  }
0x9c: {  	_ =	strace s2  }
0x9d: {  	_ =	strace $0x8FFFFFFF  }
0x9e: {  	s19 =	sld [smem:$0x3FDB];
	_ =	sdelay $0x1  }
0x9f: {  	s20 =	simm.s32 $_scs_section_size  }
0xa0: {  	s5 =	simm.s32 $_size__tile_overlayer_lowered;
	s6 =	simm.s32 $_tile_overlayer_lowered  }
0xa1: {  	s7 =	simm.s32 $0x1BFF;
	s21 =	sshll.u32 s6, $0x1;
	s4 =	sadd.s32 s20, s19  }
0xa2: {  	s22 =	simm.s32 $0x0;
	s5 =	sshll.u32 s5, $0x1;
	s6 =	sadd.s32 s21, s4  }
0xa3: {  	[timem:s22], [sflag:s7] =	dma.local [hbm:s6], s5  }
0xa4: {  	_ =	swait.ge [sflag:s7], s5  }
0xa5: {  	s5 =	ssub.s32 $0x0, s5;
	[sflag:s7] =	ssyncset.done $0x0  }
0xa6: {  	[sflag:s7] =	ssyncadd.s32 s5;
	_ =	sdelay $0x1  }
0xa7: {  	s23 =	simm.s32 $0x1B8B  }
0xa8: {  	_ =	swait.ge [sflag:s23], $0x1  }
0xa9: {  	[sflag:s23] =	ssyncset.done $0x0  }
0xaa: {  	[sflag:s23] =	ssyncadd.s32 $0xFFFFFFFF  }
0xab: {  	s5 =	sld [smem:$0x0]  }
0xac: {  	s6 =	sand.u32 $0xFFFFFFFE, s1  }
0xad: {  	p0 =	sne.s32 s1, s6  }
0xae: {  	s6 =	sshll.u32 @p0 s6, $0xE  }
0xaf: {  	s6 =	sadd.s32 @p0 $0x11B8D, s6;
	s7 =	sshll.u32 @p0 s5, $0x11  }
0xb0: {  	s6 =	sor.u32 @p0 s7, s6  }
0xb1: {  	[sflag:s6] =	ssyncadd.remote.s32 @p0 $0x1;
	_ =	sdelay $0x1  }
0xb2: {  	s6 =	simm.s32 @p0 $0x1B8D  }
0xb3: {  	_ =	swait.eq @p0 [sflag:s6], $0x1  }
0xb4: {  	[sflag:s6] =	ssyncadd.s32 @p0 $0xFFFFFFFF  }
0xb5: {  	s7 =	sshll.u32 @!p0 s1, $0xE  }
0xb6: {  	s7 =	sor.u32 @!p0 $0x4000, s7;
	s6 =	simm.s32 @!p0 $0x1B8D  }
0xb7: {  	s5 =	sshll.u32 @!p0 s5, $0x11;
	s7 =	sadd.s32 @!p0 $0x11B8D, s7;
	_ =	swait.eq @!p0 [sflag:s6], $0x1  }
0xb8: {  	s5 =	sor.u32 @!p0 s5, s7;
	[sflag:s6] =	ssyncadd.s32 @!p0 $0xFFFFFFFF  }
0xb9: {  	s25 =	simm.s32 $0x1B8E;
	s24 =	sld [smem:$0x3FFE];
	[sflag:s5] =	ssyncadd.remote.s32 @!p0 $0x1  }
0xba: {  	s26 =	simm.s32 $execute0_lowered;
	[smem:$0x3FD2] =	sst s25  }
0xbb: {  	s6 =	sshll.u32 s26, $0x1;
	_ =	strace $0x80000049;
	[dreg:$0x1] =	wrdreg $0xFFFFFFFF  }
0xbc: {  	s28 =	simm.s32 $_size_execute0_lowered;
	s4 =	sadd.s32 s4, s6;
	[dreg:$0x0] =	wrdreg $0x0  }
0xbd: {  	s6 =	sshll.u32 s28, $0x1;
	[dreg:$0x2] =	wrdreg s4  }
0xbe: {  	[dreg:$0x3] =	wrdreg s6  }
0xbf: {  	[dreg:$0x4] =	wrdreg $0xC0  }
0xc0: {  	_ =	task [dreg:s22], $0x5FFFF  }
0xc1: {  	[dreg:$0x1] =	wrdreg $0xFFFFFFFF  }
0xc2: {  	[dreg:$0x0] =	wrdreg $0x60  }
0xc3: {  	[dreg:$0x2] =	wrdreg s17  }
0xc4: {  	[dreg:$0x3] =	wrdreg s24  }
0xc5: {  	[dreg:$0x4] =	wrdreg $0xA  }
0xc6: {  	_ =	task.clear_ibuf [dreg:s22], $0x5FFFF;
	_ =	strace $0x90000049  }
0xc7: {  	s29 =	simm.s32 $0xA;
	_ =	strace $0x8000004B  }
0xc8: {  	_ =	swait.ge [sflag:s29], $0x1  }
0xc9: {  	[sflag:s29] =	ssyncadd.s32 $0xFFFFFFFF  }
0xca: {  	_ =	strace $0x9000004B  }
0xcb: {  	_ =	sfence  }
0xcc: {  	s30 =	sld [smem:$0x0];
	_ =	sdelay $0x2  }
0xcd: {  	s31 =	sshll.u32 s1, $0xD;
	s1 =	sshrl.u32 s1, $0x2  }
0xce: {  	s4 =	sand.u32 $0x4000, s31;
	s1 =	sadd.s32 s1, s30  }
0xcf: {  	s0 =	sor.u32 s4, s0;
	s1 =	sshll.u32 s1, $0x11  }
0xd0: {  	s0 =	sor.u32 s1, s0  }
0xd1: {  	s0 =	sadd.s32 $0x8F2B, s0  }
0xd2: {  	[sflag:s0] =	ssyncadd.remote.s32 $0x1  }
0xd3: {  	_ =	sfence.sel $0xFFFF  }
0xd4: {  	[dreg:$0x0] =	wrdreg $0xFFFFFFFF;
	(pc) =	sbr.abs _section_cstart, $3  }
0xd5: {  	[dreg:$0x1] =	wrdreg $0xFFFFFFFF  }
0xd6: {  	_ =	task.clear_ibuf [dreg:s22], $0x2FFFF;
	_ =	strace $0x9FFFFFFF  }
0xd7: {  	(tm) =	ssettm $0x7FFFFFFF  }
tec
execute0_lowered:
.L_overlay_start_1:
0x0: {  	(tag) =	ssettag $0x1  }
0x1: {  	s1 =	rddreg [dreg:$0x0]  }
0x2: {  	s3 =	rddreg [dreg:$0x1]  }
0x3: {  	s0 =	rddreg [dreg:$0x2];
	s2 =	simm.s32 $0x0  }
0x4: {  	s4 =	srdreg.scid;
	s9 =	simm.s32 $0xC80;
	s10 =	simm.s32 $0xD00  }
0x5: {  	s11 =	simm.s32 $0x0;
	[smem:$0x7FF] =	sst s2;
	s6 =	sand.u32 $0x1, s4  }
0x6: {  	v0 =	vimm.s32 $0x1;
	v1 =	vlaneseq.u32;
	s4 =	sadd.s32 $0x1883C00, s3;
	s5 =	sadd.s32 $0x1887C00, s3;
	s7 =	ssub.s32 $0x2, s6  }
0x7: {  	v2 =	vimm.s32 $0x0;
	v3 =	vimm.s32 $0xF;
	s3 =	stileid.u32;
	v4 =	vadd.s32 $0xBFF, v1;
	_ =	strace $0x8000004A;
	s8 =	sshrl.u32 s7, $0x1  }
0x8: {  	v5 =	vor.u32 $0xC00, v1;
	v6 =	vadd.s32 $0xC0F, v1;
	v7 =	vor.u32 $0xC10, v1;
	s31 =	sshll.u32 s3, $0x6;
	s6 =	sshll.u32 s6, $0x5;
	s7 =	ssub.s32 s7, s8  }
0x9: {  	v8 =	vadd.s32 $0xC1F, v1;
	v9 =	vor.u32 $0xC20, v1;
	v10 =	vadd.s32 $0xC2F, v1;
	s6 =	sor.u32 s6, s31;
	s8 =	simm.s32 $0x1;
	s7 =	smax.u32 s7, $0x1  }
.LBB2_1:
0xa: {  	s12 =	simm.s32 $0x0  }
.LBB2_2:
0xb: {  	s13 =	sadd.s32 s6, s12  }
0xc: {  	s14 =	smul.u32 $0xC40, s13;
	_ =	sdelay $0x1  }
0xd: {  	s15 =	sshrl.u32 s14, $0x3  }
0xe: {  	s15 =	sadd.s32 s1, s15  }
0xf: {  	[tilespmem:s2], [sflag:$0x1] =	stream.linear.gather [hbm4b:s15+s2], $0xC40, $0x38;
	[tilespmem:$0xE00] =	vst v63  }
0x10: {  	_ =	swait.ge [sflag:s8], $0xC40  }
0x11: {  	s13 =	sshll.u32 s13, $0x4;
	[sflag:s8] =	ssyncset.done $0x0  }
0x12: {  	s31 =	sadd.s32 s4, s13;
	[sflag:s8] =	ssyncadd.s32 $0xFFFFF3C0  }
0x13: {  	[tilespmem:s9], [sflag:$0x1] =	stream.linear.gather [hbm4b:s31+s2], $0x10, $0x38;
	[tilespmem:$0xE00] =	vst v63  }
0x14: {  	_ =	swait.ge [sflag:s8], $0x10  }
0x15: {  	[sflag:s8] =	ssyncset.done $0x0  }
0x16: {  	[sflag:s8] =	ssyncadd.s32 $0xFFFFFFF0  }
0x17: {  	v11 =	vld [tilespmem:$0xC80];
	_ =	sdelay $0x3  }
0x18: {  	v14 =	vimm.s32 $0x0  }
0x19: {  	s16 =	simm.s32 $0x40;
	s15 =	simm.s32 $0x70;
	v12 =	vperm.xlane v11, v14;
	v13 =	vperm.xlane v11, v0;
	v11 =	vmov s14;
	s14 =	simm.s32 $0xFFFFFFF8  }
.LBB2_3:
0x1a: {  	v15 =	vld [tilespmem:s16+$0xFFFFFFC0];
	_ =	sdelay $0x4  }
0x1b: {  	s17 =	sadd.s32 $0xFFFFFF90, s15;
	v16 =	vxor.u32 $0x7FFFFFFF, v15;
	vm0 =	vlt.s32 v15, $0x0  }
0x1c: {  	v35 =	vor.u32 s17, v1;
	v15 =	vsel vm0, v16, v15  }
0x1d: {  	vm1 =	vle.s32 v35, v13;
	vm0 =	veq.s32 v15, v12  }
0x1e: {  	vm2 =	vgt.s32 v15, v12;
	vm0 =	vmand vm1, vm0  }
0x1f: {  	vm0 =	vmor vm2, vm0  }
0x20: {  	v15 =	vsel vm0, $0x1, v2  }
0x21: {  	(xrf0) =	vadd.scan.msk.s32 $0xffff, v15;
	_ =	sdelay $0x5  }
0x22: {  	v15, _, _ =	vpop (xrf0)  }
0x23: {  	v17 =	vadd.s32 v15, v14  }
0x24: {  	v17 =	vadd.s32 $0xFFFFFFFF, v17  }
0x25: {  	v17 =	vnsel vm0, $0x88, v17;
	_ =	sdelay $0x3  }
0x26: {  	v16 =	vadd.s32 v11, v35  }
0x27: {  	[tilespmem:v17+s10+$0x0] =	vst.idx.msk $0xffff, v16  }
0x28: {  	v16 =	vld [tilespmem:s16+$0xFFFFFFD0];
	_ =	sdelay $0x4  }
0x29: {  	s25 =	sadd.s32 $0xFFFFFFA0, s15;
	v36 =	vxor.u32 $0x7FFFFFFF, v16;
	vm7 =	vlt.s32 v16, $0x0  }
0x2a: {  	v37 =	vor.u32 s25, v1;
	v16 =	vsel vm7, v36, v16  }
0x2b: {  	vm8 =	vle.s32 v37, v13;
	vm0 =	veq.s32 v16, v12  }
0x2c: {  	vm9 =	vgt.s32 v16, v12;
	vm0 =	vmand vm8, vm0  }
0x2d: {  	vm0 =	vmor vm9, vm0  }
0x2e: {  	v38 =	vsel vm0, $0x1, v2  }
0x2f: {  	(xrf0) =	vadd.scan.msk.s32 $0xffff, v38;
	_ =	sdelay $0x1  }
0x30: {  	v15 =	vperm.xlane v15, v3;
	_ =	sdelay $0x3  }
0x31: {  	v14 =	vadd.s32 v14, v15;
	v15, _, _ =	vpop (xrf0)  }
0x32: {  	v39 =	vadd.s32 v15, v14  }
0x33: {  	v16 =	vadd.s32 $0xFFFFFFFF, v39  }
0x34: {  	v16 =	vnsel vm0, $0x88, v16;
	_ =	sdelay $0x3  }
0x35: {  	v17 =	vadd.s32 v11, v37  }
0x36: {  	[tilespmem:v16+s10+$0x0] =	vst.idx.msk $0xffff, v17  }
0x37: {  	v16 =	vld [tilespmem:s16+$0xFFFFFFE0];
	_ =	sdelay $0x4  }
0x38: {  	s26 =	sadd.s32 $0xFFFFFFB0, s15;
	v40 =	vxor.u32 $0x7FFFFFFF, v16;
	vm10 =	vlt.s32 v16, $0x0  }
0x39: {  	v41 =	vor.u32 s26, v1;
	v16 =	vsel vm10, v40, v16  }
0x3a: {  	vm11 =	vle.s32 v41, v13;
	vm0 =	veq.s32 v16, v12  }
0x3b: {  	vm12 =	vgt.s32 v16, v12;
	vm0 =	vmand vm11, vm0  }
0x3c: {  	vm0 =	vmor vm12, vm0  }
0x3d: {  	v42 =	vsel vm0, $0x1, v2  }
0x3e: {  	(xrf0) =	vadd.scan.msk.s32 $0xffff, v42;
	_ =	sdelay $0x1  }
0x3f: {  	v15 =	vperm.xlane v15, v3;
	_ =	sdelay $0x3  }
0x40: {  	v14 =	vadd.s32 v14, v15;
	v15, _, _ =	vpop (xrf0)  }
0x41: {  	v43 =	vadd.s32 v15, v14  }
0x42: {  	v16 =	vadd.s32 $0xFFFFFFFF, v43  }
0x43: {  	v16 =	vnsel vm0, $0x88, v16;
	_ =	sdelay $0x3  }
0x44: {  	v17 =	vadd.s32 v11, v41  }
0x45: {  	[tilespmem:v16+s10+$0x0] =	vst.idx.msk $0xffff, v17  }
0x46: {  	v16 =	vld [tilespmem:s16+$0xFFFFFFF0];
	_ =	sdelay $0x4  }
0x47: {  	s28 =	sadd.s32 $0xFFFFFFC0, s15;
	v44 =	vxor.u32 $0x7FFFFFFF, v16;
	vm13 =	vlt.s32 v16, $0x0  }
0x48: {  	v45 =	vor.u32 s28, v1;
	v16 =	vsel vm13, v44, v16  }
0x49: {  	vm14 =	vle.s32 v45, v13;
	vm0 =	veq.s32 v16, v12  }
0x4a: {  	vm15 =	vgt.s32 v16, v12;
	vm0 =	vmand vm14, vm0  }
0x4b: {  	vm0 =	vmor vm15, vm0  }
0x4c: {  	v46 =	vsel vm0, $0x1, v2  }
0x4d: {  	(xrf0) =	vadd.scan.msk.s32 $0xffff, v46;
	_ =	sdelay $0x1  }
0x4e: {  	v15 =	vperm.xlane v15, v3;
	_ =	sdelay $0x3  }
0x4f: {  	v14 =	vadd.s32 v14, v15;
	v15, _, _ =	vpop (xrf0)  }
0x50: {  	v47 =	vadd.s32 v15, v14  }
0x51: {  	v16 =	vadd.s32 $0xFFFFFFFF, v47  }
0x52: {  	v16 =	vnsel vm0, $0x88, v16;
	_ =	sdelay $0x3  }
0x53: {  	v17 =	vadd.s32 v11, v45  }
0x54: {  	[tilespmem:v16+s10+$0x0] =	vst.idx.msk $0xffff, v17  }
0x55: {  	v16 =	vld [tilespmem:s16+$0x0];
	_ =	sdelay $0x4  }
0x56: {  	s29 =	sadd.s32 $0xFFFFFFD0, s15;
	v48 =	vxor.u32 $0x7FFFFFFF, v16;
	vm4 =	vlt.s32 v16, $0x0  }
0x57: {  	v49 =	vor.u32 s29, v1;
	v16 =	vsel vm4, v48, v16  }
0x58: {  	vm5 =	vle.s32 v49, v13;
	vm0 =	veq.s32 v16, v12  }
0x59: {  	vm6 =	vgt.s32 v16, v12;
	vm0 =	vmand vm5, vm0  }
0x5a: {  	vm0 =	vmor vm6, vm0  }
0x5b: {  	v50 =	vsel vm0, $0x1, v2  }
0x5c: {  	(xrf0) =	vadd.scan.msk.s32 $0xffff, v50;
	_ =	sdelay $0x1  }
0x5d: {  	v15 =	vperm.xlane v15, v3;
	_ =	sdelay $0x3  }
0x5e: {  	v14 =	vadd.s32 v14, v15;
	v15, _, _ =	vpop (xrf0)  }
0x5f: {  	v51 =	vadd.s32 v15, v14  }
0x60: {  	v16 =	vadd.s32 $0xFFFFFFFF, v51  }
0x61: {  	v16 =	vnsel vm0, $0x88, v16;
	_ =	sdelay $0x3  }
0x62: {  	v17 =	vadd.s32 v11, v49  }
0x63: {  	[tilespmem:v16+s10+$0x0] =	vst.idx.msk $0xffff, v17  }
0x64: {  	v16 =	vld [tilespmem:s16+$0x10];
	_ =	sdelay $0x4  }
0x65: {  	s30 =	sadd.s32 $0xFFFFFFE0, s15;
	v52 =	vxor.u32 $0x7FFFFFFF, v16;
	vm7 =	vlt.s32 v16, $0x0  }
0x66: {  	v53 =	vor.u32 s30, v1;
	v16 =	vsel vm7, v52, v16  }
0x67: {  	vm8 =	vle.s32 v53, v13;
	vm0 =	veq.s32 v16, v12  }
0x68: {  	vm9 =	vgt.s32 v16, v12;
	vm0 =	vmand vm8, vm0  }
0x69: {  	vm0 =	vmor vm9, vm0  }
0x6a: {  	v54 =	vsel vm0, $0x1, v2  }
0x6b: {  	(xrf0) =	vadd.scan.msk.s32 $0xffff, v54;
	_ =	sdelay $0x1  }
0x6c: {  	v15 =	vperm.xlane v15, v3;
	_ =	sdelay $0x3  }
0x6d: {  	v14 =	vadd.s32 v14, v15;
	v15, _, _ =	vpop (xrf0)  }
0x6e: {  	v55 =	vadd.s32 v15, v14  }
0x6f: {  	v16 =	vadd.s32 $0xFFFFFFFF, v55  }
0x70: {  	v16 =	vnsel vm0, $0x88, v16;
	_ =	sdelay $0x3  }
0x71: {  	v17 =	vadd.s32 v11, v53  }
0x72: {  	[tilespmem:v16+s10+$0x0] =	vst.idx.msk $0xffff, v17  }
0x73: {  	v16 =	vld [tilespmem:s16+$0x20];
	_ =	sdelay $0x4  }
0x74: {  	s31 =	sadd.s32 $0xFFFFFFF0, s15;
	v56 =	vxor.u32 $0x7FFFFFFF, v16;
	vm10 =	vlt.s32 v16, $0x0  }
0x75: {  	v57 =	vor.u32 s31, v1;
	v16 =	vsel vm10, v56, v16  }
0x76: {  	vm11 =	vle.s32 v57, v13;
	vm0 =	veq.s32 v16, v12  }
0x77: {  	vm12 =	vgt.s32 v16, v12;
	vm0 =	vmand vm11, vm0  }
0x78: {  	vm0 =	vmor vm12, vm0  }
0x79: {  	v58 =	vsel vm0, $0x1, v2  }
0x7a: {  	(xrf0) =	vadd.scan.msk.s32 $0xffff, v58;
	_ =	sdelay $0x1  }
0x7b: {  	v15 =	vperm.xlane v15, v3;
	_ =	sdelay $0x3  }
0x7c: {  	v14 =	vadd.s32 v14, v15;
	v15, _, _ =	vpop (xrf0)  }
0x7d: {  	v59 =	vadd.s32 v15, v14  }
0x7e: {  	v16 =	vadd.s32 $0xFFFFFFFF, v59  }
0x7f: {  	v16 =	vnsel vm0, $0x88, v16;
	_ =	sdelay $0x3  }
0x80: {  	v17 =	vadd.s32 v11, v57  }
0x81: {  	[tilespmem:v16+s10+$0x0] =	vst.idx.msk $0xffff, v17  }
0x82: {  	v16 =	vld [tilespmem:s16+$0x30];
	_ =	sdelay $0x4  }
0x83: {  	v60 =	vxor.u32 $0x7FFFFFFF, v16;
	vm13 =	vlt.s32 v16, $0x0  }
0x84: {  	v61 =	vor.u32 s15, v1;
	v16 =	vsel vm13, v60, v16  }
0x85: {  	vm14 =	vle.s32 v61, v13;
	vm0 =	veq.s32 v16, v12  }
0x86: {  	vm15 =	vgt.s32 v16, v12;
	vm0 =	vmand vm14, vm0  }
0x87: {  	vm0 =	vmor vm15, vm0  }
0x88: {  	v62 =	vsel vm0, $0x1, v2  }
0x89: {  	(xrf0) =	vadd.scan.msk.s32 $0xffff, v62;
	_ =	sdelay $0x1  }
0x8a: {  	v15 =	vperm.xlane v15, v3;
	_ =	sdelay $0x3  }
0x8b: {  	v14 =	vadd.s32 v14, v15;
	v15, _, _ =	vpop (xrf0)  }
0x8c: {  	v63 =	vadd.s32 v15, v14  }
0x8d: {  	s14 =	sadd.s32 $0x8, s14;
	v16 =	vadd.s32 $0xFFFFFFFF, v63  }
0x8e: {  	p0 =	slt.u32 s14, $0xB8;
	v16 =	vnsel vm0, $0x88, v16  }
.Ltmp0:
0x8f: {  	_ = 	snop;
	(pc) =	sbr.rel @p0 .LBB2_3-.Ltmp0, $4  }
0x90: {  	_ = 	snop  }
0x91: {  	v15 =	vperm.xlane v15, v3  }
0x92: {  	v17 =	vadd.s32 v11, v61  }
0x93: {  	s15 =	sadd.s32 $0x80, s15;
	s16 =	sadd.s32 $0x80, s16;
	v14 =	vadd.s32 v14, v15;
	[tilespmem:v16+s10+$0x0] =	vst.idx.msk $0xffff, v17  }
0x94: {  	v15 =	vld [tilespmem:$0xC00];
	_ =	sdelay $0x4  }
0x95: {  	v16 =	vxor.u32 $0x7FFFFFFF, v15;
	vm0 =	vlt.s32 v15, $0x0  }
0x96: {  	v15 =	vsel vm0, v16, v15  }
0x97: {  	vm1 =	vgt.s32 v13, v4;
	vm0 =	veq.s32 v15, v12  }
0x98: {  	vm2 =	vgt.s32 v15, v12;
	vm0 =	vmand vm1, vm0  }
0x99: {  	vm0 =	vmor vm2, vm0  }
0x9a: {  	v49 =	vsel vm0, $0x1, v2  }
0x9b: {  	(xrf0) =	vadd.scan.msk.s32 $0xffff, v49;
	_ =	sdelay $0x5  }
0x9c: {  	v14 =	vadd.s32 $0xFFFFFFFF, v14;
	v15, _, _ =	vpop (xrf0)  }
0x9d: {  	v50 =	vadd.s32 v15, v14  }
0x9e: {  	v16 =	vnsel vm0, $0x88, v50;
	_ =	sdelay $0x3  }
0x9f: {  	v17 =	vadd.s32 v5, v11  }
0xa0: {  	[tilespmem:v16+s10+$0x0] =	vst.idx.msk $0xffff, v17  }
0xa1: {  	v16 =	vld [tilespmem:$0xC10];
	_ =	sdelay $0x4  }
0xa2: {  	v51 =	vxor.u32 $0x7FFFFFFF, v16;
	vm7 =	vlt.s32 v16, $0x0  }
0xa3: {  	v16 =	vsel vm7, v51, v16  }
0xa4: {  	vm8 =	vgt.s32 v13, v6;
	vm0 =	veq.s32 v16, v12  }
0xa5: {  	vm9 =	vgt.s32 v16, v12;
	vm0 =	vmand vm8, vm0  }
0xa6: {  	vm0 =	vmor vm9, vm0  }
0xa7: {  	v52 =	vsel vm0, $0x1, v2  }
0xa8: {  	(xrf0) =	vadd.scan.msk.s32 $0xffff, v52;
	_ =	sdelay $0x3  }
0xa9: {  	v15 =	vperm.xlane v15, v3;
	_ =	sdelay $0x1  }
0xaa: {  	v14 =	vadd.s32 v15, v14;
	v16, _, _ =	vpop (xrf0)  }
0xab: {  	v15 =	vadd.s32 v16, v14  }
0xac: {  	v15 =	vnsel vm0, $0x88, v15;
	_ =	sdelay $0x3  }
0xad: {  	v53 =	vadd.s32 v7, v11  }
0xae: {  	[tilespmem:v15+s10+$0x0] =	vst.idx.msk $0xffff, v53  }
0xaf: {  	v15 =	vld [tilespmem:$0xC20];
	_ =	sdelay $0x4  }
0xb0: {  	v54 =	vxor.u32 $0x7FFFFFFF, v15;
	vm10 =	vlt.s32 v15, $0x0  }
0xb1: {  	v15 =	vsel vm10, v54, v15  }
0xb2: {  	vm11 =	vgt.s32 v13, v8;
	vm0 =	veq.s32 v15, v12  }
0xb3: {  	vm12 =	vgt.s32 v15, v12;
	vm0 =	vmand vm11, vm0  }
0xb4: {  	vm0 =	vmor vm12, vm0  }
0xb5: {  	v55 =	vsel vm0, $0x1, v2  }
0xb6: {  	(xrf0) =	vadd.scan.msk.s32 $0xffff, v55;
	_ =	sdelay $0x3  }
0xb7: {  	v56 =	vperm.xlane v16, v3;
	_ =	sdelay $0x1  }
0xb8: {  	v14 =	vadd.s32 v56, v14;
	v57, _, _ =	vpop (xrf0)  }
0xb9: {  	v15 =	vadd.s32 v57, v14  }
0xba: {  	v15 =	vnsel vm0, $0x88, v15;
	_ =	sdelay $0x3  }
0xbb: {  	v58 =	vadd.s32 v9, v11  }
0xbc: {  	[tilespmem:v15+s10+$0x0] =	vst.idx.msk $0xffff, v58  }
0xbd: {  	v15 =	vld [tilespmem:$0xC30];
	_ =	sdelay $0x4  }
0xbe: {  	v59 =	vxor.u32 $0x7FFFFFFF, v15;
	vm13 =	vlt.s32 v15, $0x0  }
0xbf: {  	v15 =	vsel vm13, v59, v15  }
0xc0: {  	vm14 =	vgt.s32 v13, v10;
	vm0 =	veq.s32 v15, v12  }
0xc1: {  	vm15 =	vgt.s32 v15, v12;
	vm0 =	vmand vm14, vm0  }
0xc2: {  	vm0 =	vmor vm15, vm0  }
0xc3: {  	v60 =	vsel vm0, $0x1, v2  }
0xc4: {  	(xrf0) =	vadd.scan.msk.s32 $0xffff, v60;
	_ =	sdelay $0x3  }
0xc5: {  	v61 =	vperm.xlane v57, v3;
	_ =	sdelay $0x1  }
0xc6: {  	v12 =	vadd.s32 v61, v14;
	v62, _, _ =	vpop (xrf0)  }
0xc7: {  	v12 =	vadd.s32 v62, v12  }
0xc8: {  	v12 =	vnsel vm0, $0x88, v12;
	_ =	sdelay $0x2  }
0xc9: {  	v63 =	vor.u32 $0xC30, v1;
	s12 =	sadd.s32 $0x1, s12  }
0xca: {  	v11 =	vadd.s32 v63, v11;
	p0 =	sne.s32 s12, $0x20  }
.Ltmp1:
0xcb: {  	s13 =	sadd.s32 s5, s13;
	[tilespmem:v12+s10+$0x0] =	vst.idx.msk $0xffff, v11;
	(pc) =	sbr.rel @p0 .LBB2_2-.Ltmp1, $4  }
0xcc: {  	[hbm4b:s13+s2] =	stream.linear.scatter [tilespmem:s10], [sflag:$0x1], $0x80, $0x38;
	[tilespmem:$0xE00] =	vst v63  }
0xcd: {  	_ =	swait.ge [sflag:s8], $0x80  }
0xce: {  	[sflag:s8] =	ssyncset.done $0x0  }
0xcf: {  	[sflag:s8] =	ssyncadd.s32 $0xFFFFFF80  }
0xd0: {  	s11 =	sadd.s32 $0x1, s11  }
0xd1: {  	p0 =	sne.s32 s11, s7  }
.Ltmp2:
0xd2: {  	_ = 	snop;
	(pc) =	sbr.rel @p0 .LBB2_1-.Ltmp2, $1  }
0xd3: {  	_ =	sdelay $0x3  }
0xd4: {  	_ =	sfence.sel $0x180000  }
0xd5: {  	[bflag:$0x0] =	sbarrier.arrive $0xFFFF  }
0xd6: {  	p0 =	sne.s32 s3, $0x0;
	_ =	strace $0x9000004A  }
0xd7: {  	s0 =	sadd.s32 @!p0 $0x100000, s0;
	[bflag:$0x2] =	sbarrier.arrive $0xFFFF  }
0xd8: {  	[sflag:s0] =	ssyncadd.tile.s32 @!p0 $0x1;
	_ =	shalt  }
.Lfunc_end2:
_tile_overlayer_lowered:
.L_overlay_start_2:
0xd9: {  	(tag) =	ssettag $0x2  }
0xda: {  	s0 =	rddreg [dreg:$0x0];
	s2 =	stileid.u32  }
0xdb: {  	s1 =	rddreg [dreg:$0x1];
	p0 =	sne.s32 s2, $0x0  }
0xdc: {  	s3 =	rddreg [dreg:$0x2];
	[bflag:$0x3] =	sbarrier.arrive $0xFFFF;
	s2 =	simm.s32 @!p0 $0x1C01  }
0xdd: {  	[timem:s3], [sflag:s2] =	dma.local @!p0 [hbm:s0], s1  }
0xde: {  	s0 =	simm.s32 @!p0 $0x1  }
0xdf: {  	_ =	swait.ge @!p0 [sflag:s0], s1  }
0xe0: {  	s1 =	ssub.s32 @!p0 $0x0, s1;
	[sflag:s0] =	ssyncset.done @!p0 $0x0  }
0xe1: {  	[sflag:s0] =	ssyncadd.s32 @!p0 s1  }
0xe2: {  	[bflag:$0x3] =	sbarrier.arrive $0xFFFF  }
0xe3: {  	_ =	shalt  }

// kernel: kernel.13.cloned.1.call-start
scs
__scs_entry_jumppad:
0x0: {  	(pc) =	sbr.rel $0x88, $3  }
0x1: {  	(tag) =	ssettag $0x0;
	lr =	simm.s32 $0x1  }
0x2: {  	[smem:$0x3F9E] =	sst lr;
	_ =	strace $0xD0000000  }
0x3: {  	_ = 	snop  }
0x4: {  	_ = 	snop  }
0x5: {  	_ = 	snop  }
0x6: {  	_ = 	snop  }
0x7: {  	_ = 	snop  }
__scs_overlays_trampoline_lowered:
0x8: {  	[smem:$0x3FAD] =	sst s0  }
0x9: {  	[smem:$0x3FAE] =	sst s1  }
0xa: {  	[smem:$0x3FAF] =	sst s2  }
0xb: {  	[smem:$0x3FB0] =	sst s3  }
0xc: {  	[smem:$0x3FB1] =	sst s4  }
0xd: {  	[smem:$0x3FB2] =	sst s5  }
0xe: {  	[smem:$0x3FB3] =	sst s6  }
0xf: {  	[smem:$0x3FB4] =	sst s7  }
0x10: {  	[smem:$0x3FB5] =	sst s8  }
0x11: {  	[smem:$0x3FB6] =	sst s9;
	s0 =	simm.s32 @!p0 $0x0  }
0x12: {  	s1 =	sld [smem:$0x3F9C];
	s0 =	simm.s32 @p0 $0x1  }
0x13: {  	[smem:$0x3FB7] =	sst s0;
	s0 =	simm.s32 @!p1 $0x0  }
0x14: {  	s2 =	sld [smem:$0x3F9B];
	s0 =	simm.s32 @p1 $0x1  }
0x15: {  	[smem:$0x3FB8] =	sst s0;
	s0 =	simm.s32 @!p2 $0x0  }
0x16: {  	s3 =	sld [smem:$0x3FDB];
	s0 =	simm.s32 @p2 $0x1  }
0x17: {  	s4 =	simm.s32 $0x1BF5;
	[smem:$0x3FBA] =	sst s0  }
0x18: {  	s0 =	sld [smem:$0x3F9D];
	_ =	swait.ge [sflag:s4], $0x0  }
0x19: {  	s7 =	sld [smem:$0x3F9E]  }
0x1a: {  	s8 =	sadd.s32 $0xFFFFE003, lr  }
0x1b: {  	s9 =	sadd.s32 $0xFFFFFEF7, lr;
	s5 =	simm.s32 $0xFFFFFFFF;
	p2 =	slt.u32 s8, $0xFFFFF086  }
0x1c: {  	p1 =	slt.u32 s9, $0xF7A;
	s5 =	simm.s32 @!p2 $0x0  }
0x1d: {  	s5 =	simm.s32 @p1 $0x1;
	p0 =	seq.s32 s7, s2  }
0x1e: {  	s7 =	smul.u32 @!p0 $0xF7A, s2;
	p2 =	seq.s32 @!p0 s5, $0x0  }
0x1f: {  	s9 =	smul.u32 $0xF7A, s1;
	s8 =	simm.s32 @!p0 $0x1BF5;
	p2 =	por !p2, p0  }
0x20: {  	[sflag:s8] =	ssyncset.s32 @!p0 $0xFFFFF086;
	s6 =	sadd.s32 @!p0 s3, s7;
	s7 =	simm.s32 @!p0 $0x108  }
0x21: {  	s3 =	sadd.s32 s3, s9;
	s6 =	sadd.s32 @!p0 $0x88, s6;
	s7 =	simm.s32 @p2 $0x1082  }
0x22: {  	[simem:s7], [sflag:s8] =	dma.local @!p0 [hbm:s6], $0xF7A  }
0x23: {  	s9 =	sor.u32 $0xD0000000, s2;
	s6 =	simm.s32 $0x108;
	_ =	swait.ge @!p0 [sflag:s8], $0x0  }
0x24: {  	s3 =	sadd.s32 $0x88, s3;
	s6 =	simm.s32 @!p1 $0x1082;
	[sflag:s4] =	ssyncset.s32 $0xFFFFF086  }
0x25: {  	[simem:s6], [sflag:s4] =	dma.local [hbm:s3], $0xF7A  }
0x26: {  	[smem:$0x3F9E] =	sst s1;
	(tag) =	ssettag s2;
	_ =	strace s9  }
0x27: {  	s1 =	sld [smem:$0x3FAE]  }
0x28: {  	s2 =	sld [smem:$0x3FAF]  }
0x29: {  	s4 =	sld [smem:$0x3FB1]  }
0x2a: {  	p0 =	seq.s32 s5, $0x0;
	s5 =	sld [smem:$0x3FB2]  }
0x2b: {  	s6 =	sld [smem:$0x3FB3]  }
0x2c: {  	s7 =	sld [smem:$0x3FB4]  }
0x2d: {  	s3 =	simm.s32 $0x108;
	s8 =	sld [smem:$0x3FB5]  }
0x2e: {  	s3 =	simm.s32 @!p0 $0x1082;
	s9 =	sld [smem:$0x3FB6]  }
0x2f: {  	lr =	sadd.s32 s0, s3;
	s0 =	sld [smem:$0x3FAD]  }
0x30: {  	s3 =	sld [smem:$0x3FB0]  }
0x31: {  	[smem:$0x3FB9] =	sst s10  }
0x32: {  	s10 =	sld [smem:$0x3FB7];
	_ =	sdelay $0x3  }
0x33: {  	p0 =	seq.s32 s10, $0x1;
	s10 =	sld [smem:$0x3FB9];
	_ =	sdelay $0x3  }
0x34: {  	[smem:$0x3FB9] =	sst s10  }
0x35: {  	s10 =	sld [smem:$0x3FB8];
	_ =	sdelay $0x3  }
0x36: {  	p1 =	seq.s32 s10, $0x1;
	s10 =	sld [smem:$0x3FB9];
	_ =	sdelay $0x3  }
0x37: {  	[smem:$0x3FB9] =	sst s10  }
0x38: {  	s10 =	sld [smem:$0x3FBA]  }
0x39: {  	_ = 	snop;
	(pc) =	sbr.ind lr, $3  }
0x3a: {  	_ = 	snop  }
0x3b: {  	_ = 	snop  }
0x3c: {  	p2 =	seq.s32 s10, $0x1;
	s10 =	sld [smem:$0x3FB9]  }
0x3d: {  	_ =	shalt  }
0x3e: {  	_ =	shalt  }
0x3f: {  	_ =	shalt  }
0x40: {  	_ =	shalt  }
0x41: {  	_ =	shalt  }
0x42: {  	_ =	shalt  }
0x43: {  	_ =	shalt  }
0x44: {  	_ =	shalt  }
0x45: {  	_ =	shalt  }
0x46: {  	_ =	shalt  }
0x47: {  	_ =	shalt  }
0x48: {  	_ =	shalt  }
0x49: {  	_ =	shalt  }
0x4a: {  	_ =	shalt  }
0x4b: {  	_ =	shalt  }
0x4c: {  	_ =	shalt  }
0x4d: {  	_ =	shalt  }
0x4e: {  	_ =	shalt  }
0x4f: {  	_ =	shalt  }
0x50: {  	_ =	shalt  }
0x51: {  	_ =	shalt  }
0x52: {  	_ =	shalt  }
0x53: {  	_ =	shalt  }
0x54: {  	_ =	shalt  }
0x55: {  	_ =	shalt  }
0x56: {  	_ =	shalt  }
0x57: {  	_ =	shalt  }
0x58: {  	_ =	shalt  }
0x59: {  	_ =	shalt  }
0x5a: {  	_ =	shalt  }
0x5b: {  	_ =	shalt  }
0x5c: {  	_ =	shalt  }
0x5d: {  	_ =	shalt  }
0x5e: {  	_ =	shalt  }
0x5f: {  	_ =	shalt  }
0x60: {  	_ =	shalt  }
0x61: {  	_ =	shalt  }
0x62: {  	_ =	shalt  }
0x63: {  	_ =	shalt  }
0x64: {  	_ =	shalt  }
0x65: {  	_ =	shalt  }
0x66: {  	_ =	shalt  }
0x67: {  	_ =	shalt  }
0x68: {  	_ =	shalt  }
0x69: {  	_ =	shalt  }
0x6a: {  	_ =	shalt  }
0x6b: {  	_ =	shalt  }
0x6c: {  	_ =	shalt  }
0x6d: {  	_ =	shalt  }
0x6e: {  	_ =	shalt  }
0x6f: {  	_ =	shalt  }
0x70: {  	_ =	shalt  }
0x71: {  	_ =	shalt  }
0x72: {  	_ =	shalt  }
0x73: {  	_ =	shalt  }
0x74: {  	_ =	shalt  }
0x75: {  	_ =	shalt  }
0x76: {  	_ =	shalt  }
0x77: {  	_ =	shalt  }
0x78: {  	_ =	shalt  }
0x79: {  	_ =	shalt  }
0x7a: {  	_ =	shalt  }
0x7b: {  	_ =	shalt  }
0x7c: {  	_ =	shalt  }
0x7d: {  	_ =	shalt  }
0x7e: {  	_ =	shalt  }
0x7f: {  	_ =	shalt  }
0x80: {  	_ =	shalt  }
0x81: {  	_ =	shalt  }
0x82: {  	_ =	shalt  }
0x83: {  	_ =	shalt  }
0x84: {  	_ =	shalt  }
0x85: {  	_ =	shalt  }
0x86: {  	_ =	shalt  }
0x87: {  	_ =	shalt  }
.Lfunc_end0:
.L_simem_size_0:
called_computation.3_lowered:
.L_overlay_start_0:
0x88: {  	s2 =	sld [smem:$0x3FD9]  }
0x89: {  	s3 =	sld [smem:$0x3FFE];
	_ =	sdelay $0x1  }
0x8a: {  	s1 =	srdreg.scid  }
0x8b: {  	s0 =	sand.u32 $0x1, s1  }
0x8c: {  	s16 =	sshll.u32 s0, $0xA;
	s2 =	sadd.s32 s3, s2  }
0x8d: {  	s2 =	sadd.s32 s2, s16  }
0x8e: {  	[smem:$0x3FC5] =	sst s2  }
0x8f: {  	_ = 	snop  }
0x90: {  	(tm) =	ssettm $0x1  }
0x91: {  	s17 =	sld [smem:$0x3FFB];
	_ =	sdelay $0x3  }
0x92: {  	_ =	strace s17  }
0x93: {  	s2 =	sld [smem:$0x3FFC];
	_ =	sdelay $0x3  }
0x94: {  	_ =	strace s2  }
0x95: {  	s2 =	sld [smem:$0x3FFD];
	_ =	sdelay $0x3  }
0x96: {  	_ =	strace s2  }
0x97: {  	_ =	strace $0x8FFFFFFF  }
0x98: {  	s18 =	sld [smem:$0x3FDB];
	_ =	sdelay $0x1  }
0x99: {  	s19 =	simm.s32 $_scs_section_size  }
0x9a: {  	s4 =	simm.s32 $_size__tile_overlayer_lowered;
	s5 =	simm.s32 $_tile_overlayer_lowered  }
0x9b: {  	s22 =	simm.s32 $0x1BFF;
	s21 =	sshll.u32 s5, $0x1;
	s2 =	sadd.s32 s19, s18  }
0x9c: {  	s6 =	simm.s32 $0x0;
	s20 =	sshll.u32 s4, $0x1;
	s4 =	sadd.s32 s21, s2  }
0x9d: {  	[timem:s6], [sflag:s22] =	dma.local [hbm:s4], s20  }
0x9e: {  	_ =	swait.ge [sflag:s22], s20  }
0x9f: {  	s3 =	ssub.s32 $0x0, s20;
	[sflag:s22] =	ssyncset.done $0x0  }
0xa0: {  	[sflag:s22] =	ssyncadd.s32 s3;
	_ =	sdelay $0x1  }
0xa1: {  	s23 =	simm.s32 $0x1B8B  }
0xa2: {  	_ =	swait.ge [sflag:s23], $0x1  }
0xa3: {  	[sflag:s23] =	ssyncset.done $0x0  }
0xa4: {  	s25 =	simm.s32 $0x1B8E;
	s24 =	sld [smem:$0x3FFE];
	[sflag:s23] =	ssyncadd.s32 $0xFFFFFFFF  }
0xa5: {  	s26 =	simm.s32 $execute0_lowered;
	[smem:$0x3FD2] =	sst s25  }
0xa6: {  	s4 =	sshll.u32 s26, $0x1;
	_ =	strace $0x8000004C;
	[dreg:$0x1] =	wrdreg $0xFFFFFFFF  }
0xa7: {  	s28 =	simm.s32 $_size_execute0_lowered;
	s2 =	sadd.s32 s2, s4;
	[dreg:$0x0] =	wrdreg $0x0  }
0xa8: {  	s4 =	sshll.u32 s28, $0x1;
	[dreg:$0x2] =	wrdreg s2  }
0xa9: {  	[dreg:$0x3] =	wrdreg s4  }
0xaa: {  	[dreg:$0x4] =	wrdreg $0xC0  }
0xab: {  	_ =	task [dreg:s6], $0x5FFFF  }
0xac: {  	[dreg:$0x1] =	wrdreg $0xFFFFFFFF  }
0xad: {  	[dreg:$0x0] =	wrdreg $0x60  }
0xae: {  	[dreg:$0x2] =	wrdreg s24  }
0xaf: {  	[dreg:$0x3] =	wrdreg $0x9  }
0xb0: {  	_ =	task.clear_ibuf [dreg:s6], $0x4FFFF;
	_ =	strace $0x9000004C  }
0xb1: {  	s29 =	simm.s32 $0x9;
	_ =	strace $0x8000004E  }
0xb2: {  	_ =	swait.ge [sflag:s29], $0x1  }
0xb3: {  	[sflag:s29] =	ssyncadd.s32 $0xFFFFFFFF  }
0xb4: {  	_ =	strace $0x9000004E  }
0xb5: {  	_ =	sfence  }
0xb6: {  	s30 =	sld [smem:$0x0];
	_ =	sdelay $0x2  }
0xb7: {  	s31 =	sshll.u32 s1, $0xD;
	s1 =	sshrl.u32 s1, $0x2  }
0xb8: {  	s3 =	sand.u32 $0x4000, s31;
	s1 =	sadd.s32 s1, s30  }
0xb9: {  	s0 =	sor.u32 s3, s0;
	s1 =	sshll.u32 s1, $0x11  }
0xba: {  	s0 =	sor.u32 s1, s0  }
0xbb: {  	s0 =	sadd.s32 $0x8F2B, s0  }
0xbc: {  	[sflag:s0] =	ssyncadd.remote.s32 $0x1  }
0xbd: {  	_ =	sfence.sel $0xFFFF  }
0xbe: {  	[dreg:$0x0] =	wrdreg $0xFFFFFFFF;
	(pc) =	sbr.abs _section_cstart, $3  }
0xbf: {  	[dreg:$0x1] =	wrdreg $0xFFFFFFFF  }
0xc0: {  	_ =	task.clear_ibuf [dreg:s6], $0x2FFFF;
	_ =	strace $0x9FFFFFFF  }
0xc1: {  	(tm) =	ssettm $0x7FFFFFFF  }
tec
execute0_lowered:
.L_overlay_start_1:
0x0: {  	(tag) =	ssettag $0x1  }
0x1: {  	s1 =	srdreg.scid  }
0x2: {  	s0 =	stileid.u32;
	s10 =	sand.u32 $0x1, s1  }
0x3: {  	s8 =	rddreg [dreg:$0x0];
	s3 =	sshll.u32 s0, $0xD;
	s4 =	sshll.u32 s10, $0xC  }
0x4: {  	s2 =	simm.s32 $0x0;
	s1 =	rddreg [dreg:$0x1];
	s9 =	sor.u32 s4, s3  }
0x5: {  	[smem:$0x7FF] =	sst s2;
	s11 =	sadd.s32 $0x1887C00, s8;
	s3 =	sshrl.u32 s9, $0x3  }
0x6: {  	_ =	strace $0x8000004D;
	s4 =	sadd.s32 s11, s3;
	s3 =	simm.s32 $0x2  }
0x7: {  	[tilespmem:s2], [sflag:$0x2] =	stream.linear.gather [hbm4b:s4+s2], $0x800, $0x38;
	[tilespmem:$0x10800] =	vst v63  }
0x8: {  	_ =	swait.ge [sflag:s3], $0x800  }
0x9: {  	s6 =	simm.s32 $0x800;
	[sflag:s3] =	ssyncset.done $0x0  }
0xa: {  	s7 =	simm.s32 $0x1;
	s5 =	sadd.s32 $0xC43C00, s8;
	[sflag:s3] =	ssyncadd.s32 $0xFFFFF800  }
0xb: {  	[tilespmem:s6], [sflag:$0x1] =	stream.indirect.gather [hbm4b:s5+s6], $0x20, s2, s6, $0xb8;
	[tilespmem:$0x10800] =	vst v63  }
0xc: {  	_ =	swait.ge [sflag:s7], $0x10000  }
0xd: {  	s12 =	sadd.s32 $0x3C00, s8;
	s29 =	sshll.u32 s9, $0x2;
	[sflag:s7] =	ssyncset.done $0x0  }
0xe: {  	s8 =	sadd.s32 s12, s29;
	[sflag:s7] =	ssyncadd.s32 $0xFFFF0000  }
0xf: {  	[hbm4b:s8+s2] =	stream.linear.scatter [tilespmem:s6], [sflag:$0x2], $0x10000, $0x38;
	[tilespmem:$0x10800] =	vst v63  }
0x10: {  	s13 =	sor.u32 $0x800, s9;
	_ =	swait.ge [sflag:s3], $0x10000  }
0x11: {  	s9 =	sshrl.u32 s13, $0x3;
	[sflag:s3] =	ssyncset.done $0x0  }
0x12: {  	s10 =	ssub.s32 $0x2, s10;
	s9 =	sadd.s32 s11, s9;
	[sflag:s3] =	ssyncadd.s32 $0xFFFF0000  }
0x13: {  	[tilespmem:s2], [sflag:$0x2] =	stream.linear.gather [hbm4b:s9+s2], $0x800, $0x38;
	[tilespmem:$0x10800] =	vst v63  }
0x14: {  	s30 =	sshrl.u32 s10, $0x1;
	_ =	swait.ge [sflag:s3], $0x800  }
0x15: {  	s11 =	ssub.s32 s10, s30;
	[sflag:s3] =	ssyncset.done $0x0  }
0x16: {  	s11 =	smax.u32 s11, $0x1;
	[sflag:s3] =	ssyncadd.s32 $0xFFFFF800  }
0x17: {  	[tilespmem:s6], [sflag:$0x1] =	stream.indirect.gather [hbm4b:s5+s6], $0x20, s2, s6, $0xb8;
	[tilespmem:$0x10800] =	vst v63  }
0x18: {  	p0 =	sne.s32 s11, $0x1;
	_ =	swait.ge [sflag:s7], $0x10000  }
.Ltmp0:
0x19: {  	s31 =	sshll.u32 s13, $0x2;
	[sflag:s7] =	ssyncset.done $0x0;
	(pc) =	sbr.rel @!p0 .LBB2_2-.Ltmp0, $4  }
0x1a: {  	s10 =	sadd.s32 s12, s31;
	[sflag:s7] =	ssyncadd.s32 $0xFFFF0000  }
0x1b: {  	[hbm4b:s10+s2] =	stream.linear.scatter [tilespmem:s6], [sflag:$0x2], $0x10000, $0x38;
	[tilespmem:$0x10800] =	vst v63  }
0x1c: {  	_ =	swait.ge [sflag:s3], $0x10000  }
0x1d: {  	s11 =	sadd.s32 $0xFFFFFFFF, s11;
	[sflag:s3] =	ssyncset.done $0x0  }
.LBB2_1:
0x1e: {  	p0 =	sne.s32 s11, $0x1;
	s11 =	sadd.s32 $0xFFFFFFFF, s11;
	[sflag:s3] =	ssyncadd.s32 $0xFFFF0000  }
0x1f: {  	[tilespmem:s2], [sflag:$0x2] =	stream.linear.gather [hbm4b:s4+s2], $0x800, $0x38;
	[tilespmem:$0x10800] =	vst v63  }
0x20: {  	_ =	swait.ge [sflag:s3], $0x800  }
0x21: {  	[sflag:s3] =	ssyncset.done $0x0  }
0x22: {  	[sflag:s3] =	ssyncadd.s32 $0xFFFFF800  }
0x23: {  	[tilespmem:s6], [sflag:$0x1] =	stream.indirect.gather [hbm4b:s5+s6], $0x20, s2, s6, $0xb8;
	[tilespmem:$0x10800] =	vst v63  }
0x24: {  	_ =	swait.ge [sflag:s7], $0x10000  }
0x25: {  	[sflag:s7] =	ssyncset.done $0x0  }
0x26: {  	[sflag:s7] =	ssyncadd.s32 $0xFFFF0000  }
0x27: {  	[hbm4b:s8+s2] =	stream.linear.scatter [tilespmem:s6], [sflag:$0x2], $0x10000, $0x38;
	[tilespmem:$0x10800] =	vst v63  }
0x28: {  	_ =	swait.ge [sflag:s3], $0x10000  }
0x29: {  	[sflag:s3] =	ssyncset.done $0x0  }
0x2a: {  	[sflag:s3] =	ssyncadd.s32 $0xFFFF0000  }
0x2b: {  	[tilespmem:s2], [sflag:$0x2] =	stream.linear.gather [hbm4b:s9+s2], $0x800, $0x38;
	[tilespmem:$0x10800] =	vst v63  }
0x2c: {  	_ =	swait.ge [sflag:s3], $0x800  }
0x2d: {  	[sflag:s3] =	ssyncset.done $0x0  }
0x2e: {  	[sflag:s3] =	ssyncadd.s32 $0xFFFFF800  }
0x2f: {  	[tilespmem:s6], [sflag:$0x1] =	stream.indirect.gather [hbm4b:s5+s6], $0x20, s2, s6, $0xb8;
	[tilespmem:$0x10800] =	vst v63  }
0x30: {  	_ =	swait.ge [sflag:s7], $0x10000  }
.Ltmp1:
0x31: {  	[sflag:s7] =	ssyncset.done $0x0;
	(pc) =	sbr.rel @p0 .LBB2_1-.Ltmp1, $4  }
0x32: {  	[sflag:s7] =	ssyncadd.s32 $0xFFFF0000  }
0x33: {  	[hbm4b:s10+s2] =	stream.linear.scatter [tilespmem:s6], [sflag:$0x2], $0x10000, $0x38;
	[tilespmem:$0x10800] =	vst v63  }
0x34: {  	_ =	swait.ge [sflag:s3], $0x10000  }
0x35: {  	[sflag:s3] =	ssyncset.done $0x0  }
.LBB2_2:
0x36: {  	[sflag:s3] =	ssyncadd.s32 $0xFFFF0000  }
0x37: {  	_ =	sfence.sel $0x180000  }
0x38: {  	[bflag:$0x0] =	sbarrier.arrive $0xFFFF  }
0x39: {  	p0 =	sne.s32 s0, $0x0;
	_ =	strace $0x9000004D  }
0x3a: {  	s0 =	sadd.s32 @!p0 $0x100000, s1;
	[bflag:$0x2] =	sbarrier.arrive $0xFFFF  }
0x3b: {  	[sflag:s0] =	ssyncadd.tile.s32 @!p0 $0x1;
	_ =	shalt  }
.Lfunc_end2:
_tile_overlayer_lowered:
.L_overlay_start_2:
0x3c: {  	(tag) =	ssettag $0x2  }
0x3d: {  	s0 =	rddreg [dreg:$0x0];
	s2 =	stileid.u32  }
0x3e: {  	s1 =	rddreg [dreg:$0x1];
	p0 =	sne.s32 s2, $0x0  }
0x3f: {  	s3 =	rddreg [dreg:$0x2];
	[bflag:$0x3] =	sbarrier.arrive $0xFFFF;
	s2 =	simm.s32 @!p0 $0x1C02  }
0x40: {  	[timem:s3], [sflag:s2] =	dma.local @!p0 [hbm:s0], s1  }
0x41: {  	s0 =	simm.s32 @!p0 $0x2  }
0x42: {  	_ =	swait.ge @!p0 [sflag:s0], s1  }
0x43: {  	s1 =	ssub.s32 @!p0 $0x0, s1;
	[sflag:s0] =	ssyncset.done @!p0 $0x0  }
0x44: {  	[sflag:s0] =	ssyncadd.s32 @!p0 s1  }
0x45: {  	[bflag:$0x3] =	sbarrier.arrive $0xFFFF  }
0x46: {  	_ =	shalt  }

// kernel: kernel.16.cloned.1.call-start
scs
__scs_entry_jumppad:
0x0: {  	(pc) =	sbr.rel $0x88, $3  }
0x1: {  	(tag) =	ssettag $0x0;
	lr =	simm.s32 $0x1  }
0x2: {  	[smem:$0x3F9E] =	sst lr;
	_ =	strace $0xD0000000  }
0x3: {  	_ = 	snop  }
0x4: {  	_ = 	snop  }
0x5: {  	_ = 	snop  }
0x6: {  	_ = 	snop  }
0x7: {  	_ = 	snop  }
__scs_overlays_trampoline_lowered:
0x8: {  	[smem:$0x3FAD] =	sst s0  }
0x9: {  	[smem:$0x3FAE] =	sst s1  }
0xa: {  	[smem:$0x3FAF] =	sst s2  }
0xb: {  	[smem:$0x3FB0] =	sst s3  }
0xc: {  	[smem:$0x3FB1] =	sst s4  }
0xd: {  	[smem:$0x3FB2] =	sst s5  }
0xe: {  	[smem:$0x3FB3] =	sst s6  }
0xf: {  	[smem:$0x3FB4] =	sst s7  }
0x10: {  	[smem:$0x3FB5] =	sst s8  }
0x11: {  	[smem:$0x3FB6] =	sst s9;
	s0 =	simm.s32 @!p0 $0x0  }
0x12: {  	s1 =	sld [smem:$0x3F9C];
	s0 =	simm.s32 @p0 $0x1  }
0x13: {  	[smem:$0x3FB7] =	sst s0;
	s0 =	simm.s32 @!p1 $0x0  }
0x14: {  	s2 =	sld [smem:$0x3F9B];
	s0 =	simm.s32 @p1 $0x1  }
0x15: {  	[smem:$0x3FB8] =	sst s0;
	s0 =	simm.s32 @!p2 $0x0  }
0x16: {  	s3 =	sld [smem:$0x3FDB];
	s0 =	simm.s32 @p2 $0x1  }
0x17: {  	s4 =	simm.s32 $0x1BF5;
	[smem:$0x3FBA] =	sst s0  }
0x18: {  	s0 =	sld [smem:$0x3F9D];
	_ =	swait.ge [sflag:s4], $0x0  }
0x19: {  	s7 =	sld [smem:$0x3F9E]  }
0x1a: {  	s8 =	sadd.s32 $0xFFFFE003, lr  }
0x1b: {  	s9 =	sadd.s32 $0xFFFFFEF7, lr;
	s5 =	simm.s32 $0xFFFFFFFF;
	p2 =	slt.u32 s8, $0xFFFFF086  }
0x1c: {  	p1 =	slt.u32 s9, $0xF7A;
	s5 =	simm.s32 @!p2 $0x0  }
0x1d: {  	s5 =	simm.s32 @p1 $0x1;
	p0 =	seq.s32 s7, s2  }
0x1e: {  	s7 =	smul.u32 @!p0 $0xF7A, s2;
	p2 =	seq.s32 @!p0 s5, $0x0  }
0x1f: {  	s9 =	smul.u32 $0xF7A, s1;
	s8 =	simm.s32 @!p0 $0x1BF5;
	p2 =	por !p2, p0  }
0x20: {  	[sflag:s8] =	ssyncset.s32 @!p0 $0xFFFFF086;
	s6 =	sadd.s32 @!p0 s3, s7;
	s7 =	simm.s32 @!p0 $0x108  }
0x21: {  	s3 =	sadd.s32 s3, s9;
	s6 =	sadd.s32 @!p0 $0x88, s6;
	s7 =	simm.s32 @p2 $0x1082  }
0x22: {  	[simem:s7], [sflag:s8] =	dma.local @!p0 [hbm:s6], $0xF7A  }
0x23: {  	s9 =	sor.u32 $0xD0000000, s2;
	s6 =	simm.s32 $0x108;
	_ =	swait.ge @!p0 [sflag:s8], $0x0  }
0x24: {  	s3 =	sadd.s32 $0x88, s3;
	s6 =	simm.s32 @!p1 $0x1082;
	[sflag:s4] =	ssyncset.s32 $0xFFFFF086  }
0x25: {  	[simem:s6], [sflag:s4] =	dma.local [hbm:s3], $0xF7A  }
0x26: {  	[smem:$0x3F9E] =	sst s1;
	(tag) =	ssettag s2;
	_ =	strace s9  }
0x27: {  	s1 =	sld [smem:$0x3FAE]  }
0x28: {  	s2 =	sld [smem:$0x3FAF]  }
0x29: {  	s4 =	sld [smem:$0x3FB1]  }
0x2a: {  	p0 =	seq.s32 s5, $0x0;
	s5 =	sld [smem:$0x3FB2]  }
0x2b: {  	s6 =	sld [smem:$0x3FB3]  }
0x2c: {  	s7 =	sld [smem:$0x3FB4]  }
0x2d: {  	s3 =	simm.s32 $0x108;
	s8 =	sld [smem:$0x3FB5]  }
0x2e: {  	s3 =	simm.s32 @!p0 $0x1082;
	s9 =	sld [smem:$0x3FB6]  }
0x2f: {  	lr =	sadd.s32 s0, s3;
	s0 =	sld [smem:$0x3FAD]  }
0x30: {  	s3 =	sld [smem:$0x3FB0]  }
0x31: {  	[smem:$0x3FB9] =	sst s10  }
0x32: {  	s10 =	sld [smem:$0x3FB7];
	_ =	sdelay $0x3  }
0x33: {  	p0 =	seq.s32 s10, $0x1;
	s10 =	sld [smem:$0x3FB9];
	_ =	sdelay $0x3  }
0x34: {  	[smem:$0x3FB9] =	sst s10  }
0x35: {  	s10 =	sld [smem:$0x3FB8];
	_ =	sdelay $0x3  }
0x36: {  	p1 =	seq.s32 s10, $0x1;
	s10 =	sld [smem:$0x3FB9];
	_ =	sdelay $0x3  }
0x37: {  	[smem:$0x3FB9] =	sst s10  }
0x38: {  	s10 =	sld [smem:$0x3FBA]  }
0x39: {  	_ = 	snop;
	(pc) =	sbr.ind lr, $3  }
0x3a: {  	_ = 	snop  }
0x3b: {  	_ = 	snop  }
0x3c: {  	p2 =	seq.s32 s10, $0x1;
	s10 =	sld [smem:$0x3FB9]  }
0x3d: {  	_ =	shalt  }
0x3e: {  	_ =	shalt  }
0x3f: {  	_ =	shalt  }
0x40: {  	_ =	shalt  }
0x41: {  	_ =	shalt  }
0x42: {  	_ =	shalt  }
0x43: {  	_ =	shalt  }
0x44: {  	_ =	shalt  }
0x45: {  	_ =	shalt  }
0x46: {  	_ =	shalt  }
0x47: {  	_ =	shalt  }
0x48: {  	_ =	shalt  }
0x49: {  	_ =	shalt  }
0x4a: {  	_ =	shalt  }
0x4b: {  	_ =	shalt  }
0x4c: {  	_ =	shalt  }
0x4d: {  	_ =	shalt  }
0x4e: {  	_ =	shalt  }
0x4f: {  	_ =	shalt  }
0x50: {  	_ =	shalt  }
0x51: {  	_ =	shalt  }
0x52: {  	_ =	shalt  }
0x53: {  	_ =	shalt  }
0x54: {  	_ =	shalt  }
0x55: {  	_ =	shalt  }
0x56: {  	_ =	shalt  }
0x57: {  	_ =	shalt  }
0x58: {  	_ =	shalt  }
0x59: {  	_ =	shalt  }
0x5a: {  	_ =	shalt  }
0x5b: {  	_ =	shalt  }
0x5c: {  	_ =	shalt  }
0x5d: {  	_ =	shalt  }
0x5e: {  	_ =	shalt  }
0x5f: {  	_ =	shalt  }
0x60: {  	_ =	shalt  }
0x61: {  	_ =	shalt  }
0x62: {  	_ =	shalt  }
0x63: {  	_ =	shalt  }
0x64: {  	_ =	shalt  }
0x65: {  	_ =	shalt  }
0x66: {  	_ =	shalt  }
0x67: {  	_ =	shalt  }
0x68: {  	_ =	shalt  }
0x69: {  	_ =	shalt  }
0x6a: {  	_ =	shalt  }
0x6b: {  	_ =	shalt  }
0x6c: {  	_ =	shalt  }
0x6d: {  	_ =	shalt  }
0x6e: {  	_ =	shalt  }
0x6f: {  	_ =	shalt  }
0x70: {  	_ =	shalt  }
0x71: {  	_ =	shalt  }
0x72: {  	_ =	shalt  }
0x73: {  	_ =	shalt  }
0x74: {  	_ =	shalt  }
0x75: {  	_ =	shalt  }
0x76: {  	_ =	shalt  }
0x77: {  	_ =	shalt  }
0x78: {  	_ =	shalt  }
0x79: {  	_ =	shalt  }
0x7a: {  	_ =	shalt  }
0x7b: {  	_ =	shalt  }
0x7c: {  	_ =	shalt  }
0x7d: {  	_ =	shalt  }
0x7e: {  	_ =	shalt  }
0x7f: {  	_ =	shalt  }
0x80: {  	_ =	shalt  }
0x81: {  	_ =	shalt  }
0x82: {  	_ =	shalt  }
0x83: {  	_ =	shalt  }
0x84: {  	_ =	shalt  }
0x85: {  	_ =	shalt  }
0x86: {  	_ =	shalt  }
0x87: {  	_ =	shalt  }
.Lfunc_end0:
.L_simem_size_0:
called_computation.4_lowered:
.L_overlay_start_0:
0x88: {  	s2 =	sld [smem:$0x3FD9]  }
0x89: {  	s3 =	sld [smem:$0x3FFE];
	_ =	sdelay $0x1  }
0x8a: {  	s1 =	srdreg.scid  }
0x8b: {  	s0 =	sand.u32 $0x1, s1  }
0x8c: {  	s14 =	sshll.u32 s0, $0xA;
	s2 =	sadd.s32 s3, s2  }
0x8d: {  	s2 =	sadd.s32 s2, s14  }
0x8e: {  	[smem:$0x3FC5] =	sst s2  }
0x8f: {  	_ = 	snop  }
0x90: {  	s2 =	sld [smem:$0x3FD0];
	_ =	sdelay $0x2  }
0x91: {  	s15 =	simm.s32 $0xB;
	s4 =	simm.s32 $0x10  }
0x92: {  	[smem:s4], [sflag:s15] =	dma.local [hbm:s2], $0x1  }
0x93: {  	_ =	swait.eq [sflag:s15], $0x1  }
0x94: {  	[sflag:s15] =	ssyncset.done $0x0  }
0x95: {  	[sflag:s15] =	ssyncadd.s32 $0xFFFFFFFF  }
0x96: {  	s16 =	sld [smem:$0x12];
	(tm) =	ssettm $0x1  }
0x97: {  	s17 =	sld [smem:$0x3FFB];
	_ =	sdelay $0x3  }
0x98: {  	_ =	strace s17  }
0x99: {  	s3 =	sld [smem:$0x3FFC];
	_ =	sdelay $0x3  }
0x9a: {  	_ =	strace s3  }
0x9b: {  	s3 =	sld [smem:$0x3FFD];
	_ =	sdelay $0x3  }
0x9c: {  	_ =	strace s3  }
0x9d: {  	_ =	strace $0x8FFFFFFF  }
0x9e: {  	s18 =	sld [smem:$0x3FDB];
	_ =	sdelay $0x1  }
0x9f: {  	s19 =	simm.s32 $_scs_section_size  }
0xa0: {  	s5 =	simm.s32 $_size__tile_overlayer_lowered;
	s6 =	simm.s32 $_tile_overlayer_lowered  }
0xa1: {  	s22 =	simm.s32 $0x1BFF;
	s21 =	sshll.u32 s6, $0x1;
	s3 =	sadd.s32 s19, s18  }
0xa2: {  	s7 =	simm.s32 $0x0;
	s20 =	sshll.u32 s5, $0x1;
	s5 =	sadd.s32 s21, s3  }
0xa3: {  	[timem:s7], [sflag:s22] =	dma.local [hbm:s5], s20  }
0xa4: {  	_ =	swait.ge [sflag:s22], s20  }
0xa5: {  	s4 =	ssub.s32 $0x0, s20;
	[sflag:s22] =	ssyncset.done $0x0  }
0xa6: {  	[sflag:s22] =	ssyncadd.s32 s4;
	_ =	sdelay $0x1  }
0xa7: {  	s23 =	simm.s32 $0x1B8B  }
0xa8: {  	_ =	swait.ge [sflag:s23], $0x1  }
0xa9: {  	[sflag:s23] =	ssyncset.done $0x0  }
0xaa: {  	s25 =	simm.s32 $0x1B8E;
	s24 =	sld [smem:$0x3FFE];
	[sflag:s23] =	ssyncadd.s32 $0xFFFFFFFF  }
0xab: {  	s26 =	simm.s32 $execute0_lowered;
	[smem:$0x3FD2] =	sst s25  }
0xac: {  	s5 =	sshll.u32 s26, $0x1;
	_ =	strace $0x8000004F;
	[dreg:$0x1] =	wrdreg $0xFFFFFFFF  }
0xad: {  	s28 =	simm.s32 $_size_execute0_lowered;
	s3 =	sadd.s32 s3, s5;
	[dreg:$0x0] =	wrdreg $0x0  }
0xae: {  	s5 =	sshll.u32 s28, $0x1;
	[dreg:$0x2] =	wrdreg s3  }
0xaf: {  	[dreg:$0x3] =	wrdreg s5  }
0xb0: {  	[dreg:$0x4] =	wrdreg $0xC0  }
0xb1: {  	_ =	task [dreg:s7], $0x5FFFF  }
0xb2: {  	[dreg:$0x1] =	wrdreg $0xFFFFFFFF  }
0xb3: {  	[dreg:$0x0] =	wrdreg $0x60  }
0xb4: {  	[dreg:$0x2] =	wrdreg s24  }
0xb5: {  	[dreg:$0x3] =	wrdreg s16  }
0xb6: {  	[dreg:$0x4] =	wrdreg $0x9  }
0xb7: {  	_ =	task.clear_ibuf [dreg:s7], $0x5FFFF;
	_ =	strace $0x9000004F  }
0xb8: {  	s29 =	simm.s32 $0x9;
	_ =	strace $0x80000051  }
0xb9: {  	_ =	swait.ge [sflag:s29], $0x1  }
0xba: {  	[sflag:s29] =	ssyncadd.s32 $0xFFFFFFFF  }
0xbb: {  	_ =	strace $0x90000051  }
0xbc: {  	_ =	sfence  }
0xbd: {  	s30 =	sld [smem:$0x0];
	_ =	sdelay $0x2  }
0xbe: {  	s31 =	sshll.u32 s1, $0xD;
	s1 =	sshrl.u32 s1, $0x2  }
0xbf: {  	s3 =	sand.u32 $0x4000, s31;
	s1 =	sadd.s32 s1, s30  }
0xc0: {  	s0 =	sor.u32 s3, s0;
	s1 =	sshll.u32 s1, $0x11  }
0xc1: {  	s0 =	sor.u32 s1, s0  }
0xc2: {  	s0 =	sadd.s32 $0x8F2B, s0  }
0xc3: {  	[sflag:s0] =	ssyncadd.remote.s32 $0x1  }
0xc4: {  	_ =	sfence.sel $0xFFFF  }
0xc5: {  	[dreg:$0x0] =	wrdreg $0xFFFFFFFF;
	(pc) =	sbr.abs _section_cstart, $3  }
0xc6: {  	[dreg:$0x1] =	wrdreg $0xFFFFFFFF  }
0xc7: {  	_ =	task.clear_ibuf [dreg:s7], $0x2FFFF;
	_ =	strace $0x9FFFFFFF  }
0xc8: {  	(tm) =	ssettm $0x7FFFFFFF  }
0xc9: {  	_ =	shalt  }
tec
execute0_lowered:
.L_overlay_start_1:
0x0: {  	(tag) =	ssettag $0x1  }
0x1: {  	s7 =	rddreg [dreg:$0x0]  }
0x2: {  	s1 =	rddreg [dreg:$0x1]  }
0x3: {  	s0 =	rddreg [dreg:$0x2];
	s2 =	simm.s32 $0x0;
	s3 =	srdreg.scid  }
0x4: {  	s11 =	simm.s32 $0x1000;
	s12 =	simm.s32 $0x2000;
	s13 =	simm.s32 $0x2080  }
0x5: {  	s14 =	simm.s32 $0x2180;
	s15 =	simm.s32 $0x0;
	[smem:$0x7FF] =	sst s2  }
0x6: {  	s8 =	sand.u32 $0x1, s3;
	s4 =	sadd.s32 $0x3C00, s7;
	s5 =	sadd.s32 $0x83C00, s7  }
0x7: {  	s6 =	sadd.s32 $0x87C00, s7;
	s3 =	stileid.u32;
	s9 =	ssub.s32 $0x2, s8  }
0x8: {  	s7 =	sadd.s32 $0x8BC00, s7;
	_ =	strace $0x80000050;
	s10 =	sshrl.u32 s9, $0x1  }
0x9: {  	v0 =	vimm.s32 $0x1;
	v1 =	vimm.f32 $-Inf;
	s31 =	sshll.u32 s3, $0x6;
	s8 =	sshll.u32 s8, $0x5;
	s9 =	ssub.s32 s9, s10  }
0xa: {  	v2 =	vimm.s32 $0x40000000;
	v3 =	vimm.s32 $0x0;
	v4 =	vimm.s32 $0xF;
	s8 =	sor.u32 s8, s31;
	s10 =	simm.s32 $0x1;
	s9 =	smax.u32 s9, $0x1  }
.LBB2_1:
0xb: {  	s16 =	simm.s32 $0x0  }
.LBB2_2:
0xc: {  	s17 =	sadd.s32 s8, s16  }
0xd: {  	s18 =	sshll.u32 s17, $0x9  }
0xe: {  	s19 =	sadd.s32 s4, s18  }
0xf: {  	[tilespmem:s2], [sflag:$0x1] =	stream.linear.gather [hbm4b:s19+s2], $0x1000, $0x38;
	[tilespmem:$0x2280] =	vst v63  }
0x10: {  	_ =	swait.ge [sflag:s10], $0x1000  }
0x11: {  	[sflag:s10] =	ssyncset.done $0x0  }
0x12: {  	s18 =	sadd.s32 s1, s18;
	[sflag:s10] =	ssyncadd.s32 $0xFFFFF000  }
0x13: {  	[tilespmem:s11], [sflag:$0x1] =	stream.linear.gather [hbm4b:s18+s2], $0x1000, $0x38;
	[tilespmem:$0x2280] =	vst v63  }
0x14: {  	_ =	swait.ge [sflag:s10], $0x1000  }
0x15: {  	s17 =	sshll.u32 s17, $0x4;
	[sflag:s10] =	ssyncset.done $0x0  }
0x16: {  	s31 =	sadd.s32 s5, s17;
	[sflag:s10] =	ssyncadd.s32 $0xFFFFF000  }
0x17: {  	[tilespmem:s12], [sflag:$0x1] =	stream.linear.gather [hbm4b:s31+s2], $0x10, $0x38;
	[tilespmem:$0x2280] =	vst v63  }
0x18: {  	_ =	swait.ge [sflag:s10], $0x10  }
0x19: {  	[sflag:s10] =	ssyncset.done $0x0  }
0x1a: {  	[sflag:s10] =	ssyncadd.s32 $0xFFFFFFF0  }
0x1b: {  	v6 =	vld [tilespmem:$0x2000];
	[tilespmem:$0x20E0] =	vst v1  }
0x1c: {  	[tilespmem:$0x21E0] =	vst v2  }
0x1d: {  	[tilespmem:$0x20F0] =	vst v1  }
0x1e: {  	[tilespmem:$0x21F0] =	vst v2  }
0x1f: {  	v7 =	vimm.s32 $0x0;
	[tilespmem:$0x2100] =	vst v1  }
0x20: {  	s20 =	simm.s32 $0x1040;
	s19 =	simm.s32 $0x40;
	s18 =	simm.s32 $0xFFFFFFF8;
	[tilespmem:$0x2200] =	vst v2;
	v5 =	vperm.xlane v6, v7;
	v6 =	vperm.xlane v6, v0  }
.LBB2_3:
0x21: {  	v8 =	vld [tilespmem:s19+$0xFFFFFFC0];
	_ =	sdelay $0x1  }
0x22: {  	v9 =	vld [tilespmem:s20+$0xFFFFFFC0];
	_ =	sdelay $0x2  }
0x23: {  	v10 =	vxor.u32 $0x7FFFFFFF, v8;
	vm0 =	vlt.s32 v8, $0x0  }
0x24: {  	v10 =	vsel vm0, v10, v8  }
0x25: {  	vm1 =	vle.s32 v9, v6;
	vm0 =	veq.s32 v10, v5  }
0x26: {  	vm2 =	vgt.s32 v10, v5;
	vm0 =	vmand vm1, vm0  }
0x27: {  	vm0 =	vmor vm2, vm0  }
0x28: {  	v35 =	vsel vm0, $0x1, v3  }
0x29: {  	(xrf0) =	vadd.scan.msk.s32 $0xffff, v35;
	_ =	sdelay $0x5  }
0x2a: {  	v10, _, _ =	vpop (xrf0)  }
0x2b: {  	v11 =	vadd.s32 v10, v7  }
0x2c: {  	v11 =	vadd.s32 $0xFFFFFFFF, v11  }
0x2d: {  	v11 =	vnsel vm0, $0x88, v11;
	_ =	sdelay $0x4  }
0x2e: {  	[tilespmem:v11+s13+$0x0] =	vst.idx.msk $0xffff, v8  }
0x2f: {  	[tilespmem:v11+s14+$0x0] =	vst.idx.msk $0xffff, v9  }
0x30: {  	v8 =	vld [tilespmem:s19+$0xFFFFFFD0];
	_ =	sdelay $0x1  }
0x31: {  	v9 =	vld [tilespmem:s20+$0xFFFFFFD0];
	_ =	sdelay $0x2  }
0x32: {  	v36 =	vxor.u32 $0x7FFFFFFF, v8;
	vm7 =	vlt.s32 v8, $0x0  }
0x33: {  	v11 =	vsel vm7, v36, v8  }
0x34: {  	vm8 =	vle.s32 v9, v6;
	vm0 =	veq.s32 v11, v5  }
0x35: {  	vm9 =	vgt.s32 v11, v5;
	vm0 =	vmand vm8, vm0  }
0x36: {  	vm0 =	vmor vm9, vm0  }
0x37: {  	v37 =	vsel vm0, $0x1, v3  }
0x38: {  	(xrf0) =	vadd.scan.msk.s32 $0xffff, v37;
	_ =	sdelay $0x3  }
0x39: {  	v10 =	vperm.xlane v10, v4;
	_ =	sdelay $0x1  }
0x3a: {  	v7 =	vadd.s32 v7, v10;
	v38, _, _ =	vpop (xrf0)  }
0x3b: {  	v39 =	vadd.s32 v38, v7  }
0x3c: {  	v11 =	vadd.s32 $0xFFFFFFFF, v39  }
0x3d: {  	v11 =	vnsel vm0, $0x88, v11;
	_ =	sdelay $0x4  }
0x3e: {  	[tilespmem:v11+s13+$0x0] =	vst.idx.msk $0xffff, v8  }
0x3f: {  	[tilespmem:v11+s14+$0x0] =	vst.idx.msk $0xffff, v9  }
0x40: {  	v8 =	vld [tilespmem:s19+$0xFFFFFFE0];
	_ =	sdelay $0x1  }
0x41: {  	v9 =	vld [tilespmem:s20+$0xFFFFFFE0];
	_ =	sdelay $0x2  }
0x42: {  	v40 =	vxor.u32 $0x7FFFFFFF, v8;
	vm10 =	vlt.s32 v8, $0x0  }
0x43: {  	v11 =	vsel vm10, v40, v8  }
0x44: {  	vm11 =	vle.s32 v9, v6;
	vm0 =	veq.s32 v11, v5  }
0x45: {  	vm12 =	vgt.s32 v11, v5;
	vm0 =	vmand vm11, vm0  }
0x46: {  	vm0 =	vmor vm12, vm0  }
0x47: {  	v41 =	vsel vm0, $0x1, v3  }
0x48: {  	(xrf0) =	vadd.scan.msk.s32 $0xffff, v41;
	_ =	sdelay $0x3  }
0x49: {  	v10 =	vperm.xlane v38, v4;
	_ =	sdelay $0x1  }
0x4a: {  	v7 =	vadd.s32 v7, v10;
	v42, _, _ =	vpop (xrf0)  }
0x4b: {  	v43 =	vadd.s32 v42, v7  }
0x4c: {  	v11 =	vadd.s32 $0xFFFFFFFF, v43  }
0x4d: {  	v11 =	vnsel vm0, $0x88, v11;
	_ =	sdelay $0x4  }
0x4e: {  	[tilespmem:v11+s13+$0x0] =	vst.idx.msk $0xffff, v8  }
0x4f: {  	[tilespmem:v11+s14+$0x0] =	vst.idx.msk $0xffff, v9  }
0x50: {  	v8 =	vld [tilespmem:s19+$0xFFFFFFF0];
	_ =	sdelay $0x1  }
0x51: {  	v9 =	vld [tilespmem:s20+$0xFFFFFFF0];
	_ =	sdelay $0x2  }
0x52: {  	v44 =	vxor.u32 $0x7FFFFFFF, v8;
	vm13 =	vlt.s32 v8, $0x0  }
0x53: {  	v11 =	vsel vm13, v44, v8  }
0x54: {  	vm14 =	vle.s32 v9, v6;
	vm0 =	veq.s32 v11, v5  }
0x55: {  	vm15 =	vgt.s32 v11, v5;
	vm0 =	vmand vm14, vm0  }
0x56: {  	vm0 =	vmor vm15, vm0  }
0x57: {  	v45 =	vsel vm0, $0x1, v3  }
0x58: {  	(xrf0) =	vadd.scan.msk.s32 $0xffff, v45;
	_ =	sdelay $0x3  }
0x59: {  	v10 =	vperm.xlane v42, v4;
	_ =	sdelay $0x1  }
0x5a: {  	v7 =	vadd.s32 v7, v10;
	v46, _, _ =	vpop (xrf0)  }
0x5b: {  	v47 =	vadd.s32 v46, v7  }
0x5c: {  	v11 =	vadd.s32 $0xFFFFFFFF, v47  }
0x5d: {  	v11 =	vnsel vm0, $0x88, v11;
	_ =	sdelay $0x4  }
0x5e: {  	[tilespmem:v11+s13+$0x0] =	vst.idx.msk $0xffff, v8  }
0x5f: {  	[tilespmem:v11+s14+$0x0] =	vst.idx.msk $0xffff, v9  }
0x60: {  	v8 =	vld [tilespmem:s19+$0x0];
	_ =	sdelay $0x1  }
0x61: {  	v9 =	vld [tilespmem:s20+$0x0];
	_ =	sdelay $0x2  }
0x62: {  	v48 =	vxor.u32 $0x7FFFFFFF, v8;
	vm4 =	vlt.s32 v8, $0x0  }
0x63: {  	v11 =	vsel vm4, v48, v8  }
0x64: {  	vm5 =	vle.s32 v9, v6;
	vm0 =	veq.s32 v11, v5  }
0x65: {  	vm6 =	vgt.s32 v11, v5;
	vm0 =	vmand vm5, vm0  }
0x66: {  	vm0 =	vmor vm6, vm0  }
0x67: {  	v49 =	vsel vm0, $0x1, v3  }
0x68: {  	(xrf0) =	vadd.scan.msk.s32 $0xffff, v49;
	_ =	sdelay $0x3  }
0x69: {  	v10 =	vperm.xlane v46, v4;
	_ =	sdelay $0x1  }
0x6a: {  	v7 =	vadd.s32 v7, v10;
	v50, _, _ =	vpop (xrf0)  }
0x6b: {  	v51 =	vadd.s32 v50, v7  }
0x6c: {  	v11 =	vadd.s32 $0xFFFFFFFF, v51  }
0x6d: {  	v11 =	vnsel vm0, $0x88, v11;
	_ =	sdelay $0x4  }
0x6e: {  	[tilespmem:v11+s13+$0x0] =	vst.idx.msk $0xffff, v8  }
0x6f: {  	[tilespmem:v11+s14+$0x0] =	vst.idx.msk $0xffff, v9  }
0x70: {  	v8 =	vld [tilespmem:s19+$0x10];
	_ =	sdelay $0x1  }
0x71: {  	v9 =	vld [tilespmem:s20+$0x10];
	_ =	sdelay $0x2  }
0x72: {  	v52 =	vxor.u32 $0x7FFFFFFF, v8;
	vm7 =	vlt.s32 v8, $0x0  }
0x73: {  	v11 =	vsel vm7, v52, v8  }
0x74: {  	vm8 =	vle.s32 v9, v6;
	vm0 =	veq.s32 v11, v5  }
0x75: {  	vm9 =	vgt.s32 v11, v5;
	vm0 =	vmand vm8, vm0  }
0x76: {  	vm0 =	vmor vm9, vm0  }
0x77: {  	v53 =	vsel vm0, $0x1, v3  }
0x78: {  	(xrf0) =	vadd.scan.msk.s32 $0xffff, v53;
	_ =	sdelay $0x3  }
0x79: {  	v10 =	vperm.xlane v50, v4;
	_ =	sdelay $0x1  }
0x7a: {  	v7 =	vadd.s32 v7, v10;
	v54, _, _ =	vpop (xrf0)  }
0x7b: {  	v55 =	vadd.s32 v54, v7  }
0x7c: {  	v11 =	vadd.s32 $0xFFFFFFFF, v55  }
0x7d: {  	v11 =	vnsel vm0, $0x88, v11;
	_ =	sdelay $0x4  }
0x7e: {  	[tilespmem:v11+s13+$0x0] =	vst.idx.msk $0xffff, v8  }
0x7f: {  	[tilespmem:v11+s14+$0x0] =	vst.idx.msk $0xffff, v9  }
0x80: {  	v8 =	vld [tilespmem:s19+$0x20];
	_ =	sdelay $0x1  }
0x81: {  	v9 =	vld [tilespmem:s20+$0x20];
	_ =	sdelay $0x2  }
0x82: {  	v56 =	vxor.u32 $0x7FFFFFFF, v8;
	vm10 =	vlt.s32 v8, $0x0  }
0x83: {  	v11 =	vsel vm10, v56, v8  }
0x84: {  	vm11 =	vle.s32 v9, v6;
	vm0 =	veq.s32 v11, v5  }
0x85: {  	vm12 =	vgt.s32 v11, v5;
	vm0 =	vmand vm11, vm0  }
0x86: {  	vm0 =	vmor vm12, vm0  }
0x87: {  	v57 =	vsel vm0, $0x1, v3  }
0x88: {  	(xrf0) =	vadd.scan.msk.s32 $0xffff, v57;
	_ =	sdelay $0x3  }
0x89: {  	v10 =	vperm.xlane v54, v4;
	_ =	sdelay $0x1  }
0x8a: {  	v7 =	vadd.s32 v7, v10;
	v58, _, _ =	vpop (xrf0)  }
0x8b: {  	v59 =	vadd.s32 v58, v7  }
0x8c: {  	v11 =	vadd.s32 $0xFFFFFFFF, v59  }
0x8d: {  	v11 =	vnsel vm0, $0x88, v11;
	_ =	sdelay $0x4  }
0x8e: {  	[tilespmem:v11+s13+$0x0] =	vst.idx.msk $0xffff, v8  }
0x8f: {  	[tilespmem:v11+s14+$0x0] =	vst.idx.msk $0xffff, v9  }
0x90: {  	v8 =	vld [tilespmem:s19+$0x30];
	_ =	sdelay $0x1  }
0x91: {  	v9 =	vld [tilespmem:s20+$0x30];
	_ =	sdelay $0x2  }
0x92: {  	v60 =	vxor.u32 $0x7FFFFFFF, v8;
	vm13 =	vlt.s32 v8, $0x0  }
0x93: {  	v11 =	vsel vm13, v60, v8  }
0x94: {  	vm14 =	vle.s32 v9, v6;
	vm0 =	veq.s32 v11, v5  }
0x95: {  	vm15 =	vgt.s32 v11, v5;
	vm0 =	vmand vm14, vm0  }
0x96: {  	vm0 =	vmor vm15, vm0  }
0x97: {  	v61 =	vsel vm0, $0x1, v3  }
0x98: {  	(xrf0) =	vadd.scan.msk.s32 $0xffff, v61;
	_ =	sdelay $0x3  }
0x99: {  	v10 =	vperm.xlane v58, v4;
	_ =	sdelay $0x1  }
0x9a: {  	v7 =	vadd.s32 v7, v10;
	v62, _, _ =	vpop (xrf0)  }
0x9b: {  	v63 =	vadd.s32 v62, v7  }
0x9c: {  	v11 =	vadd.s32 $0xFFFFFFFF, v63  }
0x9d: {  	s18 =	sadd.s32 $0x8, s18;
	v11 =	vnsel vm0, $0x88, v11  }
0x9e: {  	p0 =	slt.u32 s18, $0xF8  }
.Ltmp0:
0x9f: {  	_ = 	snop;
	(pc) =	sbr.rel @p0 .LBB2_3-.Ltmp0, $4  }
0xa0: {  	_ = 	snop  }
0xa1: {  	v10 =	vperm.xlane v62, v4  }
0xa2: {  	[tilespmem:v11+s13+$0x0] =	vst.idx.msk $0xffff, v8  }
0xa3: {  	s19 =	sadd.s32 $0x80, s19;
	s20 =	sadd.s32 $0x80, s20;
	v7 =	vadd.s32 v7, v10;
	[tilespmem:v11+s14+$0x0] =	vst.idx.msk $0xffff, v9  }
0xa4: {  	s18 =	sadd.s32 s6, s17  }
0xa5: {  	[hbm4b:s18+s2] =	stream.linear.scatter [tilespmem:s13], [sflag:$0x1], $0x80, $0x38;
	[tilespmem:$0x2280] =	vst v63  }
0xa6: {  	s16 =	sadd.s32 $0x1, s16;
	_ =	swait.ge [sflag:s10], $0x80  }
0xa7: {  	p0 =	sne.s32 s16, $0x20;
	[sflag:s10] =	ssyncset.done $0x0  }
.Ltmp1:
0xa8: {  	s31 =	sadd.s32 s7, s17;
	[sflag:s10] =	ssyncadd.s32 $0xFFFFFF80;
	(pc) =	sbr.rel @p0 .LBB2_2-.Ltmp1, $4  }
0xa9: {  	[hbm4b:s31+s2] =	stream.linear.scatter [tilespmem:s14], [sflag:$0x1], $0x80, $0x38;
	[tilespmem:$0x2280] =	vst v63  }
0xaa: {  	_ =	swait.ge [sflag:s10], $0x80  }
0xab: {  	[sflag:s10] =	ssyncset.done $0x0  }
0xac: {  	[sflag:s10] =	ssyncadd.s32 $0xFFFFFF80  }
0xad: {  	s15 =	sadd.s32 $0x1, s15  }
0xae: {  	p0 =	sne.s32 s15, s9  }
.Ltmp2:
0xaf: {  	_ = 	snop;
	(pc) =	sbr.rel @p0 .LBB2_1-.Ltmp2, $1  }
0xb0: {  	_ =	sdelay $0x3  }
0xb1: {  	_ =	sfence.sel $0x180000  }
0xb2: {  	[bflag:$0x0] =	sbarrier.arrive $0xFFFF  }
0xb3: {  	p0 =	sne.s32 s3, $0x0;
	_ =	strace $0x90000050  }
0xb4: {  	s0 =	sadd.s32 @!p0 $0x100000, s0;
	[bflag:$0x2] =	sbarrier.arrive $0xFFFF  }
0xb5: {  	[sflag:s0] =	ssyncadd.tile.s32 @!p0 $0x1;
	_ =	shalt  }
.Lfunc_end2:
_tile_overlayer_lowered:
.L_overlay_start_2:
0xb6: {  	(tag) =	ssettag $0x2  }
0xb7: {  	s0 =	rddreg [dreg:$0x0];
	s2 =	stileid.u32  }
0xb8: {  	s1 =	rddreg [dreg:$0x1];
	p0 =	sne.s32 s2, $0x0  }
0xb9: {  	s3 =	rddreg [dreg:$0x2];
	[bflag:$0x3] =	sbarrier.arrive $0xFFFF;
	s2 =	simm.s32 @!p0 $0x1C01  }
0xba: {  	[timem:s3], [sflag:s2] =	dma.local @!p0 [hbm:s0], s1  }
0xbb: {  	s0 =	simm.s32 @!p0 $0x1  }
0xbc: {  	_ =	swait.ge @!p0 [sflag:s0], s1  }
0xbd: {  	s1 =	ssub.s32 @!p0 $0x0, s1;
	[sflag:s0] =	ssyncset.done @!p0 $0x0  }
0xbe: {  	[sflag:s0] =	ssyncadd.s32 @!p0 s1  }
0xbf: {  	[bflag:$0x3] =	sbarrier.arrive $0xFFFF  }
0xc0: {  	_ =	shalt  }

// kernel: kernel.19.cloned.1.call-start
scs
__scs_entry_jumppad:
0x0: {  	(pc) =	sbr.rel $0x88, $3  }
0x1: {  	(tag) =	ssettag $0x0;
	lr =	simm.s32 $0x1  }
0x2: {  	[smem:$0x3F9E] =	sst lr;
	_ =	strace $0xD0000000  }
0x3: {  	_ = 	snop  }
0x4: {  	_ = 	snop  }
0x5: {  	_ = 	snop  }
0x6: {  	_ = 	snop  }
0x7: {  	_ = 	snop  }
__scs_overlays_trampoline_lowered:
0x8: {  	[smem:$0x3FAD] =	sst s0  }
0x9: {  	[smem:$0x3FAE] =	sst s1  }
0xa: {  	[smem:$0x3FAF] =	sst s2  }
0xb: {  	[smem:$0x3FB0] =	sst s3  }
0xc: {  	[smem:$0x3FB1] =	sst s4  }
0xd: {  	[smem:$0x3FB2] =	sst s5  }
0xe: {  	[smem:$0x3FB3] =	sst s6  }
0xf: {  	[smem:$0x3FB4] =	sst s7  }
0x10: {  	[smem:$0x3FB5] =	sst s8  }
0x11: {  	[smem:$0x3FB6] =	sst s9;
	s0 =	simm.s32 @!p0 $0x0  }
0x12: {  	s1 =	sld [smem:$0x3F9C];
	s0 =	simm.s32 @p0 $0x1  }
0x13: {  	[smem:$0x3FB7] =	sst s0;
	s0 =	simm.s32 @!p1 $0x0  }
0x14: {  	s2 =	sld [smem:$0x3F9B];
	s0 =	simm.s32 @p1 $0x1  }
0x15: {  	[smem:$0x3FB8] =	sst s0;
	s0 =	simm.s32 @!p2 $0x0  }
0x16: {  	s3 =	sld [smem:$0x3FDB];
	s0 =	simm.s32 @p2 $0x1  }
0x17: {  	s4 =	simm.s32 $0x1BF5;
	[smem:$0x3FBA] =	sst s0  }
0x18: {  	s0 =	sld [smem:$0x3F9D];
	_ =	swait.ge [sflag:s4], $0x0  }
0x19: {  	s7 =	sld [smem:$0x3F9E]  }
0x1a: {  	s8 =	sadd.s32 $0xFFFFE003, lr  }
0x1b: {  	s9 =	sadd.s32 $0xFFFFFEF7, lr;
	s5 =	simm.s32 $0xFFFFFFFF;
	p2 =	slt.u32 s8, $0xFFFFF086  }
0x1c: {  	p1 =	slt.u32 s9, $0xF7A;
	s5 =	simm.s32 @!p2 $0x0  }
0x1d: {  	s5 =	simm.s32 @p1 $0x1;
	p0 =	seq.s32 s7, s2  }
0x1e: {  	s7 =	smul.u32 @!p0 $0xF7A, s2;
	p2 =	seq.s32 @!p0 s5, $0x0  }
0x1f: {  	s9 =	smul.u32 $0xF7A, s1;
	s8 =	simm.s32 @!p0 $0x1BF5;
	p2 =	por !p2, p0  }
0x20: {  	[sflag:s8] =	ssyncset.s32 @!p0 $0xFFFFF086;
	s6 =	sadd.s32 @!p0 s3, s7;
	s7 =	simm.s32 @!p0 $0x108  }
0x21: {  	s3 =	sadd.s32 s3, s9;
	s6 =	sadd.s32 @!p0 $0x88, s6;
	s7 =	simm.s32 @p2 $0x1082  }
0x22: {  	[simem:s7], [sflag:s8] =	dma.local @!p0 [hbm:s6], $0xF7A  }
0x23: {  	s9 =	sor.u32 $0xD0000000, s2;
	s6 =	simm.s32 $0x108;
	_ =	swait.ge @!p0 [sflag:s8], $0x0  }
0x24: {  	s3 =	sadd.s32 $0x88, s3;
	s6 =	simm.s32 @!p1 $0x1082;
	[sflag:s4] =	ssyncset.s32 $0xFFFFF086  }
0x25: {  	[simem:s6], [sflag:s4] =	dma.local [hbm:s3], $0xF7A  }
0x26: {  	[smem:$0x3F9E] =	sst s1;
	(tag) =	ssettag s2;
	_ =	strace s9  }
0x27: {  	s1 =	sld [smem:$0x3FAE]  }
0x28: {  	s2 =	sld [smem:$0x3FAF]  }
0x29: {  	s4 =	sld [smem:$0x3FB1]  }
0x2a: {  	p0 =	seq.s32 s5, $0x0;
	s5 =	sld [smem:$0x3FB2]  }
0x2b: {  	s6 =	sld [smem:$0x3FB3]  }
0x2c: {  	s7 =	sld [smem:$0x3FB4]  }
0x2d: {  	s3 =	simm.s32 $0x108;
	s8 =	sld [smem:$0x3FB5]  }
0x2e: {  	s3 =	simm.s32 @!p0 $0x1082;
	s9 =	sld [smem:$0x3FB6]  }
0x2f: {  	lr =	sadd.s32 s0, s3;
	s0 =	sld [smem:$0x3FAD]  }
0x30: {  	s3 =	sld [smem:$0x3FB0]  }
0x31: {  	[smem:$0x3FB9] =	sst s10  }
0x32: {  	s10 =	sld [smem:$0x3FB7];
	_ =	sdelay $0x3  }
0x33: {  	p0 =	seq.s32 s10, $0x1;
	s10 =	sld [smem:$0x3FB9];
	_ =	sdelay $0x3  }
0x34: {  	[smem:$0x3FB9] =	sst s10  }
0x35: {  	s10 =	sld [smem:$0x3FB8];
	_ =	sdelay $0x3  }
0x36: {  	p1 =	seq.s32 s10, $0x1;
	s10 =	sld [smem:$0x3FB9];
	_ =	sdelay $0x3  }
0x37: {  	[smem:$0x3FB9] =	sst s10  }
0x38: {  	s10 =	sld [smem:$0x3FBA]  }
0x39: {  	_ = 	snop;
	(pc) =	sbr.ind lr, $3  }
0x3a: {  	_ = 	snop  }
0x3b: {  	_ = 	snop  }
0x3c: {  	p2 =	seq.s32 s10, $0x1;
	s10 =	sld [smem:$0x3FB9]  }
0x3d: {  	_ =	shalt  }
0x3e: {  	_ =	shalt  }
0x3f: {  	_ =	shalt  }
0x40: {  	_ =	shalt  }
0x41: {  	_ =	shalt  }
0x42: {  	_ =	shalt  }
0x43: {  	_ =	shalt  }
0x44: {  	_ =	shalt  }
0x45: {  	_ =	shalt  }
0x46: {  	_ =	shalt  }
0x47: {  	_ =	shalt  }
0x48: {  	_ =	shalt  }
0x49: {  	_ =	shalt  }
0x4a: {  	_ =	shalt  }
0x4b: {  	_ =	shalt  }
0x4c: {  	_ =	shalt  }
0x4d: {  	_ =	shalt  }
0x4e: {  	_ =	shalt  }
0x4f: {  	_ =	shalt  }
0x50: {  	_ =	shalt  }
0x51: {  	_ =	shalt  }
0x52: {  	_ =	shalt  }
0x53: {  	_ =	shalt  }
0x54: {  	_ =	shalt  }
0x55: {  	_ =	shalt  }
0x56: {  	_ =	shalt  }
0x57: {  	_ =	shalt  }
0x58: {  	_ =	shalt  }
0x59: {  	_ =	shalt  }
0x5a: {  	_ =	shalt  }
0x5b: {  	_ =	shalt  }
0x5c: {  	_ =	shalt  }
0x5d: {  	_ =	shalt  }
0x5e: {  	_ =	shalt  }
0x5f: {  	_ =	shalt  }
0x60: {  	_ =	shalt  }
0x61: {  	_ =	shalt  }
0x62: {  	_ =	shalt  }
0x63: {  	_ =	shalt  }
0x64: {  	_ =	shalt  }
0x65: {  	_ =	shalt  }
0x66: {  	_ =	shalt  }
0x67: {  	_ =	shalt  }
0x68: {  	_ =	shalt  }
0x69: {  	_ =	shalt  }
0x6a: {  	_ =	shalt  }
0x6b: {  	_ =	shalt  }
0x6c: {  	_ =	shalt  }
0x6d: {  	_ =	shalt  }
0x6e: {  	_ =	shalt  }
0x6f: {  	_ =	shalt  }
0x70: {  	_ =	shalt  }
0x71: {  	_ =	shalt  }
0x72: {  	_ =	shalt  }
0x73: {  	_ =	shalt  }
0x74: {  	_ =	shalt  }
0x75: {  	_ =	shalt  }
0x76: {  	_ =	shalt  }
0x77: {  	_ =	shalt  }
0x78: {  	_ =	shalt  }
0x79: {  	_ =	shalt  }
0x7a: {  	_ =	shalt  }
0x7b: {  	_ =	shalt  }
0x7c: {  	_ =	shalt  }
0x7d: {  	_ =	shalt  }
0x7e: {  	_ =	shalt  }
0x7f: {  	_ =	shalt  }
0x80: {  	_ =	shalt  }
0x81: {  	_ =	shalt  }
0x82: {  	_ =	shalt  }
0x83: {  	_ =	shalt  }
0x84: {  	_ =	shalt  }
0x85: {  	_ =	shalt  }
0x86: {  	_ =	shalt  }
0x87: {  	_ =	shalt  }
.Lfunc_end0:
.L_simem_size_0:
called_computation.5_lowered:
.L_overlay_start_0:
0x88: {  	s2 =	sld [smem:$0x3FD9]  }
0x89: {  	s3 =	sld [smem:$0x3FFE];
	_ =	sdelay $0x1  }
0x8a: {  	s1 =	srdreg.scid  }
0x8b: {  	s0 =	sand.u32 $0x1, s1  }
0x8c: {  	s15 =	sshll.u32 s0, $0xA;
	s2 =	sadd.s32 s3, s2  }
0x8d: {  	s2 =	sadd.s32 s2, s15  }
0x8e: {  	[smem:$0x3FC5] =	sst s2  }
0x8f: {  	_ = 	snop  }
0x90: {  	s2 =	sld [smem:$0x3FD0];
	_ =	sdelay $0x2  }
0x91: {  	s4 =	simm.s32 $0xB;
	s5 =	simm.s32 $0x10;
	s16 =	sld [smem:$0x3FC8]  }
0x92: {  	[smem:s5], [sflag:s4] =	dma.local [hbm:s2], $0x1  }
0x93: {  	_ =	swait.eq [sflag:s4], $0x1  }
0x94: {  	[sflag:s4] =	ssyncset.done $0x0  }
0x95: {  	s17 =	sld [smem:$0x10];
	[sflag:s4] =	ssyncadd.s32 $0xFFFFFFFF  }
0x96: {  	s18 =	sld [smem:$0x12];
	(tm) =	ssettm $0x1  }
0x97: {  	s19 =	sld [smem:$0x3FFB];
	_ =	sdelay $0x3  }
0x98: {  	_ =	strace s19  }
0x99: {  	s5 =	sld [smem:$0x3FFC];
	_ =	sdelay $0x3  }
0x9a: {  	_ =	strace s5  }
0x9b: {  	s5 =	sld [smem:$0x3FFD];
	_ =	sdelay $0x3  }
0x9c: {  	_ =	strace s5  }
0x9d: {  	_ =	strace $0x8FFFFFFF  }
0x9e: {  	s20 =	sld [smem:$0x3FDB];
	_ =	sdelay $0x1  }
0x9f: {  	s6 =	simm.s32 $_scs_section_size  }
0xa0: {  	s7 =	simm.s32 $_size__tile_overlayer_lowered;
	s8 =	simm.s32 $_tile_overlayer_lowered  }
0xa1: {  	s23 =	simm.s32 $0x1BFF;
	s22 =	sshll.u32 s8, $0x1;
	s5 =	sadd.s32 s6, s20  }
0xa2: {  	s9 =	simm.s32 $0x0;
	s21 =	sshll.u32 s7, $0x1;
	s7 =	sadd.s32 s22, s5  }
0xa3: {  	[timem:s9], [sflag:s23] =	dma.local [hbm:s7], s21  }
0xa4: {  	_ =	swait.ge [sflag:s23], s21  }
0xa5: {  	s6 =	ssub.s32 $0x0, s21;
	[sflag:s23] =	ssyncset.done $0x0  }
0xa6: {  	[sflag:s23] =	ssyncadd.s32 s6;
	_ =	sdelay $0x1  }
0xa7: {  	s24 =	simm.s32 $0x1B8B  }
0xa8: {  	_ =	swait.ge [sflag:s24], $0x1  }
0xa9: {  	[sflag:s24] =	ssyncset.done $0x0  }
0xaa: {  	s25 =	simm.s32 $0x1B8E;
	[sflag:s24] =	ssyncadd.s32 $0xFFFFFFFF  }
0xab: {  	s26 =	simm.s32 $execute0_lowered;
	[smem:$0x3FD2] =	sst s25  }
0xac: {  	s6 =	sshll.u32 s26, $0x1;
	_ =	strace $0x80000052;
	[dreg:$0x1] =	wrdreg $0xFFFFFFFF  }
0xad: {  	s28 =	simm.s32 $_size_execute0_lowered;
	s5 =	sadd.s32 s5, s6;
	[dreg:$0x0] =	wrdreg $0x0  }
0xae: {  	s6 =	sshll.u32 s28, $0x1;
	[dreg:$0x2] =	wrdreg s5  }
0xaf: {  	[dreg:$0x3] =	wrdreg s6  }
0xb0: {  	[dreg:$0x4] =	wrdreg $0xC0  }
0xb1: {  	_ =	task [dreg:s9], $0x5FFFF  }
0xb2: {  	[dreg:$0x1] =	wrdreg $0xFFFFFFFF  }
0xb3: {  	[dreg:$0x0] =	wrdreg $0x60  }
0xb4: {  	[dreg:$0x2] =	wrdreg s16  }
0xb5: {  	[dreg:$0x3] =	wrdreg s17  }
0xb6: {  	[dreg:$0x4] =	wrdreg s18  }
0xb7: {  	[dreg:$0x5] =	wrdreg $0x9  }
0xb8: {  	_ =	task.clear_ibuf [dreg:s9], $0x6FFFF;
	_ =	strace $0x90000052  }
0xb9: {  	s29 =	simm.s32 $0x9;
	_ =	strace $0x80000054  }
0xba: {  	_ =	swait.ge [sflag:s29], $0x1  }
0xbb: {  	[sflag:s29] =	ssyncadd.s32 $0xFFFFFFFF  }
0xbc: {  	_ =	strace $0x90000054  }
0xbd: {  	_ =	sfence  }
0xbe: {  	s30 =	sld [smem:$0x0];
	_ =	sdelay $0x2  }
0xbf: {  	s31 =	sshll.u32 s1, $0xD;
	s1 =	sshrl.u32 s1, $0x2  }
0xc0: {  	s3 =	sand.u32 $0x4000, s31;
	s1 =	sadd.s32 s1, s30  }
0xc1: {  	s0 =	sor.u32 s3, s0;
	s1 =	sshll.u32 s1, $0x11  }
0xc2: {  	s0 =	sor.u32 s1, s0  }
0xc3: {  	s0 =	sadd.s32 $0x8F2B, s0  }
0xc4: {  	[sflag:s0] =	ssyncadd.remote.s32 $0x1  }
0xc5: {  	_ =	sfence.sel $0xFFFF  }
0xc6: {  	[dreg:$0x0] =	wrdreg $0xFFFFFFFF;
	(pc) =	sbr.abs _section_cstart, $3  }
0xc7: {  	[dreg:$0x1] =	wrdreg $0xFFFFFFFF  }
0xc8: {  	_ =	task.clear_ibuf [dreg:s9], $0x2FFFF;
	_ =	strace $0x9FFFFFFF  }
0xc9: {  	(tm) =	ssettm $0x7FFFFFFF  }
tec
execute0_lowered:
.L_overlay_start_1:
0x0: {  	(tag) =	ssettag $0x1  }
0x1: {  	s1 =	srdreg.scid;
	s0 =	stileid.u32  }
0x2: {  	s2 =	rddreg [dreg:$0x0];
	s17 =	sand.u32 $0x1, s1;
	s30 =	sshll.u32 s0, $0x1  }
0x3: {  	s15 =	rddreg [dreg:$0x1];
	s8 =	sor.u32 s17, s30  }
0x4: {  	s16 =	rddreg [dreg:$0x2];
	s18 =	smul.u32 $0xC80, s8  }
0x5: {  	s3 =	simm.s32 $0x0;
	s1 =	rddreg [dreg:$0x3]  }
0x6: {  	[smem:$0x7FF] =	sst s3;
	s4 =	sshrl.u32 s18, $0x3  }
0x7: {  	_ =	strace $0x80000053;
	s5 =	sadd.s32 s15, s4;
	s4 =	simm.s32 $0x2  }
0x8: {  	[tilespmem:s3], [sflag:$0x2] =	stream.linear.gather [hbm4b:s5+s3], $0x280, $0x38;
	[tilespmem:$0x14280] =	vst v63  }
0x9: {  	_ =	swait.ge [sflag:s4], $0x280  }
0xa: {  	[sflag:s4] =	ssyncset.done $0x0  }
0xb: {  	s6 =	simm.s32 $0x280;
	s7 =	simm.s32 $0x1;
	[sflag:s4] =	ssyncadd.s32 $0xFFFFFD80  }
0xc: {  	[tilespmem:s6], [sflag:$0x1] =	stream.indirect.gather [hbm4b:s2+s6], $0x80, s3, s6, $0xb8;
	[tilespmem:$0x14280] =	vst v63  }
0xd: {  	s8 =	smul.u32 $0xC800, s8;
	_ =	swait.ge [sflag:s7], $0x14000  }
0xe: {  	[sflag:s7] =	ssyncset.done $0x0  }
0xf: {  	s8 =	sadd.s32 s16, s8;
	[sflag:s7] =	ssyncadd.s32 $0xFFFEC000  }
0x10: {  	[hbm4b:s8+s3] =	stream.linear.scatter [tilespmem:s6], [sflag:$0x2], $0x14000, $0x38;
	[tilespmem:$0x14280] =	vst v63  }
0x11: {  	s10 =	sadd.s32 $0x280, s18;
	_ =	swait.ge [sflag:s4], $0x14000  }
0x12: {  	s9 =	sshrl.u32 s10, $0x3;
	[sflag:s4] =	ssyncset.done $0x0  }
0x13: {  	s9 =	sadd.s32 s15, s9;
	[sflag:s4] =	ssyncadd.s32 $0xFFFEC000  }
0x14: {  	[tilespmem:s3], [sflag:$0x2] =	stream.linear.gather [hbm4b:s9+s3], $0x280, $0x38;
	[tilespmem:$0x14280] =	vst v63  }
0x15: {  	_ =	swait.ge [sflag:s4], $0x280  }
0x16: {  	[sflag:s4] =	ssyncset.done $0x0  }
0x17: {  	[sflag:s4] =	ssyncadd.s32 $0xFFFFFD80  }
0x18: {  	[tilespmem:s6], [sflag:$0x1] =	stream.indirect.gather [hbm4b:s2+s6], $0x80, s3, s6, $0xb8;
	[tilespmem:$0x14280] =	vst v63  }
0x19: {  	_ =	swait.ge [sflag:s7], $0x14000  }
0x1a: {  	s10 =	sshll.u32 s10, $0x4;
	[sflag:s7] =	ssyncset.done $0x0  }
0x1b: {  	s10 =	sadd.s32 s16, s10;
	[sflag:s7] =	ssyncadd.s32 $0xFFFEC000  }
0x1c: {  	[hbm4b:s10+s3] =	stream.linear.scatter [tilespmem:s6], [sflag:$0x2], $0x14000, $0x38;
	[tilespmem:$0x14280] =	vst v63  }
0x1d: {  	s12 =	sadd.s32 $0x500, s18;
	_ =	swait.ge [sflag:s4], $0x14000  }
0x1e: {  	s11 =	sshrl.u32 s12, $0x3;
	[sflag:s4] =	ssyncset.done $0x0  }
0x1f: {  	s11 =	sadd.s32 s15, s11;
	[sflag:s4] =	ssyncadd.s32 $0xFFFEC000  }
0x20: {  	[tilespmem:s3], [sflag:$0x2] =	stream.linear.gather [hbm4b:s11+s3], $0x280, $0x38;
	[tilespmem:$0x14280] =	vst v63  }
0x21: {  	_ =	swait.ge [sflag:s4], $0x280  }
0x22: {  	[sflag:s4] =	ssyncset.done $0x0  }
0x23: {  	[sflag:s4] =	ssyncadd.s32 $0xFFFFFD80  }
0x24: {  	[tilespmem:s6], [sflag:$0x1] =	stream.indirect.gather [hbm4b:s2+s6], $0x80, s3, s6, $0xb8;
	[tilespmem:$0x14280] =	vst v63  }
0x25: {  	_ =	swait.ge [sflag:s7], $0x14000  }
0x26: {  	s12 =	sshll.u32 s12, $0x4;
	[sflag:s7] =	ssyncset.done $0x0  }
0x27: {  	s12 =	sadd.s32 s16, s12;
	[sflag:s7] =	ssyncadd.s32 $0xFFFEC000  }
0x28: {  	[hbm4b:s12+s3] =	stream.linear.scatter [tilespmem:s6], [sflag:$0x2], $0x14000, $0x38;
	[tilespmem:$0x14280] =	vst v63  }
0x29: {  	s14 =	sadd.s32 $0x780, s18;
	_ =	swait.ge [sflag:s4], $0x14000  }
0x2a: {  	s13 =	sshrl.u32 s14, $0x3;
	[sflag:s4] =	ssyncset.done $0x0  }
0x2b: {  	s13 =	sadd.s32 s15, s13;
	[sflag:s4] =	ssyncadd.s32 $0xFFFEC000  }
0x2c: {  	[tilespmem:s3], [sflag:$0x2] =	stream.linear.gather [hbm4b:s13+s3], $0x280, $0x38;
	[tilespmem:$0x14280] =	vst v63  }
0x2d: {  	_ =	swait.ge [sflag:s4], $0x280  }
0x2e: {  	[sflag:s4] =	ssyncset.done $0x0  }
0x2f: {  	[sflag:s4] =	ssyncadd.s32 $0xFFFFFD80  }
0x30: {  	[tilespmem:s6], [sflag:$0x1] =	stream.indirect.gather [hbm4b:s2+s6], $0x80, s3, s6, $0xb8;
	[tilespmem:$0x14280] =	vst v63  }
0x31: {  	_ =	swait.ge [sflag:s7], $0x14000  }
0x32: {  	s14 =	sshll.u32 s14, $0x4;
	[sflag:s7] =	ssyncset.done $0x0  }
0x33: {  	s14 =	sadd.s32 s16, s14;
	[sflag:s7] =	ssyncadd.s32 $0xFFFEC000  }
0x34: {  	[hbm4b:s14+s3] =	stream.linear.scatter [tilespmem:s6], [sflag:$0x2], $0x14000, $0x38;
	[tilespmem:$0x14280] =	vst v63  }
0x35: {  	s18 =	sadd.s32 $0xA00, s18;
	_ =	swait.ge [sflag:s4], $0x14000  }
0x36: {  	s19 =	sshrl.u32 s18, $0x3;
	[sflag:s4] =	ssyncset.done $0x0  }
0x37: {  	s17 =	ssub.s32 $0x2, s17;
	s15 =	sadd.s32 s15, s19;
	[sflag:s4] =	ssyncadd.s32 $0xFFFEC000  }
0x38: {  	[tilespmem:s3], [sflag:$0x2] =	stream.linear.gather [hbm4b:s15+s3], $0x280, $0x38;
	[tilespmem:$0x14280] =	vst v63  }
0x39: {  	s31 =	sshrl.u32 s17, $0x1;
	_ =	swait.ge [sflag:s4], $0x280  }
0x3a: {  	s17 =	ssub.s32 s17, s31;
	[sflag:s4] =	ssyncset.done $0x0  }
0x3b: {  	s17 =	smax.u32 s17, $0x1;
	[sflag:s4] =	ssyncadd.s32 $0xFFFFFD80  }
0x3c: {  	[tilespmem:s6], [sflag:$0x1] =	stream.indirect.gather [hbm4b:s2+s6], $0x80, s3, s6, $0xb8;
	[tilespmem:$0x14280] =	vst v63  }
0x3d: {  	p0 =	sne.s32 s17, $0x1;
	_ =	swait.ge [sflag:s7], $0x14000  }
.Ltmp0:
0x3e: {  	s18 =	sshll.u32 s18, $0x4;
	[sflag:s7] =	ssyncset.done $0x0;
	(pc) =	sbr.rel @!p0 .LBB2_2-.Ltmp0, $4  }
0x3f: {  	s16 =	sadd.s32 s16, s18;
	[sflag:s7] =	ssyncadd.s32 $0xFFFEC000  }
0x40: {  	[hbm4b:s16+s3] =	stream.linear.scatter [tilespmem:s6], [sflag:$0x2], $0x14000, $0x38;
	[tilespmem:$0x14280] =	vst v63  }
0x41: {  	_ =	swait.ge [sflag:s4], $0x14000  }
0x42: {  	s17 =	sadd.s32 $0xFFFFFFFF, s17;
	[sflag:s4] =	ssyncset.done $0x0  }
.LBB2_1:
0x43: {  	p0 =	sne.s32 s17, $0x1;
	s17 =	sadd.s32 $0xFFFFFFFF, s17;
	[sflag:s4] =	ssyncadd.s32 $0xFFFEC000  }
0x44: {  	[tilespmem:s3], [sflag:$0x2] =	stream.linear.gather [hbm4b:s5+s3], $0x280, $0x38;
	[tilespmem:$0x14280] =	vst v63  }
0x45: {  	_ =	swait.ge [sflag:s4], $0x280  }
0x46: {  	[sflag:s4] =	ssyncset.done $0x0  }
0x47: {  	[sflag:s4] =	ssyncadd.s32 $0xFFFFFD80  }
0x48: {  	[tilespmem:s6], [sflag:$0x1] =	stream.indirect.gather [hbm4b:s2+s6], $0x80, s3, s6, $0xb8;
	[tilespmem:$0x14280] =	vst v63  }
0x49: {  	_ =	swait.ge [sflag:s7], $0x14000  }
0x4a: {  	[sflag:s7] =	ssyncset.done $0x0  }
0x4b: {  	[sflag:s7] =	ssyncadd.s32 $0xFFFEC000  }
0x4c: {  	[hbm4b:s8+s3] =	stream.linear.scatter [tilespmem:s6], [sflag:$0x2], $0x14000, $0x38;
	[tilespmem:$0x14280] =	vst v63  }
0x4d: {  	_ =	swait.ge [sflag:s4], $0x14000  }
0x4e: {  	[sflag:s4] =	ssyncset.done $0x0  }
0x4f: {  	[sflag:s4] =	ssyncadd.s32 $0xFFFEC000  }
0x50: {  	[tilespmem:s3], [sflag:$0x2] =	stream.linear.gather [hbm4b:s9+s3], $0x280, $0x38;
	[tilespmem:$0x14280] =	vst v63  }
0x51: {  	_ =	swait.ge [sflag:s4], $0x280  }
0x52: {  	[sflag:s4] =	ssyncset.done $0x0  }
0x53: {  	[sflag:s4] =	ssyncadd.s32 $0xFFFFFD80  }
0x54: {  	[tilespmem:s6], [sflag:$0x1] =	stream.indirect.gather [hbm4b:s2+s6], $0x80, s3, s6, $0xb8;
	[tilespmem:$0x14280] =	vst v63  }
0x55: {  	_ =	swait.ge [sflag:s7], $0x14000  }
0x56: {  	[sflag:s7] =	ssyncset.done $0x0  }
0x57: {  	[sflag:s7] =	ssyncadd.s32 $0xFFFEC000  }
0x58: {  	[hbm4b:s10+s3] =	stream.linear.scatter [tilespmem:s6], [sflag:$0x2], $0x14000, $0x38;
	[tilespmem:$0x14280] =	vst v63  }
0x59: {  	_ =	swait.ge [sflag:s4], $0x14000  }
0x5a: {  	[sflag:s4] =	ssyncset.done $0x0  }
0x5b: {  	[sflag:s4] =	ssyncadd.s32 $0xFFFEC000  }
0x5c: {  	[tilespmem:s3], [sflag:$0x2] =	stream.linear.gather [hbm4b:s11+s3], $0x280, $0x38;
	[tilespmem:$0x14280] =	vst v63  }
0x5d: {  	_ =	swait.ge [sflag:s4], $0x280  }
0x5e: {  	[sflag:s4] =	ssyncset.done $0x0  }
0x5f: {  	[sflag:s4] =	ssyncadd.s32 $0xFFFFFD80  }
0x60: {  	[tilespmem:s6], [sflag:$0x1] =	stream.indirect.gather [hbm4b:s2+s6], $0x80, s3, s6, $0xb8;
	[tilespmem:$0x14280] =	vst v63  }
0x61: {  	_ =	swait.ge [sflag:s7], $0x14000  }
0x62: {  	[sflag:s7] =	ssyncset.done $0x0  }
0x63: {  	[sflag:s7] =	ssyncadd.s32 $0xFFFEC000  }
0x64: {  	[hbm4b:s12+s3] =	stream.linear.scatter [tilespmem:s6], [sflag:$0x2], $0x14000, $0x38;
	[tilespmem:$0x14280] =	vst v63  }
0x65: {  	_ =	swait.ge [sflag:s4], $0x14000  }
0x66: {  	[sflag:s4] =	ssyncset.done $0x0  }
0x67: {  	[sflag:s4] =	ssyncadd.s32 $0xFFFEC000  }
0x68: {  	[tilespmem:s3], [sflag:$0x2] =	stream.linear.gather [hbm4b:s13+s3], $0x280, $0x38;
	[tilespmem:$0x14280] =	vst v63  }
0x69: {  	_ =	swait.ge [sflag:s4], $0x280  }
0x6a: {  	[sflag:s4] =	ssyncset.done $0x0  }
0x6b: {  	[sflag:s4] =	ssyncadd.s32 $0xFFFFFD80  }
0x6c: {  	[tilespmem:s6], [sflag:$0x1] =	stream.indirect.gather [hbm4b:s2+s6], $0x80, s3, s6, $0xb8;
	[tilespmem:$0x14280] =	vst v63  }
0x6d: {  	_ =	swait.ge [sflag:s7], $0x14000  }
0x6e: {  	[sflag:s7] =	ssyncset.done $0x0  }
0x6f: {  	[sflag:s7] =	ssyncadd.s32 $0xFFFEC000  }
0x70: {  	[hbm4b:s14+s3] =	stream.linear.scatter [tilespmem:s6], [sflag:$0x2], $0x14000, $0x38;
	[tilespmem:$0x14280] =	vst v63  }
0x71: {  	_ =	swait.ge [sflag:s4], $0x14000  }
0x72: {  	[sflag:s4] =	ssyncset.done $0x0  }
0x73: {  	[sflag:s4] =	ssyncadd.s32 $0xFFFEC000  }
0x74: {  	[tilespmem:s3], [sflag:$0x2] =	stream.linear.gather [hbm4b:s15+s3], $0x280, $0x38;
	[tilespmem:$0x14280] =	vst v63  }
0x75: {  	_ =	swait.ge [sflag:s4], $0x280  }
0x76: {  	[sflag:s4] =	ssyncset.done $0x0  }
0x77: {  	[sflag:s4] =	ssyncadd.s32 $0xFFFFFD80  }
0x78: {  	[tilespmem:s6], [sflag:$0x1] =	stream.indirect.gather [hbm4b:s2+s6], $0x80, s3, s6, $0xb8;
	[tilespmem:$0x14280] =	vst v63  }
0x79: {  	_ =	swait.ge [sflag:s7], $0x14000  }
.Ltmp1:
0x7a: {  	[sflag:s7] =	ssyncset.done $0x0;
	(pc) =	sbr.rel @p0 .LBB2_1-.Ltmp1, $4  }
0x7b: {  	[sflag:s7] =	ssyncadd.s32 $0xFFFEC000  }
0x7c: {  	[hbm4b:s16+s3] =	stream.linear.scatter [tilespmem:s6], [sflag:$0x2], $0x14000, $0x38;
	[tilespmem:$0x14280] =	vst v63  }
0x7d: {  	_ =	swait.ge [sflag:s4], $0x14000  }
0x7e: {  	[sflag:s4] =	ssyncset.done $0x0  }
.LBB2_2:
0x7f: {  	[sflag:s4] =	ssyncadd.s32 $0xFFFEC000  }
0x80: {  	_ =	sfence.sel $0x180000  }
0x81: {  	[bflag:$0x0] =	sbarrier.arrive $0xFFFF  }
0x82: {  	p0 =	sne.s32 s0, $0x0;
	_ =	strace $0x90000053  }
0x83: {  	s0 =	sadd.s32 @!p0 $0x100000, s1;
	[bflag:$0x2] =	sbarrier.arrive $0xFFFF  }
0x84: {  	[sflag:s0] =	ssyncadd.tile.s32 @!p0 $0x1;
	_ =	shalt  }
.Lfunc_end2:
_tile_overlayer_lowered:
.L_overlay_start_2:
0x85: {  	(tag) =	ssettag $0x2  }
0x86: {  	s0 =	rddreg [dreg:$0x0];
	s2 =	stileid.u32  }
0x87: {  	s1 =	rddreg [dreg:$0x1];
	p0 =	sne.s32 s2, $0x0  }
0x88: {  	s3 =	rddreg [dreg:$0x2];
	[bflag:$0x3] =	sbarrier.arrive $0xFFFF;
	s2 =	simm.s32 @!p0 $0x1C02  }
0x89: {  	[timem:s3], [sflag:s2] =	dma.local @!p0 [hbm:s0], s1  }
0x8a: {  	s0 =	simm.s32 @!p0 $0x2  }
0x8b: {  	_ =	swait.ge @!p0 [sflag:s0], s1  }
0x8c: {  	s1 =	ssub.s32 @!p0 $0x0, s1;
	[sflag:s0] =	ssyncset.done @!p0 $0x0  }
0x8d: {  	[sflag:s0] =	ssyncadd.s32 @!p0 s1  }
0x8e: {  	[bflag:$0x3] =	sbarrier.arrive $0xFFFF  }
0x8f: {  	_ =	shalt  }

// kernel: sparse-core-data-format-call.1.cloned.1.call-start
scs
called_computation.1_lowered:
.L_overlay_start_0:
0x0: {  	s1 =	sld [smem:$0x3FD9]  }
0x1: {  	s2 =	sld [smem:$0x3FFE];
	_ =	sdelay $0x1  }
0x2: {  	s3 =	srdreg.scid  }
0x3: {  	s0 =	sand.u32 $0x1, s3  }
0x4: {  	s17 =	sshll.u32 s0, $0xA;
	s1 =	sadd.s32 s2, s1  }
0x5: {  	s1 =	sadd.s32 s1, s17  }
0x6: {  	[smem:$0x3FC5] =	sst s1  }
0x7: {  	_ = 	snop  }
0x8: {  	(tm) =	ssettm $0x1  }
0x9: {  	s18 =	sld [smem:$0x3FFB];
	_ =	sdelay $0x3  }
0xa: {  	_ =	strace s18  }
0xb: {  	s1 =	sld [smem:$0x3FFC];
	_ =	sdelay $0x3  }
0xc: {  	_ =	strace s1  }
0xd: {  	s1 =	sld [smem:$0x3FFD];
	_ =	sdelay $0x3  }
0xe: {  	_ =	strace s1  }
0xf: {  	_ =	strace $0x8FFFFFFF  }
0x10: {  	s19 =	sld [smem:$0x3FDB];
	_ =	sdelay $0x1  }
0x11: {  	s20 =	simm.s32 $_scs_section_size  }
0x12: {  	s4 =	simm.s32 $_size__tile_overlayer_lowered;
	s5 =	simm.s32 $_tile_overlayer_lowered  }
0x13: {  	s23 =	simm.s32 $0x1BFF;
	s22 =	sshll.u32 s5, $0x1;
	s1 =	sadd.s32 s20, s19  }
0x14: {  	s6 =	simm.s32 $0x0;
	s21 =	sshll.u32 s4, $0x1;
	s4 =	sadd.s32 s22, s1  }
0x15: {  	[timem:s6], [sflag:s23] =	dma.local [hbm:s4], s21  }
0x16: {  	_ =	swait.ge [sflag:s23], s21  }
0x17: {  	s2 =	ssub.s32 $0x0, s21;
	[sflag:s23] =	ssyncset.done $0x0  }
0x18: {  	[sflag:s23] =	ssyncadd.s32 s2;
	_ =	sdelay $0x1  }
0x19: {  	s24 =	simm.s32 $0x1B8B  }
0x1a: {  	_ =	swait.ge [sflag:s24], $0x1  }
0x1b: {  	[sflag:s24] =	ssyncset.done $0x0  }
0x1c: {  	s26 =	simm.s32 $0x1B8E;
	s25 =	sld [smem:$0x3FFE];
	[sflag:s24] =	ssyncadd.s32 $0xFFFFFFFF  }
0x1d: {  	s27 =	simm.s32 $execute0_lowered;
	[smem:$0x3FD2] =	sst s26  }
0x1e: {  	s4 =	sshll.u32 s27, $0x1;
	_ =	strace $0x80000046;
	[dreg:$0x1] =	wrdreg $0xFFFFFFFF  }
0x1f: {  	s28 =	simm.s32 $_size_execute0_lowered;
	s1 =	sadd.s32 s1, s4;
	[dreg:$0x0] =	wrdreg $0x0  }
0x20: {  	s4 =	sshll.u32 s28, $0x1;
	[dreg:$0x2] =	wrdreg s1  }
0x21: {  	[dreg:$0x3] =	wrdreg s4  }
0x22: {  	[dreg:$0x4] =	wrdreg $0xC0  }
0x23: {  	_ =	task [dreg:s6], $0x5FFFF  }
0x24: {  	[dreg:$0x1] =	wrdreg $0xFFFFFFFF  }
0x25: {  	[dreg:$0x0] =	wrdreg $0x60  }
0x26: {  	[dreg:$0x2] =	wrdreg s25  }
0x27: {  	[dreg:$0x3] =	wrdreg $0x9  }
0x28: {  	_ =	task.clear_ibuf [dreg:s6], $0x4FFFF;
	_ =	strace $0x90000046  }
0x29: {  	s29 =	simm.s32 $0x9;
	_ =	strace $0x80000048  }
0x2a: {  	_ =	swait.ge [sflag:s29], $0x1  }
0x2b: {  	[sflag:s29] =	ssyncadd.s32 $0xFFFFFFFF  }
0x2c: {  	_ =	strace $0x90000048  }
0x2d: {  	_ =	sfence  }
0x2e: {  	s30 =	sld [smem:$0x0];
	_ =	sdelay $0x2  }
0x2f: {  	s31 =	sshll.u32 s3, $0xD;
	s3 =	sshrl.u32 s3, $0x2  }
0x30: {  	s2 =	sand.u32 $0x4000, s31;
	s1 =	sadd.s32 s3, s30  }
0x31: {  	s0 =	sor.u32 s2, s0;
	s1 =	sshll.u32 s1, $0x11  }
0x32: {  	s0 =	sor.u32 s1, s0  }
0x33: {  	s0 =	sadd.s32 $0x8F2B, s0  }
0x34: {  	[sflag:s0] =	ssyncadd.remote.s32 $0x1  }
0x35: {  	_ =	sfence.sel $0xFFFF  }
0x36: {  	[dreg:$0x0] =	wrdreg $0xFFFFFFFF;
	(pc) =	sbr.abs _section_cstart, $3  }
0x37: {  	[dreg:$0x1] =	wrdreg $0xFFFFFFFF  }
0x38: {  	_ =	task.clear_ibuf [dreg:s6], $0x2FFFF;
	_ =	strace $0x9FFFFFFF  }
0x39: {  	(tm) =	ssettm $0x7FFFFFFF  }
tec
execute0_lowered:
.L_overlay_start_1:
0x0: {  	(tag) =	ssettag $0x1  }
0x1: {  	s1 =	rddreg [dreg:$0x0]  }
0x2: {  	s0 =	rddreg [dreg:$0x1]  }
0x3: {  	_ =	strace $0x80000047;
	s4 =	srdreg.scid;
	s6 =	simm.s32 $0x2  }
0x4: {  	s11 =	simm.s32 $0x0;
	p0 =	por $0x0, $0x0;
	s7 =	simm.s32 $0x18800  }
.Ltmp0:
0x5: {  	s12 =	simm.s32 $0x0;
	s9 =	simm.s32 $0x0;
	(pc) =	sbr.rel .LBB1_1-.Ltmp0, $4  }
0x6: {  	s2 =	sadd.s32 $0x3C00, s1;
	s3 =	sadd.s32 $0xC43C00, s1;
	s5 =	sshll.u32 s4, $0x4  }
0x7: {  	s1 =	stileid.u32;
	s4 =	simm.s32 $0x1;
	s5 =	sand.u32 $0x10, s5  }
0x8: {  	s8 =	simm.s32 $0x0;
	[sflag:s4] =	ssyncpa.u1 $0x0;
	s5 =	sor.u32 s1, s5  }
0x9: {  	[sflag:s6] =	ssyncpa.u1 $0x0;
	s6 =	simm.s32 $0x800;
	s10 =	smov.u32 s5  }
.LBB1_7:
0xa: {  	s13 =	sadd.s32 $0x10, s9  }
0xb: {  	s11 =	sadd.s32 $0x20, s10;
	s15 =	smov.u32 s10;
	p2 =	sgt.s32 s13, $0x30F  }
0xc: {  	p1 =	slt.u32 s8, $0x2;
	s15 =	smov.u32 @p2 s11  }
0xd: {  	s8 =	sadd.s32 $0x1, s8;
	s13 =	simm.s32 @p2 $0x0;
	p2 =	sgt.s32 s15, $0x7F  }
0xe: {  	s15 =	smov.u32 @p2 s5;
	p2 =	sne.s32 s8, $0xC6  }
.Ltmp1:
0xf: {  	_ = 	snop;
	(pc) =	sbr.rel @!p2 .LBB1_8-.Ltmp1, $4  }
0x10: {  	s14 =	simm.s32 @!p1 $0x2  }
0x11: {  	s12 =	smov.u32 s10;
	_ =	swait.ge @!p1 [sflag:s14], $0x4000  }
0x12: {  	p0 =	por !p0, !p0;
	s11 =	smov.u32 s9;
	[sflag:s14] =	ssyncset.done @!p1 $0x0  }
0x13: {  	s9 =	smov.u32 s13;
	[sflag:s14] =	ssyncadd.s32 @!p1 $0xFFFFC000;
	s10 =	smov.u32 s15  }
.LBB1_1:
0x14: {  	p1 =	sgt.u32 s8, $0xC3  }
0x15: {  	s13 =	smul.u32 @!p1 $0x18800, s10  }
0x16: {  	s14 =	sxor.u32 @!p1 $0xFFFFFFFF, s8  }
0x17: {  	s15 =	sshll.u32 @!p1 s9, $0x7;
	s14 =	sshll.u32 @!p1 s14, $0xE;
	s13 =	sadd.s32 @!p1 s2, s13  }
0x18: {  	s14 =	sand.u32 @!p1 $0x4000, s14;
	s13 =	sadd.s32 @!p1 s15, s13;
	s15 =	simm.s32 @!p1 $0x0  }
0x19: {  	[tilespmem:s14], [sflag:$0x1] =	stream.linear.gather @!p1 [hbm4b:s13+s15], $0x4000, $0x38;
	[tilespmem:$0x10000] =	vst v63  }
0x1a: {  	p1 =	seq.s32 s8, $0x0  }
0x1b: {  	p2 =	seq.s32 @!p1 s8, $0xC5  }
0x1c: {  	p1 =	por p1, p2  }
.Ltmp2:
0x1d: {  	_ = 	snop;
	(pc) =	sbr.rel @p1 .LBB1_7-.Ltmp2, $1  }
0x1e: {  	_ =	sdelay $0x3  }
0x1f: {  	s13 =	simm.s32 $0x1;
	_ =	swait.ge [sflag:s4], $0x4000;
	s16 =	sshll.u32 s8, $0xE  }
0x20: {  	s13 =	simm.s32 @!p0 $0x0;
	[sflag:s4] =	ssyncset.done $0x0;
	s31 =	sand.u32 $0x4000, s16  }
0x21: {  	s16 =	simm.s32 $0x0;
	s13 =	sshll.u32 s13, $0xE;
	[sflag:s4] =	ssyncadd.s32 $0xFFFFC000  }
0x22: {  	s14 =	sor.u32 $0x8040, s13;
	s15 =	sor.u32 $0x40, s13;
	s13 =	sor.u32 $0x8000, s31  }
.LBB1_3:
0x23: {  	v0 =	vmov s15;
	_ =	sdelay $0x3  }
0x24: {  	s18 =	simm.s32 $0x0  }
0x25: {  	v6 =	vld.idx.msk [tilespmem:v0+s18+$0x30 ss:$0x1], $0xffff  }
0x26: {  	v7 =	vld.idx.msk [tilespmem:v0+s18+$0xFFFFFFC0 ss:$0x1], $0xffff  }
0x27: {  	v5 =	vld.idx.msk [tilespmem:v0+s18+$0xFFFFFFD0 ss:$0x1], $0xffff  }
0x28: {  	v4 =	vld.idx.msk [tilespmem:v0+s18+$0xFFFFFFE0 ss:$0x1], $0xffff  }
0x29: {  	v3 =	vld.idx.msk [tilespmem:v0+s18+$0xFFFFFFF0 ss:$0x1], $0xffff  }
0x2a: {  	v1 =	vld.idx.msk [tilespmem:v0+s18+$0x0 ss:$0x1], $0xffff  }
0x2b: {  	v2 =	vld.idx.msk [tilespmem:v0+s18+$0x10 ss:$0x1], $0xffff;
	[tilespmem:s14+$0x30] =	vst v6  }
0x2c: {  	s17 =	simm.s32 $0x80;
	s19 =	simm.s32 $0x400;
	[tilespmem:s14+$0xFFFFFFC0] =	vst v7;
	v6 =	vld.idx.msk [tilespmem:v0+s18+$0x20 ss:$0x1], $0xffff;
	s18 =	smov.u32 s14  }
.LBB1_4:
0x2d: {  	p1 =	sne.s32 s19, $0xE00;
	v7 =	vld.idx.msk [tilespmem:v0+s17+$0x30 ss:$0x1], $0xffff;
	[tilespmem:s18+$0xFFFFFFD0] =	vst v5  }
0x2e: {  	v8 =	vld.idx.msk [tilespmem:v0+s17+$0xFFFFFFC0 ss:$0x1], $0xffff;
	[tilespmem:s18+$0xFFFFFFE0] =	vst v4  }
0x2f: {  	v5 =	vld.idx.msk [tilespmem:v0+s17+$0xFFFFFFD0 ss:$0x1], $0xffff;
	[tilespmem:s18+$0xFFFFFFF0] =	vst v3  }
.Ltmp3:
0x30: {  	v4 =	vld.idx.msk [tilespmem:v0+s17+$0xFFFFFFE0 ss:$0x1], $0xffff;
	[tilespmem:s18+$0x0] =	vst v1;
	(pc) =	sbr.rel @p1 .LBB1_4-.Ltmp3, $4  }
0x31: {  	v3 =	vld.idx.msk [tilespmem:v0+s17+$0xFFFFFFF0 ss:$0x1], $0xffff;
	[tilespmem:s18+$0x10] =	vst v2  }
0x32: {  	v1 =	vld.idx.msk [tilespmem:v0+s17+$0x0 ss:$0x1], $0xffff;
	[tilespmem:s18+$0x20] =	vst v6;
	s18 =	sadd.s32 $0x800, s18  }
0x33: {  	v2 =	vld.idx.msk [tilespmem:v0+s17+$0x10 ss:$0x1], $0xffff;
	[tilespmem:s18+$0x30] =	vst v7  }
0x34: {  	[tilespmem:s18+$0xFFFFFFC0] =	vst v8;
	v6 =	vld.idx.msk [tilespmem:v0+s17+$0x20 ss:$0x1], $0xffff;
	s17 =	sshra.s32 s19, $0x2;
	s19 =	sadd.s32 $0x200, s19  }
0x35: {  	_ =	sdelay $0x2  }
0x36: {  	[tilespmem:s18+$0xFFFFFFD0] =	vst v5  }
0x37: {  	v56 =	vld.idx.msk [tilespmem:v0+s17+$0x30 ss:$0x1], $0xffff;
	[tilespmem:s18+$0xFFFFFFE0] =	vst v4  }
0x38: {  	v57 =	vld.idx.msk [tilespmem:v0+s17+$0xFFFFFFC0 ss:$0x1], $0xffff;
	[tilespmem:s18+$0xFFFFFFF0] =	vst v3  }
0x39: {  	v58 =	vld.idx.msk [tilespmem:v0+s17+$0xFFFFFFD0 ss:$0x1], $0xffff;
	[tilespmem:s18+$0x0] =	vst v1  }
0x3a: {  	v59 =	vld.idx.msk [tilespmem:v0+s17+$0xFFFFFFE0 ss:$0x1], $0xffff;
	[tilespmem:s18+$0x10] =	vst v2  }
0x3b: {  	v60 =	vld.idx.msk [tilespmem:v0+s17+$0xFFFFFFF0 ss:$0x1], $0xffff;
	s31 =	sadd.s32 $0x800, s18;
	[tilespmem:s18+$0x20] =	vst v6  }
0x3c: {  	v61 =	vld.idx.msk [tilespmem:v0+s17+$0x0 ss:$0x1], $0xffff;
	[tilespmem:s31+$0x30] =	vst v56  }
0x3d: {  	v62 =	vld.idx.msk [tilespmem:v0+s17+$0x10 ss:$0x1], $0xffff;
	s16 =	sadd.s32 $0x1, s16;
	[tilespmem:s31+$0xFFFFFFC0] =	vst v57  }
0x3e: {  	v63 =	vld.idx.msk [tilespmem:v0+s17+$0x20 ss:$0x1], $0xffff;
	p1 =	sne.s32 s16, $0x10;
	[tilespmem:s31+$0xFFFFFFD0] =	vst v58  }
.Ltmp4:
0x3f: {  	[tilespmem:s31+$0xFFFFFFE0] =	vst v59;
	(pc) =	sbr.rel @p1 .LBB1_3-.Ltmp4, $4  }
0x40: {  	[tilespmem:s31+$0xFFFFFFF0] =	vst v60  }
0x41: {  	[tilespmem:s31+$0x0] =	vst v61  }
0x42: {  	[tilespmem:s31+$0x10] =	vst v62  }
0x43: {  	s14 =	sadd.s32 $0x80, s14;
	s15 =	sadd.s32 $0x400, s15;
	[tilespmem:s31+$0x20] =	vst v63  }
0x44: {  	s11 =	sand.u32 $0x1FFFFFF, s11  }
0x45: {  	s14 =	smulhi.u32 $0x14E5E0B, s11;
	_ =	sdelay $0x1  }
0x46: {  	s12 =	smul.u32 $0x18800, s12;
	s14 =	sshrl.u32 s14, $0x2  }
0x47: {  	s14 =	smul.u32 $0x310, s14  }
.Ltmp5:
0x48: {  	_ = 	snop;
	(pc) =	sbr.rel .LBB1_7-.Ltmp5, $4  }
0x49: {  	s11 =	ssub.s32 s11, s14  }
0x4a: {  	s12 =	sadd.s32 s3, s12;
	s11 =	sshll.u32 s11, $0x4  }
0x4b: {  	s11 =	sadd.s32 s11, s12  }
0x4c: {  	[hbm4b:s11+s6] =	stream.strided.scatter [tilespmem:s13], [sflag:$0x2], $0x4000, s7, s6, $0x38;
	[tilespmem:$0x10000] =	vst v63  }
.LBB1_8:
0x4d: {  	_ =	sfence.sel $0x180000  }
0x4e: {  	s2 =	simm.s32 $0x1;
	[bflag:$0x0] =	sbarrier.arrive $0xFFFF  }
0x4f: {  	s31 =	simm.s32 $0x2;
	[sflag:s2] =	ssyncpa.u1 $0x1  }
0x50: {  	[sflag:s31] =	ssyncpa.u1 $0x1  }
0x51: {  	p0 =	sne.s32 s1, $0x0;
	_ =	strace $0x90000047  }
0x52: {  	s0 =	sadd.s32 @!p0 $0x100000, s0;
	[bflag:$0x2] =	sbarrier.arrive $0xFFFF  }
0x53: {  	[sflag:s0] =	ssyncadd.tile.s32 @!p0 $0x1;
	_ =	shalt  }
.Lfunc_end1:
_tile_overlayer_lowered:
.L_overlay_start_2:
0x54: {  	(tag) =	ssettag $0x2  }
0x55: {  	s0 =	rddreg [dreg:$0x0];
	s2 =	stileid.u32  }
0x56: {  	s1 =	rddreg [dreg:$0x1];
	p0 =	sne.s32 s2, $0x0  }
0x57: {  	s3 =	rddreg [dreg:$0x2];
	[bflag:$0x3] =	sbarrier.arrive $0xFFFF;
	s2 =	simm.s32 @!p0 $0x1C01  }
0x58: {  	[timem:s3], [sflag:s2] =	dma.local @!p0 [hbm:s0], s1  }
0x59: {  	s0 =	simm.s32 @!p0 $0x1  }
0x5a: {  	_ =	swait.ge @!p0 [sflag:s0], s1  }
0x5b: {  	s1 =	ssub.s32 @!p0 $0x0, s1;
	[sflag:s0] =	ssyncset.done @!p0 $0x0  }
0x5c: {  	[sflag:s0] =	ssyncadd.s32 @!p0 s1  }
0x5d: {  	[bflag:$0x3] =	sbarrier.arrive $0xFFFF  }
0x5e: {  	_ =	shalt  }

// kernel: sparse-core-data-format-call.cloned.1.call-start
scs
called_computation_lowered:
.L_overlay_start_0:
0x0: {  	s2 =	sld [smem:$0x3FD9]  }
0x1: {  	s3 =	sld [smem:$0x3FFE];
	_ =	sdelay $0x1  }
0x2: {  	s1 =	srdreg.scid  }
0x3: {  	s0 =	sand.u32 $0x1, s1  }
0x4: {  	s15 =	sshll.u32 s0, $0xA;
	s2 =	sadd.s32 s3, s2  }
0x5: {  	s2 =	sadd.s32 s2, s15  }
0x6: {  	[smem:$0x3FC5] =	sst s2  }
0x7: {  	_ = 	snop  }
0x8: {  	s2 =	sld [smem:$0x3FD0];
	_ =	sdelay $0x2  }
0x9: {  	s16 =	simm.s32 $0xB;
	s4 =	simm.s32 $0x10  }
0xa: {  	[smem:s4], [sflag:s16] =	dma.local [hbm:s2], $0x1  }
0xb: {  	_ =	swait.eq [sflag:s16], $0x1  }
0xc: {  	[sflag:s16] =	ssyncset.done $0x0  }
0xd: {  	[sflag:s16] =	ssyncadd.s32 $0xFFFFFFFF  }
0xe: {  	s17 =	sld [smem:$0x12];
	(tm) =	ssettm $0x1  }
0xf: {  	s18 =	sld [smem:$0x3FFB];
	_ =	sdelay $0x3  }
0x10: {  	_ =	strace s18  }
0x11: {  	s3 =	sld [smem:$0x3FFC];
	_ =	sdelay $0x3  }
0x12: {  	_ =	strace s3  }
0x13: {  	s3 =	sld [smem:$0x3FFD];
	_ =	sdelay $0x3  }
0x14: {  	_ =	strace s3  }
0x15: {  	_ =	strace $0x8FFFFFFF  }
0x16: {  	s19 =	sld [smem:$0x3FDB];
	_ =	sdelay $0x1  }
0x17: {  	s20 =	simm.s32 $_scs_section_size  }
0x18: {  	s5 =	simm.s32 $_size__tile_overlayer_lowered;
	s6 =	simm.s32 $_tile_overlayer_lowered  }
0x19: {  	s23 =	simm.s32 $0x1BFF;
	s22 =	sshll.u32 s6, $0x1;
	s3 =	sadd.s32 s20, s19  }
0x1a: {  	s7 =	simm.s32 $0x0;
	s21 =	sshll.u32 s5, $0x1;
	s5 =	sadd.s32 s22, s3  }
0x1b: {  	[timem:s7], [sflag:s23] =	dma.local [hbm:s5], s21  }
0x1c: {  	_ =	swait.ge [sflag:s23], s21  }
0x1d: {  	s4 =	ssub.s32 $0x0, s21;
	[sflag:s23] =	ssyncset.done $0x0  }
0x1e: {  	[sflag:s23] =	ssyncadd.s32 s4;
	_ =	sdelay $0x1  }
0x1f: {  	s24 =	simm.s32 $0x1B8B  }
0x20: {  	_ =	swait.ge [sflag:s24], $0x1  }
0x21: {  	[sflag:s24] =	ssyncset.done $0x0  }
0x22: {  	s26 =	simm.s32 $0x1B8E;
	s25 =	sld [smem:$0x3FFE];
	[sflag:s24] =	ssyncadd.s32 $0xFFFFFFFF  }
0x23: {  	s27 =	simm.s32 $execute0_lowered;
	[smem:$0x3FD2] =	sst s26  }
0x24: {  	s5 =	sshll.u32 s27, $0x1;
	_ =	strace $0x80000055;
	[dreg:$0x1] =	wrdreg $0xFFFFFFFF  }
0x25: {  	s28 =	simm.s32 $_size_execute0_lowered;
	s3 =	sadd.s32 s3, s5;
	[dreg:$0x0] =	wrdreg $0x0  }
0x26: {  	s5 =	sshll.u32 s28, $0x1;
	[dreg:$0x2] =	wrdreg s3  }
0x27: {  	[dreg:$0x3] =	wrdreg s5  }
0x28: {  	[dreg:$0x4] =	wrdreg $0xC0  }
0x29: {  	_ =	task [dreg:s7], $0x5FFFF  }
0x2a: {  	[dreg:$0x1] =	wrdreg $0xFFFFFFFF  }
0x2b: {  	[dreg:$0x0] =	wrdreg $0x60  }
0x2c: {  	[dreg:$0x2] =	wrdreg s25  }
0x2d: {  	[dreg:$0x3] =	wrdreg s17  }
0x2e: {  	[dreg:$0x4] =	wrdreg $0x9  }
0x2f: {  	_ =	task.clear_ibuf [dreg:s7], $0x5FFFF;
	_ =	strace $0x90000055  }
0x30: {  	s29 =	simm.s32 $0x9;
	_ =	strace $0x80000057  }
0x31: {  	_ =	swait.ge [sflag:s29], $0x1  }
0x32: {  	[sflag:s29] =	ssyncadd.s32 $0xFFFFFFFF  }
0x33: {  	_ =	strace $0x90000057  }
0x34: {  	_ =	sfence  }
0x35: {  	s30 =	sld [smem:$0x0];
	_ =	sdelay $0x2  }
0x36: {  	s31 =	sshll.u32 s1, $0xD;
	s1 =	sshrl.u32 s1, $0x2  }
0x37: {  	s3 =	sand.u32 $0x4000, s31;
	s1 =	sadd.s32 s1, s30  }
0x38: {  	s0 =	sor.u32 s3, s0;
	s1 =	sshll.u32 s1, $0x11  }
0x39: {  	s0 =	sor.u32 s1, s0  }
0x3a: {  	s0 =	sadd.s32 $0x8F2B, s0  }
0x3b: {  	[sflag:s0] =	ssyncadd.remote.s32 $0x1  }
0x3c: {  	_ =	sfence.sel $0xFFFF  }
0x3d: {  	[dreg:$0x0] =	wrdreg $0xFFFFFFFF;
	(pc) =	sbr.abs _section_cstart, $3  }
0x3e: {  	[dreg:$0x1] =	wrdreg $0xFFFFFFFF  }
0x3f: {  	_ =	task.clear_ibuf [dreg:s7], $0x2FFFF;
	_ =	strace $0x9FFFFFFF  }
0x40: {  	(tm) =	ssettm $0x7FFFFFFF  }
0x41: {  	_ =	shalt  }
tec
execute0_lowered:
.L_overlay_start_1:
0x0: {  	(tag) =	ssettag $0x1  }
0x1: {  	s0 =	srdreg.scid  }
0x2: {  	s1 =	sshll.u32 s0, $0x4  }
0x3: {  	s0 =	stileid.u32;
	s1 =	sand.u32 $0x10, s1  }
0x4: {  	s6 =	rddreg [dreg:$0x0];
	s1 =	sor.u32 s0, s1  }
0x5: {  	s4 =	simm.s32 $0x1;
	s7 =	simm.s32 $0x2;
	s2 =	sshll.u32 s1, $0x5  }
0x6: {  	s14 =	simm.s32 $0x0;
	s8 =	simm.s32 $0x1000;
	s1 =	ssub.s32 $0x400, s2  }
0x7: {  	s9 =	simm.s32 $0x20000;
	s10 =	simm.s32 $0x0;
	s3 =	sand.u32 $0x3E0, s1  }
0x8: {  	s15 =	simm.s32 $0x0;
	s5 =	sshrl.u32 s1, $0xA;
	p0 =	sne.s32 s3, $0x0  }
.Ltmp0:
0x9: {  	s1 =	rddreg [dreg:$0x2];
	s4 =	simm.s32 @!p0 $0x0;
	(pc) =	sbr.rel .LBB1_1-.Ltmp0, $4  }
0xa: {  	s11 =	simm.s32 $0x0;
	s3 =	rddreg [dreg:$0x1];
	s5 =	sadd.s32 s4, s5  }
0xb: {  	_ =	strace $0x80000056;
	s4 =	simm.s32 $0x1;
	s5 =	smul.u32 $0x19, s5  }
0xc: {  	s13 =	simm.s32 $0x0;
	s6 =	sadd.s32 $0x90000, s6;
	[sflag:s4] =	ssyncpa.u1 $0x0  }
0xd: {  	s12 =	smov.u32 s2;
	[sflag:s7] =	ssyncpa.u1 $0x0;
	s7 =	sadd.s32 $0x1, s5  }
.LBB1_7:
0xe: {  	s16 =	sadd.s32 $0x4, s11  }
0xf: {  	s14 =	sadd.s32 $0x400, s12;
	s18 =	smov.u32 s12;
	p1 =	sgt.s32 s16, $0x63  }
0x10: {  	s18 =	smov.u32 @p1 s14  }
0x11: {  	s16 =	simm.s32 @p1 $0x0;
	p1 =	sgt.s32 s18, $0x3FF  }
0x12: {  	s18 =	smov.u32 @p1 s2;
	p1 =	sne.s32 s13, s7  }
.Ltmp1:
0x13: {  	p0 =	slt.u32 s13, $0x2;
	(pc) =	sbr.rel @!p1 .LBB1_8-.Ltmp1, $4  }
0x14: {  	s17 =	simm.s32 @!p0 $0x2  }
0x15: {  	s15 =	smov.u32 s12;
	s10 =	sadd.s32 $0x4000, s10;
	_ =	swait.ge @!p0 [sflag:s17], $0x4000  }
0x16: {  	s14 =	smov.u32 s11;
	[sflag:s17] =	ssyncset.done @!p0 $0x0;
	s11 =	smov.u32 s16  }
0x17: {  	s13 =	sadd.s32 $0x1, s13;
	[sflag:s17] =	ssyncadd.s32 @!p0 $0xFFFFC000;
	s12 =	smov.u32 s18  }
.LBB1_1:
0x18: {  	p0 =	sge.u32 s13, s5  }
0x19: {  	s16 =	sand.u32 @!p0 $0x1FFFFFF, s11  }
0x1a: {  	s17 =	smulhi.u32 @!p0 $0x2762763, s16;
	_ =	sdelay $0x1  }
0x1b: {  	s17 =	smul.u32 @!p0 $0x68, s17  }
0x1c: {  	s18 =	sxor.u32 @!p0 $0xFFFFFFFF, s13;
	s19 =	smul.u32 @!p0 $0x680, s12  }
0x1d: {  	s31 =	sadd.s32 $0xFFFFFFFF, s13;
	s18 =	sshll.u32 @!p0 s18, $0xE;
	s16 =	ssub.s32 @!p0 s16, s17  }
0x1e: {  	s17 =	sand.u32 @!p0 $0x4000, s18;
	s18 =	sadd.s32 @!p0 s6, s19;
	s16 =	sshll.u32 @!p0 s16, $0x4  }
0x1f: {  	s19 =	simm.s32 @!p0 $0x3400;
	s16 =	sadd.s32 @!p0 s16, s18;
	s18 =	simm.s32 @!p0 $0x200  }
0x20: {  	[tilespmem:s17], [sflag:$0x1] =	stream.strided.gather @!p0 [hbm4b:s16+s18], $0x4000, s19, s18, $0x38;
	[tilespmem:$0x10000] =	vst v63  }
0x21: {  	p0 =	sge.u32 s31, s5  }
.Ltmp2:
0x22: {  	_ = 	snop;
	(pc) =	sbr.rel @p0 .LBB1_7-.Ltmp2, $1  }
0x23: {  	_ =	sdelay $0x3  }
0x24: {  	s17 =	sand.u32 $0x4000, s10  }
0x25: {  	_ =	swait.ge [sflag:s4], $0x4000;
	s19 =	sshll.u32 s13, $0xE;
	s16 =	sor.u32 $0x8040, s17  }
0x26: {  	s18 =	sor.u32 $0x40, s17;
	[sflag:s4] =	ssyncset.done $0x0;
	s31 =	sand.u32 $0x4000, s19  }
0x27: {  	s19 =	simm.s32 $0x0;
	[sflag:s4] =	ssyncadd.s32 $0xFFFFC000;
	s17 =	sor.u32 $0x8000, s31  }
.LBB1_3:
0x28: {  	v0 =	vmov s18;
	_ =	sdelay $0x3  }
0x29: {  	s21 =	simm.s32 $0x0  }
0x2a: {  	v6 =	vld.idx.msk [tilespmem:v0+s21+$0x30 ss:$0x1], $0xffff  }
0x2b: {  	v7 =	vld.idx.msk [tilespmem:v0+s21+$0xFFFFFFC0 ss:$0x1], $0xffff  }
0x2c: {  	v5 =	vld.idx.msk [tilespmem:v0+s21+$0xFFFFFFD0 ss:$0x1], $0xffff  }
0x2d: {  	v4 =	vld.idx.msk [tilespmem:v0+s21+$0xFFFFFFE0 ss:$0x1], $0xffff  }
0x2e: {  	v3 =	vld.idx.msk [tilespmem:v0+s21+$0xFFFFFFF0 ss:$0x1], $0xffff  }
0x2f: {  	v1 =	vld.idx.msk [tilespmem:v0+s21+$0x0 ss:$0x1], $0xffff  }
0x30: {  	v2 =	vld.idx.msk [tilespmem:v0+s21+$0x10 ss:$0x1], $0xffff;
	[tilespmem:s16+$0x30] =	vst v6  }
0x31: {  	s20 =	simm.s32 $0x80;
	s22 =	simm.s32 $0x400;
	[tilespmem:s16+$0xFFFFFFC0] =	vst v7;
	v6 =	vld.idx.msk [tilespmem:v0+s21+$0x20 ss:$0x1], $0xffff;
	s21 =	smov.u32 s16  }
.LBB1_4:
0x32: {  	p0 =	sne.s32 s22, $0x600;
	v7 =	vld.idx.msk [tilespmem:v0+s20+$0x30 ss:$0x1], $0xffff;
	[tilespmem:s21+$0xFFFFFFD0] =	vst v5  }
0x33: {  	v8 =	vld.idx.msk [tilespmem:v0+s20+$0xFFFFFFC0 ss:$0x1], $0xffff;
	[tilespmem:s21+$0xFFFFFFE0] =	vst v4  }
0x34: {  	v5 =	vld.idx.msk [tilespmem:v0+s20+$0xFFFFFFD0 ss:$0x1], $0xffff;
	[tilespmem:s21+$0xFFFFFFF0] =	vst v3  }
.Ltmp3:
0x35: {  	v4 =	vld.idx.msk [tilespmem:v0+s20+$0xFFFFFFE0 ss:$0x1], $0xffff;
	[tilespmem:s21+$0x0] =	vst v1;
	(pc) =	sbr.rel @p0 .LBB1_4-.Ltmp3, $4  }
0x36: {  	v3 =	vld.idx.msk [tilespmem:v0+s20+$0xFFFFFFF0 ss:$0x1], $0xffff;
	[tilespmem:s21+$0x10] =	vst v2  }
0x37: {  	v1 =	vld.idx.msk [tilespmem:v0+s20+$0x0 ss:$0x1], $0xffff;
	[tilespmem:s21+$0x20] =	vst v6;
	s21 =	sadd.s32 $0x1000, s21  }
0x38: {  	v2 =	vld.idx.msk [tilespmem:v0+s20+$0x10 ss:$0x1], $0xffff;
	[tilespmem:s21+$0x30] =	vst v7  }
0x39: {  	[tilespmem:s21+$0xFFFFFFC0] =	vst v8;
	v6 =	vld.idx.msk [tilespmem:v0+s20+$0x20 ss:$0x1], $0xffff;
	s20 =	sshra.s32 s22, $0x2;
	s22 =	sadd.s32 $0x200, s22  }
0x3a: {  	_ =	sdelay $0x2  }
0x3b: {  	[tilespmem:s21+$0xFFFFFFD0] =	vst v5  }
0x3c: {  	v56 =	vld.idx.msk [tilespmem:v0+s20+$0x30 ss:$0x1], $0xffff;
	[tilespmem:s21+$0xFFFFFFE0] =	vst v4  }
0x3d: {  	v57 =	vld.idx.msk [tilespmem:v0+s20+$0xFFFFFFC0 ss:$0x1], $0xffff;
	[tilespmem:s21+$0xFFFFFFF0] =	vst v3  }
0x3e: {  	v58 =	vld.idx.msk [tilespmem:v0+s20+$0xFFFFFFD0 ss:$0x1], $0xffff;
	[tilespmem:s21+$0x0] =	vst v1  }
0x3f: {  	v59 =	vld.idx.msk [tilespmem:v0+s20+$0xFFFFFFE0 ss:$0x1], $0xffff;
	[tilespmem:s21+$0x10] =	vst v2  }
0x40: {  	v60 =	vld.idx.msk [tilespmem:v0+s20+$0xFFFFFFF0 ss:$0x1], $0xffff;
	s31 =	sadd.s32 $0x1000, s21;
	[tilespmem:s21+$0x20] =	vst v6  }
0x41: {  	v61 =	vld.idx.msk [tilespmem:v0+s20+$0x0 ss:$0x1], $0xffff;
	[tilespmem:s31+$0x30] =	vst v56  }
0x42: {  	v62 =	vld.idx.msk [tilespmem:v0+s20+$0x10 ss:$0x1], $0xffff;
	s19 =	sadd.s32 $0x1, s19;
	[tilespmem:s31+$0xFFFFFFC0] =	vst v57  }
0x43: {  	v63 =	vld.idx.msk [tilespmem:v0+s20+$0x20 ss:$0x1], $0xffff;
	p0 =	sne.s32 s19, $0x20;
	[tilespmem:s31+$0xFFFFFFD0] =	vst v58  }
.Ltmp4:
0x44: {  	[tilespmem:s31+$0xFFFFFFE0] =	vst v59;
	(pc) =	sbr.rel @p0 .LBB1_3-.Ltmp4, $4  }
0x45: {  	[tilespmem:s31+$0xFFFFFFF0] =	vst v60  }
0x46: {  	[tilespmem:s31+$0x0] =	vst v61  }
0x47: {  	[tilespmem:s31+$0x10] =	vst v62  }
0x48: {  	s16 =	sadd.s32 $0x80, s16;
	s18 =	sadd.s32 $0x200, s18;
	[tilespmem:s31+$0x20] =	vst v63  }
.Ltmp5:
0x49: {  	s15 =	sshll.u32 s15, $0x4;
	(pc) =	sbr.rel .LBB1_7-.Ltmp5, $4  }
0x4a: {  	s15 =	sand.u32 $0x3FF0, s15  }
0x4b: {  	s14 =	sshll.u32 s14, $0xE;
	s15 =	sadd.s32 s3, s15  }
0x4c: {  	s14 =	sadd.s32 s14, s15  }
0x4d: {  	[hbm4b:s14+s8] =	stream.strided.scatter [tilespmem:s17], [sflag:$0x2], $0x4000, s9, s8, $0x38;
	[tilespmem:$0x10000] =	vst v63  }
.LBB1_8:
0x4e: {  	_ =	sfence.sel $0x180000  }
0x4f: {  	s2 =	simm.s32 $0x1;
	[bflag:$0x0] =	sbarrier.arrive $0xFFFF  }
0x50: {  	s31 =	simm.s32 $0x2;
	[sflag:s2] =	ssyncpa.u1 $0x1  }
0x51: {  	[sflag:s31] =	ssyncpa.u1 $0x1  }
0x52: {  	p0 =	sne.s32 s0, $0x0;
	_ =	strace $0x90000056  }
0x53: {  	s0 =	sadd.s32 @!p0 $0x100000, s1;
	[bflag:$0x2] =	sbarrier.arrive $0xFFFF  }
0x54: {  	[sflag:s0] =	ssyncadd.tile.s32 @!p0 $0x1;
	_ =	shalt  }
.Lfunc_end1:
_tile_overlayer_lowered:
.L_overlay_start_2:
0x55: {  	(tag) =	ssettag $0x2  }
0x56: {  	s0 =	rddreg [dreg:$0x0];
	s2 =	stileid.u32  }
0x57: {  	s1 =	rddreg [dreg:$0x1];
	p0 =	sne.s32 s2, $0x0  }
0x58: {  	s3 =	rddreg [dreg:$0x2];
	[bflag:$0x3] =	sbarrier.arrive $0xFFFF;
	s2 =	simm.s32 @!p0 $0x1C01  }
0x59: {  	[timem:s3], [sflag:s2] =	dma.local @!p0 [hbm:s0], s1  }
0x5a: {  	s0 =	simm.s32 @!p0 $0x1  }
0x5b: {  	_ =	swait.ge @!p0 [sflag:s0], s1  }
0x5c: {  	s1 =	ssub.s32 @!p0 $0x0, s1;
	[sflag:s0] =	ssyncset.done @!p0 $0x0  }
0x5d: {  	[sflag:s0] =	ssyncadd.s32 @!p0 s1  }
0x5e: {  	[bflag:$0x3] =	sbarrier.arrive $0xFFFF  }
0x5f: {  	_ =	shalt  }

</sc_bundles>
